<compile_context>
chip_gen: v7x
topology: tpu7x:2x2x1
jax: 0.10.2.dev20260603
libtpu: 0.0.44.dev20260713+nightly
codegen_flags: <defaults>
</compile_context>

<pallas_src>
import functools

import jax
import jax.numpy as jnp
import numpy as np
from jax import lax
from jax.experimental import pallas as pl
from jax.experimental.pallas import tpu as pltpu
from jax.experimental.pallas import tpu_sc as plsc

N = 10000
F_IN = 128
H1 = 8
D1 = 8
C1 = H1 * D1
NPAD = 10240
BN = 1280
ROW1 = 80
ROW2 = 16
RDST = 16

NC = 2
NS = 16
TILES = NC * NS
CH = 128
EP_RAW = 320000 + N
SB = 2
K1 = 84
NSUP = K1 // SB
EPAD = TILES * CH * K1
RPT = NPAD // NS



def _prep_kernel(x_ref, w1_ref, as1_ref, ad1_ref, t1_ref, td_ref):
    h = jnp.dot(x_ref[...], w1_ref[...], preferred_element_type=jnp.float32)
    s = jnp.dot(h, as1_ref[...], preferred_element_type=jnp.float32)
    d = jnp.dot(h, ad1_ref[...], preferred_element_type=jnp.float32)
    z8 = jnp.zeros((h.shape[0], 8), jnp.float32)
    t1_ref[...] = jnp.concatenate([h, s, z8], axis=1)
    td_ref[...] = jnp.concatenate([d, z8], axis=1)


def _mid_kernel(p_ref, b1_ref, w2_ref, ws2_ref, wd2_ref, r_ref, t2_ref):
    a = p_ref[0] + p_ref[1]
    num = a[:, 0:C1]
    den = a[:, C1:C1 + H1]
    denr = jnp.dot(den, r_ref[...], preferred_element_type=jnp.float32)
    out1 = num / (denr + 1e-16) + b1_ref[...]
    g = jnp.where(out1 > 0, out1, jnp.exp(jnp.minimum(out1, 0.0)) - 1.0)
    h2 = jnp.dot(g, w2_ref[...], preferred_element_type=jnp.float32)
    s2 = jnp.dot(g, ws2_ref[...], preferred_element_type=jnp.float32)
    d2 = jnp.dot(g, wd2_ref[...], preferred_element_type=jnp.float32)
    z12 = jnp.zeros((a.shape[0], 12), jnp.float32)
    t2_ref[...] = jnp.concatenate([h2, s2, d2, z12], axis=1)


def _final_kernel(q_ref, b2_ref, o_ref):
    a = q_ref[0] + q_ref[1]
    num = a[:, 0:2]
    den = a[:, 2:3]
    o = num / (den + 1e-16) + b2_ref[...]
    m = jnp.max(o, axis=1, keepdims=True)
    lse = m + jnp.log(jnp.sum(jnp.exp(o - m), axis=1, keepdims=True))
    o_ref[...] = o - lse



def _leaky_exp(x):
    return jnp.exp(jnp.where(x >= 0, x, x * 0.2))


_U = 4


def _permute(vec, idx):
    return vec.at[idx].get(mode="promise_in_bounds")


def _group1(srows, drows, base):
    lanes = lax.iota(jnp.int32, 16)
    for u in range(_U):
        e = base + u
        al = srows[e, pl.ds(C1, 16)] + drows[e]
        p16 = jnp.exp(jnp.where(al >= 0.0, al, al * 0.2))
        srows[e, pl.ds(C1, 16)] = p16
        for v in range(4):
            prep = _permute(p16, lanes // 8 + 2 * v)
            srows[e, pl.ds(16 * v, 16)] = srows[e, pl.ds(16 * v, 16)] * prep


def _group2(srows, drows, base):
    lanes = lax.iota(jnp.int32, 16)
    for u in range(_U):
        e = base + u
        sr = srows[e]
        dr = drows[e]
        al = _permute(sr, lanes * 0 + 2) + _permute(dr, lanes * 0 + 3)
        p = jnp.exp(jnp.where(al >= 0.0, al, al * 0.2))
        srows[e] = jnp.where(lanes == 2, p, sr * p)


def _make_edge_body(group_fn):

    def body(tsrc_hbm, tdst_hbm, src_hbm, dst_hbm, zero_hbm, out_hbm,
             sidx, didx, sA, dA, sB, dB, acc, gsemA, gsemB):
        c = lax.axis_index("c")
        s = lax.axis_index("s")
        wid = s * NC + c
        pltpu.sync_copy(zero_hbm.at[pl.ds(s * RPT, RPT)], acc.at[pl.ds(s * RPT, RPT)])
        plsc.subcore_barrier()
        pltpu.sync_copy(src_hbm.at[wid], sidx)
        pltpu.sync_copy(dst_hbm.at[wid], didx)

        def fire(kk, srows, drows, gsem):
            for j in range(SB):
                pltpu.async_copy(tsrc_hbm.at[sidx.at[kk + j]],
                                 srows.at[pl.ds(j * CH, CH)], gsem)
                pltpu.async_copy(tdst_hbm.at[didx.at[kk + j]],
                                 drows.at[pl.ds(j * CH, CH)], gsem)

        def drain(kk, srows, drows, gsem):
            for j in range(SB):
                pltpu.make_async_copy(tsrc_hbm.at[sidx.at[kk + j]],
                                      srows.at[pl.ds(j * CH, CH)], gsem).wait()
                pltpu.make_async_copy(tdst_hbm.at[didx.at[kk + j]],
                                      drows.at[pl.ds(j * CH, CH)], gsem).wait()

        def process(kk, srows, drows):
            lax.fori_loop(
                0, SB * CH // _U,
                lambda i, cy: (group_fn(srows, drows, i * _U), cy)[1], 0)
            for j in range(SB):
                pltpu.sync_copy(srows.at[pl.ds(j * CH, CH)],
                                acc.at[didx.at[kk + j]], add=True)

        fire(0, sA, dA, gsemA)

        def pair(t, cy):
            kA = 2 * t * SB
            kB = kA + SB
            fire(kB, sB, dB, gsemB)
            drain(kA, sA, dA, gsemA)
            process(kA, sA, dA)

            @pl.when(t < NSUP // 2 - 1)
            def _():
                fire(kA + 2 * SB, sA, dA, gsemA)

            drain(kB, sB, dB, gsemB)
            process(kB, sB, dB)
            return cy

        lax.fori_loop(0, NSUP // 2, pair, 0)
        plsc.subcore_barrier()
        pltpu.sync_copy(acc.at[pl.ds(s * RPT, RPT)], out_hbm.at[c, pl.ds(s * RPT, RPT)])

    return body


_edge1_body = _make_edge_body(_group1)
_edge2_body = _make_edge_body(_group2)


_SC_MESH = plsc.VectorSubcoreMesh(core_axis_name="c", subcore_axis_name="s")
_SC_PARAMS = pltpu.CompilerParams(
    needs_layout_passes=False, use_tc_tiling_on_sc=False)

_edge1 = functools.partial(
    pl.kernel,
    out_type=jax.ShapeDtypeStruct((NC, NPAD, ROW1), jnp.float32),
    mesh=_SC_MESH,
    compiler_params=_SC_PARAMS,
    scratch_types=[
        pltpu.VMEM((K1, CH), jnp.int32),
        pltpu.VMEM((K1, CH), jnp.int32),
        pltpu.VMEM((SB * CH, ROW1), jnp.float32),
        pltpu.VMEM((SB * CH, RDST), jnp.float32),
        pltpu.VMEM((SB * CH, ROW1), jnp.float32),
        pltpu.VMEM((SB * CH, RDST), jnp.float32),
        pltpu.VMEM_SHARED((NPAD, ROW1), jnp.float32),
        pltpu.SemaphoreType.DMA,
        pltpu.SemaphoreType.DMA,
    ],
)(_edge1_body)

_edge2 = functools.partial(
    pl.kernel,
    out_type=jax.ShapeDtypeStruct((NC, NPAD, ROW2), jnp.float32),
    mesh=_SC_MESH,
    compiler_params=_SC_PARAMS,
    scratch_types=[
        pltpu.VMEM((K1, CH), jnp.int32),
        pltpu.VMEM((K1, CH), jnp.int32),
        pltpu.VMEM((SB * CH, ROW2), jnp.float32),
        pltpu.VMEM((SB * CH, ROW2), jnp.float32),
        pltpu.VMEM((SB * CH, ROW2), jnp.float32),
        pltpu.VMEM((SB * CH, ROW2), jnp.float32),
        pltpu.VMEM_SHARED((NPAD, ROW2), jnp.float32),
        pltpu.SemaphoreType.DMA,
        pltpu.SemaphoreType.DMA,
    ],
)(_edge2_body)



def kernel(x, edge_index, W1, att_src1, att_dst1, bias1, W2, att_src2, att_dst2, bias2):
    f32 = jnp.float32
    eye8 = jnp.eye(H1, dtype=f32)
    As1 = (att_src1.reshape(H1, D1)[:, :, None] * eye8[:, None, :]).reshape(C1, H1)
    Ad1 = (att_dst1.reshape(H1, D1)[:, :, None] * eye8[:, None, :]).reshape(C1, H1)
    R = jnp.repeat(eye8, D1, axis=1)
    Ws2 = W2 @ att_src2.reshape(2, 1)
    Wd2 = W2 @ att_dst2.reshape(2, 1)
    xp = jnp.pad(x, ((0, NPAD - N), (0, 0)))

    loop = jnp.arange(N, dtype=jnp.int32)
    padv = N + jnp.arange(EPAD - EP_RAW, dtype=jnp.int32) % (NPAD - N)
    src = jnp.concatenate([edge_index[0], loop, padv]).reshape(TILES, K1, CH)
    dst = jnp.concatenate([edge_index[1], loop, padv]).reshape(TILES, K1, CH)

    zeros80 = jnp.zeros((NPAD, ROW1), f32)
    zeros16 = jnp.zeros((NPAD, ROW2), f32)

    grid = NPAD // BN
    t1, td = pl.pallas_call(
        _prep_kernel,
        grid=(grid,),
        in_specs=[
            pl.BlockSpec((BN, F_IN), lambda i: (i, 0)),
            pl.BlockSpec((F_IN, C1), lambda i: (0, 0)),
            pl.BlockSpec((C1, H1), lambda i: (0, 0)),
            pl.BlockSpec((C1, H1), lambda i: (0, 0)),
        ],
        out_specs=[
            pl.BlockSpec((BN, ROW1), lambda i: (i, 0)),
            pl.BlockSpec((BN, RDST), lambda i: (i, 0)),
        ],
        out_shape=[
            jax.ShapeDtypeStruct((NPAD, ROW1), f32),
            jax.ShapeDtypeStruct((NPAD, RDST), f32),
        ],
    )(xp, W1, As1, Ad1)

    parts1 = _edge1(t1, td, src, dst, zeros80)

    t2 = pl.pallas_call(
        _mid_kernel,
        grid=(grid,),
        in_specs=[
            pl.BlockSpec((NC, BN, ROW1), lambda i: (0, i, 0)),
            pl.BlockSpec((1, C1), lambda i: (0, 0)),
            pl.BlockSpec((C1, 2), lambda i: (0, 0)),
            pl.BlockSpec((C1, 1), lambda i: (0, 0)),
            pl.BlockSpec((C1, 1), lambda i: (0, 0)),
            pl.BlockSpec((H1, C1), lambda i: (0, 0)),
        ],
        out_specs=pl.BlockSpec((BN, ROW2), lambda i: (i, 0)),
        out_shape=jax.ShapeDtypeStruct((NPAD, ROW2), f32),
    )(parts1, bias1.reshape(1, C1), W2, Ws2, Wd2, R)

    parts2 = _edge2(t2, t2, src, dst, zeros16)

    out = pl.pallas_call(
        _final_kernel,
        grid=(grid,),
        in_specs=[
            pl.BlockSpec((NC, BN, ROW2), lambda i: (0, i, 0)),
            pl.BlockSpec((1, 2), lambda i: (0, 0)),
        ],
        out_specs=pl.BlockSpec((BN, 2), lambda i: (i, 0)),
        out_shape=jax.ShapeDtypeStruct((NPAD, 2), f32),
    )(parts2, bias2.reshape(1, 2))

    return out[:N]

# --- scband reference (transcript-rebuilt; emitter-appended) ---
"""Pipeline reference for scband-gat-21689584845051 (READ-ONLY COPY).

The authoritative reference and input builder live on the scoring server;
editing this copy changes nothing except your own understanding.
"""

import jax, jax.numpy as jnp
import numpy as np

N = 10000
E = 320000
F_IN = 128
HID = 8
IN_HEADS = 8
OUT_HEADS = 1
NUM_CLASSES = 2


def setup_inputs(seed: int = 0) -> dict:
    key = jax.random.key(seed)
    ks = jax.random.split(key, 12)
    x = jax.random.normal(ks[0], (N, F_IN), dtype=jnp.float32)
    edge_index = jax.random.randint(ks[1], (2, E), 0, N, dtype=jnp.int32)
    # Layer 1 params: GATConv(128 -> 8, heads=8, concat=True)
    W1 = jax.random.normal(ks[2], (F_IN, IN_HEADS * HID), dtype=jnp.float32) * 0.1
    att_src1 = jax.random.normal(ks[3], (1, IN_HEADS, HID), dtype=jnp.float32) * 0.1
    att_dst1 = jax.random.normal(ks[4], (1, IN_HEADS, HID), dtype=jnp.float32) * 0.1
    bias1 = jnp.zeros((IN_HEADS * HID,), dtype=jnp.float32)
    # Layer 2 params: GATConv(64 -> 2, heads=1, concat=False)
    W2 = jax.random.normal(ks[5], (IN_HEADS * HID, OUT_HEADS * NUM_CLASSES), dtype=jnp.float32) * 0.1
    att_src2 = jax.random.normal(ks[6], (1, OUT_HEADS, NUM_CLASSES), dtype=jnp.float32) * 0.1
    att_dst2 = jax.random.normal(ks[7], (1, OUT_HEADS, NUM_CLASSES), dtype=jnp.float32) * 0.1
    bias2 = jnp.zeros((NUM_CLASSES,), dtype=jnp.float32)
    return {"x": x, "edge_index": edge_index,
            "W1": W1, "att_src1": att_src1, "att_dst1": att_dst1, "bias1": bias1,
            "W2": W2, "att_src2": att_src2, "att_dst2": att_dst2, "bias2": bias2}


def _gat_conv(x, edge_index, W, att_src, att_dst, bias, heads, out_ch, concat, negative_slope=0.2):
    n = x.shape[0]
    h = (x @ W).reshape(n, heads, out_ch)
    a_src = (h * att_src).sum(axis=-1)  # [N, H]
    a_dst = (h * att_dst).sum(axis=-1)  # [N, H]
    # add self-loops (PyG GATConv default add_self_loops=True)
    loop = jnp.arange(n, dtype=edge_index.dtype)
    src = jnp.concatenate([edge_index[0], loop])
    dst = jnp.concatenate([edge_index[1], loop])
    alpha = a_src[src] + a_dst[dst]  # [E+N, H] gather
    alpha = jax.nn.leaky_relu(alpha, negative_slope)
    # segment softmax over destination nodes
    amax = jax.ops.segment_max(alpha, dst, num_segments=n)
    amax = jax.lax.stop_gradient(amax)
    alpha = jnp.exp(alpha - amax[dst])
    denom = jax.ops.segment_sum(alpha, dst, num_segments=n)
    alpha = alpha / (denom[dst] + 1e-16)
    # attention dropout p=0.6 is identity in eval mode
    msg = h[src] * alpha[:, :, None]  # gather + weight
    out = jax.ops.segment_sum(msg, dst, num_segments=n)  # scatter-add
    if concat:
        out = out.reshape(n, heads * out_ch)
    else:
        out = out.mean(axis=1)
    return out + bias


def reference(x, edge_index, W1, att_src1, att_dst1, bias1, W2, att_src2, att_dst2, bias2):
    # F.dropout(p=0.6) layers are identity in eval mode
    h = _gat_conv(x, edge_index, W1, att_src1, att_dst1, bias1, IN_HEADS, HID, True)
    h = jax.nn.elu(h)
    h = _gat_conv(h, edge_index, W2, att_src2, att_dst2, bias2, OUT_HEADS, NUM_CLASSES, False)
    return jax.nn.log_softmax(h, axis=1)

if __name__ == "__main__":
    import jax
    _d = setup_inputs()
    print(jax.jit(kernel)(*tuple(_d.values())))

</pallas_src>

<mosaic_0001>
#map = affine_map<(d0, d1) -> (0, 0)>
#map1 = affine_map<(d0, d1) -> (0, 0, 0)>
module attributes {stable_mosaic.version = 14 : i64} {
  func.func @body(%arg0: i32, %arg1: i32, %arg2: memref<10240x16xf32, #tpu.memory_space<hbm>>, %arg3: memref<10240x16xf32, #tpu.memory_space<hbm>>, %arg4: memref<32x84x128xi32, #tpu.memory_space<hbm>>, %arg5: memref<32x84x128xi32, #tpu.memory_space<hbm>>, %arg6: memref<10240x16xf32, #tpu.memory_space<hbm>>, %arg7: memref<2x10240x16xf32, #tpu.memory_space<hbm>>, %arg8: memref<84x128xi32, #tpu.memory_space<vmem>>, %arg9: memref<84x128xi32, #tpu.memory_space<vmem>>, %arg10: memref<256x16xf32, #tpu.memory_space<vmem>>, %arg11: memref<256x16xf32, #tpu.memory_space<vmem>>, %arg12: memref<256x16xf32, #tpu.memory_space<vmem>>, %arg13: memref<256x16xf32, #tpu.memory_space<vmem>>, %arg14: memref<10240x16xf32, #tpu.memory_space<vmem_shared>>, %arg15: memref<!tpu.dma_semaphore, #tpu.memory_space<semaphore_mem>>, %arg16: memref<!tpu.dma_semaphore, #tpu.memory_space<semaphore_mem>>) attributes {dimension_semantics = [#tpu.dimension_semantics<core_parallel>, #tpu.dimension_semantics<subcore_parallel>], iteration_bounds = array<i64: 2, 16>, scalar_prefetch = 0 : i64, scratch_operands = 9 : i64, tpu.core_type = #tpu.core_type<sc_vector_subcore>, window_params = [{transform_indices = #map}, {transform_indices = #map}, {transform_indices = #map1}, {transform_indices = #map1}, {transform_indices = #map}, {transform_indices = #map1}]} {
    %mul3A = arith.constant 2 : i32
    %mul3A_0 = arith.muli %arg1, %mul3A : i32
    %add3A = arith.addi %mul3A_0, %arg0 : i32
    %mul3A_1 = arith.constant 640 : i32
    %mul3A_2 = arith.muli %arg1, %mul3A_1 : i32
    %mul3A_3 = arith.constant 640 : i32
    %mul3A_4 = arith.muli %arg1, %mul3A_3 : i32
    "tpu.region"() ({
      %run_scoped3A = tpu.sem_alloc : memref<!tpu.dma_semaphore, #tpu.memory_space<semaphore_mem>>
      %dma_start3A_54 = arith.constant 0 : i32
      %dma_start3A_55 = tpu.memref_slice %arg14[%mul3A_4, %dma_start3A_54] : memref<10240x16xf32, #tpu.memory_space<vmem_shared>> -> memref<640x16xf32, #tpu.memory_space<vmem_shared>>
      %dma_start3A_56 = arith.constant 0 : i32
      %dma_start3A_57 = tpu.memref_slice %arg6[%mul3A_2, %dma_start3A_56] : memref<10240x16xf32, #tpu.memory_space<hbm>> -> memref<640x16xf32, #tpu.memory_space<hbm>>
      tpu.enqueue_dma source(%dma_start3A_57 : memref<640x16xf32, #tpu.memory_space<hbm>>) target(%dma_start3A_55 : memref<640x16xf32, #tpu.memory_space<vmem_shared>>) target_semaphore(%run_scoped3A : memref<!tpu.dma_semaphore, #tpu.memory_space<semaphore_mem>>)
      %dma_wait3A = arith.constant 0 : i32
      %dma_wait3A_58 = tpu.memref_slice %arg14[%mul3A_4, %dma_wait3A] : memref<10240x16xf32, #tpu.memory_space<vmem_shared>> -> memref<640x16xf32, #tpu.memory_space<vmem_shared>>
      %dma_wait3A_59 = arith.constant 0 : i32
      %dma_wait3A_60 = tpu.memref_slice %arg6[%mul3A_2, %dma_wait3A_59] : memref<10240x16xf32, #tpu.memory_space<hbm>> -> memref<640x16xf32, #tpu.memory_space<hbm>>
      tpu.wait_dma2 semaphore(%run_scoped3A : memref<!tpu.dma_semaphore, #tpu.memory_space<semaphore_mem>>) src(%dma_wait3A_60 : memref<640x16xf32, #tpu.memory_space<hbm>>) dst(%dma_wait3A_58 : memref<640x16xf32, #tpu.memory_space<vmem_shared>>)
      tpu.yield
    }) : () -> ()
    %barrier3A = arith.constant 0 : index
    tpu.barrier barrier_id(%barrier3A)
    "tpu.region"() ({
      %run_scoped3A = tpu.sem_alloc : memref<!tpu.dma_semaphore, #tpu.memory_space<semaphore_mem>>
      %dma_start3A_54 = arith.constant 0 : i32
      %dma_start3A_55 = arith.constant 0 : i32
      %dma_start3A_56 = tpu.memref_slice %arg4[%add3A, %dma_start3A_54, %dma_start3A_55] : memref<32x84x128xi32, #tpu.memory_space<hbm>> -> memref<1x84x128xi32, #tpu.memory_space<hbm>>
      %dma_start3A_57 = tpu.memref_squeeze %dma_start3A_56 : memref<1x84x128xi32, #tpu.memory_space<hbm>> -> memref<84x128xi32, #tpu.memory_space<hbm>>
      %dma_start3A_58 = arith.constant 0 : i32
      %dma_start3A_59 = arith.constant 0 : i32
      %dma_start3A_60 = tpu.memref_slice %arg4[%add3A, %dma_start3A_58, %dma_start3A_59] : memref<32x84x128xi32, #tpu.memory_space<hbm>> -> memref<1x84x128xi32, #tpu.memory_space<hbm>>
      %dma_start3A_61 = tpu.memref_squeeze %dma_start3A_60 : memref<1x84x128xi32, #tpu.memory_space<hbm>> -> memref<84x128xi32, #tpu.memory_space<hbm>>
      tpu.enqueue_dma source(%dma_start3A_61 : memref<84x128xi32, #tpu.memory_space<hbm>>) target(%arg8 : memref<84x128xi32, #tpu.memory_space<vmem>>) target_semaphore(%run_scoped3A : memref<!tpu.dma_semaphore, #tpu.memory_space<semaphore_mem>>)
      %dma_wait3A = arith.constant 0 : i32
      %dma_wait3A_62 = arith.constant 0 : i32
      %dma_wait3A_63 = tpu.memref_slice %arg4[%add3A, %dma_wait3A, %dma_wait3A_62] : memref<32x84x128xi32, #tpu.memory_space<hbm>> -> memref<1x84x128xi32, #tpu.memory_space<hbm>>
      %dma_wait3A_64 = tpu.memref_squeeze %dma_wait3A_63 : memref<1x84x128xi32, #tpu.memory_space<hbm>> -> memref<84x128xi32, #tpu.memory_space<hbm>>
      %dma_wait3A_65 = arith.constant 0 : i32
      %dma_wait3A_66 = arith.constant 0 : i32
      %dma_wait3A_67 = tpu.memref_slice %arg4[%add3A, %dma_wait3A_65, %dma_wait3A_66] : memref<32x84x128xi32, #tpu.memory_space<hbm>> -> memref<1x84x128xi32, #tpu.memory_space<hbm>>
      %dma_wait3A_68 = tpu.memref_squeeze %dma_wait3A_67 : memref<1x84x128xi32, #tpu.memory_space<hbm>> -> memref<84x128xi32, #tpu.memory_space<hbm>>
      tpu.wait_dma2 semaphore(%run_scoped3A : memref<!tpu.dma_semaphore, #tpu.memory_space<semaphore_mem>>) src(%dma_wait3A_68 : memref<84x128xi32, #tpu.memory_space<hbm>>) dst(%arg8 : memref<84x128xi32, #tpu.memory_space<vmem>>)
      tpu.yield
    }) : () -> ()
    "tpu.region"() ({
      %run_scoped3A = tpu.sem_alloc : memref<!tpu.dma_semaphore, #tpu.memory_space<semaphore_mem>>
      %dma_start3A_54 = arith.constant 0 : i32
      %dma_start3A_55 = arith.constant 0 : i32
      %dma_start3A_56 = tpu.memref_slice %arg5[%add3A, %dma_start3A_54, %dma_start3A_55] : memref<32x84x128xi32, #tpu.memory_space<hbm>> -> memref<1x84x128xi32, #tpu.memory_space<hbm>>
      %dma_start3A_57 = tpu.memref_squeeze %dma_start3A_56 : memref<1x84x128xi32, #tpu.memory_space<hbm>> -> memref<84x128xi32, #tpu.memory_space<hbm>>
      %dma_start3A_58 = arith.constant 0 : i32
      %dma_start3A_59 = arith.constant 0 : i32
      %dma_start3A_60 = tpu.memref_slice %arg5[%add3A, %dma_start3A_58, %dma_start3A_59] : memref<32x84x128xi32, #tpu.memory_space<hbm>> -> memref<1x84x128xi32, #tpu.memory_space<hbm>>
      %dma_start3A_61 = tpu.memref_squeeze %dma_start3A_60 : memref<1x84x128xi32, #tpu.memory_space<hbm>> -> memref<84x128xi32, #tpu.memory_space<hbm>>
      tpu.enqueue_dma source(%dma_start3A_61 : memref<84x128xi32, #tpu.memory_space<hbm>>) target(%arg9 : memref<84x128xi32, #tpu.memory_space<vmem>>) target_semaphore(%run_scoped3A : memref<!tpu.dma_semaphore, #tpu.memory_space<semaphore_mem>>)
      %dma_wait3A = arith.constant 0 : i32
      %dma_wait3A_62 = arith.constant 0 : i32
      %dma_wait3A_63 = tpu.memref_slice %arg5[%add3A, %dma_wait3A, %dma_wait3A_62] : memref<32x84x128xi32, #tpu.memory_space<hbm>> -> memref<1x84x128xi32, #tpu.memory_space<hbm>>
      %dma_wait3A_64 = tpu.memref_squeeze %dma_wait3A_63 : memref<1x84x128xi32, #tpu.memory_space<hbm>> -> memref<84x128xi32, #tpu.memory_space<hbm>>
      %dma_wait3A_65 = arith.constant 0 : i32
      %dma_wait3A_66 = arith.constant 0 : i32
      %dma_wait3A_67 = tpu.memref_slice %arg5[%add3A, %dma_wait3A_65, %dma_wait3A_66] : memref<32x84x128xi32, #tpu.memory_space<hbm>> -> memref<1x84x128xi32, #tpu.memory_space<hbm>>
      %dma_wait3A_68 = tpu.memref_squeeze %dma_wait3A_67 : memref<1x84x128xi32, #tpu.memory_space<hbm>> -> memref<84x128xi32, #tpu.memory_space<hbm>>
      tpu.wait_dma2 semaphore(%run_scoped3A : memref<!tpu.dma_semaphore, #tpu.memory_space<semaphore_mem>>) src(%dma_wait3A_68 : memref<84x128xi32, #tpu.memory_space<hbm>>) dst(%arg9 : memref<84x128xi32, #tpu.memory_space<vmem>>)
      tpu.yield
    }) : () -> ()
    %dma_start3A = arith.constant 0 : i32
    %dma_start3A_5 = arith.constant 0 : i32
    %dma_start3A_6 = arith.constant 0 : i32
    %dma_start3A_7 = tpu.memref_slice %arg10[%dma_start3A_5, %dma_start3A_6] : memref<256x16xf32, #tpu.memory_space<vmem>> -> memref<128x16xf32, #tpu.memory_space<vmem>>
    %dma_start3A_8 = arith.constant 0 : i32
    %dma_start3A_9 = tpu.memref_slice %arg8[%dma_start3A, %dma_start3A_8] : memref<84x128xi32, #tpu.memory_space<vmem>> -> memref<1x128xi32, #tpu.memory_space<vmem>>
    %dma_start3A_10 = tpu.memref_squeeze %dma_start3A_9 : memref<1x128xi32, #tpu.memory_space<vmem>> -> memref<128xi32, #tpu.memory_space<vmem>>
    %dma_start3A_11 = arith.constant 0 : i32
    %dma_start3A_12 = arith.constant 0 : i32
    %dma_start3A_13 = tpu.memref_slice %arg2[%dma_start3A_11, %dma_start3A_12] : memref<10240x16xf32, #tpu.memory_space<hbm>> -> memref<10240x16xf32, #tpu.memory_space<hbm>>
    tpu.enqueue_indirect_dma source(%dma_start3A_13 : memref<10240x16xf32, #tpu.memory_space<hbm>>) target(%dma_start3A_7 : memref<128x16xf32, #tpu.memory_space<vmem>>) offsets(%dma_start3A_10 : memref<128xi32, #tpu.memory_space<vmem>>) semaphore(%arg15 : memref<!tpu.dma_semaphore, #tpu.memory_space<semaphore_mem>>)
    %dma_start3A_14 = arith.constant 0 : i32
    %dma_start3A_15 = arith.constant 0 : i32
    %dma_start3A_16 = arith.constant 0 : i32
    %dma_start3A_17 = tpu.memref_slice %arg11[%dma_start3A_15, %dma_start3A_16] : memref<256x16xf32, #tpu.memory_space<vmem>> -> memref<128x16xf32, #tpu.memory_space<vmem>>
    %dma_start3A_18 = arith.constant 0 : i32
    %dma_start3A_19 = tpu.memref_slice %arg9[%dma_start3A_14, %dma_start3A_18] : memref<84x128xi32, #tpu.memory_space<vmem>> -> memref<1x128xi32, #tpu.memory_space<vmem>>
    %dma_start3A_20 = tpu.memref_squeeze %dma_start3A_19 : memref<1x128xi32, #tpu.memory_space<vmem>> -> memref<128xi32, #tpu.memory_space<vmem>>
    %dma_start3A_21 = arith.constant 0 : i32
    %dma_start3A_22 = arith.constant 0 : i32
    %dma_start3A_23 = tpu.memref_slice %arg3[%dma_start3A_21, %dma_start3A_22] : memref<10240x16xf32, #tpu.memory_space<hbm>> -> memref<10240x16xf32, #tpu.memory_space<hbm>>
    tpu.enqueue_indirect_dma source(%dma_start3A_23 : memref<10240x16xf32, #tpu.memory_space<hbm>>) target(%dma_start3A_17 : memref<128x16xf32, #tpu.memory_space<vmem>>) offsets(%dma_start3A_20 : memref<128xi32, #tpu.memory_space<vmem>>) semaphore(%arg15 : memref<!tpu.dma_semaphore, #tpu.memory_space<semaphore_mem>>)
    %dma_start3A_24 = arith.constant 1 : i32
    %dma_start3A_25 = arith.constant 128 : i32
    %dma_start3A_26 = arith.constant 0 : i32
    %dma_start3A_27 = tpu.memref_slice %arg10[%dma_start3A_25, %dma_start3A_26] : memref<256x16xf32, #tpu.memory_space<vmem>> -> memref<128x16xf32, #tpu.memory_space<vmem>>
    %dma_start3A_28 = arith.constant 0 : i32
    %dma_start3A_29 = tpu.memref_slice %arg8[%dma_start3A_24, %dma_start3A_28] : memref<84x128xi32, #tpu.memory_space<vmem>> -> memref<1x128xi32, #tpu.memory_space<vmem>>
    %dma_start3A_30 = tpu.memref_squeeze %dma_start3A_29 : memref<1x128xi32, #tpu.memory_space<vmem>> -> memref<128xi32, #tpu.memory_space<vmem>>
    %dma_start3A_31 = arith.constant 0 : i32
    %dma_start3A_32 = arith.constant 0 : i32
    %dma_start3A_33 = tpu.memref_slice %arg2[%dma_start3A_31, %dma_start3A_32] : memref<10240x16xf32, #tpu.memory_space<hbm>> -> memref<10240x16xf32, #tpu.memory_space<hbm>>
    tpu.enqueue_indirect_dma source(%dma_start3A_33 : memref<10240x16xf32, #tpu.memory_space<hbm>>) target(%dma_start3A_27 : memref<128x16xf32, #tpu.memory_space<vmem>>) offsets(%dma_start3A_30 : memref<128xi32, #tpu.memory_space<vmem>>) semaphore(%arg15 : memref<!tpu.dma_semaphore, #tpu.memory_space<semaphore_mem>>)
    %dma_start3A_34 = arith.constant 1 : i32
    %dma_start3A_35 = arith.constant 128 : i32
    %dma_start3A_36 = arith.constant 0 : i32
    %dma_start3A_37 = tpu.memref_slice %arg11[%dma_start3A_35, %dma_start3A_36] : memref<256x16xf32, #tpu.memory_space<vmem>> -> memref<128x16xf32, #tpu.memory_space<vmem>>
    %dma_start3A_38 = arith.constant 0 : i32
    %dma_start3A_39 = tpu.memref_slice %arg9[%dma_start3A_34, %dma_start3A_38] : memref<84x128xi32, #tpu.memory_space<vmem>> -> memref<1x128xi32, #tpu.memory_space<vmem>>
    %dma_start3A_40 = tpu.memref_squeeze %dma_start3A_39 : memref<1x128xi32, #tpu.memory_space<vmem>> -> memref<128xi32, #tpu.memory_space<vmem>>
    %dma_start3A_41 = arith.constant 0 : i32
    %dma_start3A_42 = arith.constant 0 : i32
    %dma_start3A_43 = tpu.memref_slice %arg3[%dma_start3A_41, %dma_start3A_42] : memref<10240x16xf32, #tpu.memory_space<hbm>> -> memref<10240x16xf32, #tpu.memory_space<hbm>>
    tpu.enqueue_indirect_dma source(%dma_start3A_43 : memref<10240x16xf32, #tpu.memory_space<hbm>>) target(%dma_start3A_37 : memref<128x16xf32, #tpu.memory_space<vmem>>) offsets(%dma_start3A_40 : memref<128xi32, #tpu.memory_space<vmem>>) semaphore(%arg15 : memref<!tpu.dma_semaphore, #tpu.memory_space<semaphore_mem>>)
    %scan3A = arith.constant 0 : i32
    %scan3A_44 = arith.constant 0 : i32
    %scan3A_45 = arith.constant 21 : i32
    %scan3A_46 = arith.addi %scan3A_44, %scan3A_45 : i32
    %scan3A_47 = arith.constant 1 : i32
    scf.for %scan3A_54 = %scan3A_44 to %scan3A_46 step %scan3A_47  : i32 {
      %mul3A_55 = arith.constant 2 : i32
      %mul3A_56 = arith.muli %mul3A_55, %scan3A_54 : i32
      %mul3A_57 = arith.constant 2 : i32
      %mul3A_58 = arith.muli %mul3A_56, %mul3A_57 : i32
      %add3A_59 = arith.constant 2 : i32
      %add3A_60 = arith.addi %mul3A_58, %add3A_59 : i32
      %add3A_61 = arith.constant 0 : i32
      %add3A_62 = arith.addi %add3A_60, %add3A_61 : i32
      %dma_start3A_63 = arith.constant 0 : i32
      %dma_start3A_64 = arith.constant 0 : i32
      %dma_start3A_65 = tpu.memref_slice %arg12[%dma_start3A_63, %dma_start3A_64] : memref<256x16xf32, #tpu.memory_space<vmem>> -> memref<128x16xf32, #tpu.memory_space<vmem>>
      %dma_start3A_66 = arith.constant 0 : i32
      %dma_start3A_67 = tpu.memref_slice %arg8[%add3A_62, %dma_start3A_66] : memref<84x128xi32, #tpu.memory_space<vmem>> -> memref<1x128xi32, #tpu.memory_space<vmem>>
      %dma_start3A_68 = tpu.memref_squeeze %dma_start3A_67 : memref<1x128xi32, #tpu.memory_space<vmem>> -> memref<128xi32, #tpu.memory_space<vmem>>
      %dma_start3A_69 = arith.constant 0 : i32
      %dma_start3A_70 = arith.constant 0 : i32
      %dma_start3A_71 = tpu.memref_slice %arg2[%dma_start3A_69, %dma_start3A_70] : memref<10240x16xf32, #tpu.memory_space<hbm>> -> memref<10240x16xf32, #tpu.memory_space<hbm>>
      tpu.enqueue_indirect_dma source(%dma_start3A_71 : memref<10240x16xf32, #tpu.memory_space<hbm>>) target(%dma_start3A_65 : memref<128x16xf32, #tpu.memory_space<vmem>>) offsets(%dma_start3A_68 : memref<128xi32, #tpu.memory_space<vmem>>) semaphore(%arg16 : memref<!tpu.dma_semaphore, #tpu.memory_space<semaphore_mem>>)
      %add3A_72 = arith.constant 0 : i32
      %add3A_73 = arith.addi %add3A_60, %add3A_72 : i32
      %dma_start3A_74 = arith.constant 0 : i32
      %dma_start3A_75 = arith.constant 0 : i32
      %dma_start3A_76 = tpu.memref_slice %arg13[%dma_start3A_74, %dma_start3A_75] : memref<256x16xf32, #tpu.memory_space<vmem>> -> memref<128x16xf32, #tpu.memory_space<vmem>>
      %dma_start3A_77 = arith.constant 0 : i32
      %dma_start3A_78 = tpu.memref_slice %arg9[%add3A_73, %dma_start3A_77] : memref<84x128xi32, #tpu.memory_space<vmem>> -> memref<1x128xi32, #tpu.memory_space<vmem>>
      %dma_start3A_79 = tpu.memref_squeeze %dma_start3A_78 : memref<1x128xi32, #tpu.memory_space<vmem>> -> memref<128xi32, #tpu.memory_space<vmem>>
      %dma_start3A_80 = arith.constant 0 : i32
      %dma_start3A_81 = arith.constant 0 : i32
      %dma_start3A_82 = tpu.memref_slice %arg3[%dma_start3A_80, %dma_start3A_81] : memref<10240x16xf32, #tpu.memory_space<hbm>> -> memref<10240x16xf32, #tpu.memory_space<hbm>>
      tpu.enqueue_indirect_dma source(%dma_start3A_82 : memref<10240x16xf32, #tpu.memory_space<hbm>>) target(%dma_start3A_76 : memref<128x16xf32, #tpu.memory_space<vmem>>) offsets(%dma_start3A_79 : memref<128xi32, #tpu.memory_space<vmem>>) semaphore(%arg16 : memref<!tpu.dma_semaphore, #tpu.memory_space<semaphore_mem>>)
      %add3A_83 = arith.constant 1 : i32
      %add3A_84 = arith.addi %add3A_60, %add3A_83 : i32
      %dma_start3A_85 = arith.constant 128 : i32
      %dma_start3A_86 = arith.constant 0 : i32
      %dma_start3A_87 = tpu.memref_slice %arg12[%dma_start3A_85, %dma_start3A_86] : memref<256x16xf32, #tpu.memory_space<vmem>> -> memref<128x16xf32, #tpu.memory_space<vmem>>
      %dma_start3A_88 = arith.constant 0 : i32
      %dma_start3A_89 = tpu.memref_slice %arg8[%add3A_84, %dma_start3A_88] : memref<84x128xi32, #tpu.memory_space<vmem>> -> memref<1x128xi32, #tpu.memory_space<vmem>>
      %dma_start3A_90 = tpu.memref_squeeze %dma_start3A_89 : memref<1x128xi32, #tpu.memory_space<vmem>> -> memref<128xi32, #tpu.memory_space<vmem>>
      %dma_start3A_91 = arith.constant 0 : i32
      %dma_start3A_92 = arith.constant 0 : i32
      %dma_start3A_93 = tpu.memref_slice %arg2[%dma_start3A_91, %dma_start3A_92] : memref<10240x16xf32, #tpu.memory_space<hbm>> -> memref<10240x16xf32, #tpu.memory_space<hbm>>
      tpu.enqueue_indirect_dma source(%dma_start3A_93 : memref<10240x16xf32, #tpu.memory_space<hbm>>) target(%dma_start3A_87 : memref<128x16xf32, #tpu.memory_space<vmem>>) offsets(%dma_start3A_90 : memref<128xi32, #tpu.memory_space<vmem>>) semaphore(%arg16 : memref<!tpu.dma_semaphore, #tpu.memory_space<semaphore_mem>>)
      %add3A_94 = arith.constant 1 : i32
      %add3A_95 = arith.addi %add3A_60, %add3A_94 : i32
      %dma_start3A_96 = arith.constant 128 : i32
      %dma_start3A_97 = arith.constant 0 : i32
      %dma_start3A_98 = tpu.memref_slice %arg13[%dma_start3A_96, %dma_start3A_97] : memref<256x16xf32, #tpu.memory_space<vmem>> -> memref<128x16xf32, #tpu.memory_space<vmem>>
      %dma_start3A_99 = arith.constant 0 : i32
      %dma_start3A_100 = tpu.memref_slice %arg9[%add3A_95, %dma_start3A_99] : memref<84x128xi32, #tpu.memory_space<vmem>> -> memref<1x128xi32, #tpu.memory_space<vmem>>
      %dma_start3A_101 = tpu.memref_squeeze %dma_start3A_100 : memref<1x128xi32, #tpu.memory_space<vmem>> -> memref<128xi32, #tpu.memory_space<vmem>>
      %dma_start3A_102 = arith.constant 0 : i32
      %dma_start3A_103 = arith.constant 0 : i32
      %dma_start3A_104 = tpu.memref_slice %arg3[%dma_start3A_102, %dma_start3A_103] : memref<10240x16xf32, #tpu.memory_space<hbm>> -> memref<10240x16xf32, #tpu.memory_space<hbm>>
      tpu.enqueue_indirect_dma source(%dma_start3A_104 : memref<10240x16xf32, #tpu.memory_space<hbm>>) target(%dma_start3A_98 : memref<128x16xf32, #tpu.memory_space<vmem>>) offsets(%dma_start3A_101 : memref<128xi32, #tpu.memory_space<vmem>>) semaphore(%arg16 : memref<!tpu.dma_semaphore, #tpu.memory_space<semaphore_mem>>)
      %add3A_105 = arith.constant 0 : i32
      %add3A_106 = arith.addi %mul3A_58, %add3A_105 : i32
      %dma_wait3A = arith.constant 0 : i32
      %dma_wait3A_107 = arith.constant 0 : i32
      %dma_wait3A_108 = tpu.memref_slice %arg10[%dma_wait3A, %dma_wait3A_107] : memref<256x16xf32, #tpu.memory_space<vmem>> -> memref<128x16xf32, #tpu.memory_space<vmem>>
      %dma_wait3A_109 = arith.constant 0 : i32
      %dma_wait3A_110 = tpu.memref_slice %arg8[%add3A_106, %dma_wait3A_109] : memref<84x128xi32, #tpu.memory_space<vmem>> -> memref<1x128xi32, #tpu.memory_space<vmem>>
      %dma_wait3A_111 = tpu.memref_squeeze %dma_wait3A_110 : memref<1x128xi32, #tpu.memory_space<vmem>> -> memref<128xi32, #tpu.memory_space<vmem>>
      %dma_wait3A_112 = arith.constant 0 : i32
      %dma_wait3A_113 = arith.constant 0 : i32
      %dma_wait3A_114 = tpu.memref_slice %arg2[%dma_wait3A_112, %dma_wait3A_113] : memref<10240x16xf32, #tpu.memory_space<hbm>> -> memref<10240x16xf32, #tpu.memory_space<hbm>>
      tpu.wait_indirect_dma semaphore(%arg15 : memref<!tpu.dma_semaphore, #tpu.memory_space<semaphore_mem>>) src(%dma_wait3A_114 : memref<10240x16xf32, #tpu.memory_space<hbm>>) dst(%dma_wait3A_108 : memref<128x16xf32, #tpu.memory_space<vmem>>)
      %add3A_115 = arith.constant 0 : i32
      %add3A_116 = arith.addi %mul3A_58, %add3A_115 : i32
      %dma_wait3A_117 = arith.constant 0 : i32
      %dma_wait3A_118 = arith.constant 0 : i32
      %dma_wait3A_119 = tpu.memref_slice %arg11[%dma_wait3A_117, %dma_wait3A_118] : memref<256x16xf32, #tpu.memory_space<vmem>> -> memref<128x16xf32, #tpu.memory_space<vmem>>
      %dma_wait3A_120 = arith.constant 0 : i32
      %dma_wait3A_121 = tpu.memref_slice %arg9[%add3A_116, %dma_wait3A_120] : memref<84x128xi32, #tpu.memory_space<vmem>> -> memref<1x128xi32, #tpu.memory_space<vmem>>
      %dma_wait3A_122 = tpu.memref_squeeze %dma_wait3A_121 : memref<1x128xi32, #tpu.memory_space<vmem>> -> memref<128xi32, #tpu.memory_space<vmem>>
      %dma_wait3A_123 = arith.constant 0 : i32
      %dma_wait3A_124 = arith.constant 0 : i32
      %dma_wait3A_125 = tpu.memref_slice %arg3[%dma_wait3A_123, %dma_wait3A_124] : memref<10240x16xf32, #tpu.memory_space<hbm>> -> memref<10240x16xf32, #tpu.memory_space<hbm>>
      tpu.wait_indirect_dma semaphore(%arg15 : memref<!tpu.dma_semaphore, #tpu.memory_space<semaphore_mem>>) src(%dma_wait3A_125 : memref<10240x16xf32, #tpu.memory_space<hbm>>) dst(%dma_wait3A_119 : memref<128x16xf32, #tpu.memory_space<vmem>>)
      %add3A_126 = arith.constant 1 : i32
      %add3A_127 = arith.addi %mul3A_58, %add3A_126 : i32
      %dma_wait3A_128 = arith.constant 128 : i32
      %dma_wait3A_129 = arith.constant 0 : i32
      %dma_wait3A_130 = tpu.memref_slice %arg10[%dma_wait3A_128, %dma_wait3A_129] : memref<256x16xf32, #tpu.memory_space<vmem>> -> memref<128x16xf32, #tpu.memory_space<vmem>>
      %dma_wait3A_131 = arith.constant 0 : i32
      %dma_wait3A_132 = tpu.memref_slice %arg8[%add3A_127, %dma_wait3A_131] : memref<84x128xi32, #tpu.memory_space<vmem>> -> memref<1x128xi32, #tpu.memory_space<vmem>>
      %dma_wait3A_133 = tpu.memref_squeeze %dma_wait3A_132 : memref<1x128xi32, #tpu.memory_space<vmem>> -> memref<128xi32, #tpu.memory_space<vmem>>
      %dma_wait3A_134 = arith.constant 0 : i32
      %dma_wait3A_135 = arith.constant 0 : i32
      %dma_wait3A_136 = tpu.memref_slice %arg2[%dma_wait3A_134, %dma_wait3A_135] : memref<10240x16xf32, #tpu.memory_space<hbm>> -> memref<10240x16xf32, #tpu.memory_space<hbm>>
      tpu.wait_indirect_dma semaphore(%arg15 : memref<!tpu.dma_semaphore, #tpu.memory_space<semaphore_mem>>) src(%dma_wait3A_136 : memref<10240x16xf32, #tpu.memory_space<hbm>>) dst(%dma_wait3A_130 : memref<128x16xf32, #tpu.memory_space<vmem>>)
      %add3A_137 = arith.constant 1 : i32
      %add3A_138 = arith.addi %mul3A_58, %add3A_137 : i32
      %dma_wait3A_139 = arith.constant 128 : i32
      %dma_wait3A_140 = arith.constant 0 : i32
      %dma_wait3A_141 = tpu.memref_slice %arg11[%dma_wait3A_139, %dma_wait3A_140] : memref<256x16xf32, #tpu.memory_space<vmem>> -> memref<128x16xf32, #tpu.memory_space<vmem>>
      %dma_wait3A_142 = arith.constant 0 : i32
      %dma_wait3A_143 = tpu.memref_slice %arg9[%add3A_138, %dma_wait3A_142] : memref<84x128xi32, #tpu.memory_space<vmem>> -> memref<1x128xi32, #tpu.memory_space<vmem>>
      %dma_wait3A_144 = tpu.memref_squeeze %dma_wait3A_143 : memref<1x128xi32, #tpu.memory_space<vmem>> -> memref<128xi32, #tpu.memory_space<vmem>>
      %dma_wait3A_145 = arith.constant 0 : i32
      %dma_wait3A_146 = arith.constant 0 : i32
      %dma_wait3A_147 = tpu.memref_slice %arg3[%dma_wait3A_145, %dma_wait3A_146] : memref<10240x16xf32, #tpu.memory_space<hbm>> -> memref<10240x16xf32, #tpu.memory_space<hbm>>
      tpu.wait_indirect_dma semaphore(%arg15 : memref<!tpu.dma_semaphore, #tpu.memory_space<semaphore_mem>>) src(%dma_wait3A_147 : memref<10240x16xf32, #tpu.memory_space<hbm>>) dst(%dma_wait3A_141 : memref<128x16xf32, #tpu.memory_space<vmem>>)
      %scan3A_148 = arith.constant 0 : i32
      %scan3A_149 = arith.constant 0 : i32
      %scan3A_150 = arith.constant 64 : i32
      %scan3A_151 = arith.addi %scan3A_149, %scan3A_150 : i32
      %scan3A_152 = arith.constant 1 : i32
      scf.for %scan3A_214 = %scan3A_149 to %scan3A_151 step %scan3A_152  : i32 {
        %mul3A_215 = arith.constant 4 : i32
        %mul3A_216 = arith.muli %scan3A_214, %mul3A_215 : i32
        %iota3A = tpu.iota {dimensions = array<i32: 0>} : vector<16xi32>
        %add3A_217 = arith.constant 0 : i32
        %add3A_218 = arith.addi %mul3A_216, %add3A_217 : i32
        %get3A = arith.index_cast %add3A_218 : i32 to index
        %get3A_219 = arith.constant 0 : index
        %get3A_220 = tpu.vector_load %arg10[%get3A, %get3A_219] {strides = array<i32>} : memref<256x16xf32, #tpu.memory_space<vmem>>, vector<16xf32>,
        %get3A_221 = arith.index_cast %add3A_218 : i32 to index
        %get3A_222 = arith.constant 0 : index
        %get3A_223 = tpu.vector_load %arg11[%get3A_221, %get3A_222] {strides = array<i32>} : memref<256x16xf32, #tpu.memory_space<vmem>>, vector<16xf32>,
        %mul3A_224 = arith.constant 0 : i32
        %mul3A_225 = vector.broadcast %mul3A_224 : i32 to vector<16xi32>
        %mul3A_226 = arith.muli %iota3A, %mul3A_225 : vector<16xi32>
        %add3A_227 = arith.constant 2 : i32
        %add3A_228 = vector.broadcast %add3A_227 : i32 to vector<16xi32>
        %add3A_229 = arith.addi %mul3A_226, %add3A_228 : vector<16xi32>
        %lt3A_230 = arith.constant 0 : i32
        %lt3A_231 = vector.broadcast %lt3A_230 : i32 to vector<16xi32>
        %lt3A_232 = arith.cmpi slt, %add3A_229, %lt3A_231 : vector<16xi32>
        %add3A_233 = arith.constant 16 : i32
        %add3A_234 = vector.broadcast %add3A_233 : i32 to vector<16xi32>
        %add3A_235 = arith.addi %add3A_229, %add3A_234 : vector<16xi32>
        %select_n3A = arith.select %lt3A_232, %add3A_235, %add3A_229 : vector<16xi1>, vector<16xi32>
        %broadcast_in_dim3A = vector.shape_cast %select_n3A : vector<16xi32> to vector<16x1xi32>
        %gather3A = vector.shape_cast %broadcast_in_dim3A : vector<16x1xi32> to vector<16xi32>
        %gather3A_236 = tpu.dynamic_gather %get3A_220[%gather3A] in [0] : vector<16xf32>, vector<16xi32> -> vector<16xf32>
        %mul3A_237 = arith.constant 0 : i32
        %mul3A_238 = vector.broadcast %mul3A_237 : i32 to vector<16xi32>
        %mul3A_239 = arith.muli %iota3A, %mul3A_238 : vector<16xi32>
        %add3A_240 = arith.constant 3 : i32
        %add3A_241 = vector.broadcast %add3A_240 : i32 to vector<16xi32>
        %add3A_242 = arith.addi %mul3A_239, %add3A_241 : vector<16xi32>
        %lt3A_243 = arith.constant 0 : i32
        %lt3A_244 = vector.broadcast %lt3A_243 : i32 to vector<16xi32>
        %lt3A_245 = arith.cmpi slt, %add3A_242, %lt3A_244 : vector<16xi32>
        %add3A_246 = arith.constant 16 : i32
        %add3A_247 = vector.broadcast %add3A_246 : i32 to vector<16xi32>
        %add3A_248 = arith.addi %add3A_242, %add3A_247 : vector<16xi32>
        %select_n3A_249 = arith.select %lt3A_245, %add3A_248, %add3A_242 : vector<16xi1>, vector<16xi32>
        %broadcast_in_dim3A_250 = vector.shape_cast %select_n3A_249 : vector<16xi32> to vector<16x1xi32>
        %gather3A_251 = vector.shape_cast %broadcast_in_dim3A_250 : vector<16x1xi32> to vector<16xi32>
        %gather3A_252 = tpu.dynamic_gather %get3A_223[%gather3A_251] in [0] : vector<16xf32>, vector<16xi32> -> vector<16xf32>
        %add3A_253 = arith.addf %gather3A_236, %gather3A_252 : vector<16xf32>
        %ge3A = arith.constant 0.000000e+00 : f32
        %ge3A_254 = vector.broadcast %ge3A : f32 to vector<16xf32>
        %ge3A_255 = arith.cmpf oge, %add3A_253, %ge3A_254 : vector<16xf32>
        %mul3A_256 = arith.constant 2.000000e-01 : f32
        %mul3A_257 = vector.broadcast %mul3A_256 : f32 to vector<16xf32>
        %mul3A_258 = arith.mulf %add3A_253, %mul3A_257 : vector<16xf32>
        %select_n3A_259 = arith.select %ge3A_255, %add3A_253, %mul3A_258 : vector<16xi1>, vector<16xf32>
        %exp3A = math.exp %select_n3A_259 : vector<16xf32>
        %eq3A = arith.constant 2 : i32
        %eq3A_260 = vector.broadcast %eq3A : i32 to vector<16xi32>
        %eq3A_261 = arith.cmpi eq, %iota3A, %eq3A_260 : vector<16xi32>
        %mul3A_262 = arith.mulf %get3A_220, %exp3A : vector<16xf32>
        %select_n3A_263 = arith.select %eq3A_261, %exp3A, %mul3A_262 : vector<16xi1>, vector<16xf32>
        %swap3A = arith.index_cast %add3A_218 : i32 to index
        %swap3A_264 = arith.constant 0 : index
        %swap3A_265 = tpu.vector_load %arg10[%swap3A, %swap3A_264] {strides = array<i32>} : memref<256x16xf32, #tpu.memory_space<vmem>>, vector<16xf32>,
        tpu.vector_store %arg10[%swap3A, %swap3A_264], %select_n3A_263 {strides = array<i32>} : memref<256x16xf32, #tpu.memory_space<vmem>>, vector<16xf32>,
        %add3A_266 = arith.constant 1 : i32
        %add3A_267 = arith.addi %mul3A_216, %add3A_266 : i32
        %get3A_268 = arith.index_cast %add3A_267 : i32 to index
        %get3A_269 = arith.constant 0 : index
        %get3A_270 = tpu.vector_load %arg10[%get3A_268, %get3A_269] {strides = array<i32>} : memref<256x16xf32, #tpu.memory_space<vmem>>, vector<16xf32>,
        %get3A_271 = arith.index_cast %add3A_267 : i32 to index
        %get3A_272 = arith.constant 0 : index
        %get3A_273 = tpu.vector_load %arg11[%get3A_271, %get3A_272] {strides = array<i32>} : memref<256x16xf32, #tpu.memory_space<vmem>>, vector<16xf32>,
        %mul3A_274 = arith.constant 0 : i32
        %mul3A_275 = vector.broadcast %mul3A_274 : i32 to vector<16xi32>
        %mul3A_276 = arith.muli %iota3A, %mul3A_275 : vector<16xi32>
        %add3A_277 = arith.constant 2 : i32
        %add3A_278 = vector.broadcast %add3A_277 : i32 to vector<16xi32>
        %add3A_279 = arith.addi %mul3A_276, %add3A_278 : vector<16xi32>
        %lt3A_280 = arith.constant 0 : i32
        %lt3A_281 = vector.broadcast %lt3A_280 : i32 to vector<16xi32>
        %lt3A_282 = arith.cmpi slt, %add3A_279, %lt3A_281 : vector<16xi32>
        %add3A_283 = arith.constant 16 : i32
        %add3A_284 = vector.broadcast %add3A_283 : i32 to vector<16xi32>
        %add3A_285 = arith.addi %add3A_279, %add3A_284 : vector<16xi32>
        %select_n3A_286 = arith.select %lt3A_282, %add3A_285, %add3A_279 : vector<16xi1>, vector<16xi32>
        %broadcast_in_dim3A_287 = vector.shape_cast %select_n3A_286 : vector<16xi32> to vector<16x1xi32>
        %gather3A_288 = vector.shape_cast %broadcast_in_dim3A_287 : vector<16x1xi32> to vector<16xi32>
        %gather3A_289 = tpu.dynamic_gather %get3A_270[%gather3A_288] in [0] : vector<16xf32>, vector<16xi32> -> vector<16xf32>
        %mul3A_290 = arith.constant 0 : i32
        %mul3A_291 = vector.broadcast %mul3A_290 : i32 to vector<16xi32>
        %mul3A_292 = arith.muli %iota3A, %mul3A_291 : vector<16xi32>
        %add3A_293 = arith.constant 3 : i32
        %add3A_294 = vector.broadcast %add3A_293 : i32 to vector<16xi32>
        %add3A_295 = arith.addi %mul3A_292, %add3A_294 : vector<16xi32>
        %lt3A_296 = arith.constant 0 : i32
        %lt3A_297 = vector.broadcast %lt3A_296 : i32 to vector<16xi32>
        %lt3A_298 = arith.cmpi slt, %add3A_295, %lt3A_297 : vector<16xi32>
        %add3A_299 = arith.constant 16 : i32
        %add3A_300 = vector.broadcast %add3A_299 : i32 to vector<16xi32>
        %add3A_301 = arith.addi %add3A_295, %add3A_300 : vector<16xi32>
        %select_n3A_302 = arith.select %lt3A_298, %add3A_301, %add3A_295 : vector<16xi1>, vector<16xi32>
        %broadcast_in_dim3A_303 = vector.shape_cast %select_n3A_302 : vector<16xi32> to vector<16x1xi32>
        %gather3A_304 = vector.shape_cast %broadcast_in_dim3A_303 : vector<16x1xi32> to vector<16xi32>
        %gather3A_305 = tpu.dynamic_gather %get3A_273[%gather3A_304] in [0] : vector<16xf32>, vector<16xi32> -> vector<16xf32>
        %add3A_306 = arith.addf %gather3A_289, %gather3A_305 : vector<16xf32>
        %ge3A_307 = arith.constant 0.000000e+00 : f32
        %ge3A_308 = vector.broadcast %ge3A_307 : f32 to vector<16xf32>
        %ge3A_309 = arith.cmpf oge, %add3A_306, %ge3A_308 : vector<16xf32>
        %mul3A_310 = arith.constant 2.000000e-01 : f32
        %mul3A_311 = vector.broadcast %mul3A_310 : f32 to vector<16xf32>
        %mul3A_312 = arith.mulf %add3A_306, %mul3A_311 : vector<16xf32>
        %select_n3A_313 = arith.select %ge3A_309, %add3A_306, %mul3A_312 : vector<16xi1>, vector<16xf32>
        %exp3A_314 = math.exp %select_n3A_313 : vector<16xf32>
        %eq3A_315 = arith.constant 2 : i32
        %eq3A_316 = vector.broadcast %eq3A_315 : i32 to vector<16xi32>
        %eq3A_317 = arith.cmpi eq, %iota3A, %eq3A_316 : vector<16xi32>
        %mul3A_318 = arith.mulf %get3A_270, %exp3A_314 : vector<16xf32>
        %select_n3A_319 = arith.select %eq3A_317, %exp3A_314, %mul3A_318 : vector<16xi1>, vector<16xf32>
        %swap3A_320 = arith.index_cast %add3A_267 : i32 to index
        %swap3A_321 = arith.constant 0 : index
        %swap3A_322 = tpu.vector_load %arg10[%swap3A_320, %swap3A_321] {strides = array<i32>} : memref<256x16xf32, #tpu.memory_space<vmem>>, vector<16xf32>,
        tpu.vector_store %arg10[%swap3A_320, %swap3A_321], %select_n3A_319 {strides = array<i32>} : memref<256x16xf32, #tpu.memory_space<vmem>>, vector<16xf32>,
        %add3A_323 = arith.constant 2 : i32
        %add3A_324 = arith.addi %mul3A_216, %add3A_323 : i32
        %get3A_325 = arith.index_cast %add3A_324 : i32 to index
        %get3A_326 = arith.constant 0 : index
        %get3A_327 = tpu.vector_load %arg10[%get3A_325, %get3A_326] {strides = array<i32>} : memref<256x16xf32, #tpu.memory_space<vmem>>, vector<16xf32>,
        %get3A_328 = arith.index_cast %add3A_324 : i32 to index
        %get3A_329 = arith.constant 0 : index
        %get3A_330 = tpu.vector_load %arg11[%get3A_328, %get3A_329] {strides = array<i32>} : memref<256x16xf32, #tpu.memory_space<vmem>>, vector<16xf32>,
        %mul3A_331 = arith.constant 0 : i32
        %mul3A_332 = vector.broadcast %mul3A_331 : i32 to vector<16xi32>
        %mul3A_333 = arith.muli %iota3A, %mul3A_332 : vector<16xi32>
        %add3A_334 = arith.constant 2 : i32
        %add3A_335 = vector.broadcast %add3A_334 : i32 to vector<16xi32>
        %add3A_336 = arith.addi %mul3A_333, %add3A_335 : vector<16xi32>
        %lt3A_337 = arith.constant 0 : i32
        %lt3A_338 = vector.broadcast %lt3A_337 : i32 to vector<16xi32>
        %lt3A_339 = arith.cmpi slt, %add3A_336, %lt3A_338 : vector<16xi32>
        %add3A_340 = arith.constant 16 : i32
        %add3A_341 = vector.broadcast %add3A_340 : i32 to vector<16xi32>
        %add3A_342 = arith.addi %add3A_336, %add3A_341 : vector<16xi32>
        %select_n3A_343 = arith.select %lt3A_339, %add3A_342, %add3A_336 : vector<16xi1>, vector<16xi32>
        %broadcast_in_dim3A_344 = vector.shape_cast %select_n3A_343 : vector<16xi32> to vector<16x1xi32>
        %gather3A_345 = vector.shape_cast %broadcast_in_dim3A_344 : vector<16x1xi32> to vector<16xi32>
        %gather3A_346 = tpu.dynamic_gather %get3A_327[%gather3A_345] in [0] : vector<16xf32>, vector<16xi32> -> vector<16xf32>
        %mul3A_347 = arith.constant 0 : i32
        %mul3A_348 = vector.broadcast %mul3A_347 : i32 to vector<16xi32>
        %mul3A_349 = arith.muli %iota3A, %mul3A_348 : vector<16xi32>
        %add3A_350 = arith.constant 3 : i32
        %add3A_351 = vector.broadcast %add3A_350 : i32 to vector<16xi32>
        %add3A_352 = arith.addi %mul3A_349, %add3A_351 : vector<16xi32>
        %lt3A_353 = arith.constant 0 : i32
        %lt3A_354 = vector.broadcast %lt3A_353 : i32 to vector<16xi32>
        %lt3A_355 = arith.cmpi slt, %add3A_352, %lt3A_354 : vector<16xi32>
        %add3A_356 = arith.constant 16 : i32
        %add3A_357 = vector.broadcast %add3A_356 : i32 to vector<16xi32>
        %add3A_358 = arith.addi %add3A_352, %add3A_357 : vector<16xi32>
        %select_n3A_359 = arith.select %lt3A_355, %add3A_358, %add3A_352 : vector<16xi1>, vector<16xi32>
        %broadcast_in_dim3A_360 = vector.shape_cast %select_n3A_359 : vector<16xi32> to vector<16x1xi32>
        %gather3A_361 = vector.shape_cast %broadcast_in_dim3A_360 : vector<16x1xi32> to vector<16xi32>
        %gather3A_362 = tpu.dynamic_gather %get3A_330[%gather3A_361] in [0] : vector<16xf32>, vector<16xi32> -> vector<16xf32>
        %add3A_363 = arith.addf %gather3A_346, %gather3A_362 : vector<16xf32>
        %ge3A_364 = arith.constant 0.000000e+00 : f32
        %ge3A_365 = vector.broadcast %ge3A_364 : f32 to vector<16xf32>
        %ge3A_366 = arith.cmpf oge, %add3A_363, %ge3A_365 : vector<16xf32>
        %mul3A_367 = arith.constant 2.000000e-01 : f32
        %mul3A_368 = vector.broadcast %mul3A_367 : f32 to vector<16xf32>
        %mul3A_369 = arith.mulf %add3A_363, %mul3A_368 : vector<16xf32>
        %select_n3A_370 = arith.select %ge3A_366, %add3A_363, %mul3A_369 : vector<16xi1>, vector<16xf32>
        %exp3A_371 = math.exp %select_n3A_370 : vector<16xf32>
        %eq3A_372 = arith.constant 2 : i32
        %eq3A_373 = vector.broadcast %eq3A_372 : i32 to vector<16xi32>
        %eq3A_374 = arith.cmpi eq, %iota3A, %eq3A_373 : vector<16xi32>
        %mul3A_375 = arith.mulf %get3A_327, %exp3A_371 : vector<16xf32>
        %select_n3A_376 = arith.select %eq3A_374, %exp3A_371, %mul3A_375 : vector<16xi1>, vector<16xf32>
        %swap3A_377 = arith.index_cast %add3A_324 : i32 to index
        %swap3A_378 = arith.constant 0 : index
        %swap3A_379 = tpu.vector_load %arg10[%swap3A_377, %swap3A_378] {strides = array<i32>} : memref<256x16xf32, #tpu.memory_space<vmem>>, vector<16xf32>,
        tpu.vector_store %arg10[%swap3A_377, %swap3A_378], %select_n3A_376 {strides = array<i32>} : memref<256x16xf32, #tpu.memory_space<vmem>>, vector<16xf32>,
        %add3A_380 = arith.constant 3 : i32
        %add3A_381 = arith.addi %mul3A_216, %add3A_380 : i32
        %get3A_382 = arith.index_cast %add3A_381 : i32 to index
        %get3A_383 = arith.constant 0 : index
        %get3A_384 = tpu.vector_load %arg10[%get3A_382, %get3A_383] {strides = array<i32>} : memref<256x16xf32, #tpu.memory_space<vmem>>, vector<16xf32>,
        %get3A_385 = arith.index_cast %add3A_381 : i32 to index
        %get3A_386 = arith.constant 0 : index
        %get3A_387 = tpu.vector_load %arg11[%get3A_385, %get3A_386] {strides = array<i32>} : memref<256x16xf32, #tpu.memory_space<vmem>>, vector<16xf32>,
        %mul3A_388 = arith.constant 0 : i32
        %mul3A_389 = vector.broadcast %mul3A_388 : i32 to vector<16xi32>
        %mul3A_390 = arith.muli %iota3A, %mul3A_389 : vector<16xi32>
        %add3A_391 = arith.constant 2 : i32
        %add3A_392 = vector.broadcast %add3A_391 : i32 to vector<16xi32>
        %add3A_393 = arith.addi %mul3A_390, %add3A_392 : vector<16xi32>
        %lt3A_394 = arith.constant 0 : i32
        %lt3A_395 = vector.broadcast %lt3A_394 : i32 to vector<16xi32>
        %lt3A_396 = arith.cmpi slt, %add3A_393, %lt3A_395 : vector<16xi32>
        %add3A_397 = arith.constant 16 : i32
        %add3A_398 = vector.broadcast %add3A_397 : i32 to vector<16xi32>
        %add3A_399 = arith.addi %add3A_393, %add3A_398 : vector<16xi32>
        %select_n3A_400 = arith.select %lt3A_396, %add3A_399, %add3A_393 : vector<16xi1>, vector<16xi32>
        %broadcast_in_dim3A_401 = vector.shape_cast %select_n3A_400 : vector<16xi32> to vector<16x1xi32>
        %gather3A_402 = vector.shape_cast %broadcast_in_dim3A_401 : vector<16x1xi32> to vector<16xi32>
        %gather3A_403 = tpu.dynamic_gather %get3A_384[%gather3A_402] in [0] : vector<16xf32>, vector<16xi32> -> vector<16xf32>
        %mul3A_404 = arith.constant 0 : i32
        %mul3A_405 = vector.broadcast %mul3A_404 : i32 to vector<16xi32>
        %mul3A_406 = arith.muli %iota3A, %mul3A_405 : vector<16xi32>
        %add3A_407 = arith.constant 3 : i32
        %add3A_408 = vector.broadcast %add3A_407 : i32 to vector<16xi32>
        %add3A_409 = arith.addi %mul3A_406, %add3A_408 : vector<16xi32>
        %lt3A_410 = arith.constant 0 : i32
        %lt3A_411 = vector.broadcast %lt3A_410 : i32 to vector<16xi32>
        %lt3A_412 = arith.cmpi slt, %add3A_409, %lt3A_411 : vector<16xi32>
        %add3A_413 = arith.constant 16 : i32
        %add3A_414 = vector.broadcast %add3A_413 : i32 to vector<16xi32>
        %add3A_415 = arith.addi %add3A_409, %add3A_414 : vector<16xi32>
        %select_n3A_416 = arith.select %lt3A_412, %add3A_415, %add3A_409 : vector<16xi1>, vector<16xi32>
        %broadcast_in_dim3A_417 = vector.shape_cast %select_n3A_416 : vector<16xi32> to vector<16x1xi32>
        %gather3A_418 = vector.shape_cast %broadcast_in_dim3A_417 : vector<16x1xi32> to vector<16xi32>
        %gather3A_419 = tpu.dynamic_gather %get3A_387[%gather3A_418] in [0] : vector<16xf32>, vector<16xi32> -> vector<16xf32>
        %add3A_420 = arith.addf %gather3A_403, %gather3A_419 : vector<16xf32>
        %ge3A_421 = arith.constant 0.000000e+00 : f32
        %ge3A_422 = vector.broadcast %ge3A_421 : f32 to vector<16xf32>
        %ge3A_423 = arith.cmpf oge, %add3A_420, %ge3A_422 : vector<16xf32>
        %mul3A_424 = arith.constant 2.000000e-01 : f32
        %mul3A_425 = vector.broadcast %mul3A_424 : f32 to vector<16xf32>
        %mul3A_426 = arith.mulf %add3A_420, %mul3A_425 : vector<16xf32>
        %select_n3A_427 = arith.select %ge3A_423, %add3A_420, %mul3A_426 : vector<16xi1>, vector<16xf32>
        %exp3A_428 = math.exp %select_n3A_427 : vector<16xf32>
        %eq3A_429 = arith.constant 2 : i32
        %eq3A_430 = vector.broadcast %eq3A_429 : i32 to vector<16xi32>
        %eq3A_431 = arith.cmpi eq, %iota3A, %eq3A_430 : vector<16xi32>
        %mul3A_432 = arith.mulf %get3A_384, %exp3A_428 : vector<16xf32>
        %select_n3A_433 = arith.select %eq3A_431, %exp3A_428, %mul3A_432 : vector<16xi1>, vector<16xf32>
        %swap3A_434 = arith.index_cast %add3A_381 : i32 to index
        %swap3A_435 = arith.constant 0 : index
        %swap3A_436 = tpu.vector_load %arg10[%swap3A_434, %swap3A_435] {strides = array<i32>} : memref<256x16xf32, #tpu.memory_space<vmem>>, vector<16xf32>,
        tpu.vector_store %arg10[%swap3A_434, %swap3A_435], %select_n3A_433 {strides = array<i32>} : memref<256x16xf32, #tpu.memory_space<vmem>>, vector<16xf32>,
      }
      %scan3A_153 = arith.constant 64 : i32
      %add3A_154 = arith.constant 0 : i32
      %add3A_155 = arith.addi %mul3A_58, %add3A_154 : i32
      "tpu.region"() ({
        %run_scoped3A = tpu.sem_alloc : memref<!tpu.dma_semaphore, #tpu.memory_space<semaphore_mem>>
        %dma_start3A_214 = arith.constant 0 : i32
        %dma_start3A_215 = arith.constant 0 : i32
        %dma_start3A_216 = tpu.memref_slice %arg10[%dma_start3A_214, %dma_start3A_215] : memref<256x16xf32, #tpu.memory_space<vmem>> -> memref<128x16xf32, #tpu.memory_space<vmem>>
        %dma_start3A_217 = arith.constant 0 : i32
        %dma_start3A_218 = tpu.memref_slice %arg9[%add3A_155, %dma_start3A_217] : memref<84x128xi32, #tpu.memory_space<vmem>> -> memref<1x128xi32, #tpu.memory_space<vmem>>
        %dma_start3A_219 = tpu.memref_squeeze %dma_start3A_218 : memref<1x128xi32, #tpu.memory_space<vmem>> -> memref<128xi32, #tpu.memory_space<vmem>>
        %dma_start3A_220 = arith.constant 0 : i32
        %dma_start3A_221 = arith.constant 0 : i32
        %dma_start3A_222 = tpu.memref_slice %arg14[%dma_start3A_220, %dma_start3A_221] : memref<10240x16xf32, #tpu.memory_space<vmem_shared>> -> memref<10240x16xf32, #tpu.memory_space<vmem_shared>>
        tpu.enqueue_indirect_dma source(%dma_start3A_216 : memref<128x16xf32, #tpu.memory_space<vmem>>) target(%dma_start3A_222 : memref<10240x16xf32, #tpu.memory_space<vmem_shared>>) offsets(%dma_start3A_219 : memref<128xi32, #tpu.memory_space<vmem>>) semaphore(%run_scoped3A : memref<!tpu.dma_semaphore, #tpu.memory_space<semaphore_mem>>) {add = true}
        %dma_wait3A_223 = arith.constant 0 : i32
        %dma_wait3A_224 = arith.constant 0 : i32
        %dma_wait3A_225 = tpu.memref_slice %arg10[%dma_wait3A_223, %dma_wait3A_224] : memref<256x16xf32, #tpu.memory_space<vmem>> -> memref<128x16xf32, #tpu.memory_space<vmem>>
        %dma_wait3A_226 = arith.constant 0 : i32
        %dma_wait3A_227 = tpu.memref_slice %arg9[%add3A_155, %dma_wait3A_226] : memref<84x128xi32, #tpu.memory_space<vmem>> -> memref<1x128xi32, #tpu.memory_space<vmem>>
        %dma_wait3A_228 = tpu.memref_squeeze %dma_wait3A_227 : memref<1x128xi32, #tpu.memory_space<vmem>> -> memref<128xi32, #tpu.memory_space<vmem>>
        %dma_wait3A_229 = arith.constant 0 : i32
        %dma_wait3A_230 = arith.constant 0 : i32
        %dma_wait3A_231 = tpu.memref_slice %arg14[%dma_wait3A_229, %dma_wait3A_230] : memref<10240x16xf32, #tpu.memory_space<vmem_shared>> -> memref<10240x16xf32, #tpu.memory_space<vmem_shared>>
        tpu.wait_indirect_dma semaphore(%run_scoped3A : memref<!tpu.dma_semaphore, #tpu.memory_space<semaphore_mem>>) src(%dma_wait3A_225 : memref<128x16xf32, #tpu.memory_space<vmem>>) dst(%dma_wait3A_231 : memref<10240x16xf32, #tpu.memory_space<vmem_shared>>)
        tpu.yield
      }) : () -> ()
      %add3A_156 = arith.constant 1 : i32
      %add3A_157 = arith.addi %mul3A_58, %add3A_156 : i32
      "tpu.region"() ({
        %run_scoped3A = tpu.sem_alloc : memref<!tpu.dma_semaphore, #tpu.memory_space<semaphore_mem>>
        %dma_start3A_214 = arith.constant 128 : i32
        %dma_start3A_215 = arith.constant 0 : i32
        %dma_start3A_216 = tpu.memref_slice %arg10[%dma_start3A_214, %dma_start3A_215] : memref<256x16xf32, #tpu.memory_space<vmem>> -> memref<128x16xf32, #tpu.memory_space<vmem>>
        %dma_start3A_217 = arith.constant 0 : i32
        %dma_start3A_218 = tpu.memref_slice %arg9[%add3A_157, %dma_start3A_217] : memref<84x128xi32, #tpu.memory_space<vmem>> -> memref<1x128xi32, #tpu.memory_space<vmem>>
        %dma_start3A_219 = tpu.memref_squeeze %dma_start3A_218 : memref<1x128xi32, #tpu.memory_space<vmem>> -> memref<128xi32, #tpu.memory_space<vmem>>
        %dma_start3A_220 = arith.constant 0 : i32
        %dma_start3A_221 = arith.constant 0 : i32
        %dma_start3A_222 = tpu.memref_slice %arg14[%dma_start3A_220, %dma_start3A_221] : memref<10240x16xf32, #tpu.memory_space<vmem_shared>> -> memref<10240x16xf32, #tpu.memory_space<vmem_shared>>
        tpu.enqueue_indirect_dma source(%dma_start3A_216 : memref<128x16xf32, #tpu.memory_space<vmem>>) target(%dma_start3A_222 : memref<10240x16xf32, #tpu.memory_space<vmem_shared>>) offsets(%dma_start3A_219 : memref<128xi32, #tpu.memory_space<vmem>>) semaphore(%run_scoped3A : memref<!tpu.dma_semaphore, #tpu.memory_space<semaphore_mem>>) {add = true}
        %dma_wait3A_223 = arith.constant 128 : i32
        %dma_wait3A_224 = arith.constant 0 : i32
        %dma_wait3A_225 = tpu.memref_slice %arg10[%dma_wait3A_223, %dma_wait3A_224] : memref<256x16xf32, #tpu.memory_space<vmem>> -> memref<128x16xf32, #tpu.memory_space<vmem>>
        %dma_wait3A_226 = arith.constant 0 : i32
        %dma_wait3A_227 = tpu.memref_slice %arg9[%add3A_157, %dma_wait3A_226] : memref<84x128xi32, #tpu.memory_space<vmem>> -> memref<1x128xi32, #tpu.memory_space<vmem>>
        %dma_wait3A_228 = tpu.memref_squeeze %dma_wait3A_227 : memref<1x128xi32, #tpu.memory_space<vmem>> -> memref<128xi32, #tpu.memory_space<vmem>>
        %dma_wait3A_229 = arith.constant 0 : i32
        %dma_wait3A_230 = arith.constant 0 : i32
        %dma_wait3A_231 = tpu.memref_slice %arg14[%dma_wait3A_229, %dma_wait3A_230] : memref<10240x16xf32, #tpu.memory_space<vmem_shared>> -> memref<10240x16xf32, #tpu.memory_space<vmem_shared>>
        tpu.wait_indirect_dma semaphore(%run_scoped3A : memref<!tpu.dma_semaphore, #tpu.memory_space<semaphore_mem>>) src(%dma_wait3A_225 : memref<128x16xf32, #tpu.memory_space<vmem>>) dst(%dma_wait3A_231 : memref<10240x16xf32, #tpu.memory_space<vmem_shared>>)
        tpu.yield
      }) : () -> ()
      %lt3A = arith.constant 20 : i32
      %lt3A_158 = arith.cmpi slt, %scan3A_54, %lt3A : i32
      %convert_element_type3A = arith.extui %lt3A_158 : i1 to i32
      %cond3A = arith.constant 0 : i32
      %cond3A_159 = arith.cmpi ne, %convert_element_type3A, %cond3A : i32
      scf.if %cond3A_159 {
        %add3A_214 = arith.constant 4 : i32
        %add3A_215 = arith.addi %mul3A_58, %add3A_214 : i32
        %add3A_216 = arith.constant 0 : i32
        %add3A_217 = arith.addi %add3A_215, %add3A_216 : i32
        %dma_start3A_218 = arith.constant 0 : i32
        %dma_start3A_219 = arith.constant 0 : i32
        %dma_start3A_220 = tpu.memref_slice %arg10[%dma_start3A_218, %dma_start3A_219] : memref<256x16xf32, #tpu.memory_space<vmem>> -> memref<128x16xf32, #tpu.memory_space<vmem>>
        %dma_start3A_221 = arith.constant 0 : i32
        %dma_start3A_222 = tpu.memref_slice %arg8[%add3A_217, %dma_start3A_221] : memref<84x128xi32, #tpu.memory_space<vmem>> -> memref<1x128xi32, #tpu.memory_space<vmem>>
        %dma_start3A_223 = tpu.memref_squeeze %dma_start3A_222 : memref<1x128xi32, #tpu.memory_space<vmem>> -> memref<128xi32, #tpu.memory_space<vmem>>
        %dma_start3A_224 = arith.constant 0 : i32
        %dma_start3A_225 = arith.constant 0 : i32
        %dma_start3A_226 = tpu.memref_slice %arg2[%dma_start3A_224, %dma_start3A_225] : memref<10240x16xf32, #tpu.memory_space<hbm>> -> memref<10240x16xf32, #tpu.memory_space<hbm>>
        tpu.enqueue_indirect_dma source(%dma_start3A_226 : memref<10240x16xf32, #tpu.memory_space<hbm>>) target(%dma_start3A_220 : memref<128x16xf32, #tpu.memory_space<vmem>>) offsets(%dma_start3A_223 : memref<128xi32, #tpu.memory_space<vmem>>) semaphore(%arg15 : memref<!tpu.dma_semaphore, #tpu.memory_space<semaphore_mem>>)
        %add3A_227 = arith.constant 0 : i32
        %add3A_228 = arith.addi %add3A_215, %add3A_227 : i32
        %dma_start3A_229 = arith.constant 0 : i32
        %dma_start3A_230 = arith.constant 0 : i32
        %dma_start3A_231 = tpu.memref_slice %arg11[%dma_start3A_229, %dma_start3A_230] : memref<256x16xf32, #tpu.memory_space<vmem>> -> memref<128x16xf32, #tpu.memory_space<vmem>>
        %dma_start3A_232 = arith.constant 0 : i32
        %dma_start3A_233 = tpu.memref_slice %arg9[%add3A_228, %dma_start3A_232] : memref<84x128xi32, #tpu.memory_space<vmem>> -> memref<1x128xi32, #tpu.memory_space<vmem>>
        %dma_start3A_234 = tpu.memref_squeeze %dma_start3A_233 : memref<1x128xi32, #tpu.memory_space<vmem>> -> memref<128xi32, #tpu.memory_space<vmem>>
        %dma_start3A_235 = arith.constant 0 : i32
        %dma_start3A_236 = arith.constant 0 : i32
        %dma_start3A_237 = tpu.memref_slice %arg3[%dma_start3A_235, %dma_start3A_236] : memref<10240x16xf32, #tpu.memory_space<hbm>> -> memref<10240x16xf32, #tpu.memory_space<hbm>>
        tpu.enqueue_indirect_dma source(%dma_start3A_237 : memref<10240x16xf32, #tpu.memory_space<hbm>>) target(%dma_start3A_231 : memref<128x16xf32, #tpu.memory_space<vmem>>) offsets(%dma_start3A_234 : memref<128xi32, #tpu.memory_space<vmem>>) semaphore(%arg15 : memref<!tpu.dma_semaphore, #tpu.memory_space<semaphore_mem>>)
        %add3A_238 = arith.constant 1 : i32
        %add3A_239 = arith.addi %add3A_215, %add3A_238 : i32
        %dma_start3A_240 = arith.constant 128 : i32
        %dma_start3A_241 = arith.constant 0 : i32
        %dma_start3A_242 = tpu.memref_slice %arg10[%dma_start3A_240, %dma_start3A_241] : memref<256x16xf32, #tpu.memory_space<vmem>> -> memref<128x16xf32, #tpu.memory_space<vmem>>
        %dma_start3A_243 = arith.constant 0 : i32
        %dma_start3A_244 = tpu.memref_slice %arg8[%add3A_239, %dma_start3A_243] : memref<84x128xi32, #tpu.memory_space<vmem>> -> memref<1x128xi32, #tpu.memory_space<vmem>>
        %dma_start3A_245 = tpu.memref_squeeze %dma_start3A_244 : memref<1x128xi32, #tpu.memory_space<vmem>> -> memref<128xi32, #tpu.memory_space<vmem>>
        %dma_start3A_246 = arith.constant 0 : i32
        %dma_start3A_247 = arith.constant 0 : i32
        %dma_start3A_248 = tpu.memref_slice %arg2[%dma_start3A_246, %dma_start3A_247] : memref<10240x16xf32, #tpu.memory_space<hbm>> -> memref<10240x16xf32, #tpu.memory_space<hbm>>
        tpu.enqueue_indirect_dma source(%dma_start3A_248 : memref<10240x16xf32, #tpu.memory_space<hbm>>) target(%dma_start3A_242 : memref<128x16xf32, #tpu.memory_space<vmem>>) offsets(%dma_start3A_245 : memref<128xi32, #tpu.memory_space<vmem>>) semaphore(%arg15 : memref<!tpu.dma_semaphore, #tpu.memory_space<semaphore_mem>>)
        %add3A_249 = arith.constant 1 : i32
        %add3A_250 = arith.addi %add3A_215, %add3A_249 : i32
        %dma_start3A_251 = arith.constant 128 : i32
        %dma_start3A_252 = arith.constant 0 : i32
        %dma_start3A_253 = tpu.memref_slice %arg11[%dma_start3A_251, %dma_start3A_252] : memref<256x16xf32, #tpu.memory_space<vmem>> -> memref<128x16xf32, #tpu.memory_space<vmem>>
        %dma_start3A_254 = arith.constant 0 : i32
        %dma_start3A_255 = tpu.memref_slice %arg9[%add3A_250, %dma_start3A_254] : memref<84x128xi32, #tpu.memory_space<vmem>> -> memref<1x128xi32, #tpu.memory_space<vmem>>
        %dma_start3A_256 = tpu.memref_squeeze %dma_start3A_255 : memref<1x128xi32, #tpu.memory_space<vmem>> -> memref<128xi32, #tpu.memory_space<vmem>>
        %dma_start3A_257 = arith.constant 0 : i32
        %dma_start3A_258 = arith.constant 0 : i32
        %dma_start3A_259 = tpu.memref_slice %arg3[%dma_start3A_257, %dma_start3A_258] : memref<10240x16xf32, #tpu.memory_space<hbm>> -> memref<10240x16xf32, #tpu.memory_space<hbm>>
        tpu.enqueue_indirect_dma source(%dma_start3A_259 : memref<10240x16xf32, #tpu.memory_space<hbm>>) target(%dma_start3A_253 : memref<128x16xf32, #tpu.memory_space<vmem>>) offsets(%dma_start3A_256 : memref<128xi32, #tpu.memory_space<vmem>>) semaphore(%arg15 : memref<!tpu.dma_semaphore, #tpu.memory_space<semaphore_mem>>)
      } else {
      }
      %add3A_160 = arith.constant 0 : i32
      %add3A_161 = arith.addi %add3A_60, %add3A_160 : i32
      %dma_wait3A_162 = arith.constant 0 : i32
      %dma_wait3A_163 = arith.constant 0 : i32
      %dma_wait3A_164 = tpu.memref_slice %arg12[%dma_wait3A_162, %dma_wait3A_163] : memref<256x16xf32, #tpu.memory_space<vmem>> -> memref<128x16xf32, #tpu.memory_space<vmem>>
      %dma_wait3A_165 = arith.constant 0 : i32
      %dma_wait3A_166 = tpu.memref_slice %arg8[%add3A_161, %dma_wait3A_165] : memref<84x128xi32, #tpu.memory_space<vmem>> -> memref<1x128xi32, #tpu.memory_space<vmem>>
      %dma_wait3A_167 = tpu.memref_squeeze %dma_wait3A_166 : memref<1x128xi32, #tpu.memory_space<vmem>> -> memref<128xi32, #tpu.memory_space<vmem>>
      %dma_wait3A_168 = arith.constant 0 : i32
      %dma_wait3A_169 = arith.constant 0 : i32
      %dma_wait3A_170 = tpu.memref_slice %arg2[%dma_wait3A_168, %dma_wait3A_169] : memref<10240x16xf32, #tpu.memory_space<hbm>> -> memref<10240x16xf32, #tpu.memory_space<hbm>>
      tpu.wait_indirect_dma semaphore(%arg16 : memref<!tpu.dma_semaphore, #tpu.memory_space<semaphore_mem>>) src(%dma_wait3A_170 : memref<10240x16xf32, #tpu.memory_space<hbm>>) dst(%dma_wait3A_164 : memref<128x16xf32, #tpu.memory_space<vmem>>)
      %add3A_171 = arith.constant 0 : i32
      %add3A_172 = arith.addi %add3A_60, %add3A_171 : i32
      %dma_wait3A_173 = arith.constant 0 : i32
      %dma_wait3A_174 = arith.constant 0 : i32
      %dma_wait3A_175 = tpu.memref_slice %arg13[%dma_wait3A_173, %dma_wait3A_174] : memref<256x16xf32, #tpu.memory_space<vmem>> -> memref<128x16xf32, #tpu.memory_space<vmem>>
      %dma_wait3A_176 = arith.constant 0 : i32
      %dma_wait3A_177 = tpu.memref_slice %arg9[%add3A_172, %dma_wait3A_176] : memref<84x128xi32, #tpu.memory_space<vmem>> -> memref<1x128xi32, #tpu.memory_space<vmem>>
      %dma_wait3A_178 = tpu.memref_squeeze %dma_wait3A_177 : memref<1x128xi32, #tpu.memory_space<vmem>> -> memref<128xi32, #tpu.memory_space<vmem>>
      %dma_wait3A_179 = arith.constant 0 : i32
      %dma_wait3A_180 = arith.constant 0 : i32
      %dma_wait3A_181 = tpu.memref_slice %arg3[%dma_wait3A_179, %dma_wait3A_180] : memref<10240x16xf32, #tpu.memory_space<hbm>> -> memref<10240x16xf32, #tpu.memory_space<hbm>>
      tpu.wait_indirect_dma semaphore(%arg16 : memref<!tpu.dma_semaphore, #tpu.memory_space<semaphore_mem>>) src(%dma_wait3A_181 : memref<10240x16xf32, #tpu.memory_space<hbm>>) dst(%dma_wait3A_175 : memref<128x16xf32, #tpu.memory_space<vmem>>)
      %add3A_182 = arith.constant 1 : i32
      %add3A_183 = arith.addi %add3A_60, %add3A_182 : i32
      %dma_wait3A_184 = arith.constant 128 : i32
      %dma_wait3A_185 = arith.constant 0 : i32
      %dma_wait3A_186 = tpu.memref_slice %arg12[%dma_wait3A_184, %dma_wait3A_185] : memref<256x16xf32, #tpu.memory_space<vmem>> -> memref<128x16xf32, #tpu.memory_space<vmem>>
      %dma_wait3A_187 = arith.constant 0 : i32
      %dma_wait3A_188 = tpu.memref_slice %arg8[%add3A_183, %dma_wait3A_187] : memref<84x128xi32, #tpu.memory_space<vmem>> -> memref<1x128xi32, #tpu.memory_space<vmem>>
      %dma_wait3A_189 = tpu.memref_squeeze %dma_wait3A_188 : memref<1x128xi32, #tpu.memory_space<vmem>> -> memref<128xi32, #tpu.memory_space<vmem>>
      %dma_wait3A_190 = arith.constant 0 : i32
      %dma_wait3A_191 = arith.constant 0 : i32
      %dma_wait3A_192 = tpu.memref_slice %arg2[%dma_wait3A_190, %dma_wait3A_191] : memref<10240x16xf32, #tpu.memory_space<hbm>> -> memref<10240x16xf32, #tpu.memory_space<hbm>>
      tpu.wait_indirect_dma semaphore(%arg16 : memref<!tpu.dma_semaphore, #tpu.memory_space<semaphore_mem>>) src(%dma_wait3A_192 : memref<10240x16xf32, #tpu.memory_space<hbm>>) dst(%dma_wait3A_186 : memref<128x16xf32, #tpu.memory_space<vmem>>)
      %add3A_193 = arith.constant 1 : i32
      %add3A_194 = arith.addi %add3A_60, %add3A_193 : i32
      %dma_wait3A_195 = arith.constant 128 : i32
      %dma_wait3A_196 = arith.constant 0 : i32
      %dma_wait3A_197 = tpu.memref_slice %arg13[%dma_wait3A_195, %dma_wait3A_196] : memref<256x16xf32, #tpu.memory_space<vmem>> -> memref<128x16xf32, #tpu.memory_space<vmem>>
      %dma_wait3A_198 = arith.constant 0 : i32
      %dma_wait3A_199 = tpu.memref_slice %arg9[%add3A_194, %dma_wait3A_198] : memref<84x128xi32, #tpu.memory_space<vmem>> -> memref<1x128xi32, #tpu.memory_space<vmem>>
      %dma_wait3A_200 = tpu.memref_squeeze %dma_wait3A_199 : memref<1x128xi32, #tpu.memory_space<vmem>> -> memref<128xi32, #tpu.memory_space<vmem>>
      %dma_wait3A_201 = arith.constant 0 : i32
      %dma_wait3A_202 = arith.constant 0 : i32
      %dma_wait3A_203 = tpu.memref_slice %arg3[%dma_wait3A_201, %dma_wait3A_202] : memref<10240x16xf32, #tpu.memory_space<hbm>> -> memref<10240x16xf32, #tpu.memory_space<hbm>>
      tpu.wait_indirect_dma semaphore(%arg16 : memref<!tpu.dma_semaphore, #tpu.memory_space<semaphore_mem>>) src(%dma_wait3A_203 : memref<10240x16xf32, #tpu.memory_space<hbm>>) dst(%dma_wait3A_197 : memref<128x16xf32, #tpu.memory_space<vmem>>)
      %scan3A_204 = arith.constant 0 : i32
      %scan3A_205 = arith.constant 0 : i32
      %scan3A_206 = arith.constant 64 : i32
      %scan3A_207 = arith.addi %scan3A_205, %scan3A_206 : i32
      %scan3A_208 = arith.constant 1 : i32
      scf.for %scan3A_214 = %scan3A_205 to %scan3A_207 step %scan3A_208  : i32 {
        %mul3A_215 = arith.constant 4 : i32
        %mul3A_216 = arith.muli %scan3A_214, %mul3A_215 : i32
        %iota3A = tpu.iota {dimensions = array<i32: 0>} : vector<16xi32>
        %add3A_217 = arith.constant 0 : i32
        %add3A_218 = arith.addi %mul3A_216, %add3A_217 : i32
        %get3A = arith.index_cast %add3A_218 : i32 to index
        %get3A_219 = arith.constant 0 : index
        %get3A_220 = tpu.vector_load %arg12[%get3A, %get3A_219] {strides = array<i32>} : memref<256x16xf32, #tpu.memory_space<vmem>>, vector<16xf32>,
        %get3A_221 = arith.index_cast %add3A_218 : i32 to index
        %get3A_222 = arith.constant 0 : index
        %get3A_223 = tpu.vector_load %arg13[%get3A_221, %get3A_222] {strides = array<i32>} : memref<256x16xf32, #tpu.memory_space<vmem>>, vector<16xf32>,
        %mul3A_224 = arith.constant 0 : i32
        %mul3A_225 = vector.broadcast %mul3A_224 : i32 to vector<16xi32>
        %mul3A_226 = arith.muli %iota3A, %mul3A_225 : vector<16xi32>
        %add3A_227 = arith.constant 2 : i32
        %add3A_228 = vector.broadcast %add3A_227 : i32 to vector<16xi32>
        %add3A_229 = arith.addi %mul3A_226, %add3A_228 : vector<16xi32>
        %lt3A_230 = arith.constant 0 : i32
        %lt3A_231 = vector.broadcast %lt3A_230 : i32 to vector<16xi32>
        %lt3A_232 = arith.cmpi slt, %add3A_229, %lt3A_231 : vector<16xi32>
        %add3A_233 = arith.constant 16 : i32
        %add3A_234 = vector.broadcast %add3A_233 : i32 to vector<16xi32>
        %add3A_235 = arith.addi %add3A_229, %add3A_234 : vector<16xi32>
        %select_n3A = arith.select %lt3A_232, %add3A_235, %add3A_229 : vector<16xi1>, vector<16xi32>
        %broadcast_in_dim3A = vector.shape_cast %select_n3A : vector<16xi32> to vector<16x1xi32>
        %gather3A = vector.shape_cast %broadcast_in_dim3A : vector<16x1xi32> to vector<16xi32>
        %gather3A_236 = tpu.dynamic_gather %get3A_220[%gather3A] in [0] : vector<16xf32>, vector<16xi32> -> vector<16xf32>
        %mul3A_237 = arith.constant 0 : i32
        %mul3A_238 = vector.broadcast %mul3A_237 : i32 to vector<16xi32>
        %mul3A_239 = arith.muli %iota3A, %mul3A_238 : vector<16xi32>
        %add3A_240 = arith.constant 3 : i32
        %add3A_241 = vector.broadcast %add3A_240 : i32 to vector<16xi32>
        %add3A_242 = arith.addi %mul3A_239, %add3A_241 : vector<16xi32>
        %lt3A_243 = arith.constant 0 : i32
        %lt3A_244 = vector.broadcast %lt3A_243 : i32 to vector<16xi32>
        %lt3A_245 = arith.cmpi slt, %add3A_242, %lt3A_244 : vector<16xi32>
        %add3A_246 = arith.constant 16 : i32
        %add3A_247 = vector.broadcast %add3A_246 : i32 to vector<16xi32>
        %add3A_248 = arith.addi %add3A_242, %add3A_247 : vector<16xi32>
        %select_n3A_249 = arith.select %lt3A_245, %add3A_248, %add3A_242 : vector<16xi1>, vector<16xi32>
        %broadcast_in_dim3A_250 = vector.shape_cast %select_n3A_249 : vector<16xi32> to vector<16x1xi32>
        %gather3A_251 = vector.shape_cast %broadcast_in_dim3A_250 : vector<16x1xi32> to vector<16xi32>
        %gather3A_252 = tpu.dynamic_gather %get3A_223[%gather3A_251] in [0] : vector<16xf32>, vector<16xi32> -> vector<16xf32>
        %add3A_253 = arith.addf %gather3A_236, %gather3A_252 : vector<16xf32>
        %ge3A = arith.constant 0.000000e+00 : f32
        %ge3A_254 = vector.broadcast %ge3A : f32 to vector<16xf32>
        %ge3A_255 = arith.cmpf oge, %add3A_253, %ge3A_254 : vector<16xf32>
        %mul3A_256 = arith.constant 2.000000e-01 : f32
        %mul3A_257 = vector.broadcast %mul3A_256 : f32 to vector<16xf32>
        %mul3A_258 = arith.mulf %add3A_253, %mul3A_257 : vector<16xf32>
        %select_n3A_259 = arith.select %ge3A_255, %add3A_253, %mul3A_258 : vector<16xi1>, vector<16xf32>
        %exp3A = math.exp %select_n3A_259 : vector<16xf32>
        %eq3A = arith.constant 2 : i32
        %eq3A_260 = vector.broadcast %eq3A : i32 to vector<16xi32>
        %eq3A_261 = arith.cmpi eq, %iota3A, %eq3A_260 : vector<16xi32>
        %mul3A_262 = arith.mulf %get3A_220, %exp3A : vector<16xf32>
        %select_n3A_263 = arith.select %eq3A_261, %exp3A, %mul3A_262 : vector<16xi1>, vector<16xf32>
        %swap3A = arith.index_cast %add3A_218 : i32 to index
        %swap3A_264 = arith.constant 0 : index
        %swap3A_265 = tpu.vector_load %arg12[%swap3A, %swap3A_264] {strides = array<i32>} : memref<256x16xf32, #tpu.memory_space<vmem>>, vector<16xf32>,
        tpu.vector_store %arg12[%swap3A, %swap3A_264], %select_n3A_263 {strides = array<i32>} : memref<256x16xf32, #tpu.memory_space<vmem>>, vector<16xf32>,
        %add3A_266 = arith.constant 1 : i32
        %add3A_267 = arith.addi %mul3A_216, %add3A_266 : i32
        %get3A_268 = arith.index_cast %add3A_267 : i32 to index
        %get3A_269 = arith.constant 0 : index
        %get3A_270 = tpu.vector_load %arg12[%get3A_268, %get3A_269] {strides = array<i32>} : memref<256x16xf32, #tpu.memory_space<vmem>>, vector<16xf32>,
        %get3A_271 = arith.index_cast %add3A_267 : i32 to index
        %get3A_272 = arith.constant 0 : index
        %get3A_273 = tpu.vector_load %arg13[%get3A_271, %get3A_272] {strides = array<i32>} : memref<256x16xf32, #tpu.memory_space<vmem>>, vector<16xf32>,
        %mul3A_274 = arith.constant 0 : i32
        %mul3A_275 = vector.broadcast %mul3A_274 : i32 to vector<16xi32>
        %mul3A_276 = arith.muli %iota3A, %mul3A_275 : vector<16xi32>
        %add3A_277 = arith.constant 2 : i32
        %add3A_278 = vector.broadcast %add3A_277 : i32 to vector<16xi32>
        %add3A_279 = arith.addi %mul3A_276, %add3A_278 : vector<16xi32>
        %lt3A_280 = arith.constant 0 : i32
        %lt3A_281 = vector.broadcast %lt3A_280 : i32 to vector<16xi32>
        %lt3A_282 = arith.cmpi slt, %add3A_279, %lt3A_281 : vector<16xi32>
        %add3A_283 = arith.constant 16 : i32
        %add3A_284 = vector.broadcast %add3A_283 : i32 to vector<16xi32>
        %add3A_285 = arith.addi %add3A_279, %add3A_284 : vector<16xi32>
        %select_n3A_286 = arith.select %lt3A_282, %add3A_285, %add3A_279 : vector<16xi1>, vector<16xi32>
        %broadcast_in_dim3A_287 = vector.shape_cast %select_n3A_286 : vector<16xi32> to vector<16x1xi32>
        %gather3A_288 = vector.shape_cast %broadcast_in_dim3A_287 : vector<16x1xi32> to vector<16xi32>
        %gather3A_289 = tpu.dynamic_gather %get3A_270[%gather3A_288] in [0] : vector<16xf32>, vector<16xi32> -> vector<16xf32>
        %mul3A_290 = arith.constant 0 : i32
        %mul3A_291 = vector.broadcast %mul3A_290 : i32 to vector<16xi32>
        %mul3A_292 = arith.muli %iota3A, %mul3A_291 : vector<16xi32>
        %add3A_293 = arith.constant 3 : i32
        %add3A_294 = vector.broadcast %add3A_293 : i32 to vector<16xi32>
        %add3A_295 = arith.addi %mul3A_292, %add3A_294 : vector<16xi32>
        %lt3A_296 = arith.constant 0 : i32
        %lt3A_297 = vector.broadcast %lt3A_296 : i32 to vector<16xi32>
        %lt3A_298 = arith.cmpi slt, %add3A_295, %lt3A_297 : vector<16xi32>
        %add3A_299 = arith.constant 16 : i32
        %add3A_300 = vector.broadcast %add3A_299 : i32 to vector<16xi32>
        %add3A_301 = arith.addi %add3A_295, %add3A_300 : vector<16xi32>
        %select_n3A_302 = arith.select %lt3A_298, %add3A_301, %add3A_295 : vector<16xi1>, vector<16xi32>
        %broadcast_in_dim3A_303 = vector.shape_cast %select_n3A_302 : vector<16xi32> to vector<16x1xi32>
        %gather3A_304 = vector.shape_cast %broadcast_in_dim3A_303 : vector<16x1xi32> to vector<16xi32>
        %gather3A_305 = tpu.dynamic_gather %get3A_273[%gather3A_304] in [0] : vector<16xf32>, vector<16xi32> -> vector<16xf32>
        %add3A_306 = arith.addf %gather3A_289, %gather3A_305 : vector<16xf32>
        %ge3A_307 = arith.constant 0.000000e+00 : f32
        %ge3A_308 = vector.broadcast %ge3A_307 : f32 to vector<16xf32>
        %ge3A_309 = arith.cmpf oge, %add3A_306, %ge3A_308 : vector<16xf32>
        %mul3A_310 = arith.constant 2.000000e-01 : f32
        %mul3A_311 = vector.broadcast %mul3A_310 : f32 to vector<16xf32>
        %mul3A_312 = arith.mulf %add3A_306, %mul3A_311 : vector<16xf32>
        %select_n3A_313 = arith.select %ge3A_309, %add3A_306, %mul3A_312 : vector<16xi1>, vector<16xf32>
        %exp3A_314 = math.exp %select_n3A_313 : vector<16xf32>
        %eq3A_315 = arith.constant 2 : i32
        %eq3A_316 = vector.broadcast %eq3A_315 : i32 to vector<16xi32>
        %eq3A_317 = arith.cmpi eq, %iota3A, %eq3A_316 : vector<16xi32>
        %mul3A_318 = arith.mulf %get3A_270, %exp3A_314 : vector<16xf32>
        %select_n3A_319 = arith.select %eq3A_317, %exp3A_314, %mul3A_318 : vector<16xi1>, vector<16xf32>
        %swap3A_320 = arith.index_cast %add3A_267 : i32 to index
        %swap3A_321 = arith.constant 0 : index
        %swap3A_322 = tpu.vector_load %arg12[%swap3A_320, %swap3A_321] {strides = array<i32>} : memref<256x16xf32, #tpu.memory_space<vmem>>, vector<16xf32>,
        tpu.vector_store %arg12[%swap3A_320, %swap3A_321], %select_n3A_319 {strides = array<i32>} : memref<256x16xf32, #tpu.memory_space<vmem>>, vector<16xf32>,
        %add3A_323 = arith.constant 2 : i32
        %add3A_324 = arith.addi %mul3A_216, %add3A_323 : i32
        %get3A_325 = arith.index_cast %add3A_324 : i32 to index
        %get3A_326 = arith.constant 0 : index
        %get3A_327 = tpu.vector_load %arg12[%get3A_325, %get3A_326] {strides = array<i32>} : memref<256x16xf32, #tpu.memory_space<vmem>>, vector<16xf32>,
        %get3A_328 = arith.index_cast %add3A_324 : i32 to index
        %get3A_329 = arith.constant 0 : index
        %get3A_330 = tpu.vector_load %arg13[%get3A_328, %get3A_329] {strides = array<i32>} : memref<256x16xf32, #tpu.memory_space<vmem>>, vector<16xf32>,
        %mul3A_331 = arith.constant 0 : i32
        %mul3A_332 = vector.broadcast %mul3A_331 : i32 to vector<16xi32>
        %mul3A_333 = arith.muli %iota3A, %mul3A_332 : vector<16xi32>
        %add3A_334 = arith.constant 2 : i32
        %add3A_335 = vector.broadcast %add3A_334 : i32 to vector<16xi32>
        %add3A_336 = arith.addi %mul3A_333, %add3A_335 : vector<16xi32>
        %lt3A_337 = arith.constant 0 : i32
        %lt3A_338 = vector.broadcast %lt3A_337 : i32 to vector<16xi32>
        %lt3A_339 = arith.cmpi slt, %add3A_336, %lt3A_338 : vector<16xi32>
        %add3A_340 = arith.constant 16 : i32
        %add3A_341 = vector.broadcast %add3A_340 : i32 to vector<16xi32>
        %add3A_342 = arith.addi %add3A_336, %add3A_341 : vector<16xi32>
        %select_n3A_343 = arith.select %lt3A_339, %add3A_342, %add3A_336 : vector<16xi1>, vector<16xi32>
        %broadcast_in_dim3A_344 = vector.shape_cast %select_n3A_343 : vector<16xi32> to vector<16x1xi32>
        %gather3A_345 = vector.shape_cast %broadcast_in_dim3A_344 : vector<16x1xi32> to vector<16xi32>
        %gather3A_346 = tpu.dynamic_gather %get3A_327[%gather3A_345] in [0] : vector<16xf32>, vector<16xi32> -> vector<16xf32>
        %mul3A_347 = arith.constant 0 : i32
        %mul3A_348 = vector.broadcast %mul3A_347 : i32 to vector<16xi32>
        %mul3A_349 = arith.muli %iota3A, %mul3A_348 : vector<16xi32>
        %add3A_350 = arith.constant 3 : i32
        %add3A_351 = vector.broadcast %add3A_350 : i32 to vector<16xi32>
        %add3A_352 = arith.addi %mul3A_349, %add3A_351 : vector<16xi32>
        %lt3A_353 = arith.constant 0 : i32
        %lt3A_354 = vector.broadcast %lt3A_353 : i32 to vector<16xi32>
        %lt3A_355 = arith.cmpi slt, %add3A_352, %lt3A_354 : vector<16xi32>
        %add3A_356 = arith.constant 16 : i32
        %add3A_357 = vector.broadcast %add3A_356 : i32 to vector<16xi32>
        %add3A_358 = arith.addi %add3A_352, %add3A_357 : vector<16xi32>
        %select_n3A_359 = arith.select %lt3A_355, %add3A_358, %add3A_352 : vector<16xi1>, vector<16xi32>
        %broadcast_in_dim3A_360 = vector.shape_cast %select_n3A_359 : vector<16xi32> to vector<16x1xi32>
        %gather3A_361 = vector.shape_cast %broadcast_in_dim3A_360 : vector<16x1xi32> to vector<16xi32>
        %gather3A_362 = tpu.dynamic_gather %get3A_330[%gather3A_361] in [0] : vector<16xf32>, vector<16xi32> -> vector<16xf32>
        %add3A_363 = arith.addf %gather3A_346, %gather3A_362 : vector<16xf32>
        %ge3A_364 = arith.constant 0.000000e+00 : f32
        %ge3A_365 = vector.broadcast %ge3A_364 : f32 to vector<16xf32>
        %ge3A_366 = arith.cmpf oge, %add3A_363, %ge3A_365 : vector<16xf32>
        %mul3A_367 = arith.constant 2.000000e-01 : f32
        %mul3A_368 = vector.broadcast %mul3A_367 : f32 to vector<16xf32>
        %mul3A_369 = arith.mulf %add3A_363, %mul3A_368 : vector<16xf32>
        %select_n3A_370 = arith.select %ge3A_366, %add3A_363, %mul3A_369 : vector<16xi1>, vector<16xf32>
        %exp3A_371 = math.exp %select_n3A_370 : vector<16xf32>
        %eq3A_372 = arith.constant 2 : i32
        %eq3A_373 = vector.broadcast %eq3A_372 : i32 to vector<16xi32>
        %eq3A_374 = arith.cmpi eq, %iota3A, %eq3A_373 : vector<16xi32>
        %mul3A_375 = arith.mulf %get3A_327, %exp3A_371 : vector<16xf32>
        %select_n3A_376 = arith.select %eq3A_374, %exp3A_371, %mul3A_375 : vector<16xi1>, vector<16xf32>
        %swap3A_377 = arith.index_cast %add3A_324 : i32 to index
        %swap3A_378 = arith.constant 0 : index
        %swap3A_379 = tpu.vector_load %arg12[%swap3A_377, %swap3A_378] {strides = array<i32>} : memref<256x16xf32, #tpu.memory_space<vmem>>, vector<16xf32>,
        tpu.vector_store %arg12[%swap3A_377, %swap3A_378], %select_n3A_376 {strides = array<i32>} : memref<256x16xf32, #tpu.memory_space<vmem>>, vector<16xf32>,
        %add3A_380 = arith.constant 3 : i32
        %add3A_381 = arith.addi %mul3A_216, %add3A_380 : i32
        %get3A_382 = arith.index_cast %add3A_381 : i32 to index
        %get3A_383 = arith.constant 0 : index
        %get3A_384 = tpu.vector_load %arg12[%get3A_382, %get3A_383] {strides = array<i32>} : memref<256x16xf32, #tpu.memory_space<vmem>>, vector<16xf32>,
        %get3A_385 = arith.index_cast %add3A_381 : i32 to index
        %get3A_386 = arith.constant 0 : index
        %get3A_387 = tpu.vector_load %arg13[%get3A_385, %get3A_386] {strides = array<i32>} : memref<256x16xf32, #tpu.memory_space<vmem>>, vector<16xf32>,
        %mul3A_388 = arith.constant 0 : i32
        %mul3A_389 = vector.broadcast %mul3A_388 : i32 to vector<16xi32>
        %mul3A_390 = arith.muli %iota3A, %mul3A_389 : vector<16xi32>
        %add3A_391 = arith.constant 2 : i32
        %add3A_392 = vector.broadcast %add3A_391 : i32 to vector<16xi32>
        %add3A_393 = arith.addi %mul3A_390, %add3A_392 : vector<16xi32>
        %lt3A_394 = arith.constant 0 : i32
        %lt3A_395 = vector.broadcast %lt3A_394 : i32 to vector<16xi32>
        %lt3A_396 = arith.cmpi slt, %add3A_393, %lt3A_395 : vector<16xi32>
        %add3A_397 = arith.constant 16 : i32
        %add3A_398 = vector.broadcast %add3A_397 : i32 to vector<16xi32>
        %add3A_399 = arith.addi %add3A_393, %add3A_398 : vector<16xi32>
        %select_n3A_400 = arith.select %lt3A_396, %add3A_399, %add3A_393 : vector<16xi1>, vector<16xi32>
        %broadcast_in_dim3A_401 = vector.shape_cast %select_n3A_400 : vector<16xi32> to vector<16x1xi32>
        %gather3A_402 = vector.shape_cast %broadcast_in_dim3A_401 : vector<16x1xi32> to vector<16xi32>
        %gather3A_403 = tpu.dynamic_gather %get3A_384[%gather3A_402] in [0] : vector<16xf32>, vector<16xi32> -> vector<16xf32>
        %mul3A_404 = arith.constant 0 : i32
        %mul3A_405 = vector.broadcast %mul3A_404 : i32 to vector<16xi32>
        %mul3A_406 = arith.muli %iota3A, %mul3A_405 : vector<16xi32>
        %add3A_407 = arith.constant 3 : i32
        %add3A_408 = vector.broadcast %add3A_407 : i32 to vector<16xi32>
        %add3A_409 = arith.addi %mul3A_406, %add3A_408 : vector<16xi32>
        %lt3A_410 = arith.constant 0 : i32
        %lt3A_411 = vector.broadcast %lt3A_410 : i32 to vector<16xi32>
        %lt3A_412 = arith.cmpi slt, %add3A_409, %lt3A_411 : vector<16xi32>
        %add3A_413 = arith.constant 16 : i32
        %add3A_414 = vector.broadcast %add3A_413 : i32 to vector<16xi32>
        %add3A_415 = arith.addi %add3A_409, %add3A_414 : vector<16xi32>
        %select_n3A_416 = arith.select %lt3A_412, %add3A_415, %add3A_409 : vector<16xi1>, vector<16xi32>
        %broadcast_in_dim3A_417 = vector.shape_cast %select_n3A_416 : vector<16xi32> to vector<16x1xi32>
        %gather3A_418 = vector.shape_cast %broadcast_in_dim3A_417 : vector<16x1xi32> to vector<16xi32>
        %gather3A_419 = tpu.dynamic_gather %get3A_387[%gather3A_418] in [0] : vector<16xf32>, vector<16xi32> -> vector<16xf32>
        %add3A_420 = arith.addf %gather3A_403, %gather3A_419 : vector<16xf32>
        %ge3A_421 = arith.constant 0.000000e+00 : f32
        %ge3A_422 = vector.broadcast %ge3A_421 : f32 to vector<16xf32>
        %ge3A_423 = arith.cmpf oge, %add3A_420, %ge3A_422 : vector<16xf32>
        %mul3A_424 = arith.constant 2.000000e-01 : f32
        %mul3A_425 = vector.broadcast %mul3A_424 : f32 to vector<16xf32>
        %mul3A_426 = arith.mulf %add3A_420, %mul3A_425 : vector<16xf32>
        %select_n3A_427 = arith.select %ge3A_423, %add3A_420, %mul3A_426 : vector<16xi1>, vector<16xf32>
        %exp3A_428 = math.exp %select_n3A_427 : vector<16xf32>
        %eq3A_429 = arith.constant 2 : i32
        %eq3A_430 = vector.broadcast %eq3A_429 : i32 to vector<16xi32>
        %eq3A_431 = arith.cmpi eq, %iota3A, %eq3A_430 : vector<16xi32>
        %mul3A_432 = arith.mulf %get3A_384, %exp3A_428 : vector<16xf32>
        %select_n3A_433 = arith.select %eq3A_431, %exp3A_428, %mul3A_432 : vector<16xi1>, vector<16xf32>
        %swap3A_434 = arith.index_cast %add3A_381 : i32 to index
        %swap3A_435 = arith.constant 0 : index
        %swap3A_436 = tpu.vector_load %arg12[%swap3A_434, %swap3A_435] {strides = array<i32>} : memref<256x16xf32, #tpu.memory_space<vmem>>, vector<16xf32>,
        tpu.vector_store %arg12[%swap3A_434, %swap3A_435], %select_n3A_433 {strides = array<i32>} : memref<256x16xf32, #tpu.memory_space<vmem>>, vector<16xf32>,
      }
      %scan3A_209 = arith.constant 64 : i32
      %add3A_210 = arith.constant 0 : i32
      %add3A_211 = arith.addi %add3A_60, %add3A_210 : i32
      "tpu.region"() ({
        %run_scoped3A = tpu.sem_alloc : memref<!tpu.dma_semaphore, #tpu.memory_space<semaphore_mem>>
        %dma_start3A_214 = arith.constant 0 : i32
        %dma_start3A_215 = arith.constant 0 : i32
        %dma_start3A_216 = tpu.memref_slice %arg12[%dma_start3A_214, %dma_start3A_215] : memref<256x16xf32, #tpu.memory_space<vmem>> -> memref<128x16xf32, #tpu.memory_space<vmem>>
        %dma_start3A_217 = arith.constant 0 : i32
        %dma_start3A_218 = tpu.memref_slice %arg9[%add3A_211, %dma_start3A_217] : memref<84x128xi32, #tpu.memory_space<vmem>> -> memref<1x128xi32, #tpu.memory_space<vmem>>
        %dma_start3A_219 = tpu.memref_squeeze %dma_start3A_218 : memref<1x128xi32, #tpu.memory_space<vmem>> -> memref<128xi32, #tpu.memory_space<vmem>>
        %dma_start3A_220 = arith.constant 0 : i32
        %dma_start3A_221 = arith.constant 0 : i32
        %dma_start3A_222 = tpu.memref_slice %arg14[%dma_start3A_220, %dma_start3A_221] : memref<10240x16xf32, #tpu.memory_space<vmem_shared>> -> memref<10240x16xf32, #tpu.memory_space<vmem_shared>>
        tpu.enqueue_indirect_dma source(%dma_start3A_216 : memref<128x16xf32, #tpu.memory_space<vmem>>) target(%dma_start3A_222 : memref<10240x16xf32, #tpu.memory_space<vmem_shared>>) offsets(%dma_start3A_219 : memref<128xi32, #tpu.memory_space<vmem>>) semaphore(%run_scoped3A : memref<!tpu.dma_semaphore, #tpu.memory_space<semaphore_mem>>) {add = true}
        %dma_wait3A_223 = arith.constant 0 : i32
        %dma_wait3A_224 = arith.constant 0 : i32
        %dma_wait3A_225 = tpu.memref_slice %arg12[%dma_wait3A_223, %dma_wait3A_224] : memref<256x16xf32, #tpu.memory_space<vmem>> -> memref<128x16xf32, #tpu.memory_space<vmem>>
        %dma_wait3A_226 = arith.constant 0 : i32
        %dma_wait3A_227 = tpu.memref_slice %arg9[%add3A_211, %dma_wait3A_226] : memref<84x128xi32, #tpu.memory_space<vmem>> -> memref<1x128xi32, #tpu.memory_space<vmem>>
        %dma_wait3A_228 = tpu.memref_squeeze %dma_wait3A_227 : memref<1x128xi32, #tpu.memory_space<vmem>> -> memref<128xi32, #tpu.memory_space<vmem>>
        %dma_wait3A_229 = arith.constant 0 : i32
        %dma_wait3A_230 = arith.constant 0 : i32
        %dma_wait3A_231 = tpu.memref_slice %arg14[%dma_wait3A_229, %dma_wait3A_230] : memref<10240x16xf32, #tpu.memory_space<vmem_shared>> -> memref<10240x16xf32, #tpu.memory_space<vmem_shared>>
        tpu.wait_indirect_dma semaphore(%run_scoped3A : memref<!tpu.dma_semaphore, #tpu.memory_space<semaphore_mem>>) src(%dma_wait3A_225 : memref<128x16xf32, #tpu.memory_space<vmem>>) dst(%dma_wait3A_231 : memref<10240x16xf32, #tpu.memory_space<vmem_shared>>)
        tpu.yield
      }) : () -> ()
      %add3A_212 = arith.constant 1 : i32
      %add3A_213 = arith.addi %add3A_60, %add3A_212 : i32
      "tpu.region"() ({
        %run_scoped3A = tpu.sem_alloc : memref<!tpu.dma_semaphore, #tpu.memory_space<semaphore_mem>>
        %dma_start3A_214 = arith.constant 128 : i32
        %dma_start3A_215 = arith.constant 0 : i32
        %dma_start3A_216 = tpu.memref_slice %arg12[%dma_start3A_214, %dma_start3A_215] : memref<256x16xf32, #tpu.memory_space<vmem>> -> memref<128x16xf32, #tpu.memory_space<vmem>>
        %dma_start3A_217 = arith.constant 0 : i32
        %dma_start3A_218 = tpu.memref_slice %arg9[%add3A_213, %dma_start3A_217] : memref<84x128xi32, #tpu.memory_space<vmem>> -> memref<1x128xi32, #tpu.memory_space<vmem>>
        %dma_start3A_219 = tpu.memref_squeeze %dma_start3A_218 : memref<1x128xi32, #tpu.memory_space<vmem>> -> memref<128xi32, #tpu.memory_space<vmem>>
        %dma_start3A_220 = arith.constant 0 : i32
        %dma_start3A_221 = arith.constant 0 : i32
        %dma_start3A_222 = tpu.memref_slice %arg14[%dma_start3A_220, %dma_start3A_221] : memref<10240x16xf32, #tpu.memory_space<vmem_shared>> -> memref<10240x16xf32, #tpu.memory_space<vmem_shared>>
        tpu.enqueue_indirect_dma source(%dma_start3A_216 : memref<128x16xf32, #tpu.memory_space<vmem>>) target(%dma_start3A_222 : memref<10240x16xf32, #tpu.memory_space<vmem_shared>>) offsets(%dma_start3A_219 : memref<128xi32, #tpu.memory_space<vmem>>) semaphore(%run_scoped3A : memref<!tpu.dma_semaphore, #tpu.memory_space<semaphore_mem>>) {add = true}
        %dma_wait3A_223 = arith.constant 128 : i32
        %dma_wait3A_224 = arith.constant 0 : i32
        %dma_wait3A_225 = tpu.memref_slice %arg12[%dma_wait3A_223, %dma_wait3A_224] : memref<256x16xf32, #tpu.memory_space<vmem>> -> memref<128x16xf32, #tpu.memory_space<vmem>>
        %dma_wait3A_226 = arith.constant 0 : i32
        %dma_wait3A_227 = tpu.memref_slice %arg9[%add3A_213, %dma_wait3A_226] : memref<84x128xi32, #tpu.memory_space<vmem>> -> memref<1x128xi32, #tpu.memory_space<vmem>>
        %dma_wait3A_228 = tpu.memref_squeeze %dma_wait3A_227 : memref<1x128xi32, #tpu.memory_space<vmem>> -> memref<128xi32, #tpu.memory_space<vmem>>
        %dma_wait3A_229 = arith.constant 0 : i32
        %dma_wait3A_230 = arith.constant 0 : i32
        %dma_wait3A_231 = tpu.memref_slice %arg14[%dma_wait3A_229, %dma_wait3A_230] : memref<10240x16xf32, #tpu.memory_space<vmem_shared>> -> memref<10240x16xf32, #tpu.memory_space<vmem_shared>>
        tpu.wait_indirect_dma semaphore(%run_scoped3A : memref<!tpu.dma_semaphore, #tpu.memory_space<semaphore_mem>>) src(%dma_wait3A_225 : memref<128x16xf32, #tpu.memory_space<vmem>>) dst(%dma_wait3A_231 : memref<10240x16xf32, #tpu.memory_space<vmem_shared>>)
        tpu.yield
      }) : () -> ()
    }
    %scan3A_48 = arith.constant 21 : i32
    %barrier3A_49 = arith.constant 0 : index
    tpu.barrier barrier_id(%barrier3A_49)
    %mul3A_50 = arith.constant 640 : i32
    %mul3A_51 = arith.muli %arg1, %mul3A_50 : i32
    %mul3A_52 = arith.constant 640 : i32
    %mul3A_53 = arith.muli %arg1, %mul3A_52 : i32
    "tpu.region"() ({
      %run_scoped3A = tpu.sem_alloc : memref<!tpu.dma_semaphore, #tpu.memory_space<semaphore_mem>>
      %dma_start3A_54 = arith.constant 0 : i32
      %dma_start3A_55 = tpu.memref_slice %arg7[%arg0, %mul3A_53, %dma_start3A_54] : memref<2x10240x16xf32, #tpu.memory_space<hbm>> -> memref<1x640x16xf32, #tpu.memory_space<hbm>>
      %dma_start3A_56 = tpu.memref_squeeze %dma_start3A_55 : memref<1x640x16xf32, #tpu.memory_space<hbm>> -> memref<640x16xf32, #tpu.memory_space<hbm>>
      %dma_start3A_57 = arith.constant 0 : i32
      %dma_start3A_58 = tpu.memref_slice %arg14[%mul3A_51, %dma_start3A_57] : memref<10240x16xf32, #tpu.memory_space<vmem_shared>> -> memref<640x16xf32, #tpu.memory_space<vmem_shared>>
      tpu.enqueue_dma source(%dma_start3A_58 : memref<640x16xf32, #tpu.memory_space<vmem_shared>>) target(%dma_start3A_56 : memref<640x16xf32, #tpu.memory_space<hbm>>) target_semaphore(%run_scoped3A : memref<!tpu.dma_semaphore, #tpu.memory_space<semaphore_mem>>)
      %dma_wait3A = arith.constant 0 : i32
      %dma_wait3A_59 = tpu.memref_slice %arg7[%arg0, %mul3A_53, %dma_wait3A] : memref<2x10240x16xf32, #tpu.memory_space<hbm>> -> memref<1x640x16xf32, #tpu.memory_space<hbm>>
      %dma_wait3A_60 = tpu.memref_squeeze %dma_wait3A_59 : memref<1x640x16xf32, #tpu.memory_space<hbm>> -> memref<640x16xf32, #tpu.memory_space<hbm>>
      %dma_wait3A_61 = arith.constant 0 : i32
      %dma_wait3A_62 = tpu.memref_slice %arg14[%mul3A_51, %dma_wait3A_61] : memref<10240x16xf32, #tpu.memory_space<vmem_shared>> -> memref<640x16xf32, #tpu.memory_space<vmem_shared>>
      tpu.wait_dma2 semaphore(%run_scoped3A : memref<!tpu.dma_semaphore, #tpu.memory_space<semaphore_mem>>) src(%dma_wait3A_62 : memref<640x16xf32, #tpu.memory_space<vmem_shared>>) dst(%dma_wait3A_60 : memref<640x16xf32, #tpu.memory_space<hbm>>)
      tpu.yield
    }) : () -> ()
    return
  }
}

#map = affine_map<(d0, d1) -> (0, 0)>
#map1 = affine_map<(d0, d1) -> (0, 0, 0)>
module attributes {stable_mosaic.version = 14 : i64} {
  func.func @body(%arg0: i32, %arg1: i32, %arg2: memref<10240x80xf32, #tpu.memory_space<hbm>>, %arg3: memref<10240x16xf32, #tpu.memory_space<hbm>>, %arg4: memref<32x84x128xi32, #tpu.memory_space<hbm>>, %arg5: memref<32x84x128xi32, #tpu.memory_space<hbm>>, %arg6: memref<10240x80xf32, #tpu.memory_space<hbm>>, %arg7: memref<2x10240x80xf32, #tpu.memory_space<hbm>>, %arg8: memref<84x128xi32, #tpu.memory_space<vmem>>, %arg9: memref<84x128xi32, #tpu.memory_space<vmem>>, %arg10: memref<256x80xf32, #tpu.memory_space<vmem>>, %arg11: memref<256x16xf32, #tpu.memory_space<vmem>>, %arg12: memref<256x80xf32, #tpu.memory_space<vmem>>, %arg13: memref<256x16xf32, #tpu.memory_space<vmem>>, %arg14: memref<10240x80xf32, #tpu.memory_space<vmem_shared>>, %arg15: memref<!tpu.dma_semaphore, #tpu.memory_space<semaphore_mem>>, %arg16: memref<!tpu.dma_semaphore, #tpu.memory_space<semaphore_mem>>) attributes {dimension_semantics = [#tpu.dimension_semantics<core_parallel>, #tpu.dimension_semantics<subcore_parallel>], iteration_bounds = array<i64: 2, 16>, scalar_prefetch = 0 : i64, scratch_operands = 9 : i64, tpu.core_type = #tpu.core_type<sc_vector_subcore>, window_params = [{transform_indices = #map}, {transform_indices = #map}, {transform_indices = #map1}, {transform_indices = #map1}, {transform_indices = #map}, {transform_indices = #map1}]} {
    %mul3A = arith.constant 2 : i32
    %mul3A_0 = arith.muli %arg1, %mul3A : i32
    %add3A = arith.addi %mul3A_0, %arg0 : i32
    %mul3A_1 = arith.constant 640 : i32
    %mul3A_2 = arith.muli %arg1, %mul3A_1 : i32
    %mul3A_3 = arith.constant 640 : i32
    %mul3A_4 = arith.muli %arg1, %mul3A_3 : i32
    "tpu.region"() ({
      %run_scoped3A = tpu.sem_alloc : memref<!tpu.dma_semaphore, #tpu.memory_space<semaphore_mem>>
      %dma_start3A_54 = arith.constant 0 : i32
      %dma_start3A_55 = tpu.memref_slice %arg14[%mul3A_4, %dma_start3A_54] : memref<10240x80xf32, #tpu.memory_space<vmem_shared>> -> memref<640x80xf32, #tpu.memory_space<vmem_shared>>
      %dma_start3A_56 = arith.constant 0 : i32
      %dma_start3A_57 = tpu.memref_slice %arg6[%mul3A_2, %dma_start3A_56] : memref<10240x80xf32, #tpu.memory_space<hbm>> -> memref<640x80xf32, #tpu.memory_space<hbm>>
      tpu.enqueue_dma source(%dma_start3A_57 : memref<640x80xf32, #tpu.memory_space<hbm>>) target(%dma_start3A_55 : memref<640x80xf32, #tpu.memory_space<vmem_shared>>) target_semaphore(%run_scoped3A : memref<!tpu.dma_semaphore, #tpu.memory_space<semaphore_mem>>)
      %dma_wait3A = arith.constant 0 : i32
      %dma_wait3A_58 = tpu.memref_slice %arg14[%mul3A_4, %dma_wait3A] : memref<10240x80xf32, #tpu.memory_space<vmem_shared>> -> memref<640x80xf32, #tpu.memory_space<vmem_shared>>
      %dma_wait3A_59 = arith.constant 0 : i32
      %dma_wait3A_60 = tpu.memref_slice %arg6[%mul3A_2, %dma_wait3A_59] : memref<10240x80xf32, #tpu.memory_space<hbm>> -> memref<640x80xf32, #tpu.memory_space<hbm>>
      tpu.wait_dma2 semaphore(%run_scoped3A : memref<!tpu.dma_semaphore, #tpu.memory_space<semaphore_mem>>) src(%dma_wait3A_60 : memref<640x80xf32, #tpu.memory_space<hbm>>) dst(%dma_wait3A_58 : memref<640x80xf32, #tpu.memory_space<vmem_shared>>)
      tpu.yield
    }) : () -> ()
    %barrier3A = arith.constant 0 : index
    tpu.barrier barrier_id(%barrier3A)
    "tpu.region"() ({
      %run_scoped3A = tpu.sem_alloc : memref<!tpu.dma_semaphore, #tpu.memory_space<semaphore_mem>>
      %dma_start3A_54 = arith.constant 0 : i32
      %dma_start3A_55 = arith.constant 0 : i32
      %dma_start3A_56 = tpu.memref_slice %arg4[%add3A, %dma_start3A_54, %dma_start3A_55] : memref<32x84x128xi32, #tpu.memory_space<hbm>> -> memref<1x84x128xi32, #tpu.memory_space<hbm>>
      %dma_start3A_57 = tpu.memref_squeeze %dma_start3A_56 : memref<1x84x128xi32, #tpu.memory_space<hbm>> -> memref<84x128xi32, #tpu.memory_space<hbm>>
      %dma_start3A_58 = arith.constant 0 : i32
      %dma_start3A_59 = arith.constant 0 : i32
      %dma_start3A_60 = tpu.memref_slice %arg4[%add3A, %dma_start3A_58, %dma_start3A_59] : memref<32x84x128xi32, #tpu.memory_space<hbm>> -> memref<1x84x128xi32, #tpu.memory_space<hbm>>
      %dma_start3A_61 = tpu.memref_squeeze %dma_start3A_60 : memref<1x84x128xi32, #tpu.memory_space<hbm>> -> memref<84x128xi32, #tpu.memory_space<hbm>>
      tpu.enqueue_dma source(%dma_start3A_61 : memref<84x128xi32, #tpu.memory_space<hbm>>) target(%arg8 : memref<84x128xi32, #tpu.memory_space<vmem>>) target_semaphore(%run_scoped3A : memref<!tpu.dma_semaphore, #tpu.memory_space<semaphore_mem>>)
      %dma_wait3A = arith.constant 0 : i32
      %dma_wait3A_62 = arith.constant 0 : i32
      %dma_wait3A_63 = tpu.memref_slice %arg4[%add3A, %dma_wait3A, %dma_wait3A_62] : memref<32x84x128xi32, #tpu.memory_space<hbm>> -> memref<1x84x128xi32, #tpu.memory_space<hbm>>
      %dma_wait3A_64 = tpu.memref_squeeze %dma_wait3A_63 : memref<1x84x128xi32, #tpu.memory_space<hbm>> -> memref<84x128xi32, #tpu.memory_space<hbm>>
      %dma_wait3A_65 = arith.constant 0 : i32
      %dma_wait3A_66 = arith.constant 0 : i32
      %dma_wait3A_67 = tpu.memref_slice %arg4[%add3A, %dma_wait3A_65, %dma_wait3A_66] : memref<32x84x128xi32, #tpu.memory_space<hbm>> -> memref<1x84x128xi32, #tpu.memory_space<hbm>>
      %dma_wait3A_68 = tpu.memref_squeeze %dma_wait3A_67 : memref<1x84x128xi32, #tpu.memory_space<hbm>> -> memref<84x128xi32, #tpu.memory_space<hbm>>
      tpu.wait_dma2 semaphore(%run_scoped3A : memref<!tpu.dma_semaphore, #tpu.memory_space<semaphore_mem>>) src(%dma_wait3A_68 : memref<84x128xi32, #tpu.memory_space<hbm>>) dst(%arg8 : memref<84x128xi32, #tpu.memory_space<vmem>>)
      tpu.yield
    }) : () -> ()
    "tpu.region"() ({
      %run_scoped3A = tpu.sem_alloc : memref<!tpu.dma_semaphore, #tpu.memory_space<semaphore_mem>>
      %dma_start3A_54 = arith.constant 0 : i32
      %dma_start3A_55 = arith.constant 0 : i32
      %dma_start3A_56 = tpu.memref_slice %arg5[%add3A, %dma_start3A_54, %dma_start3A_55] : memref<32x84x128xi32, #tpu.memory_space<hbm>> -> memref<1x84x128xi32, #tpu.memory_space<hbm>>
      %dma_start3A_57 = tpu.memref_squeeze %dma_start3A_56 : memref<1x84x128xi32, #tpu.memory_space<hbm>> -> memref<84x128xi32, #tpu.memory_space<hbm>>
      %dma_start3A_58 = arith.constant 0 : i32
      %dma_start3A_59 = arith.constant 0 : i32
      %dma_start3A_60 = tpu.memref_slice %arg5[%add3A, %dma_start3A_58, %dma_start3A_59] : memref<32x84x128xi32, #tpu.memory_space<hbm>> -> memref<1x84x128xi32, #tpu.memory_space<hbm>>
      %dma_start3A_61 = tpu.memref_squeeze %dma_start3A_60 : memref<1x84x128xi32, #tpu.memory_space<hbm>> -> memref<84x128xi32, #tpu.memory_space<hbm>>
      tpu.enqueue_dma source(%dma_start3A_61 : memref<84x128xi32, #tpu.memory_space<hbm>>) target(%arg9 : memref<84x128xi32, #tpu.memory_space<vmem>>) target_semaphore(%run_scoped3A : memref<!tpu.dma_semaphore, #tpu.memory_space<semaphore_mem>>)
      %dma_wait3A = arith.constant 0 : i32
      %dma_wait3A_62 = arith.constant 0 : i32
      %dma_wait3A_63 = tpu.memref_slice %arg5[%add3A, %dma_wait3A, %dma_wait3A_62] : memref<32x84x128xi32, #tpu.memory_space<hbm>> -> memref<1x84x128xi32, #tpu.memory_space<hbm>>
      %dma_wait3A_64 = tpu.memref_squeeze %dma_wait3A_63 : memref<1x84x128xi32, #tpu.memory_space<hbm>> -> memref<84x128xi32, #tpu.memory_space<hbm>>
      %dma_wait3A_65 = arith.constant 0 : i32
      %dma_wait3A_66 = arith.constant 0 : i32
      %dma_wait3A_67 = tpu.memref_slice %arg5[%add3A, %dma_wait3A_65, %dma_wait3A_66] : memref<32x84x128xi32, #tpu.memory_space<hbm>> -> memref<1x84x128xi32, #tpu.memory_space<hbm>>
      %dma_wait3A_68 = tpu.memref_squeeze %dma_wait3A_67 : memref<1x84x128xi32, #tpu.memory_space<hbm>> -> memref<84x128xi32, #tpu.memory_space<hbm>>
      tpu.wait_dma2 semaphore(%run_scoped3A : memref<!tpu.dma_semaphore, #tpu.memory_space<semaphore_mem>>) src(%dma_wait3A_68 : memref<84x128xi32, #tpu.memory_space<hbm>>) dst(%arg9 : memref<84x128xi32, #tpu.memory_space<vmem>>)
      tpu.yield
    }) : () -> ()
    %dma_start3A = arith.constant 0 : i32
    %dma_start3A_5 = arith.constant 0 : i32
    %dma_start3A_6 = arith.constant 0 : i32
    %dma_start3A_7 = tpu.memref_slice %arg10[%dma_start3A_5, %dma_start3A_6] : memref<256x80xf32, #tpu.memory_space<vmem>> -> memref<128x80xf32, #tpu.memory_space<vmem>>
    %dma_start3A_8 = arith.constant 0 : i32
    %dma_start3A_9 = tpu.memref_slice %arg8[%dma_start3A, %dma_start3A_8] : memref<84x128xi32, #tpu.memory_space<vmem>> -> memref<1x128xi32, #tpu.memory_space<vmem>>
    %dma_start3A_10 = tpu.memref_squeeze %dma_start3A_9 : memref<1x128xi32, #tpu.memory_space<vmem>> -> memref<128xi32, #tpu.memory_space<vmem>>
    %dma_start3A_11 = arith.constant 0 : i32
    %dma_start3A_12 = arith.constant 0 : i32
    %dma_start3A_13 = tpu.memref_slice %arg2[%dma_start3A_11, %dma_start3A_12] : memref<10240x80xf32, #tpu.memory_space<hbm>> -> memref<10240x80xf32, #tpu.memory_space<hbm>>
    tpu.enqueue_indirect_dma source(%dma_start3A_13 : memref<10240x80xf32, #tpu.memory_space<hbm>>) target(%dma_start3A_7 : memref<128x80xf32, #tpu.memory_space<vmem>>) offsets(%dma_start3A_10 : memref<128xi32, #tpu.memory_space<vmem>>) semaphore(%arg15 : memref<!tpu.dma_semaphore, #tpu.memory_space<semaphore_mem>>)
    %dma_start3A_14 = arith.constant 0 : i32
    %dma_start3A_15 = arith.constant 0 : i32
    %dma_start3A_16 = arith.constant 0 : i32
    %dma_start3A_17 = tpu.memref_slice %arg11[%dma_start3A_15, %dma_start3A_16] : memref<256x16xf32, #tpu.memory_space<vmem>> -> memref<128x16xf32, #tpu.memory_space<vmem>>
    %dma_start3A_18 = arith.constant 0 : i32
    %dma_start3A_19 = tpu.memref_slice %arg9[%dma_start3A_14, %dma_start3A_18] : memref<84x128xi32, #tpu.memory_space<vmem>> -> memref<1x128xi32, #tpu.memory_space<vmem>>
    %dma_start3A_20 = tpu.memref_squeeze %dma_start3A_19 : memref<1x128xi32, #tpu.memory_space<vmem>> -> memref<128xi32, #tpu.memory_space<vmem>>
    %dma_start3A_21 = arith.constant 0 : i32
    %dma_start3A_22 = arith.constant 0 : i32
    %dma_start3A_23 = tpu.memref_slice %arg3[%dma_start3A_21, %dma_start3A_22] : memref<10240x16xf32, #tpu.memory_space<hbm>> -> memref<10240x16xf32, #tpu.memory_space<hbm>>
    tpu.enqueue_indirect_dma source(%dma_start3A_23 : memref<10240x16xf32, #tpu.memory_space<hbm>>) target(%dma_start3A_17 : memref<128x16xf32, #tpu.memory_space<vmem>>) offsets(%dma_start3A_20 : memref<128xi32, #tpu.memory_space<vmem>>) semaphore(%arg15 : memref<!tpu.dma_semaphore, #tpu.memory_space<semaphore_mem>>)
    %dma_start3A_24 = arith.constant 1 : i32
    %dma_start3A_25 = arith.constant 128 : i32
    %dma_start3A_26 = arith.constant 0 : i32
    %dma_start3A_27 = tpu.memref_slice %arg10[%dma_start3A_25, %dma_start3A_26] : memref<256x80xf32, #tpu.memory_space<vmem>> -> memref<128x80xf32, #tpu.memory_space<vmem>>
    %dma_start3A_28 = arith.constant 0 : i32
    %dma_start3A_29 = tpu.memref_slice %arg8[%dma_start3A_24, %dma_start3A_28] : memref<84x128xi32, #tpu.memory_space<vmem>> -> memref<1x128xi32, #tpu.memory_space<vmem>>
    %dma_start3A_30 = tpu.memref_squeeze %dma_start3A_29 : memref<1x128xi32, #tpu.memory_space<vmem>> -> memref<128xi32, #tpu.memory_space<vmem>>
    %dma_start3A_31 = arith.constant 0 : i32
    %dma_start3A_32 = arith.constant 0 : i32
    %dma_start3A_33 = tpu.memref_slice %arg2[%dma_start3A_31, %dma_start3A_32] : memref<10240x80xf32, #tpu.memory_space<hbm>> -> memref<10240x80xf32, #tpu.memory_space<hbm>>
    tpu.enqueue_indirect_dma source(%dma_start3A_33 : memref<10240x80xf32, #tpu.memory_space<hbm>>) target(%dma_start3A_27 : memref<128x80xf32, #tpu.memory_space<vmem>>) offsets(%dma_start3A_30 : memref<128xi32, #tpu.memory_space<vmem>>) semaphore(%arg15 : memref<!tpu.dma_semaphore, #tpu.memory_space<semaphore_mem>>)
    %dma_start3A_34 = arith.constant 1 : i32
    %dma_start3A_35 = arith.constant 128 : i32
    %dma_start3A_36 = arith.constant 0 : i32
    %dma_start3A_37 = tpu.memref_slice %arg11[%dma_start3A_35, %dma_start3A_36] : memref<256x16xf32, #tpu.memory_space<vmem>> -> memref<128x16xf32, #tpu.memory_space<vmem>>
    %dma_start3A_38 = arith.constant 0 : i32
    %dma_start3A_39 = tpu.memref_slice %arg9[%dma_start3A_34, %dma_start3A_38] : memref<84x128xi32, #tpu.memory_space<vmem>> -> memref<1x128xi32, #tpu.memory_space<vmem>>
    %dma_start3A_40 = tpu.memref_squeeze %dma_start3A_39 : memref<1x128xi32, #tpu.memory_space<vmem>> -> memref<128xi32, #tpu.memory_space<vmem>>
    %dma_start3A_41 = arith.constant 0 : i32
    %dma_start3A_42 = arith.constant 0 : i32
    %dma_start3A_43 = tpu.memref_slice %arg3[%dma_start3A_41, %dma_start3A_42] : memref<10240x16xf32, #tpu.memory_space<hbm>> -> memref<10240x16xf32, #tpu.memory_space<hbm>>
    tpu.enqueue_indirect_dma source(%dma_start3A_43 : memref<10240x16xf32, #tpu.memory_space<hbm>>) target(%dma_start3A_37 : memref<128x16xf32, #tpu.memory_space<vmem>>) offsets(%dma_start3A_40 : memref<128xi32, #tpu.memory_space<vmem>>) semaphore(%arg15 : memref<!tpu.dma_semaphore, #tpu.memory_space<semaphore_mem>>)
    %scan3A = arith.constant 0 : i32
    %scan3A_44 = arith.constant 0 : i32
    %scan3A_45 = arith.constant 21 : i32
    %scan3A_46 = arith.addi %scan3A_44, %scan3A_45 : i32
    %scan3A_47 = arith.constant 1 : i32
    scf.for %scan3A_54 = %scan3A_44 to %scan3A_46 step %scan3A_47  : i32 {
      %mul3A_55 = arith.constant 2 : i32
      %mul3A_56 = arith.muli %mul3A_55, %scan3A_54 : i32
      %mul3A_57 = arith.constant 2 : i32
      %mul3A_58 = arith.muli %mul3A_56, %mul3A_57 : i32
      %add3A_59 = arith.constant 2 : i32
      %add3A_60 = arith.addi %mul3A_58, %add3A_59 : i32
      %add3A_61 = arith.constant 0 : i32
      %add3A_62 = arith.addi %add3A_60, %add3A_61 : i32
      %dma_start3A_63 = arith.constant 0 : i32
      %dma_start3A_64 = arith.constant 0 : i32
      %dma_start3A_65 = tpu.memref_slice %arg12[%dma_start3A_63, %dma_start3A_64] : memref<256x80xf32, #tpu.memory_space<vmem>> -> memref<128x80xf32, #tpu.memory_space<vmem>>
      %dma_start3A_66 = arith.constant 0 : i32
      %dma_start3A_67 = tpu.memref_slice %arg8[%add3A_62, %dma_start3A_66] : memref<84x128xi32, #tpu.memory_space<vmem>> -> memref<1x128xi32, #tpu.memory_space<vmem>>
      %dma_start3A_68 = tpu.memref_squeeze %dma_start3A_67 : memref<1x128xi32, #tpu.memory_space<vmem>> -> memref<128xi32, #tpu.memory_space<vmem>>
      %dma_start3A_69 = arith.constant 0 : i32
      %dma_start3A_70 = arith.constant 0 : i32
      %dma_start3A_71 = tpu.memref_slice %arg2[%dma_start3A_69, %dma_start3A_70] : memref<10240x80xf32, #tpu.memory_space<hbm>> -> memref<10240x80xf32, #tpu.memory_space<hbm>>
      tpu.enqueue_indirect_dma source(%dma_start3A_71 : memref<10240x80xf32, #tpu.memory_space<hbm>>) target(%dma_start3A_65 : memref<128x80xf32, #tpu.memory_space<vmem>>) offsets(%dma_start3A_68 : memref<128xi32, #tpu.memory_space<vmem>>) semaphore(%arg16 : memref<!tpu.dma_semaphore, #tpu.memory_space<semaphore_mem>>)
      %add3A_72 = arith.constant 0 : i32
      %add3A_73 = arith.addi %add3A_60, %add3A_72 : i32
      %dma_start3A_74 = arith.constant 0 : i32
      %dma_start3A_75 = arith.constant 0 : i32
      %dma_start3A_76 = tpu.memref_slice %arg13[%dma_start3A_74, %dma_start3A_75] : memref<256x16xf32, #tpu.memory_space<vmem>> -> memref<128x16xf32, #tpu.memory_space<vmem>>
      %dma_start3A_77 = arith.constant 0 : i32
      %dma_start3A_78 = tpu.memref_slice %arg9[%add3A_73, %dma_start3A_77] : memref<84x128xi32, #tpu.memory_space<vmem>> -> memref<1x128xi32, #tpu.memory_space<vmem>>
      %dma_start3A_79 = tpu.memref_squeeze %dma_start3A_78 : memref<1x128xi32, #tpu.memory_space<vmem>> -> memref<128xi32, #tpu.memory_space<vmem>>
      %dma_start3A_80 = arith.constant 0 : i32
      %dma_start3A_81 = arith.constant 0 : i32
      %dma_start3A_82 = tpu.memref_slice %arg3[%dma_start3A_80, %dma_start3A_81] : memref<10240x16xf32, #tpu.memory_space<hbm>> -> memref<10240x16xf32, #tpu.memory_space<hbm>>
      tpu.enqueue_indirect_dma source(%dma_start3A_82 : memref<10240x16xf32, #tpu.memory_space<hbm>>) target(%dma_start3A_76 : memref<128x16xf32, #tpu.memory_space<vmem>>) offsets(%dma_start3A_79 : memref<128xi32, #tpu.memory_space<vmem>>) semaphore(%arg16 : memref<!tpu.dma_semaphore, #tpu.memory_space<semaphore_mem>>)
      %add3A_83 = arith.constant 1 : i32
      %add3A_84 = arith.addi %add3A_60, %add3A_83 : i32
      %dma_start3A_85 = arith.constant 128 : i32
      %dma_start3A_86 = arith.constant 0 : i32
      %dma_start3A_87 = tpu.memref_slice %arg12[%dma_start3A_85, %dma_start3A_86] : memref<256x80xf32, #tpu.memory_space<vmem>> -> memref<128x80xf32, #tpu.memory_space<vmem>>
      %dma_start3A_88 = arith.constant 0 : i32
      %dma_start3A_89 = tpu.memref_slice %arg8[%add3A_84, %dma_start3A_88] : memref<84x128xi32, #tpu.memory_space<vmem>> -> memref<1x128xi32, #tpu.memory_space<vmem>>
      %dma_start3A_90 = tpu.memref_squeeze %dma_start3A_89 : memref<1x128xi32, #tpu.memory_space<vmem>> -> memref<128xi32, #tpu.memory_space<vmem>>
      %dma_start3A_91 = arith.constant 0 : i32
      %dma_start3A_92 = arith.constant 0 : i32
      %dma_start3A_93 = tpu.memref_slice %arg2[%dma_start3A_91, %dma_start3A_92] : memref<10240x80xf32, #tpu.memory_space<hbm>> -> memref<10240x80xf32, #tpu.memory_space<hbm>>
      tpu.enqueue_indirect_dma source(%dma_start3A_93 : memref<10240x80xf32, #tpu.memory_space<hbm>>) target(%dma_start3A_87 : memref<128x80xf32, #tpu.memory_space<vmem>>) offsets(%dma_start3A_90 : memref<128xi32, #tpu.memory_space<vmem>>) semaphore(%arg16 : memref<!tpu.dma_semaphore, #tpu.memory_space<semaphore_mem>>)
      %add3A_94 = arith.constant 1 : i32
      %add3A_95 = arith.addi %add3A_60, %add3A_94 : i32
      %dma_start3A_96 = arith.constant 128 : i32
      %dma_start3A_97 = arith.constant 0 : i32
      %dma_start3A_98 = tpu.memref_slice %arg13[%dma_start3A_96, %dma_start3A_97] : memref<256x16xf32, #tpu.memory_space<vmem>> -> memref<128x16xf32, #tpu.memory_space<vmem>>
      %dma_start3A_99 = arith.constant 0 : i32
      %dma_start3A_100 = tpu.memref_slice %arg9[%add3A_95, %dma_start3A_99] : memref<84x128xi32, #tpu.memory_space<vmem>> -> memref<1x128xi32, #tpu.memory_space<vmem>>
      %dma_start3A_101 = tpu.memref_squeeze %dma_start3A_100 : memref<1x128xi32, #tpu.memory_space<vmem>> -> memref<128xi32, #tpu.memory_space<vmem>>
      %dma_start3A_102 = arith.constant 0 : i32
      %dma_start3A_103 = arith.constant 0 : i32
      %dma_start3A_104 = tpu.memref_slice %arg3[%dma_start3A_102, %dma_start3A_103] : memref<10240x16xf32, #tpu.memory_space<hbm>> -> memref<10240x16xf32, #tpu.memory_space<hbm>>
      tpu.enqueue_indirect_dma source(%dma_start3A_104 : memref<10240x16xf32, #tpu.memory_space<hbm>>) target(%dma_start3A_98 : memref<128x16xf32, #tpu.memory_space<vmem>>) offsets(%dma_start3A_101 : memref<128xi32, #tpu.memory_space<vmem>>) semaphore(%arg16 : memref<!tpu.dma_semaphore, #tpu.memory_space<semaphore_mem>>)
      %add3A_105 = arith.constant 0 : i32
      %add3A_106 = arith.addi %mul3A_58, %add3A_105 : i32
      %dma_wait3A = arith.constant 0 : i32
      %dma_wait3A_107 = arith.constant 0 : i32
      %dma_wait3A_108 = tpu.memref_slice %arg10[%dma_wait3A, %dma_wait3A_107] : memref<256x80xf32, #tpu.memory_space<vmem>> -> memref<128x80xf32, #tpu.memory_space<vmem>>
      %dma_wait3A_109 = arith.constant 0 : i32
      %dma_wait3A_110 = tpu.memref_slice %arg8[%add3A_106, %dma_wait3A_109] : memref<84x128xi32, #tpu.memory_space<vmem>> -> memref<1x128xi32, #tpu.memory_space<vmem>>
      %dma_wait3A_111 = tpu.memref_squeeze %dma_wait3A_110 : memref<1x128xi32, #tpu.memory_space<vmem>> -> memref<128xi32, #tpu.memory_space<vmem>>
      %dma_wait3A_112 = arith.constant 0 : i32
      %dma_wait3A_113 = arith.constant 0 : i32
      %dma_wait3A_114 = tpu.memref_slice %arg2[%dma_wait3A_112, %dma_wait3A_113] : memref<10240x80xf32, #tpu.memory_space<hbm>> -> memref<10240x80xf32, #tpu.memory_space<hbm>>
      tpu.wait_indirect_dma semaphore(%arg15 : memref<!tpu.dma_semaphore, #tpu.memory_space<semaphore_mem>>) src(%dma_wait3A_114 : memref<10240x80xf32, #tpu.memory_space<hbm>>) dst(%dma_wait3A_108 : memref<128x80xf32, #tpu.memory_space<vmem>>)
      %add3A_115 = arith.constant 0 : i32
      %add3A_116 = arith.addi %mul3A_58, %add3A_115 : i32
      %dma_wait3A_117 = arith.constant 0 : i32
      %dma_wait3A_118 = arith.constant 0 : i32
      %dma_wait3A_119 = tpu.memref_slice %arg11[%dma_wait3A_117, %dma_wait3A_118] : memref<256x16xf32, #tpu.memory_space<vmem>> -> memref<128x16xf32, #tpu.memory_space<vmem>>
      %dma_wait3A_120 = arith.constant 0 : i32
      %dma_wait3A_121 = tpu.memref_slice %arg9[%add3A_116, %dma_wait3A_120] : memref<84x128xi32, #tpu.memory_space<vmem>> -> memref<1x128xi32, #tpu.memory_space<vmem>>
      %dma_wait3A_122 = tpu.memref_squeeze %dma_wait3A_121 : memref<1x128xi32, #tpu.memory_space<vmem>> -> memref<128xi32, #tpu.memory_space<vmem>>
      %dma_wait3A_123 = arith.constant 0 : i32
      %dma_wait3A_124 = arith.constant 0 : i32
      %dma_wait3A_125 = tpu.memref_slice %arg3[%dma_wait3A_123, %dma_wait3A_124] : memref<10240x16xf32, #tpu.memory_space<hbm>> -> memref<10240x16xf32, #tpu.memory_space<hbm>>
      tpu.wait_indirect_dma semaphore(%arg15 : memref<!tpu.dma_semaphore, #tpu.memory_space<semaphore_mem>>) src(%dma_wait3A_125 : memref<10240x16xf32, #tpu.memory_space<hbm>>) dst(%dma_wait3A_119 : memref<128x16xf32, #tpu.memory_space<vmem>>)
      %add3A_126 = arith.constant 1 : i32
      %add3A_127 = arith.addi %mul3A_58, %add3A_126 : i32
      %dma_wait3A_128 = arith.constant 128 : i32
      %dma_wait3A_129 = arith.constant 0 : i32
      %dma_wait3A_130 = tpu.memref_slice %arg10[%dma_wait3A_128, %dma_wait3A_129] : memref<256x80xf32, #tpu.memory_space<vmem>> -> memref<128x80xf32, #tpu.memory_space<vmem>>
      %dma_wait3A_131 = arith.constant 0 : i32
      %dma_wait3A_132 = tpu.memref_slice %arg8[%add3A_127, %dma_wait3A_131] : memref<84x128xi32, #tpu.memory_space<vmem>> -> memref<1x128xi32, #tpu.memory_space<vmem>>
      %dma_wait3A_133 = tpu.memref_squeeze %dma_wait3A_132 : memref<1x128xi32, #tpu.memory_space<vmem>> -> memref<128xi32, #tpu.memory_space<vmem>>
      %dma_wait3A_134 = arith.constant 0 : i32
      %dma_wait3A_135 = arith.constant 0 : i32
      %dma_wait3A_136 = tpu.memref_slice %arg2[%dma_wait3A_134, %dma_wait3A_135] : memref<10240x80xf32, #tpu.memory_space<hbm>> -> memref<10240x80xf32, #tpu.memory_space<hbm>>
      tpu.wait_indirect_dma semaphore(%arg15 : memref<!tpu.dma_semaphore, #tpu.memory_space<semaphore_mem>>) src(%dma_wait3A_136 : memref<10240x80xf32, #tpu.memory_space<hbm>>) dst(%dma_wait3A_130 : memref<128x80xf32, #tpu.memory_space<vmem>>)
      %add3A_137 = arith.constant 1 : i32
      %add3A_138 = arith.addi %mul3A_58, %add3A_137 : i32
      %dma_wait3A_139 = arith.constant 128 : i32
      %dma_wait3A_140 = arith.constant 0 : i32
      %dma_wait3A_141 = tpu.memref_slice %arg11[%dma_wait3A_139, %dma_wait3A_140] : memref<256x16xf32, #tpu.memory_space<vmem>> -> memref<128x16xf32, #tpu.memory_space<vmem>>
      %dma_wait3A_142 = arith.constant 0 : i32
      %dma_wait3A_143 = tpu.memref_slice %arg9[%add3A_138, %dma_wait3A_142] : memref<84x128xi32, #tpu.memory_space<vmem>> -> memref<1x128xi32, #tpu.memory_space<vmem>>
      %dma_wait3A_144 = tpu.memref_squeeze %dma_wait3A_143 : memref<1x128xi32, #tpu.memory_space<vmem>> -> memref<128xi32, #tpu.memory_space<vmem>>
      %dma_wait3A_145 = arith.constant 0 : i32
      %dma_wait3A_146 = arith.constant 0 : i32
      %dma_wait3A_147 = tpu.memref_slice %arg3[%dma_wait3A_145, %dma_wait3A_146] : memref<10240x16xf32, #tpu.memory_space<hbm>> -> memref<10240x16xf32, #tpu.memory_space<hbm>>
      tpu.wait_indirect_dma semaphore(%arg15 : memref<!tpu.dma_semaphore, #tpu.memory_space<semaphore_mem>>) src(%dma_wait3A_147 : memref<10240x16xf32, #tpu.memory_space<hbm>>) dst(%dma_wait3A_141 : memref<128x16xf32, #tpu.memory_space<vmem>>)
      %scan3A_148 = arith.constant 0 : i32
      %scan3A_149 = arith.constant 0 : i32
      %scan3A_150 = arith.constant 64 : i32
      %scan3A_151 = arith.addi %scan3A_149, %scan3A_150 : i32
      %scan3A_152 = arith.constant 1 : i32
      scf.for %scan3A_214 = %scan3A_149 to %scan3A_151 step %scan3A_152  : i32 {
        %mul3A_215 = arith.constant 4 : i32
        %mul3A_216 = arith.muli %scan3A_214, %mul3A_215 : i32
        %iota3A = tpu.iota {dimensions = array<i32: 0>} : vector<16xi32>
        %add3A_217 = arith.constant 0 : i32
        %add3A_218 = arith.addi %mul3A_216, %add3A_217 : i32
        %get3A = arith.index_cast %add3A_218 : i32 to index
        %get3A_219 = arith.constant 64 : index
        %get3A_220 = tpu.vector_load %arg10[%get3A, %get3A_219] {strides = array<i32>} : memref<256x80xf32, #tpu.memory_space<vmem>>, vector<16xf32>,
        %get3A_221 = arith.index_cast %add3A_218 : i32 to index
        %get3A_222 = arith.constant 0 : index
        %get3A_223 = tpu.vector_load %arg11[%get3A_221, %get3A_222] {strides = array<i32>} : memref<256x16xf32, #tpu.memory_space<vmem>>, vector<16xf32>,
        %add3A_224 = arith.addf %get3A_220, %get3A_223 : vector<16xf32>
        %ge3A = arith.constant 0.000000e+00 : f32
        %ge3A_225 = vector.broadcast %ge3A : f32 to vector<16xf32>
        %ge3A_226 = arith.cmpf oge, %add3A_224, %ge3A_225 : vector<16xf32>
        %mul3A_227 = arith.constant 2.000000e-01 : f32
        %mul3A_228 = vector.broadcast %mul3A_227 : f32 to vector<16xf32>
        %mul3A_229 = arith.mulf %add3A_224, %mul3A_228 : vector<16xf32>
        %select_n3A = arith.select %ge3A_226, %add3A_224, %mul3A_229 : vector<16xi1>, vector<16xf32>
        %exp3A = math.exp %select_n3A : vector<16xf32>
        %swap3A = arith.index_cast %add3A_218 : i32 to index
        %swap3A_230 = arith.constant 64 : index
        %swap3A_231 = tpu.vector_load %arg10[%swap3A, %swap3A_230] {strides = array<i32>} : memref<256x80xf32, #tpu.memory_space<vmem>>, vector<16xf32>,
        tpu.vector_store %arg10[%swap3A, %swap3A_230], %exp3A {strides = array<i32>} : memref<256x80xf32, #tpu.memory_space<vmem>>, vector<16xf32>,
        %jit3A = arith.constant 8 : i32
        %div3A = vector.broadcast %jit3A : i32 to vector<16xi32>
        %div3A_232 = arith.divsi %iota3A, %div3A : vector<16xi32>
        %sign3A = arith.constant 0 : i32
        %sign3A_233 = vector.broadcast %sign3A : i32 to vector<16xi32>
        %sign3A_234 = arith.cmpi sgt, %iota3A, %sign3A_233 : vector<16xi32>
        %sign3A_235 = arith.extui %sign3A_234 : vector<16xi1> to vector<16xi32>
        %sign3A_236 = arith.constant 0 : i32
        %sign3A_237 = vector.broadcast %sign3A_236 : i32 to vector<16xi32>
        %sign3A_238 = arith.cmpi slt, %iota3A, %sign3A_237 : vector<16xi32>
        %sign3A_239 = arith.extui %sign3A_238 : vector<16xi1> to vector<16xi32>
        %sign3A_240 = arith.subi %sign3A_235, %sign3A_239 : vector<16xi32>
        %sign3A_241 = arith.constant 0 : i32
        %sign3A_242 = arith.cmpi sgt, %jit3A, %sign3A_241 : i32
        %sign3A_243 = arith.extui %sign3A_242 : i1 to i32
        %sign3A_244 = arith.constant 0 : i32
        %sign3A_245 = arith.cmpi slt, %jit3A, %sign3A_244 : i32
        %sign3A_246 = arith.extui %sign3A_245 : i1 to i32
        %sign3A_247 = arith.subi %sign3A_243, %sign3A_246 : i32
        %ne3A = vector.broadcast %sign3A_247 : i32 to vector<16xi32>
        %ne3A_248 = arith.cmpi ne, %sign3A_240, %ne3A : vector<16xi32>
        %rem3A = vector.broadcast %jit3A : i32 to vector<16xi32>
        %rem3A_249 = arith.remsi %iota3A, %rem3A : vector<16xi32>
        %ne3A_250 = arith.constant 0 : i32
        %ne3A_251 = vector.broadcast %ne3A_250 : i32 to vector<16xi32>
        %ne3A_252 = arith.cmpi ne, %rem3A_249, %ne3A_251 : vector<16xi32>
        %and3A = arith.andi %ne3A_248, %ne3A_252 : vector<16xi1>
        %sub3A = arith.constant 1 : i32
        %sub3A_253 = vector.broadcast %sub3A : i32 to vector<16xi32>
        %sub3A_254 = arith.subi %div3A_232, %sub3A_253 : vector<16xi32>
        %select_n3A_255 = arith.select %and3A, %sub3A_254, %div3A_232 : vector<16xi1>, vector<16xi32>
        %add3A_256 = arith.constant 0 : i32
        %add3A_257 = vector.broadcast %add3A_256 : i32 to vector<16xi32>
        %add3A_258 = arith.addi %select_n3A_255, %add3A_257 : vector<16xi32>
        %lt3A_259 = arith.constant 0 : i32
        %lt3A_260 = vector.broadcast %lt3A_259 : i32 to vector<16xi32>
        %lt3A_261 = arith.cmpi slt, %add3A_258, %lt3A_260 : vector<16xi32>
        %add3A_262 = arith.constant 16 : i32
        %add3A_263 = vector.broadcast %add3A_262 : i32 to vector<16xi32>
        %add3A_264 = arith.addi %add3A_258, %add3A_263 : vector<16xi32>
        %select_n3A_265 = arith.select %lt3A_261, %add3A_264, %add3A_258 : vector<16xi1>, vector<16xi32>
        %broadcast_in_dim3A = vector.shape_cast %select_n3A_265 : vector<16xi32> to vector<16x1xi32>
        %gather3A = vector.shape_cast %broadcast_in_dim3A : vector<16x1xi32> to vector<16xi32>
        %gather3A_266 = tpu.dynamic_gather %exp3A[%gather3A] in [0] : vector<16xf32>, vector<16xi32> -> vector<16xf32>
        %get3A_267 = arith.index_cast %add3A_218 : i32 to index
        %get3A_268 = arith.constant 0 : index
        %get3A_269 = tpu.vector_load %arg10[%get3A_267, %get3A_268] {strides = array<i32>} : memref<256x80xf32, #tpu.memory_space<vmem>>, vector<16xf32>,
        %mul3A_270 = arith.mulf %get3A_269, %gather3A_266 : vector<16xf32>
        %swap3A_271 = arith.index_cast %add3A_218 : i32 to index
        %swap3A_272 = arith.constant 0 : index
        %swap3A_273 = tpu.vector_load %arg10[%swap3A_271, %swap3A_272] {strides = array<i32>} : memref<256x80xf32, #tpu.memory_space<vmem>>, vector<16xf32>,
        tpu.vector_store %arg10[%swap3A_271, %swap3A_272], %mul3A_270 {strides = array<i32>} : memref<256x80xf32, #tpu.memory_space<vmem>>, vector<16xf32>,
        %jit3A_274 = arith.constant 8 : i32
        %div3A_275 = vector.broadcast %jit3A_274 : i32 to vector<16xi32>
        %div3A_276 = arith.divsi %iota3A, %div3A_275 : vector<16xi32>
        %sign3A_277 = arith.constant 0 : i32
        %sign3A_278 = vector.broadcast %sign3A_277 : i32 to vector<16xi32>
        %sign3A_279 = arith.cmpi sgt, %iota3A, %sign3A_278 : vector<16xi32>
        %sign3A_280 = arith.extui %sign3A_279 : vector<16xi1> to vector<16xi32>
        %sign3A_281 = arith.constant 0 : i32
        %sign3A_282 = vector.broadcast %sign3A_281 : i32 to vector<16xi32>
        %sign3A_283 = arith.cmpi slt, %iota3A, %sign3A_282 : vector<16xi32>
        %sign3A_284 = arith.extui %sign3A_283 : vector<16xi1> to vector<16xi32>
        %sign3A_285 = arith.subi %sign3A_280, %sign3A_284 : vector<16xi32>
        %sign3A_286 = arith.constant 0 : i32
        %sign3A_287 = arith.cmpi sgt, %jit3A_274, %sign3A_286 : i32
        %sign3A_288 = arith.extui %sign3A_287 : i1 to i32
        %sign3A_289 = arith.constant 0 : i32
        %sign3A_290 = arith.cmpi slt, %jit3A_274, %sign3A_289 : i32
        %sign3A_291 = arith.extui %sign3A_290 : i1 to i32
        %sign3A_292 = arith.subi %sign3A_288, %sign3A_291 : i32
        %ne3A_293 = vector.broadcast %sign3A_292 : i32 to vector<16xi32>
        %ne3A_294 = arith.cmpi ne, %sign3A_285, %ne3A_293 : vector<16xi32>
        %rem3A_295 = vector.broadcast %jit3A_274 : i32 to vector<16xi32>
        %rem3A_296 = arith.remsi %iota3A, %rem3A_295 : vector<16xi32>
        %ne3A_297 = arith.constant 0 : i32
        %ne3A_298 = vector.broadcast %ne3A_297 : i32 to vector<16xi32>
        %ne3A_299 = arith.cmpi ne, %rem3A_296, %ne3A_298 : vector<16xi32>
        %and3A_300 = arith.andi %ne3A_294, %ne3A_299 : vector<16xi1>
        %sub3A_301 = arith.constant 1 : i32
        %sub3A_302 = vector.broadcast %sub3A_301 : i32 to vector<16xi32>
        %sub3A_303 = arith.subi %div3A_276, %sub3A_302 : vector<16xi32>
        %select_n3A_304 = arith.select %and3A_300, %sub3A_303, %div3A_276 : vector<16xi1>, vector<16xi32>
        %add3A_305 = arith.constant 2 : i32
        %add3A_306 = vector.broadcast %add3A_305 : i32 to vector<16xi32>
        %add3A_307 = arith.addi %select_n3A_304, %add3A_306 : vector<16xi32>
        %lt3A_308 = arith.constant 0 : i32
        %lt3A_309 = vector.broadcast %lt3A_308 : i32 to vector<16xi32>
        %lt3A_310 = arith.cmpi slt, %add3A_307, %lt3A_309 : vector<16xi32>
        %add3A_311 = arith.constant 16 : i32
        %add3A_312 = vector.broadcast %add3A_311 : i32 to vector<16xi32>
        %add3A_313 = arith.addi %add3A_307, %add3A_312 : vector<16xi32>
        %select_n3A_314 = arith.select %lt3A_310, %add3A_313, %add3A_307 : vector<16xi1>, vector<16xi32>
        %broadcast_in_dim3A_315 = vector.shape_cast %select_n3A_314 : vector<16xi32> to vector<16x1xi32>
        %gather3A_316 = vector.shape_cast %broadcast_in_dim3A_315 : vector<16x1xi32> to vector<16xi32>
        %gather3A_317 = tpu.dynamic_gather %exp3A[%gather3A_316] in [0] : vector<16xf32>, vector<16xi32> -> vector<16xf32>
        %get3A_318 = arith.index_cast %add3A_218 : i32 to index
        %get3A_319 = arith.constant 16 : index
        %get3A_320 = tpu.vector_load %arg10[%get3A_318, %get3A_319] {strides = array<i32>} : memref<256x80xf32, #tpu.memory_space<vmem>>, vector<16xf32>,
        %mul3A_321 = arith.mulf %get3A_320, %gather3A_317 : vector<16xf32>
        %swap3A_322 = arith.index_cast %add3A_218 : i32 to index
        %swap3A_323 = arith.constant 16 : index
        %swap3A_324 = tpu.vector_load %arg10[%swap3A_322, %swap3A_323] {strides = array<i32>} : memref<256x80xf32, #tpu.memory_space<vmem>>, vector<16xf32>,
        tpu.vector_store %arg10[%swap3A_322, %swap3A_323], %mul3A_321 {strides = array<i32>} : memref<256x80xf32, #tpu.memory_space<vmem>>, vector<16xf32>,
        %jit3A_325 = arith.constant 8 : i32
        %div3A_326 = vector.broadcast %jit3A_325 : i32 to vector<16xi32>
        %div3A_327 = arith.divsi %iota3A, %div3A_326 : vector<16xi32>
        %sign3A_328 = arith.constant 0 : i32
        %sign3A_329 = vector.broadcast %sign3A_328 : i32 to vector<16xi32>
        %sign3A_330 = arith.cmpi sgt, %iota3A, %sign3A_329 : vector<16xi32>
        %sign3A_331 = arith.extui %sign3A_330 : vector<16xi1> to vector<16xi32>
        %sign3A_332 = arith.constant 0 : i32
        %sign3A_333 = vector.broadcast %sign3A_332 : i32 to vector<16xi32>
        %sign3A_334 = arith.cmpi slt, %iota3A, %sign3A_333 : vector<16xi32>
        %sign3A_335 = arith.extui %sign3A_334 : vector<16xi1> to vector<16xi32>
        %sign3A_336 = arith.subi %sign3A_331, %sign3A_335 : vector<16xi32>
        %sign3A_337 = arith.constant 0 : i32
        %sign3A_338 = arith.cmpi sgt, %jit3A_325, %sign3A_337 : i32
        %sign3A_339 = arith.extui %sign3A_338 : i1 to i32
        %sign3A_340 = arith.constant 0 : i32
        %sign3A_341 = arith.cmpi slt, %jit3A_325, %sign3A_340 : i32
        %sign3A_342 = arith.extui %sign3A_341 : i1 to i32
        %sign3A_343 = arith.subi %sign3A_339, %sign3A_342 : i32
        %ne3A_344 = vector.broadcast %sign3A_343 : i32 to vector<16xi32>
        %ne3A_345 = arith.cmpi ne, %sign3A_336, %ne3A_344 : vector<16xi32>
        %rem3A_346 = vector.broadcast %jit3A_325 : i32 to vector<16xi32>
        %rem3A_347 = arith.remsi %iota3A, %rem3A_346 : vector<16xi32>
        %ne3A_348 = arith.constant 0 : i32
        %ne3A_349 = vector.broadcast %ne3A_348 : i32 to vector<16xi32>
        %ne3A_350 = arith.cmpi ne, %rem3A_347, %ne3A_349 : vector<16xi32>
        %and3A_351 = arith.andi %ne3A_345, %ne3A_350 : vector<16xi1>
        %sub3A_352 = arith.constant 1 : i32
        %sub3A_353 = vector.broadcast %sub3A_352 : i32 to vector<16xi32>
        %sub3A_354 = arith.subi %div3A_327, %sub3A_353 : vector<16xi32>
        %select_n3A_355 = arith.select %and3A_351, %sub3A_354, %div3A_327 : vector<16xi1>, vector<16xi32>
        %add3A_356 = arith.constant 4 : i32
        %add3A_357 = vector.broadcast %add3A_356 : i32 to vector<16xi32>
        %add3A_358 = arith.addi %select_n3A_355, %add3A_357 : vector<16xi32>
        %lt3A_359 = arith.constant 0 : i32
        %lt3A_360 = vector.broadcast %lt3A_359 : i32 to vector<16xi32>
        %lt3A_361 = arith.cmpi slt, %add3A_358, %lt3A_360 : vector<16xi32>
        %add3A_362 = arith.constant 16 : i32
        %add3A_363 = vector.broadcast %add3A_362 : i32 to vector<16xi32>
        %add3A_364 = arith.addi %add3A_358, %add3A_363 : vector<16xi32>
        %select_n3A_365 = arith.select %lt3A_361, %add3A_364, %add3A_358 : vector<16xi1>, vector<16xi32>
        %broadcast_in_dim3A_366 = vector.shape_cast %select_n3A_365 : vector<16xi32> to vector<16x1xi32>
        %gather3A_367 = vector.shape_cast %broadcast_in_dim3A_366 : vector<16x1xi32> to vector<16xi32>
        %gather3A_368 = tpu.dynamic_gather %exp3A[%gather3A_367] in [0] : vector<16xf32>, vector<16xi32> -> vector<16xf32>
        %get3A_369 = arith.index_cast %add3A_218 : i32 to index
        %get3A_370 = arith.constant 32 : index
        %get3A_371 = tpu.vector_load %arg10[%get3A_369, %get3A_370] {strides = array<i32>} : memref<256x80xf32, #tpu.memory_space<vmem>>, vector<16xf32>,
        %mul3A_372 = arith.mulf %get3A_371, %gather3A_368 : vector<16xf32>
        %swap3A_373 = arith.index_cast %add3A_218 : i32 to index
        %swap3A_374 = arith.constant 32 : index
        %swap3A_375 = tpu.vector_load %arg10[%swap3A_373, %swap3A_374] {strides = array<i32>} : memref<256x80xf32, #tpu.memory_space<vmem>>, vector<16xf32>,
        tpu.vector_store %arg10[%swap3A_373, %swap3A_374], %mul3A_372 {strides = array<i32>} : memref<256x80xf32, #tpu.memory_space<vmem>>, vector<16xf32>,
        %jit3A_376 = arith.constant 8 : i32
        %div3A_377 = vector.broadcast %jit3A_376 : i32 to vector<16xi32>
        %div3A_378 = arith.divsi %iota3A, %div3A_377 : vector<16xi32>
        %sign3A_379 = arith.constant 0 : i32
        %sign3A_380 = vector.broadcast %sign3A_379 : i32 to vector<16xi32>
        %sign3A_381 = arith.cmpi sgt, %iota3A, %sign3A_380 : vector<16xi32>
        %sign3A_382 = arith.extui %sign3A_381 : vector<16xi1> to vector<16xi32>
        %sign3A_383 = arith.constant 0 : i32
        %sign3A_384 = vector.broadcast %sign3A_383 : i32 to vector<16xi32>
        %sign3A_385 = arith.cmpi slt, %iota3A, %sign3A_384 : vector<16xi32>
        %sign3A_386 = arith.extui %sign3A_385 : vector<16xi1> to vector<16xi32>
        %sign3A_387 = arith.subi %sign3A_382, %sign3A_386 : vector<16xi32>
        %sign3A_388 = arith.constant 0 : i32
        %sign3A_389 = arith.cmpi sgt, %jit3A_376, %sign3A_388 : i32
        %sign3A_390 = arith.extui %sign3A_389 : i1 to i32
        %sign3A_391 = arith.constant 0 : i32
        %sign3A_392 = arith.cmpi slt, %jit3A_376, %sign3A_391 : i32
        %sign3A_393 = arith.extui %sign3A_392 : i1 to i32
        %sign3A_394 = arith.subi %sign3A_390, %sign3A_393 : i32
        %ne3A_395 = vector.broadcast %sign3A_394 : i32 to vector<16xi32>
        %ne3A_396 = arith.cmpi ne, %sign3A_387, %ne3A_395 : vector<16xi32>
        %rem3A_397 = vector.broadcast %jit3A_376 : i32 to vector<16xi32>
        %rem3A_398 = arith.remsi %iota3A, %rem3A_397 : vector<16xi32>
        %ne3A_399 = arith.constant 0 : i32
        %ne3A_400 = vector.broadcast %ne3A_399 : i32 to vector<16xi32>
        %ne3A_401 = arith.cmpi ne, %rem3A_398, %ne3A_400 : vector<16xi32>
        %and3A_402 = arith.andi %ne3A_396, %ne3A_401 : vector<16xi1>
        %sub3A_403 = arith.constant 1 : i32
        %sub3A_404 = vector.broadcast %sub3A_403 : i32 to vector<16xi32>
        %sub3A_405 = arith.subi %div3A_378, %sub3A_404 : vector<16xi32>
        %select_n3A_406 = arith.select %and3A_402, %sub3A_405, %div3A_378 : vector<16xi1>, vector<16xi32>
        %add3A_407 = arith.constant 6 : i32
        %add3A_408 = vector.broadcast %add3A_407 : i32 to vector<16xi32>
        %add3A_409 = arith.addi %select_n3A_406, %add3A_408 : vector<16xi32>
        %lt3A_410 = arith.constant 0 : i32
        %lt3A_411 = vector.broadcast %lt3A_410 : i32 to vector<16xi32>
        %lt3A_412 = arith.cmpi slt, %add3A_409, %lt3A_411 : vector<16xi32>
        %add3A_413 = arith.constant 16 : i32
        %add3A_414 = vector.broadcast %add3A_413 : i32 to vector<16xi32>
        %add3A_415 = arith.addi %add3A_409, %add3A_414 : vector<16xi32>
        %select_n3A_416 = arith.select %lt3A_412, %add3A_415, %add3A_409 : vector<16xi1>, vector<16xi32>
        %broadcast_in_dim3A_417 = vector.shape_cast %select_n3A_416 : vector<16xi32> to vector<16x1xi32>
        %gather3A_418 = vector.shape_cast %broadcast_in_dim3A_417 : vector<16x1xi32> to vector<16xi32>
        %gather3A_419 = tpu.dynamic_gather %exp3A[%gather3A_418] in [0] : vector<16xf32>, vector<16xi32> -> vector<16xf32>
        %get3A_420 = arith.index_cast %add3A_218 : i32 to index
        %get3A_421 = arith.constant 48 : index
        %get3A_422 = tpu.vector_load %arg10[%get3A_420, %get3A_421] {strides = array<i32>} : memref<256x80xf32, #tpu.memory_space<vmem>>, vector<16xf32>,
        %mul3A_423 = arith.mulf %get3A_422, %gather3A_419 : vector<16xf32>
        %swap3A_424 = arith.index_cast %add3A_218 : i32 to index
        %swap3A_425 = arith.constant 48 : index
        %swap3A_426 = tpu.vector_load %arg10[%swap3A_424, %swap3A_425] {strides = array<i32>} : memref<256x80xf32, #tpu.memory_space<vmem>>, vector<16xf32>,
        tpu.vector_store %arg10[%swap3A_424, %swap3A_425], %mul3A_423 {strides = array<i32>} : memref<256x80xf32, #tpu.memory_space<vmem>>, vector<16xf32>,
        %add3A_427 = arith.constant 1 : i32
        %add3A_428 = arith.addi %mul3A_216, %add3A_427 : i32
        %get3A_429 = arith.index_cast %add3A_428 : i32 to index
        %get3A_430 = arith.constant 64 : index
        %get3A_431 = tpu.vector_load %arg10[%get3A_429, %get3A_430] {strides = array<i32>} : memref<256x80xf32, #tpu.memory_space<vmem>>, vector<16xf32>,
        %get3A_432 = arith.index_cast %add3A_428 : i32 to index
        %get3A_433 = arith.constant 0 : index
        %get3A_434 = tpu.vector_load %arg11[%get3A_432, %get3A_433] {strides = array<i32>} : memref<256x16xf32, #tpu.memory_space<vmem>>, vector<16xf32>,
        %add3A_435 = arith.addf %get3A_431, %get3A_434 : vector<16xf32>
        %ge3A_436 = arith.constant 0.000000e+00 : f32
        %ge3A_437 = vector.broadcast %ge3A_436 : f32 to vector<16xf32>
        %ge3A_438 = arith.cmpf oge, %add3A_435, %ge3A_437 : vector<16xf32>
        %mul3A_439 = arith.constant 2.000000e-01 : f32
        %mul3A_440 = vector.broadcast %mul3A_439 : f32 to vector<16xf32>
        %mul3A_441 = arith.mulf %add3A_435, %mul3A_440 : vector<16xf32>
        %select_n3A_442 = arith.select %ge3A_438, %add3A_435, %mul3A_441 : vector<16xi1>, vector<16xf32>
        %exp3A_443 = math.exp %select_n3A_442 : vector<16xf32>
        %swap3A_444 = arith.index_cast %add3A_428 : i32 to index
        %swap3A_445 = arith.constant 64 : index
        %swap3A_446 = tpu.vector_load %arg10[%swap3A_444, %swap3A_445] {strides = array<i32>} : memref<256x80xf32, #tpu.memory_space<vmem>>, vector<16xf32>,
        tpu.vector_store %arg10[%swap3A_444, %swap3A_445], %exp3A_443 {strides = array<i32>} : memref<256x80xf32, #tpu.memory_space<vmem>>, vector<16xf32>,
        %jit3A_447 = arith.constant 8 : i32
        %div3A_448 = vector.broadcast %jit3A_447 : i32 to vector<16xi32>
        %div3A_449 = arith.divsi %iota3A, %div3A_448 : vector<16xi32>
        %sign3A_450 = arith.constant 0 : i32
        %sign3A_451 = vector.broadcast %sign3A_450 : i32 to vector<16xi32>
        %sign3A_452 = arith.cmpi sgt, %iota3A, %sign3A_451 : vector<16xi32>
        %sign3A_453 = arith.extui %sign3A_452 : vector<16xi1> to vector<16xi32>
        %sign3A_454 = arith.constant 0 : i32
        %sign3A_455 = vector.broadcast %sign3A_454 : i32 to vector<16xi32>
        %sign3A_456 = arith.cmpi slt, %iota3A, %sign3A_455 : vector<16xi32>
        %sign3A_457 = arith.extui %sign3A_456 : vector<16xi1> to vector<16xi32>
        %sign3A_458 = arith.subi %sign3A_453, %sign3A_457 : vector<16xi32>
        %sign3A_459 = arith.constant 0 : i32
        %sign3A_460 = arith.cmpi sgt, %jit3A_447, %sign3A_459 : i32
        %sign3A_461 = arith.extui %sign3A_460 : i1 to i32
        %sign3A_462 = arith.constant 0 : i32
        %sign3A_463 = arith.cmpi slt, %jit3A_447, %sign3A_462 : i32
        %sign3A_464 = arith.extui %sign3A_463 : i1 to i32
        %sign3A_465 = arith.subi %sign3A_461, %sign3A_464 : i32
        %ne3A_466 = vector.broadcast %sign3A_465 : i32 to vector<16xi32>
        %ne3A_467 = arith.cmpi ne, %sign3A_458, %ne3A_466 : vector<16xi32>
        %rem3A_468 = vector.broadcast %jit3A_447 : i32 to vector<16xi32>
        %rem3A_469 = arith.remsi %iota3A, %rem3A_468 : vector<16xi32>
        %ne3A_470 = arith.constant 0 : i32
        %ne3A_471 = vector.broadcast %ne3A_470 : i32 to vector<16xi32>
        %ne3A_472 = arith.cmpi ne, %rem3A_469, %ne3A_471 : vector<16xi32>
        %and3A_473 = arith.andi %ne3A_467, %ne3A_472 : vector<16xi1>
        %sub3A_474 = arith.constant 1 : i32
        %sub3A_475 = vector.broadcast %sub3A_474 : i32 to vector<16xi32>
        %sub3A_476 = arith.subi %div3A_449, %sub3A_475 : vector<16xi32>
        %select_n3A_477 = arith.select %and3A_473, %sub3A_476, %div3A_449 : vector<16xi1>, vector<16xi32>
        %add3A_478 = arith.constant 0 : i32
        %add3A_479 = vector.broadcast %add3A_478 : i32 to vector<16xi32>
        %add3A_480 = arith.addi %select_n3A_477, %add3A_479 : vector<16xi32>
        %lt3A_481 = arith.constant 0 : i32
        %lt3A_482 = vector.broadcast %lt3A_481 : i32 to vector<16xi32>
        %lt3A_483 = arith.cmpi slt, %add3A_480, %lt3A_482 : vector<16xi32>
        %add3A_484 = arith.constant 16 : i32
        %add3A_485 = vector.broadcast %add3A_484 : i32 to vector<16xi32>
        %add3A_486 = arith.addi %add3A_480, %add3A_485 : vector<16xi32>
        %select_n3A_487 = arith.select %lt3A_483, %add3A_486, %add3A_480 : vector<16xi1>, vector<16xi32>
        %broadcast_in_dim3A_488 = vector.shape_cast %select_n3A_487 : vector<16xi32> to vector<16x1xi32>
        %gather3A_489 = vector.shape_cast %broadcast_in_dim3A_488 : vector<16x1xi32> to vector<16xi32>
        %gather3A_490 = tpu.dynamic_gather %exp3A_443[%gather3A_489] in [0] : vector<16xf32>, vector<16xi32> -> vector<16xf32>
        %get3A_491 = arith.index_cast %add3A_428 : i32 to index
        %get3A_492 = arith.constant 0 : index
        %get3A_493 = tpu.vector_load %arg10[%get3A_491, %get3A_492] {strides = array<i32>} : memref<256x80xf32, #tpu.memory_space<vmem>>, vector<16xf32>,
        %mul3A_494 = arith.mulf %get3A_493, %gather3A_490 : vector<16xf32>
        %swap3A_495 = arith.index_cast %add3A_428 : i32 to index
        %swap3A_496 = arith.constant 0 : index
        %swap3A_497 = tpu.vector_load %arg10[%swap3A_495, %swap3A_496] {strides = array<i32>} : memref<256x80xf32, #tpu.memory_space<vmem>>, vector<16xf32>,
        tpu.vector_store %arg10[%swap3A_495, %swap3A_496], %mul3A_494 {strides = array<i32>} : memref<256x80xf32, #tpu.memory_space<vmem>>, vector<16xf32>,
        %jit3A_498 = arith.constant 8 : i32
        %div3A_499 = vector.broadcast %jit3A_498 : i32 to vector<16xi32>
        %div3A_500 = arith.divsi %iota3A, %div3A_499 : vector<16xi32>
        %sign3A_501 = arith.constant 0 : i32
        %sign3A_502 = vector.broadcast %sign3A_501 : i32 to vector<16xi32>
        %sign3A_503 = arith.cmpi sgt, %iota3A, %sign3A_502 : vector<16xi32>
        %sign3A_504 = arith.extui %sign3A_503 : vector<16xi1> to vector<16xi32>
        %sign3A_505 = arith.constant 0 : i32
        %sign3A_506 = vector.broadcast %sign3A_505 : i32 to vector<16xi32>
        %sign3A_507 = arith.cmpi slt, %iota3A, %sign3A_506 : vector<16xi32>
        %sign3A_508 = arith.extui %sign3A_507 : vector<16xi1> to vector<16xi32>
        %sign3A_509 = arith.subi %sign3A_504, %sign3A_508 : vector<16xi32>
        %sign3A_510 = arith.constant 0 : i32
        %sign3A_511 = arith.cmpi sgt, %jit3A_498, %sign3A_510 : i32
        %sign3A_512 = arith.extui %sign3A_511 : i1 to i32
        %sign3A_513 = arith.constant 0 : i32
        %sign3A_514 = arith.cmpi slt, %jit3A_498, %sign3A_513 : i32
        %sign3A_515 = arith.extui %sign3A_514 : i1 to i32
        %sign3A_516 = arith.subi %sign3A_512, %sign3A_515 : i32
        %ne3A_517 = vector.broadcast %sign3A_516 : i32 to vector<16xi32>
        %ne3A_518 = arith.cmpi ne, %sign3A_509, %ne3A_517 : vector<16xi32>
        %rem3A_519 = vector.broadcast %jit3A_498 : i32 to vector<16xi32>
        %rem3A_520 = arith.remsi %iota3A, %rem3A_519 : vector<16xi32>
        %ne3A_521 = arith.constant 0 : i32
        %ne3A_522 = vector.broadcast %ne3A_521 : i32 to vector<16xi32>
        %ne3A_523 = arith.cmpi ne, %rem3A_520, %ne3A_522 : vector<16xi32>
        %and3A_524 = arith.andi %ne3A_518, %ne3A_523 : vector<16xi1>
        %sub3A_525 = arith.constant 1 : i32
        %sub3A_526 = vector.broadcast %sub3A_525 : i32 to vector<16xi32>
        %sub3A_527 = arith.subi %div3A_500, %sub3A_526 : vector<16xi32>
        %select_n3A_528 = arith.select %and3A_524, %sub3A_527, %div3A_500 : vector<16xi1>, vector<16xi32>
        %add3A_529 = arith.constant 2 : i32
        %add3A_530 = vector.broadcast %add3A_529 : i32 to vector<16xi32>
        %add3A_531 = arith.addi %select_n3A_528, %add3A_530 : vector<16xi32>
        %lt3A_532 = arith.constant 0 : i32
        %lt3A_533 = vector.broadcast %lt3A_532 : i32 to vector<16xi32>
        %lt3A_534 = arith.cmpi slt, %add3A_531, %lt3A_533 : vector<16xi32>
        %add3A_535 = arith.constant 16 : i32
        %add3A_536 = vector.broadcast %add3A_535 : i32 to vector<16xi32>
        %add3A_537 = arith.addi %add3A_531, %add3A_536 : vector<16xi32>
        %select_n3A_538 = arith.select %lt3A_534, %add3A_537, %add3A_531 : vector<16xi1>, vector<16xi32>
        %broadcast_in_dim3A_539 = vector.shape_cast %select_n3A_538 : vector<16xi32> to vector<16x1xi32>
        %gather3A_540 = vector.shape_cast %broadcast_in_dim3A_539 : vector<16x1xi32> to vector<16xi32>
        %gather3A_541 = tpu.dynamic_gather %exp3A_443[%gather3A_540] in [0] : vector<16xf32>, vector<16xi32> -> vector<16xf32>
        %get3A_542 = arith.index_cast %add3A_428 : i32 to index
        %get3A_543 = arith.constant 16 : index
        %get3A_544 = tpu.vector_load %arg10[%get3A_542, %get3A_543] {strides = array<i32>} : memref<256x80xf32, #tpu.memory_space<vmem>>, vector<16xf32>,
        %mul3A_545 = arith.mulf %get3A_544, %gather3A_541 : vector<16xf32>
        %swap3A_546 = arith.index_cast %add3A_428 : i32 to index
        %swap3A_547 = arith.constant 16 : index
        %swap3A_548 = tpu.vector_load %arg10[%swap3A_546, %swap3A_547] {strides = array<i32>} : memref<256x80xf32, #tpu.memory_space<vmem>>, vector<16xf32>,
        tpu.vector_store %arg10[%swap3A_546, %swap3A_547], %mul3A_545 {strides = array<i32>} : memref<256x80xf32, #tpu.memory_space<vmem>>, vector<16xf32>,
        %jit3A_549 = arith.constant 8 : i32
        %div3A_550 = vector.broadcast %jit3A_549 : i32 to vector<16xi32>
        %div3A_551 = arith.divsi %iota3A, %div3A_550 : vector<16xi32>
        %sign3A_552 = arith.constant 0 : i32
        %sign3A_553 = vector.broadcast %sign3A_552 : i32 to vector<16xi32>
        %sign3A_554 = arith.cmpi sgt, %iota3A, %sign3A_553 : vector<16xi32>
        %sign3A_555 = arith.extui %sign3A_554 : vector<16xi1> to vector<16xi32>
        %sign3A_556 = arith.constant 0 : i32
        %sign3A_557 = vector.broadcast %sign3A_556 : i32 to vector<16xi32>
        %sign3A_558 = arith.cmpi slt, %iota3A, %sign3A_557 : vector<16xi32>
        %sign3A_559 = arith.extui %sign3A_558 : vector<16xi1> to vector<16xi32>
        %sign3A_560 = arith.subi %sign3A_555, %sign3A_559 : vector<16xi32>
        %sign3A_561 = arith.constant 0 : i32
        %sign3A_562 = arith.cmpi sgt, %jit3A_549, %sign3A_561 : i32
        %sign3A_563 = arith.extui %sign3A_562 : i1 to i32
        %sign3A_564 = arith.constant 0 : i32
        %sign3A_565 = arith.cmpi slt, %jit3A_549, %sign3A_564 : i32
        %sign3A_566 = arith.extui %sign3A_565 : i1 to i32
        %sign3A_567 = arith.subi %sign3A_563, %sign3A_566 : i32
        %ne3A_568 = vector.broadcast %sign3A_567 : i32 to vector<16xi32>
        %ne3A_569 = arith.cmpi ne, %sign3A_560, %ne3A_568 : vector<16xi32>
        %rem3A_570 = vector.broadcast %jit3A_549 : i32 to vector<16xi32>
        %rem3A_571 = arith.remsi %iota3A, %rem3A_570 : vector<16xi32>
        %ne3A_572 = arith.constant 0 : i32
        %ne3A_573 = vector.broadcast %ne3A_572 : i32 to vector<16xi32>
        %ne3A_574 = arith.cmpi ne, %rem3A_571, %ne3A_573 : vector<16xi32>
        %and3A_575 = arith.andi %ne3A_569, %ne3A_574 : vector<16xi1>
        %sub3A_576 = arith.constant 1 : i32
        %sub3A_577 = vector.broadcast %sub3A_576 : i32 to vector<16xi32>
        %sub3A_578 = arith.subi %div3A_551, %sub3A_577 : vector<16xi32>
        %select_n3A_579 = arith.select %and3A_575, %sub3A_578, %div3A_551 : vector<16xi1>, vector<16xi32>
        %add3A_580 = arith.constant 4 : i32
        %add3A_581 = vector.broadcast %add3A_580 : i32 to vector<16xi32>
        %add3A_582 = arith.addi %select_n3A_579, %add3A_581 : vector<16xi32>
        %lt3A_583 = arith.constant 0 : i32
        %lt3A_584 = vector.broadcast %lt3A_583 : i32 to vector<16xi32>
        %lt3A_585 = arith.cmpi slt, %add3A_582, %lt3A_584 : vector<16xi32>
        %add3A_586 = arith.constant 16 : i32
        %add3A_587 = vector.broadcast %add3A_586 : i32 to vector<16xi32>
        %add3A_588 = arith.addi %add3A_582, %add3A_587 : vector<16xi32>
        %select_n3A_589 = arith.select %lt3A_585, %add3A_588, %add3A_582 : vector<16xi1>, vector<16xi32>
        %broadcast_in_dim3A_590 = vector.shape_cast %select_n3A_589 : vector<16xi32> to vector<16x1xi32>
        %gather3A_591 = vector.shape_cast %broadcast_in_dim3A_590 : vector<16x1xi32> to vector<16xi32>
        %gather3A_592 = tpu.dynamic_gather %exp3A_443[%gather3A_591] in [0] : vector<16xf32>, vector<16xi32> -> vector<16xf32>
        %get3A_593 = arith.index_cast %add3A_428 : i32 to index
        %get3A_594 = arith.constant 32 : index
        %get3A_595 = tpu.vector_load %arg10[%get3A_593, %get3A_594] {strides = array<i32>} : memref<256x80xf32, #tpu.memory_space<vmem>>, vector<16xf32>,
        %mul3A_596 = arith.mulf %get3A_595, %gather3A_592 : vector<16xf32>
        %swap3A_597 = arith.index_cast %add3A_428 : i32 to index
        %swap3A_598 = arith.constant 32 : index
        %swap3A_599 = tpu.vector_load %arg10[%swap3A_597, %swap3A_598] {strides = array<i32>} : memref<256x80xf32, #tpu.memory_space<vmem>>, vector<16xf32>,
        tpu.vector_store %arg10[%swap3A_597, %swap3A_598], %mul3A_596 {strides = array<i32>} : memref<256x80xf32, #tpu.memory_space<vmem>>, vector<16xf32>,
        %jit3A_600 = arith.constant 8 : i32
        %div3A_601 = vector.broadcast %jit3A_600 : i32 to vector<16xi32>
        %div3A_602 = arith.divsi %iota3A, %div3A_601 : vector<16xi32>
        %sign3A_603 = arith.constant 0 : i32
        %sign3A_604 = vector.broadcast %sign3A_603 : i32 to vector<16xi32>
        %sign3A_605 = arith.cmpi sgt, %iota3A, %sign3A_604 : vector<16xi32>
        %sign3A_606 = arith.extui %sign3A_605 : vector<16xi1> to vector<16xi32>
        %sign3A_607 = arith.constant 0 : i32
        %sign3A_608 = vector.broadcast %sign3A_607 : i32 to vector<16xi32>
        %sign3A_609 = arith.cmpi slt, %iota3A, %sign3A_608 : vector<16xi32>
        %sign3A_610 = arith.extui %sign3A_609 : vector<16xi1> to vector<16xi32>
        %sign3A_611 = arith.subi %sign3A_606, %sign3A_610 : vector<16xi32>
        %sign3A_612 = arith.constant 0 : i32
        %sign3A_613 = arith.cmpi sgt, %jit3A_600, %sign3A_612 : i32
        %sign3A_614 = arith.extui %sign3A_613 : i1 to i32
        %sign3A_615 = arith.constant 0 : i32
        %sign3A_616 = arith.cmpi slt, %jit3A_600, %sign3A_615 : i32
        %sign3A_617 = arith.extui %sign3A_616 : i1 to i32
        %sign3A_618 = arith.subi %sign3A_614, %sign3A_617 : i32
        %ne3A_619 = vector.broadcast %sign3A_618 : i32 to vector<16xi32>
        %ne3A_620 = arith.cmpi ne, %sign3A_611, %ne3A_619 : vector<16xi32>
        %rem3A_621 = vector.broadcast %jit3A_600 : i32 to vector<16xi32>
        %rem3A_622 = arith.remsi %iota3A, %rem3A_621 : vector<16xi32>
        %ne3A_623 = arith.constant 0 : i32
        %ne3A_624 = vector.broadcast %ne3A_623 : i32 to vector<16xi32>
        %ne3A_625 = arith.cmpi ne, %rem3A_622, %ne3A_624 : vector<16xi32>
        %and3A_626 = arith.andi %ne3A_620, %ne3A_625 : vector<16xi1>
        %sub3A_627 = arith.constant 1 : i32
        %sub3A_628 = vector.broadcast %sub3A_627 : i32 to vector<16xi32>
        %sub3A_629 = arith.subi %div3A_602, %sub3A_628 : vector<16xi32>
        %select_n3A_630 = arith.select %and3A_626, %sub3A_629, %div3A_602 : vector<16xi1>, vector<16xi32>
        %add3A_631 = arith.constant 6 : i32
        %add3A_632 = vector.broadcast %add3A_631 : i32 to vector<16xi32>
        %add3A_633 = arith.addi %select_n3A_630, %add3A_632 : vector<16xi32>
        %lt3A_634 = arith.constant 0 : i32
        %lt3A_635 = vector.broadcast %lt3A_634 : i32 to vector<16xi32>
        %lt3A_636 = arith.cmpi slt, %add3A_633, %lt3A_635 : vector<16xi32>
        %add3A_637 = arith.constant 16 : i32
        %add3A_638 = vector.broadcast %add3A_637 : i32 to vector<16xi32>
        %add3A_639 = arith.addi %add3A_633, %add3A_638 : vector<16xi32>
        %select_n3A_640 = arith.select %lt3A_636, %add3A_639, %add3A_633 : vector<16xi1>, vector<16xi32>
        %broadcast_in_dim3A_641 = vector.shape_cast %select_n3A_640 : vector<16xi32> to vector<16x1xi32>
        %gather3A_642 = vector.shape_cast %broadcast_in_dim3A_641 : vector<16x1xi32> to vector<16xi32>
        %gather3A_643 = tpu.dynamic_gather %exp3A_443[%gather3A_642] in [0] : vector<16xf32>, vector<16xi32> -> vector<16xf32>
        %get3A_644 = arith.index_cast %add3A_428 : i32 to index
        %get3A_645 = arith.constant 48 : index
        %get3A_646 = tpu.vector_load %arg10[%get3A_644, %get3A_645] {strides = array<i32>} : memref<256x80xf32, #tpu.memory_space<vmem>>, vector<16xf32>,
        %mul3A_647 = arith.mulf %get3A_646, %gather3A_643 : vector<16xf32>
        %swap3A_648 = arith.index_cast %add3A_428 : i32 to index
        %swap3A_649 = arith.constant 48 : index
        %swap3A_650 = tpu.vector_load %arg10[%swap3A_648, %swap3A_649] {strides = array<i32>} : memref<256x80xf32, #tpu.memory_space<vmem>>, vector<16xf32>,
        tpu.vector_store %arg10[%swap3A_648, %swap3A_649], %mul3A_647 {strides = array<i32>} : memref<256x80xf32, #tpu.memory_space<vmem>>, vector<16xf32>,
        %add3A_651 = arith.constant 2 : i32
        %add3A_652 = arith.addi %mul3A_216, %add3A_651 : i32
        %get3A_653 = arith.index_cast %add3A_652 : i32 to index
        %get3A_654 = arith.constant 64 : index
        %get3A_655 = tpu.vector_load %arg10[%get3A_653, %get3A_654] {strides = array<i32>} : memref<256x80xf32, #tpu.memory_space<vmem>>, vector<16xf32>,
        %get3A_656 = arith.index_cast %add3A_652 : i32 to index
        %get3A_657 = arith.constant 0 : index
        %get3A_658 = tpu.vector_load %arg11[%get3A_656, %get3A_657] {strides = array<i32>} : memref<256x16xf32, #tpu.memory_space<vmem>>, vector<16xf32>,
        %add3A_659 = arith.addf %get3A_655, %get3A_658 : vector<16xf32>
        %ge3A_660 = arith.constant 0.000000e+00 : f32
        %ge3A_661 = vector.broadcast %ge3A_660 : f32 to vector<16xf32>
        %ge3A_662 = arith.cmpf oge, %add3A_659, %ge3A_661 : vector<16xf32>
        %mul3A_663 = arith.constant 2.000000e-01 : f32
        %mul3A_664 = vector.broadcast %mul3A_663 : f32 to vector<16xf32>
        %mul3A_665 = arith.mulf %add3A_659, %mul3A_664 : vector<16xf32>
        %select_n3A_666 = arith.select %ge3A_662, %add3A_659, %mul3A_665 : vector<16xi1>, vector<16xf32>
        %exp3A_667 = math.exp %select_n3A_666 : vector<16xf32>
        %swap3A_668 = arith.index_cast %add3A_652 : i32 to index
        %swap3A_669 = arith.constant 64 : index
        %swap3A_670 = tpu.vector_load %arg10[%swap3A_668, %swap3A_669] {strides = array<i32>} : memref<256x80xf32, #tpu.memory_space<vmem>>, vector<16xf32>,
        tpu.vector_store %arg10[%swap3A_668, %swap3A_669], %exp3A_667 {strides = array<i32>} : memref<256x80xf32, #tpu.memory_space<vmem>>, vector<16xf32>,
        %jit3A_671 = arith.constant 8 : i32
        %div3A_672 = vector.broadcast %jit3A_671 : i32 to vector<16xi32>
        %div3A_673 = arith.divsi %iota3A, %div3A_672 : vector<16xi32>
        %sign3A_674 = arith.constant 0 : i32
        %sign3A_675 = vector.broadcast %sign3A_674 : i32 to vector<16xi32>
        %sign3A_676 = arith.cmpi sgt, %iota3A, %sign3A_675 : vector<16xi32>
        %sign3A_677 = arith.extui %sign3A_676 : vector<16xi1> to vector<16xi32>
        %sign3A_678 = arith.constant 0 : i32
        %sign3A_679 = vector.broadcast %sign3A_678 : i32 to vector<16xi32>
        %sign3A_680 = arith.cmpi slt, %iota3A, %sign3A_679 : vector<16xi32>
        %sign3A_681 = arith.extui %sign3A_680 : vector<16xi1> to vector<16xi32>
        %sign3A_682 = arith.subi %sign3A_677, %sign3A_681 : vector<16xi32>
        %sign3A_683 = arith.constant 0 : i32
        %sign3A_684 = arith.cmpi sgt, %jit3A_671, %sign3A_683 : i32
        %sign3A_685 = arith.extui %sign3A_684 : i1 to i32
        %sign3A_686 = arith.constant 0 : i32
        %sign3A_687 = arith.cmpi slt, %jit3A_671, %sign3A_686 : i32
        %sign3A_688 = arith.extui %sign3A_687 : i1 to i32
        %sign3A_689 = arith.subi %sign3A_685, %sign3A_688 : i32
        %ne3A_690 = vector.broadcast %sign3A_689 : i32 to vector<16xi32>
        %ne3A_691 = arith.cmpi ne, %sign3A_682, %ne3A_690 : vector<16xi32>
        %rem3A_692 = vector.broadcast %jit3A_671 : i32 to vector<16xi32>
        %rem3A_693 = arith.remsi %iota3A, %rem3A_692 : vector<16xi32>
        %ne3A_694 = arith.constant 0 : i32
        %ne3A_695 = vector.broadcast %ne3A_694 : i32 to vector<16xi32>
        %ne3A_696 = arith.cmpi ne, %rem3A_693, %ne3A_695 : vector<16xi32>
        %and3A_697 = arith.andi %ne3A_691, %ne3A_696 : vector<16xi1>
        %sub3A_698 = arith.constant 1 : i32
        %sub3A_699 = vector.broadcast %sub3A_698 : i32 to vector<16xi32>
        %sub3A_700 = arith.subi %div3A_673, %sub3A_699 : vector<16xi32>
        %select_n3A_701 = arith.select %and3A_697, %sub3A_700, %div3A_673 : vector<16xi1>, vector<16xi32>
        %add3A_702 = arith.constant 0 : i32
        %add3A_703 = vector.broadcast %add3A_702 : i32 to vector<16xi32>
        %add3A_704 = arith.addi %select_n3A_701, %add3A_703 : vector<16xi32>
        %lt3A_705 = arith.constant 0 : i32
        %lt3A_706 = vector.broadcast %lt3A_705 : i32 to vector<16xi32>
        %lt3A_707 = arith.cmpi slt, %add3A_704, %lt3A_706 : vector<16xi32>
        %add3A_708 = arith.constant 16 : i32
        %add3A_709 = vector.broadcast %add3A_708 : i32 to vector<16xi32>
        %add3A_710 = arith.addi %add3A_704, %add3A_709 : vector<16xi32>
        %select_n3A_711 = arith.select %lt3A_707, %add3A_710, %add3A_704 : vector<16xi1>, vector<16xi32>
        %broadcast_in_dim3A_712 = vector.shape_cast %select_n3A_711 : vector<16xi32> to vector<16x1xi32>
        %gather3A_713 = vector.shape_cast %broadcast_in_dim3A_712 : vector<16x1xi32> to vector<16xi32>
        %gather3A_714 = tpu.dynamic_gather %exp3A_667[%gather3A_713] in [0] : vector<16xf32>, vector<16xi32> -> vector<16xf32>
        %get3A_715 = arith.index_cast %add3A_652 : i32 to index
        %get3A_716 = arith.constant 0 : index
        %get3A_717 = tpu.vector_load %arg10[%get3A_715, %get3A_716] {strides = array<i32>} : memref<256x80xf32, #tpu.memory_space<vmem>>, vector<16xf32>,
        %mul3A_718 = arith.mulf %get3A_717, %gather3A_714 : vector<16xf32>
        %swap3A_719 = arith.index_cast %add3A_652 : i32 to index
        %swap3A_720 = arith.constant 0 : index
        %swap3A_721 = tpu.vector_load %arg10[%swap3A_719, %swap3A_720] {strides = array<i32>} : memref<256x80xf32, #tpu.memory_space<vmem>>, vector<16xf32>,
        tpu.vector_store %arg10[%swap3A_719, %swap3A_720], %mul3A_718 {strides = array<i32>} : memref<256x80xf32, #tpu.memory_space<vmem>>, vector<16xf32>,
        %jit3A_722 = arith.constant 8 : i32
        %div3A_723 = vector.broadcast %jit3A_722 : i32 to vector<16xi32>
        %div3A_724 = arith.divsi %iota3A, %div3A_723 : vector<16xi32>
        %sign3A_725 = arith.constant 0 : i32
        %sign3A_726 = vector.broadcast %sign3A_725 : i32 to vector<16xi32>
        %sign3A_727 = arith.cmpi sgt, %iota3A, %sign3A_726 : vector<16xi32>
        %sign3A_728 = arith.extui %sign3A_727 : vector<16xi1> to vector<16xi32>
        %sign3A_729 = arith.constant 0 : i32
        %sign3A_730 = vector.broadcast %sign3A_729 : i32 to vector<16xi32>
        %sign3A_731 = arith.cmpi slt, %iota3A, %sign3A_730 : vector<16xi32>
        %sign3A_732 = arith.extui %sign3A_731 : vector<16xi1> to vector<16xi32>
        %sign3A_733 = arith.subi %sign3A_728, %sign3A_732 : vector<16xi32>
        %sign3A_734 = arith.constant 0 : i32
        %sign3A_735 = arith.cmpi sgt, %jit3A_722, %sign3A_734 : i32
        %sign3A_736 = arith.extui %sign3A_735 : i1 to i32
        %sign3A_737 = arith.constant 0 : i32
        %sign3A_738 = arith.cmpi slt, %jit3A_722, %sign3A_737 : i32
        %sign3A_739 = arith.extui %sign3A_738 : i1 to i32
        %sign3A_740 = arith.subi %sign3A_736, %sign3A_739 : i32
        %ne3A_741 = vector.broadcast %sign3A_740 : i32 to vector<16xi32>
        %ne3A_742 = arith.cmpi ne, %sign3A_733, %ne3A_741 : vector<16xi32>
        %rem3A_743 = vector.broadcast %jit3A_722 : i32 to vector<16xi32>
        %rem3A_744 = arith.remsi %iota3A, %rem3A_743 : vector<16xi32>
        %ne3A_745 = arith.constant 0 : i32
        %ne3A_746 = vector.broadcast %ne3A_745 : i32 to vector<16xi32>
        %ne3A_747 = arith.cmpi ne, %rem3A_744, %ne3A_746 : vector<16xi32>
        %and3A_748 = arith.andi %ne3A_742, %ne3A_747 : vector<16xi1>
        %sub3A_749 = arith.constant 1 : i32
        %sub3A_750 = vector.broadcast %sub3A_749 : i32 to vector<16xi32>
        %sub3A_751 = arith.subi %div3A_724, %sub3A_750 : vector<16xi32>
        %select_n3A_752 = arith.select %and3A_748, %sub3A_751, %div3A_724 : vector<16xi1>, vector<16xi32>
        %add3A_753 = arith.constant 2 : i32
        %add3A_754 = vector.broadcast %add3A_753 : i32 to vector<16xi32>
        %add3A_755 = arith.addi %select_n3A_752, %add3A_754 : vector<16xi32>
        %lt3A_756 = arith.constant 0 : i32
        %lt3A_757 = vector.broadcast %lt3A_756 : i32 to vector<16xi32>
        %lt3A_758 = arith.cmpi slt, %add3A_755, %lt3A_757 : vector<16xi32>
        %add3A_759 = arith.constant 16 : i32
        %add3A_760 = vector.broadcast %add3A_759 : i32 to vector<16xi32>
        %add3A_761 = arith.addi %add3A_755, %add3A_760 : vector<16xi32>
        %select_n3A_762 = arith.select %lt3A_758, %add3A_761, %add3A_755 : vector<16xi1>, vector<16xi32>
        %broadcast_in_dim3A_763 = vector.shape_cast %select_n3A_762 : vector<16xi32> to vector<16x1xi32>
        %gather3A_764 = vector.shape_cast %broadcast_in_dim3A_763 : vector<16x1xi32> to vector<16xi32>
        %gather3A_765 = tpu.dynamic_gather %exp3A_667[%gather3A_764] in [0] : vector<16xf32>, vector<16xi32> -> vector<16xf32>
        %get3A_766 = arith.index_cast %add3A_652 : i32 to index
        %get3A_767 = arith.constant 16 : index
        %get3A_768 = tpu.vector_load %arg10[%get3A_766, %get3A_767] {strides = array<i32>} : memref<256x80xf32, #tpu.memory_space<vmem>>, vector<16xf32>,
        %mul3A_769 = arith.mulf %get3A_768, %gather3A_765 : vector<16xf32>
        %swap3A_770 = arith.index_cast %add3A_652 : i32 to index
        %swap3A_771 = arith.constant 16 : index
        %swap3A_772 = tpu.vector_load %arg10[%swap3A_770, %swap3A_771] {strides = array<i32>} : memref<256x80xf32, #tpu.memory_space<vmem>>, vector<16xf32>,
        tpu.vector_store %arg10[%swap3A_770, %swap3A_771], %mul3A_769 {strides = array<i32>} : memref<256x80xf32, #tpu.memory_space<vmem>>, vector<16xf32>,
        %jit3A_773 = arith.constant 8 : i32
        %div3A_774 = vector.broadcast %jit3A_773 : i32 to vector<16xi32>
        %div3A_775 = arith.divsi %iota3A, %div3A_774 : vector<16xi32>
        %sign3A_776 = arith.constant 0 : i32
        %sign3A_777 = vector.broadcast %sign3A_776 : i32 to vector<16xi32>
        %sign3A_778 = arith.cmpi sgt, %iota3A, %sign3A_777 : vector<16xi32>
        %sign3A_779 = arith.extui %sign3A_778 : vector<16xi1> to vector<16xi32>
        %sign3A_780 = arith.constant 0 : i32
        %sign3A_781 = vector.broadcast %sign3A_780 : i32 to vector<16xi32>
        %sign3A_782 = arith.cmpi slt, %iota3A, %sign3A_781 : vector<16xi32>
        %sign3A_783 = arith.extui %sign3A_782 : vector<16xi1> to vector<16xi32>
        %sign3A_784 = arith.subi %sign3A_779, %sign3A_783 : vector<16xi32>
        %sign3A_785 = arith.constant 0 : i32
        %sign3A_786 = arith.cmpi sgt, %jit3A_773, %sign3A_785 : i32
        %sign3A_787 = arith.extui %sign3A_786 : i1 to i32
        %sign3A_788 = arith.constant 0 : i32
        %sign3A_789 = arith.cmpi slt, %jit3A_773, %sign3A_788 : i32
        %sign3A_790 = arith.extui %sign3A_789 : i1 to i32
        %sign3A_791 = arith.subi %sign3A_787, %sign3A_790 : i32
        %ne3A_792 = vector.broadcast %sign3A_791 : i32 to vector<16xi32>
        %ne3A_793 = arith.cmpi ne, %sign3A_784, %ne3A_792 : vector<16xi32>
        %rem3A_794 = vector.broadcast %jit3A_773 : i32 to vector<16xi32>
        %rem3A_795 = arith.remsi %iota3A, %rem3A_794 : vector<16xi32>
        %ne3A_796 = arith.constant 0 : i32
        %ne3A_797 = vector.broadcast %ne3A_796 : i32 to vector<16xi32>
        %ne3A_798 = arith.cmpi ne, %rem3A_795, %ne3A_797 : vector<16xi32>
        %and3A_799 = arith.andi %ne3A_793, %ne3A_798 : vector<16xi1>
        %sub3A_800 = arith.constant 1 : i32
        %sub3A_801 = vector.broadcast %sub3A_800 : i32 to vector<16xi32>
        %sub3A_802 = arith.subi %div3A_775, %sub3A_801 : vector<16xi32>
        %select_n3A_803 = arith.select %and3A_799, %sub3A_802, %div3A_775 : vector<16xi1>, vector<16xi32>
        %add3A_804 = arith.constant 4 : i32
        %add3A_805 = vector.broadcast %add3A_804 : i32 to vector<16xi32>
        %add3A_806 = arith.addi %select_n3A_803, %add3A_805 : vector<16xi32>
        %lt3A_807 = arith.constant 0 : i32
        %lt3A_808 = vector.broadcast %lt3A_807 : i32 to vector<16xi32>
        %lt3A_809 = arith.cmpi slt, %add3A_806, %lt3A_808 : vector<16xi32>
        %add3A_810 = arith.constant 16 : i32
        %add3A_811 = vector.broadcast %add3A_810 : i32 to vector<16xi32>
        %add3A_812 = arith.addi %add3A_806, %add3A_811 : vector<16xi32>
        %select_n3A_813 = arith.select %lt3A_809, %add3A_812, %add3A_806 : vector<16xi1>, vector<16xi32>
        %broadcast_in_dim3A_814 = vector.shape_cast %select_n3A_813 : vector<16xi32> to vector<16x1xi32>
        %gather3A_815 = vector.shape_cast %broadcast_in_dim3A_814 : vector<16x1xi32> to vector<16xi32>
        %gather3A_816 = tpu.dynamic_gather %exp3A_667[%gather3A_815] in [0] : vector<16xf32>, vector<16xi32> -> vector<16xf32>
        %get3A_817 = arith.index_cast %add3A_652 : i32 to index
        %get3A_818 = arith.constant 32 : index
        %get3A_819 = tpu.vector_load %arg10[%get3A_817, %get3A_818] {strides = array<i32>} : memref<256x80xf32, #tpu.memory_space<vmem>>, vector<16xf32>,
        %mul3A_820 = arith.mulf %get3A_819, %gather3A_816 : vector<16xf32>
        %swap3A_821 = arith.index_cast %add3A_652 : i32 to index
        %swap3A_822 = arith.constant 32 : index
        %swap3A_823 = tpu.vector_load %arg10[%swap3A_821, %swap3A_822] {strides = array<i32>} : memref<256x80xf32, #tpu.memory_space<vmem>>, vector<16xf32>,
        tpu.vector_store %arg10[%swap3A_821, %swap3A_822], %mul3A_820 {strides = array<i32>} : memref<256x80xf32, #tpu.memory_space<vmem>>, vector<16xf32>,
        %jit3A_824 = arith.constant 8 : i32
        %div3A_825 = vector.broadcast %jit3A_824 : i32 to vector<16xi32>
        %div3A_826 = arith.divsi %iota3A, %div3A_825 : vector<16xi32>
        %sign3A_827 = arith.constant 0 : i32
        %sign3A_828 = vector.broadcast %sign3A_827 : i32 to vector<16xi32>
        %sign3A_829 = arith.cmpi sgt, %iota3A, %sign3A_828 : vector<16xi32>
        %sign3A_830 = arith.extui %sign3A_829 : vector<16xi1> to vector<16xi32>
        %sign3A_831 = arith.constant 0 : i32
        %sign3A_832 = vector.broadcast %sign3A_831 : i32 to vector<16xi32>
        %sign3A_833 = arith.cmpi slt, %iota3A, %sign3A_832 : vector<16xi32>
        %sign3A_834 = arith.extui %sign3A_833 : vector<16xi1> to vector<16xi32>
        %sign3A_835 = arith.subi %sign3A_830, %sign3A_834 : vector<16xi32>
        %sign3A_836 = arith.constant 0 : i32
        %sign3A_837 = arith.cmpi sgt, %jit3A_824, %sign3A_836 : i32
        %sign3A_838 = arith.extui %sign3A_837 : i1 to i32
        %sign3A_839 = arith.constant 0 : i32
        %sign3A_840 = arith.cmpi slt, %jit3A_824, %sign3A_839 : i32
        %sign3A_841 = arith.extui %sign3A_840 : i1 to i32
        %sign3A_842 = arith.subi %sign3A_838, %sign3A_841 : i32
        %ne3A_843 = vector.broadcast %sign3A_842 : i32 to vector<16xi32>
        %ne3A_844 = arith.cmpi ne, %sign3A_835, %ne3A_843 : vector<16xi32>
        %rem3A_845 = vector.broadcast %jit3A_824 : i32 to vector<16xi32>
        %rem3A_846 = arith.remsi %iota3A, %rem3A_845 : vector<16xi32>
        %ne3A_847 = arith.constant 0 : i32
        %ne3A_848 = vector.broadcast %ne3A_847 : i32 to vector<16xi32>
        %ne3A_849 = arith.cmpi ne, %rem3A_846, %ne3A_848 : vector<16xi32>
        %and3A_850 = arith.andi %ne3A_844, %ne3A_849 : vector<16xi1>
        %sub3A_851 = arith.constant 1 : i32
        %sub3A_852 = vector.broadcast %sub3A_851 : i32 to vector<16xi32>
        %sub3A_853 = arith.subi %div3A_826, %sub3A_852 : vector<16xi32>
        %select_n3A_854 = arith.select %and3A_850, %sub3A_853, %div3A_826 : vector<16xi1>, vector<16xi32>
        %add3A_855 = arith.constant 6 : i32
        %add3A_856 = vector.broadcast %add3A_855 : i32 to vector<16xi32>
        %add3A_857 = arith.addi %select_n3A_854, %add3A_856 : vector<16xi32>
        %lt3A_858 = arith.constant 0 : i32
        %lt3A_859 = vector.broadcast %lt3A_858 : i32 to vector<16xi32>
        %lt3A_860 = arith.cmpi slt, %add3A_857, %lt3A_859 : vector<16xi32>
        %add3A_861 = arith.constant 16 : i32
        %add3A_862 = vector.broadcast %add3A_861 : i32 to vector<16xi32>
        %add3A_863 = arith.addi %add3A_857, %add3A_862 : vector<16xi32>
        %select_n3A_864 = arith.select %lt3A_860, %add3A_863, %add3A_857 : vector<16xi1>, vector<16xi32>
        %broadcast_in_dim3A_865 = vector.shape_cast %select_n3A_864 : vector<16xi32> to vector<16x1xi32>
        %gather3A_866 = vector.shape_cast %broadcast_in_dim3A_865 : vector<16x1xi32> to vector<16xi32>
        %gather3A_867 = tpu.dynamic_gather %exp3A_667[%gather3A_866] in [0] : vector<16xf32>, vector<16xi32> -> vector<16xf32>
        %get3A_868 = arith.index_cast %add3A_652 : i32 to index
        %get3A_869 = arith.constant 48 : index
        %get3A_870 = tpu.vector_load %arg10[%get3A_868, %get3A_869] {strides = array<i32>} : memref<256x80xf32, #tpu.memory_space<vmem>>, vector<16xf32>,
        %mul3A_871 = arith.mulf %get3A_870, %gather3A_867 : vector<16xf32>
        %swap3A_872 = arith.index_cast %add3A_652 : i32 to index
        %swap3A_873 = arith.constant 48 : index
        %swap3A_874 = tpu.vector_load %arg10[%swap3A_872, %swap3A_873] {strides = array<i32>} : memref<256x80xf32, #tpu.memory_space<vmem>>, vector<16xf32>,
        tpu.vector_store %arg10[%swap3A_872, %swap3A_873], %mul3A_871 {strides = array<i32>} : memref<256x80xf32, #tpu.memory_space<vmem>>, vector<16xf32>,
        %add3A_875 = arith.constant 3 : i32
        %add3A_876 = arith.addi %mul3A_216, %add3A_875 : i32
        %get3A_877 = arith.index_cast %add3A_876 : i32 to index
        %get3A_878 = arith.constant 64 : index
        %get3A_879 = tpu.vector_load %arg10[%get3A_877, %get3A_878] {strides = array<i32>} : memref<256x80xf32, #tpu.memory_space<vmem>>, vector<16xf32>,
        %get3A_880 = arith.index_cast %add3A_876 : i32 to index
        %get3A_881 = arith.constant 0 : index
        %get3A_882 = tpu.vector_load %arg11[%get3A_880, %get3A_881] {strides = array<i32>} : memref<256x16xf32, #tpu.memory_space<vmem>>, vector<16xf32>,
        %add3A_883 = arith.addf %get3A_879, %get3A_882 : vector<16xf32>
        %ge3A_884 = arith.constant 0.000000e+00 : f32
        %ge3A_885 = vector.broadcast %ge3A_884 : f32 to vector<16xf32>
        %ge3A_886 = arith.cmpf oge, %add3A_883, %ge3A_885 : vector<16xf32>
        %mul3A_887 = arith.constant 2.000000e-01 : f32
        %mul3A_888 = vector.broadcast %mul3A_887 : f32 to vector<16xf32>
        %mul3A_889 = arith.mulf %add3A_883, %mul3A_888 : vector<16xf32>
        %select_n3A_890 = arith.select %ge3A_886, %add3A_883, %mul3A_889 : vector<16xi1>, vector<16xf32>
        %exp3A_891 = math.exp %select_n3A_890 : vector<16xf32>
        %swap3A_892 = arith.index_cast %add3A_876 : i32 to index
        %swap3A_893 = arith.constant 64 : index
        %swap3A_894 = tpu.vector_load %arg10[%swap3A_892, %swap3A_893] {strides = array<i32>} : memref<256x80xf32, #tpu.memory_space<vmem>>, vector<16xf32>,
        tpu.vector_store %arg10[%swap3A_892, %swap3A_893], %exp3A_891 {strides = array<i32>} : memref<256x80xf32, #tpu.memory_space<vmem>>, vector<16xf32>,
        %jit3A_895 = arith.constant 8 : i32
        %div3A_896 = vector.broadcast %jit3A_895 : i32 to vector<16xi32>
        %div3A_897 = arith.divsi %iota3A, %div3A_896 : vector<16xi32>
        %sign3A_898 = arith.constant 0 : i32
        %sign3A_899 = vector.broadcast %sign3A_898 : i32 to vector<16xi32>
        %sign3A_900 = arith.cmpi sgt, %iota3A, %sign3A_899 : vector<16xi32>
        %sign3A_901 = arith.extui %sign3A_900 : vector<16xi1> to vector<16xi32>
        %sign3A_902 = arith.constant 0 : i32
        %sign3A_903 = vector.broadcast %sign3A_902 : i32 to vector<16xi32>
        %sign3A_904 = arith.cmpi slt, %iota3A, %sign3A_903 : vector<16xi32>
        %sign3A_905 = arith.extui %sign3A_904 : vector<16xi1> to vector<16xi32>
        %sign3A_906 = arith.subi %sign3A_901, %sign3A_905 : vector<16xi32>
        %sign3A_907 = arith.constant 0 : i32
        %sign3A_908 = arith.cmpi sgt, %jit3A_895, %sign3A_907 : i32
        %sign3A_909 = arith.extui %sign3A_908 : i1 to i32
        %sign3A_910 = arith.constant 0 : i32
        %sign3A_911 = arith.cmpi slt, %jit3A_895, %sign3A_910 : i32
        %sign3A_912 = arith.extui %sign3A_911 : i1 to i32
        %sign3A_913 = arith.subi %sign3A_909, %sign3A_912 : i32
        %ne3A_914 = vector.broadcast %sign3A_913 : i32 to vector<16xi32>
        %ne3A_915 = arith.cmpi ne, %sign3A_906, %ne3A_914 : vector<16xi32>
        %rem3A_916 = vector.broadcast %jit3A_895 : i32 to vector<16xi32>
        %rem3A_917 = arith.remsi %iota3A, %rem3A_916 : vector<16xi32>
        %ne3A_918 = arith.constant 0 : i32
        %ne3A_919 = vector.broadcast %ne3A_918 : i32 to vector<16xi32>
        %ne3A_920 = arith.cmpi ne, %rem3A_917, %ne3A_919 : vector<16xi32>
        %and3A_921 = arith.andi %ne3A_915, %ne3A_920 : vector<16xi1>
        %sub3A_922 = arith.constant 1 : i32
        %sub3A_923 = vector.broadcast %sub3A_922 : i32 to vector<16xi32>
        %sub3A_924 = arith.subi %div3A_897, %sub3A_923 : vector<16xi32>
        %select_n3A_925 = arith.select %and3A_921, %sub3A_924, %div3A_897 : vector<16xi1>, vector<16xi32>
        %add3A_926 = arith.constant 0 : i32
        %add3A_927 = vector.broadcast %add3A_926 : i32 to vector<16xi32>
        %add3A_928 = arith.addi %select_n3A_925, %add3A_927 : vector<16xi32>
        %lt3A_929 = arith.constant 0 : i32
        %lt3A_930 = vector.broadcast %lt3A_929 : i32 to vector<16xi32>
        %lt3A_931 = arith.cmpi slt, %add3A_928, %lt3A_930 : vector<16xi32>
        %add3A_932 = arith.constant 16 : i32
        %add3A_933 = vector.broadcast %add3A_932 : i32 to vector<16xi32>
        %add3A_934 = arith.addi %add3A_928, %add3A_933 : vector<16xi32>
        %select_n3A_935 = arith.select %lt3A_931, %add3A_934, %add3A_928 : vector<16xi1>, vector<16xi32>
        %broadcast_in_dim3A_936 = vector.shape_cast %select_n3A_935 : vector<16xi32> to vector<16x1xi32>
        %gather3A_937 = vector.shape_cast %broadcast_in_dim3A_936 : vector<16x1xi32> to vector<16xi32>
        %gather3A_938 = tpu.dynamic_gather %exp3A_891[%gather3A_937] in [0] : vector<16xf32>, vector<16xi32> -> vector<16xf32>
        %get3A_939 = arith.index_cast %add3A_876 : i32 to index
        %get3A_940 = arith.constant 0 : index
        %get3A_941 = tpu.vector_load %arg10[%get3A_939, %get3A_940] {strides = array<i32>} : memref<256x80xf32, #tpu.memory_space<vmem>>, vector<16xf32>,
        %mul3A_942 = arith.mulf %get3A_941, %gather3A_938 : vector<16xf32>
        %swap3A_943 = arith.index_cast %add3A_876 : i32 to index
        %swap3A_944 = arith.constant 0 : index
        %swap3A_945 = tpu.vector_load %arg10[%swap3A_943, %swap3A_944] {strides = array<i32>} : memref<256x80xf32, #tpu.memory_space<vmem>>, vector<16xf32>,
        tpu.vector_store %arg10[%swap3A_943, %swap3A_944], %mul3A_942 {strides = array<i32>} : memref<256x80xf32, #tpu.memory_space<vmem>>, vector<16xf32>,
        %jit3A_946 = arith.constant 8 : i32
        %div3A_947 = vector.broadcast %jit3A_946 : i32 to vector<16xi32>
        %div3A_948 = arith.divsi %iota3A, %div3A_947 : vector<16xi32>
        %sign3A_949 = arith.constant 0 : i32
        %sign3A_950 = vector.broadcast %sign3A_949 : i32 to vector<16xi32>
        %sign3A_951 = arith.cmpi sgt, %iota3A, %sign3A_950 : vector<16xi32>
        %sign3A_952 = arith.extui %sign3A_951 : vector<16xi1> to vector<16xi32>
        %sign3A_953 = arith.constant 0 : i32
        %sign3A_954 = vector.broadcast %sign3A_953 : i32 to vector<16xi32>
        %sign3A_955 = arith.cmpi slt, %iota3A, %sign3A_954 : vector<16xi32>
        %sign3A_956 = arith.extui %sign3A_955 : vector<16xi1> to vector<16xi32>
        %sign3A_957 = arith.subi %sign3A_952, %sign3A_956 : vector<16xi32>
        %sign3A_958 = arith.constant 0 : i32
        %sign3A_959 = arith.cmpi sgt, %jit3A_946, %sign3A_958 : i32
        %sign3A_960 = arith.extui %sign3A_959 : i1 to i32
        %sign3A_961 = arith.constant 0 : i32
        %sign3A_962 = arith.cmpi slt, %jit3A_946, %sign3A_961 : i32
        %sign3A_963 = arith.extui %sign3A_962 : i1 to i32
        %sign3A_964 = arith.subi %sign3A_960, %sign3A_963 : i32
        %ne3A_965 = vector.broadcast %sign3A_964 : i32 to vector<16xi32>
        %ne3A_966 = arith.cmpi ne, %sign3A_957, %ne3A_965 : vector<16xi32>
        %rem3A_967 = vector.broadcast %jit3A_946 : i32 to vector<16xi32>
        %rem3A_968 = arith.remsi %iota3A, %rem3A_967 : vector<16xi32>
        %ne3A_969 = arith.constant 0 : i32
        %ne3A_970 = vector.broadcast %ne3A_969 : i32 to vector<16xi32>
        %ne3A_971 = arith.cmpi ne, %rem3A_968, %ne3A_970 : vector<16xi32>
        %and3A_972 = arith.andi %ne3A_966, %ne3A_971 : vector<16xi1>
        %sub3A_973 = arith.constant 1 : i32
        %sub3A_974 = vector.broadcast %sub3A_973 : i32 to vector<16xi32>
        %sub3A_975 = arith.subi %div3A_948, %sub3A_974 : vector<16xi32>
        %select_n3A_976 = arith.select %and3A_972, %sub3A_975, %div3A_948 : vector<16xi1>, vector<16xi32>
        %add3A_977 = arith.constant 2 : i32
        %add3A_978 = vector.broadcast %add3A_977 : i32 to vector<16xi32>
        %add3A_979 = arith.addi %select_n3A_976, %add3A_978 : vector<16xi32>
        %lt3A_980 = arith.constant 0 : i32
        %lt3A_981 = vector.broadcast %lt3A_980 : i32 to vector<16xi32>
        %lt3A_982 = arith.cmpi slt, %add3A_979, %lt3A_981 : vector<16xi32>
        %add3A_983 = arith.constant 16 : i32
        %add3A_984 = vector.broadcast %add3A_983 : i32 to vector<16xi32>
        %add3A_985 = arith.addi %add3A_979, %add3A_984 : vector<16xi32>
        %select_n3A_986 = arith.select %lt3A_982, %add3A_985, %add3A_979 : vector<16xi1>, vector<16xi32>
        %broadcast_in_dim3A_987 = vector.shape_cast %select_n3A_986 : vector<16xi32> to vector<16x1xi32>
        %gather3A_988 = vector.shape_cast %broadcast_in_dim3A_987 : vector<16x1xi32> to vector<16xi32>
        %gather3A_989 = tpu.dynamic_gather %exp3A_891[%gather3A_988] in [0] : vector<16xf32>, vector<16xi32> -> vector<16xf32>
        %get3A_990 = arith.index_cast %add3A_876 : i32 to index
        %get3A_991 = arith.constant 16 : index
        %get3A_992 = tpu.vector_load %arg10[%get3A_990, %get3A_991] {strides = array<i32>} : memref<256x80xf32, #tpu.memory_space<vmem>>, vector<16xf32>,
        %mul3A_993 = arith.mulf %get3A_992, %gather3A_989 : vector<16xf32>
        %swap3A_994 = arith.index_cast %add3A_876 : i32 to index
        %swap3A_995 = arith.constant 16 : index
        %swap3A_996 = tpu.vector_load %arg10[%swap3A_994, %swap3A_995] {strides = array<i32>} : memref<256x80xf32, #tpu.memory_space<vmem>>, vector<16xf32>,
        tpu.vector_store %arg10[%swap3A_994, %swap3A_995], %mul3A_993 {strides = array<i32>} : memref<256x80xf32, #tpu.memory_space<vmem>>, vector<16xf32>,
        %jit3A_997 = arith.constant 8 : i32
        %div3A_998 = vector.broadcast %jit3A_997 : i32 to vector<16xi32>
        %div3A_999 = arith.divsi %iota3A, %div3A_998 : vector<16xi32>
        %sign3A_1000 = arith.constant 0 : i32
        %sign3A_1001 = vector.broadcast %sign3A_1000 : i32 to vector<16xi32>
        %sign3A_1002 = arith.cmpi sgt, %iota3A, %sign3A_1001 : vector<16xi32>
        %sign3A_1003 = arith.extui %sign3A_1002 : vector<16xi1> to vector<16xi32>
        %sign3A_1004 = arith.constant 0 : i32
        %sign3A_1005 = vector.broadcast %sign3A_1004 : i32 to vector<16xi32>
        %sign3A_1006 = arith.cmpi slt, %iota3A, %sign3A_1005 : vector<16xi32>
        %sign3A_1007 = arith.extui %sign3A_1006 : vector<16xi1> to vector<16xi32>
        %sign3A_1008 = arith.subi %sign3A_1003, %sign3A_1007 : vector<16xi32>
        %sign3A_1009 = arith.constant 0 : i32
        %sign3A_1010 = arith.cmpi sgt, %jit3A_997, %sign3A_1009 : i32
        %sign3A_1011 = arith.extui %sign3A_1010 : i1 to i32
        %sign3A_1012 = arith.constant 0 : i32
        %sign3A_1013 = arith.cmpi slt, %jit3A_997, %sign3A_1012 : i32
        %sign3A_1014 = arith.extui %sign3A_1013 : i1 to i32
        %sign3A_1015 = arith.subi %sign3A_1011, %sign3A_1014 : i32
        %ne3A_1016 = vector.broadcast %sign3A_1015 : i32 to vector<16xi32>
        %ne3A_1017 = arith.cmpi ne, %sign3A_1008, %ne3A_1016 : vector<16xi32>
        %rem3A_1018 = vector.broadcast %jit3A_997 : i32 to vector<16xi32>
        %rem3A_1019 = arith.remsi %iota3A, %rem3A_1018 : vector<16xi32>
        %ne3A_1020 = arith.constant 0 : i32
        %ne3A_1021 = vector.broadcast %ne3A_1020 : i32 to vector<16xi32>
        %ne3A_1022 = arith.cmpi ne, %rem3A_1019, %ne3A_1021 : vector<16xi32>
        %and3A_1023 = arith.andi %ne3A_1017, %ne3A_1022 : vector<16xi1>
        %sub3A_1024 = arith.constant 1 : i32
        %sub3A_1025 = vector.broadcast %sub3A_1024 : i32 to vector<16xi32>
        %sub3A_1026 = arith.subi %div3A_999, %sub3A_1025 : vector<16xi32>
        %select_n3A_1027 = arith.select %and3A_1023, %sub3A_1026, %div3A_999 : vector<16xi1>, vector<16xi32>
        %add3A_1028 = arith.constant 4 : i32
        %add3A_1029 = vector.broadcast %add3A_1028 : i32 to vector<16xi32>
        %add3A_1030 = arith.addi %select_n3A_1027, %add3A_1029 : vector<16xi32>
        %lt3A_1031 = arith.constant 0 : i32
        %lt3A_1032 = vector.broadcast %lt3A_1031 : i32 to vector<16xi32>
        %lt3A_1033 = arith.cmpi slt, %add3A_1030, %lt3A_1032 : vector<16xi32>
        %add3A_1034 = arith.constant 16 : i32
        %add3A_1035 = vector.broadcast %add3A_1034 : i32 to vector<16xi32>
        %add3A_1036 = arith.addi %add3A_1030, %add3A_1035 : vector<16xi32>
        %select_n3A_1037 = arith.select %lt3A_1033, %add3A_1036, %add3A_1030 : vector<16xi1>, vector<16xi32>
        %broadcast_in_dim3A_1038 = vector.shape_cast %select_n3A_1037 : vector<16xi32> to vector<16x1xi32>
        %gather3A_1039 = vector.shape_cast %broadcast_in_dim3A_1038 : vector<16x1xi32> to vector<16xi32>
        %gather3A_1040 = tpu.dynamic_gather %exp3A_891[%gather3A_1039] in [0] : vector<16xf32>, vector<16xi32> -> vector<16xf32>
        %get3A_1041 = arith.index_cast %add3A_876 : i32 to index
        %get3A_1042 = arith.constant 32 : index
        %get3A_1043 = tpu.vector_load %arg10[%get3A_1041, %get3A_1042] {strides = array<i32>} : memref<256x80xf32, #tpu.memory_space<vmem>>, vector<16xf32>,
        %mul3A_1044 = arith.mulf %get3A_1043, %gather3A_1040 : vector<16xf32>
        %swap3A_1045 = arith.index_cast %add3A_876 : i32 to index
        %swap3A_1046 = arith.constant 32 : index
        %swap3A_1047 = tpu.vector_load %arg10[%swap3A_1045, %swap3A_1046] {strides = array<i32>} : memref<256x80xf32, #tpu.memory_space<vmem>>, vector<16xf32>,
        tpu.vector_store %arg10[%swap3A_1045, %swap3A_1046], %mul3A_1044 {strides = array<i32>} : memref<256x80xf32, #tpu.memory_space<vmem>>, vector<16xf32>,
        %jit3A_1048 = arith.constant 8 : i32
        %div3A_1049 = vector.broadcast %jit3A_1048 : i32 to vector<16xi32>
        %div3A_1050 = arith.divsi %iota3A, %div3A_1049 : vector<16xi32>
        %sign3A_1051 = arith.constant 0 : i32
        %sign3A_1052 = vector.broadcast %sign3A_1051 : i32 to vector<16xi32>
        %sign3A_1053 = arith.cmpi sgt, %iota3A, %sign3A_1052 : vector<16xi32>
        %sign3A_1054 = arith.extui %sign3A_1053 : vector<16xi1> to vector<16xi32>
        %sign3A_1055 = arith.constant 0 : i32
        %sign3A_1056 = vector.broadcast %sign3A_1055 : i32 to vector<16xi32>
        %sign3A_1057 = arith.cmpi slt, %iota3A, %sign3A_1056 : vector<16xi32>
        %sign3A_1058 = arith.extui %sign3A_1057 : vector<16xi1> to vector<16xi32>
        %sign3A_1059 = arith.subi %sign3A_1054, %sign3A_1058 : vector<16xi32>
        %sign3A_1060 = arith.constant 0 : i32
        %sign3A_1061 = arith.cmpi sgt, %jit3A_1048, %sign3A_1060 : i32
        %sign3A_1062 = arith.extui %sign3A_1061 : i1 to i32
        %sign3A_1063 = arith.constant 0 : i32
        %sign3A_1064 = arith.cmpi slt, %jit3A_1048, %sign3A_1063 : i32
        %sign3A_1065 = arith.extui %sign3A_1064 : i1 to i32
        %sign3A_1066 = arith.subi %sign3A_1062, %sign3A_1065 : i32
        %ne3A_1067 = vector.broadcast %sign3A_1066 : i32 to vector<16xi32>
        %ne3A_1068 = arith.cmpi ne, %sign3A_1059, %ne3A_1067 : vector<16xi32>
        %rem3A_1069 = vector.broadcast %jit3A_1048 : i32 to vector<16xi32>
        %rem3A_1070 = arith.remsi %iota3A, %rem3A_1069 : vector<16xi32>
        %ne3A_1071 = arith.constant 0 : i32
        %ne3A_1072 = vector.broadcast %ne3A_1071 : i32 to vector<16xi32>
        %ne3A_1073 = arith.cmpi ne, %rem3A_1070, %ne3A_1072 : vector<16xi32>
        %and3A_1074 = arith.andi %ne3A_1068, %ne3A_1073 : vector<16xi1>
        %sub3A_1075 = arith.constant 1 : i32
        %sub3A_1076 = vector.broadcast %sub3A_1075 : i32 to vector<16xi32>
        %sub3A_1077 = arith.subi %div3A_1050, %sub3A_1076 : vector<16xi32>
        %select_n3A_1078 = arith.select %and3A_1074, %sub3A_1077, %div3A_1050 : vector<16xi1>, vector<16xi32>
        %add3A_1079 = arith.constant 6 : i32
        %add3A_1080 = vector.broadcast %add3A_1079 : i32 to vector<16xi32>
        %add3A_1081 = arith.addi %select_n3A_1078, %add3A_1080 : vector<16xi32>
        %lt3A_1082 = arith.constant 0 : i32
        %lt3A_1083 = vector.broadcast %lt3A_1082 : i32 to vector<16xi32>
        %lt3A_1084 = arith.cmpi slt, %add3A_1081, %lt3A_1083 : vector<16xi32>
        %add3A_1085 = arith.constant 16 : i32
        %add3A_1086 = vector.broadcast %add3A_1085 : i32 to vector<16xi32>
        %add3A_1087 = arith.addi %add3A_1081, %add3A_1086 : vector<16xi32>
        %select_n3A_1088 = arith.select %lt3A_1084, %add3A_1087, %add3A_1081 : vector<16xi1>, vector<16xi32>
        %broadcast_in_dim3A_1089 = vector.shape_cast %select_n3A_1088 : vector<16xi32> to vector<16x1xi32>
        %gather3A_1090 = vector.shape_cast %broadcast_in_dim3A_1089 : vector<16x1xi32> to vector<16xi32>
        %gather3A_1091 = tpu.dynamic_gather %exp3A_891[%gather3A_1090] in [0] : vector<16xf32>, vector<16xi32> -> vector<16xf32>
        %get3A_1092 = arith.index_cast %add3A_876 : i32 to index
        %get3A_1093 = arith.constant 48 : index
        %get3A_1094 = tpu.vector_load %arg10[%get3A_1092, %get3A_1093] {strides = array<i32>} : memref<256x80xf32, #tpu.memory_space<vmem>>, vector<16xf32>,
        %mul3A_1095 = arith.mulf %get3A_1094, %gather3A_1091 : vector<16xf32>
        %swap3A_1096 = arith.index_cast %add3A_876 : i32 to index
        %swap3A_1097 = arith.constant 48 : index
        %swap3A_1098 = tpu.vector_load %arg10[%swap3A_1096, %swap3A_1097] {strides = array<i32>} : memref<256x80xf32, #tpu.memory_space<vmem>>, vector<16xf32>,
        tpu.vector_store %arg10[%swap3A_1096, %swap3A_1097], %mul3A_1095 {strides = array<i32>} : memref<256x80xf32, #tpu.memory_space<vmem>>, vector<16xf32>,
      }
      %scan3A_153 = arith.constant 64 : i32
      %add3A_154 = arith.constant 0 : i32
      %add3A_155 = arith.addi %mul3A_58, %add3A_154 : i32
      "tpu.region"() ({
        %run_scoped3A = tpu.sem_alloc : memref<!tpu.dma_semaphore, #tpu.memory_space<semaphore_mem>>
        %dma_start3A_214 = arith.constant 0 : i32
        %dma_start3A_215 = arith.constant 0 : i32
        %dma_start3A_216 = tpu.memref_slice %arg10[%dma_start3A_214, %dma_start3A_215] : memref<256x80xf32, #tpu.memory_space<vmem>> -> memref<128x80xf32, #tpu.memory_space<vmem>>
        %dma_start3A_217 = arith.constant 0 : i32
        %dma_start3A_218 = tpu.memref_slice %arg9[%add3A_155, %dma_start3A_217] : memref<84x128xi32, #tpu.memory_space<vmem>> -> memref<1x128xi32, #tpu.memory_space<vmem>>
        %dma_start3A_219 = tpu.memref_squeeze %dma_start3A_218 : memref<1x128xi32, #tpu.memory_space<vmem>> -> memref<128xi32, #tpu.memory_space<vmem>>
        %dma_start3A_220 = arith.constant 0 : i32
        %dma_start3A_221 = arith.constant 0 : i32
        %dma_start3A_222 = tpu.memref_slice %arg14[%dma_start3A_220, %dma_start3A_221] : memref<10240x80xf32, #tpu.memory_space<vmem_shared>> -> memref<10240x80xf32, #tpu.memory_space<vmem_shared>>
        tpu.enqueue_indirect_dma source(%dma_start3A_216 : memref<128x80xf32, #tpu.memory_space<vmem>>) target(%dma_start3A_222 : memref<10240x80xf32, #tpu.memory_space<vmem_shared>>) offsets(%dma_start3A_219 : memref<128xi32, #tpu.memory_space<vmem>>) semaphore(%run_scoped3A : memref<!tpu.dma_semaphore, #tpu.memory_space<semaphore_mem>>) {add = true}
        %dma_wait3A_223 = arith.constant 0 : i32
        %dma_wait3A_224 = arith.constant 0 : i32
        %dma_wait3A_225 = tpu.memref_slice %arg10[%dma_wait3A_223, %dma_wait3A_224] : memref<256x80xf32, #tpu.memory_space<vmem>> -> memref<128x80xf32, #tpu.memory_space<vmem>>
        %dma_wait3A_226 = arith.constant 0 : i32
        %dma_wait3A_227 = tpu.memref_slice %arg9[%add3A_155, %dma_wait3A_226] : memref<84x128xi32, #tpu.memory_space<vmem>> -> memref<1x128xi32, #tpu.memory_space<vmem>>
        %dma_wait3A_228 = tpu.memref_squeeze %dma_wait3A_227 : memref<1x128xi32, #tpu.memory_space<vmem>> -> memref<128xi32, #tpu.memory_space<vmem>>
        %dma_wait3A_229 = arith.constant 0 : i32
        %dma_wait3A_230 = arith.constant 0 : i32
        %dma_wait3A_231 = tpu.memref_slice %arg14[%dma_wait3A_229, %dma_wait3A_230] : memref<10240x80xf32, #tpu.memory_space<vmem_shared>> -> memref<10240x80xf32, #tpu.memory_space<vmem_shared>>
        tpu.wait_indirect_dma semaphore(%run_scoped3A : memref<!tpu.dma_semaphore, #tpu.memory_space<semaphore_mem>>) src(%dma_wait3A_225 : memref<128x80xf32, #tpu.memory_space<vmem>>) dst(%dma_wait3A_231 : memref<10240x80xf32, #tpu.memory_space<vmem_shared>>)
        tpu.yield
      }) : () -> ()
      %add3A_156 = arith.constant 1 : i32
      %add3A_157 = arith.addi %mul3A_58, %add3A_156 : i32
      "tpu.region"() ({
        %run_scoped3A = tpu.sem_alloc : memref<!tpu.dma_semaphore, #tpu.memory_space<semaphore_mem>>
        %dma_start3A_214 = arith.constant 128 : i32
        %dma_start3A_215 = arith.constant 0 : i32
        %dma_start3A_216 = tpu.memref_slice %arg10[%dma_start3A_214, %dma_start3A_215] : memref<256x80xf32, #tpu.memory_space<vmem>> -> memref<128x80xf32, #tpu.memory_space<vmem>>
        %dma_start3A_217 = arith.constant 0 : i32
        %dma_start3A_218 = tpu.memref_slice %arg9[%add3A_157, %dma_start3A_217] : memref<84x128xi32, #tpu.memory_space<vmem>> -> memref<1x128xi32, #tpu.memory_space<vmem>>
        %dma_start3A_219 = tpu.memref_squeeze %dma_start3A_218 : memref<1x128xi32, #tpu.memory_space<vmem>> -> memref<128xi32, #tpu.memory_space<vmem>>
        %dma_start3A_220 = arith.constant 0 : i32
        %dma_start3A_221 = arith.constant 0 : i32
        %dma_start3A_222 = tpu.memref_slice %arg14[%dma_start3A_220, %dma_start3A_221] : memref<10240x80xf32, #tpu.memory_space<vmem_shared>> -> memref<10240x80xf32, #tpu.memory_space<vmem_shared>>
        tpu.enqueue_indirect_dma source(%dma_start3A_216 : memref<128x80xf32, #tpu.memory_space<vmem>>) target(%dma_start3A_222 : memref<10240x80xf32, #tpu.memory_space<vmem_shared>>) offsets(%dma_start3A_219 : memref<128xi32, #tpu.memory_space<vmem>>) semaphore(%run_scoped3A : memref<!tpu.dma_semaphore, #tpu.memory_space<semaphore_mem>>) {add = true}
        %dma_wait3A_223 = arith.constant 128 : i32
        %dma_wait3A_224 = arith.constant 0 : i32
        %dma_wait3A_225 = tpu.memref_slice %arg10[%dma_wait3A_223, %dma_wait3A_224] : memref<256x80xf32, #tpu.memory_space<vmem>> -> memref<128x80xf32, #tpu.memory_space<vmem>>
        %dma_wait3A_226 = arith.constant 0 : i32
        %dma_wait3A_227 = tpu.memref_slice %arg9[%add3A_157, %dma_wait3A_226] : memref<84x128xi32, #tpu.memory_space<vmem>> -> memref<1x128xi32, #tpu.memory_space<vmem>>
        %dma_wait3A_228 = tpu.memref_squeeze %dma_wait3A_227 : memref<1x128xi32, #tpu.memory_space<vmem>> -> memref<128xi32, #tpu.memory_space<vmem>>
        %dma_wait3A_229 = arith.constant 0 : i32
        %dma_wait3A_230 = arith.constant 0 : i32
        %dma_wait3A_231 = tpu.memref_slice %arg14[%dma_wait3A_229, %dma_wait3A_230] : memref<10240x80xf32, #tpu.memory_space<vmem_shared>> -> memref<10240x80xf32, #tpu.memory_space<vmem_shared>>
        tpu.wait_indirect_dma semaphore(%run_scoped3A : memref<!tpu.dma_semaphore, #tpu.memory_space<semaphore_mem>>) src(%dma_wait3A_225 : memref<128x80xf32, #tpu.memory_space<vmem>>) dst(%dma_wait3A_231 : memref<10240x80xf32, #tpu.memory_space<vmem_shared>>)
        tpu.yield
      }) : () -> ()
      %lt3A = arith.constant 20 : i32
      %lt3A_158 = arith.cmpi slt, %scan3A_54, %lt3A : i32
      %convert_element_type3A = arith.extui %lt3A_158 : i1 to i32
      %cond3A = arith.constant 0 : i32
      %cond3A_159 = arith.cmpi ne, %convert_element_type3A, %cond3A : i32
      scf.if %cond3A_159 {
        %add3A_214 = arith.constant 4 : i32
        %add3A_215 = arith.addi %mul3A_58, %add3A_214 : i32
        %add3A_216 = arith.constant 0 : i32
        %add3A_217 = arith.addi %add3A_215, %add3A_216 : i32
        %dma_start3A_218 = arith.constant 0 : i32
        %dma_start3A_219 = arith.constant 0 : i32
        %dma_start3A_220 = tpu.memref_slice %arg10[%dma_start3A_218, %dma_start3A_219] : memref<256x80xf32, #tpu.memory_space<vmem>> -> memref<128x80xf32, #tpu.memory_space<vmem>>
        %dma_start3A_221 = arith.constant 0 : i32
        %dma_start3A_222 = tpu.memref_slice %arg8[%add3A_217, %dma_start3A_221] : memref<84x128xi32, #tpu.memory_space<vmem>> -> memref<1x128xi32, #tpu.memory_space<vmem>>
        %dma_start3A_223 = tpu.memref_squeeze %dma_start3A_222 : memref<1x128xi32, #tpu.memory_space<vmem>> -> memref<128xi32, #tpu.memory_space<vmem>>
        %dma_start3A_224 = arith.constant 0 : i32
        %dma_start3A_225 = arith.constant 0 : i32
        %dma_start3A_226 = tpu.memref_slice %arg2[%dma_start3A_224, %dma_start3A_225] : memref<10240x80xf32, #tpu.memory_space<hbm>> -> memref<10240x80xf32, #tpu.memory_space<hbm>>
        tpu.enqueue_indirect_dma source(%dma_start3A_226 : memref<10240x80xf32, #tpu.memory_space<hbm>>) target(%dma_start3A_220 : memref<128x80xf32, #tpu.memory_space<vmem>>) offsets(%dma_start3A_223 : memref<128xi32, #tpu.memory_space<vmem>>) semaphore(%arg15 : memref<!tpu.dma_semaphore, #tpu.memory_space<semaphore_mem>>)
        %add3A_227 = arith.constant 0 : i32
        %add3A_228 = arith.addi %add3A_215, %add3A_227 : i32
        %dma_start3A_229 = arith.constant 0 : i32
        %dma_start3A_230 = arith.constant 0 : i32
        %dma_start3A_231 = tpu.memref_slice %arg11[%dma_start3A_229, %dma_start3A_230] : memref<256x16xf32, #tpu.memory_space<vmem>> -> memref<128x16xf32, #tpu.memory_space<vmem>>
        %dma_start3A_232 = arith.constant 0 : i32
        %dma_start3A_233 = tpu.memref_slice %arg9[%add3A_228, %dma_start3A_232] : memref<84x128xi32, #tpu.memory_space<vmem>> -> memref<1x128xi32, #tpu.memory_space<vmem>>
        %dma_start3A_234 = tpu.memref_squeeze %dma_start3A_233 : memref<1x128xi32, #tpu.memory_space<vmem>> -> memref<128xi32, #tpu.memory_space<vmem>>
        %dma_start3A_235 = arith.constant 0 : i32
        %dma_start3A_236 = arith.constant 0 : i32
        %dma_start3A_237 = tpu.memref_slice %arg3[%dma_start3A_235, %dma_start3A_236] : memref<10240x16xf32, #tpu.memory_space<hbm>> -> memref<10240x16xf32, #tpu.memory_space<hbm>>
        tpu.enqueue_indirect_dma source(%dma_start3A_237 : memref<10240x16xf32, #tpu.memory_space<hbm>>) target(%dma_start3A_231 : memref<128x16xf32, #tpu.memory_space<vmem>>) offsets(%dma_start3A_234 : memref<128xi32, #tpu.memory_space<vmem>>) semaphore(%arg15 : memref<!tpu.dma_semaphore, #tpu.memory_space<semaphore_mem>>)
        %add3A_238 = arith.constant 1 : i32
        %add3A_239 = arith.addi %add3A_215, %add3A_238 : i32
        %dma_start3A_240 = arith.constant 128 : i32
        %dma_start3A_241 = arith.constant 0 : i32
        %dma_start3A_242 = tpu.memref_slice %arg10[%dma_start3A_240, %dma_start3A_241] : memref<256x80xf32, #tpu.memory_space<vmem>> -> memref<128x80xf32, #tpu.memory_space<vmem>>
        %dma_start3A_243 = arith.constant 0 : i32
        %dma_start3A_244 = tpu.memref_slice %arg8[%add3A_239, %dma_start3A_243] : memref<84x128xi32, #tpu.memory_space<vmem>> -> memref<1x128xi32, #tpu.memory_space<vmem>>
        %dma_start3A_245 = tpu.memref_squeeze %dma_start3A_244 : memref<1x128xi32, #tpu.memory_space<vmem>> -> memref<128xi32, #tpu.memory_space<vmem>>
        %dma_start3A_246 = arith.constant 0 : i32
        %dma_start3A_247 = arith.constant 0 : i32
        %dma_start3A_248 = tpu.memref_slice %arg2[%dma_start3A_246, %dma_start3A_247] : memref<10240x80xf32, #tpu.memory_space<hbm>> -> memref<10240x80xf32, #tpu.memory_space<hbm>>
        tpu.enqueue_indirect_dma source(%dma_start3A_248 : memref<10240x80xf32, #tpu.memory_space<hbm>>) target(%dma_start3A_242 : memref<128x80xf32, #tpu.memory_space<vmem>>) offsets(%dma_start3A_245 : memref<128xi32, #tpu.memory_space<vmem>>) semaphore(%arg15 : memref<!tpu.dma_semaphore, #tpu.memory_space<semaphore_mem>>)
        %add3A_249 = arith.constant 1 : i32
        %add3A_250 = arith.addi %add3A_215, %add3A_249 : i32
        %dma_start3A_251 = arith.constant 128 : i32
        %dma_start3A_252 = arith.constant 0 : i32
        %dma_start3A_253 = tpu.memref_slice %arg11[%dma_start3A_251, %dma_start3A_252] : memref<256x16xf32, #tpu.memory_space<vmem>> -> memref<128x16xf32, #tpu.memory_space<vmem>>
        %dma_start3A_254 = arith.constant 0 : i32
        %dma_start3A_255 = tpu.memref_slice %arg9[%add3A_250, %dma_start3A_254] : memref<84x128xi32, #tpu.memory_space<vmem>> -> memref<1x128xi32, #tpu.memory_space<vmem>>
        %dma_start3A_256 = tpu.memref_squeeze %dma_start3A_255 : memref<1x128xi32, #tpu.memory_space<vmem>> -> memref<128xi32, #tpu.memory_space<vmem>>
        %dma_start3A_257 = arith.constant 0 : i32
        %dma_start3A_258 = arith.constant 0 : i32
        %dma_start3A_259 = tpu.memref_slice %arg3[%dma_start3A_257, %dma_start3A_258] : memref<10240x16xf32, #tpu.memory_space<hbm>> -> memref<10240x16xf32, #tpu.memory_space<hbm>>
        tpu.enqueue_indirect_dma source(%dma_start3A_259 : memref<10240x16xf32, #tpu.memory_space<hbm>>) target(%dma_start3A_253 : memref<128x16xf32, #tpu.memory_space<vmem>>) offsets(%dma_start3A_256 : memref<128xi32, #tpu.memory_space<vmem>>) semaphore(%arg15 : memref<!tpu.dma_semaphore, #tpu.memory_space<semaphore_mem>>)
      } else {
      }
      %add3A_160 = arith.constant 0 : i32
      %add3A_161 = arith.addi %add3A_60, %add3A_160 : i32
      %dma_wait3A_162 = arith.constant 0 : i32
      %dma_wait3A_163 = arith.constant 0 : i32
      %dma_wait3A_164 = tpu.memref_slice %arg12[%dma_wait3A_162, %dma_wait3A_163] : memref<256x80xf32, #tpu.memory_space<vmem>> -> memref<128x80xf32, #tpu.memory_space<vmem>>
      %dma_wait3A_165 = arith.constant 0 : i32
      %dma_wait3A_166 = tpu.memref_slice %arg8[%add3A_161, %dma_wait3A_165] : memref<84x128xi32, #tpu.memory_space<vmem>> -> memref<1x128xi32, #tpu.memory_space<vmem>>
      %dma_wait3A_167 = tpu.memref_squeeze %dma_wait3A_166 : memref<1x128xi32, #tpu.memory_space<vmem>> -> memref<128xi32, #tpu.memory_space<vmem>>
      %dma_wait3A_168 = arith.constant 0 : i32
      %dma_wait3A_169 = arith.constant 0 : i32
      %dma_wait3A_170 = tpu.memref_slice %arg2[%dma_wait3A_168, %dma_wait3A_169] : memref<10240x80xf32, #tpu.memory_space<hbm>> -> memref<10240x80xf32, #tpu.memory_space<hbm>>
      tpu.wait_indirect_dma semaphore(%arg16 : memref<!tpu.dma_semaphore, #tpu.memory_space<semaphore_mem>>) src(%dma_wait3A_170 : memref<10240x80xf32, #tpu.memory_space<hbm>>) dst(%dma_wait3A_164 : memref<128x80xf32, #tpu.memory_space<vmem>>)
      %add3A_171 = arith.constant 0 : i32
      %add3A_172 = arith.addi %add3A_60, %add3A_171 : i32
      %dma_wait3A_173 = arith.constant 0 : i32
      %dma_wait3A_174 = arith.constant 0 : i32
      %dma_wait3A_175 = tpu.memref_slice %arg13[%dma_wait3A_173, %dma_wait3A_174] : memref<256x16xf32, #tpu.memory_space<vmem>> -> memref<128x16xf32, #tpu.memory_space<vmem>>
      %dma_wait3A_176 = arith.constant 0 : i32
      %dma_wait3A_177 = tpu.memref_slice %arg9[%add3A_172, %dma_wait3A_176] : memref<84x128xi32, #tpu.memory_space<vmem>> -> memref<1x128xi32, #tpu.memory_space<vmem>>
      %dma_wait3A_178 = tpu.memref_squeeze %dma_wait3A_177 : memref<1x128xi32, #tpu.memory_space<vmem>> -> memref<128xi32, #tpu.memory_space<vmem>>
      %dma_wait3A_179 = arith.constant 0 : i32
      %dma_wait3A_180 = arith.constant 0 : i32
      %dma_wait3A_181 = tpu.memref_slice %arg3[%dma_wait3A_179, %dma_wait3A_180] : memref<10240x16xf32, #tpu.memory_space<hbm>> -> memref<10240x16xf32, #tpu.memory_space<hbm>>
      tpu.wait_indirect_dma semaphore(%arg16 : memref<!tpu.dma_semaphore, #tpu.memory_space<semaphore_mem>>) src(%dma_wait3A_181 : memref<10240x16xf32, #tpu.memory_space<hbm>>) dst(%dma_wait3A_175 : memref<128x16xf32, #tpu.memory_space<vmem>>)
      %add3A_182 = arith.constant 1 : i32
      %add3A_183 = arith.addi %add3A_60, %add3A_182 : i32
      %dma_wait3A_184 = arith.constant 128 : i32
      %dma_wait3A_185 = arith.constant 0 : i32
      %dma_wait3A_186 = tpu.memref_slice %arg12[%dma_wait3A_184, %dma_wait3A_185] : memref<256x80xf32, #tpu.memory_space<vmem>> -> memref<128x80xf32, #tpu.memory_space<vmem>>
      %dma_wait3A_187 = arith.constant 0 : i32
      %dma_wait3A_188 = tpu.memref_slice %arg8[%add3A_183, %dma_wait3A_187] : memref<84x128xi32, #tpu.memory_space<vmem>> -> memref<1x128xi32, #tpu.memory_space<vmem>>
      %dma_wait3A_189 = tpu.memref_squeeze %dma_wait3A_188 : memref<1x128xi32, #tpu.memory_space<vmem>> -> memref<128xi32, #tpu.memory_space<vmem>>
      %dma_wait3A_190 = arith.constant 0 : i32
      %dma_wait3A_191 = arith.constant 0 : i32
      %dma_wait3A_192 = tpu.memref_slice %arg2[%dma_wait3A_190, %dma_wait3A_191] : memref<10240x80xf32, #tpu.memory_space<hbm>> -> memref<10240x80xf32, #tpu.memory_space<hbm>>
      tpu.wait_indirect_dma semaphore(%arg16 : memref<!tpu.dma_semaphore, #tpu.memory_space<semaphore_mem>>) src(%dma_wait3A_192 : memref<10240x80xf32, #tpu.memory_space<hbm>>) dst(%dma_wait3A_186 : memref<128x80xf32, #tpu.memory_space<vmem>>)
      %add3A_193 = arith.constant 1 : i32
      %add3A_194 = arith.addi %add3A_60, %add3A_193 : i32
      %dma_wait3A_195 = arith.constant 128 : i32
      %dma_wait3A_196 = arith.constant 0 : i32
      %dma_wait3A_197 = tpu.memref_slice %arg13[%dma_wait3A_195, %dma_wait3A_196] : memref<256x16xf32, #tpu.memory_space<vmem>> -> memref<128x16xf32, #tpu.memory_space<vmem>>
      %dma_wait3A_198 = arith.constant 0 : i32
      %dma_wait3A_199 = tpu.memref_slice %arg9[%add3A_194, %dma_wait3A_198] : memref<84x128xi32, #tpu.memory_space<vmem>> -> memref<1x128xi32, #tpu.memory_space<vmem>>
      %dma_wait3A_200 = tpu.memref_squeeze %dma_wait3A_199 : memref<1x128xi32, #tpu.memory_space<vmem>> -> memref<128xi32, #tpu.memory_space<vmem>>
      %dma_wait3A_201 = arith.constant 0 : i32
      %dma_wait3A_202 = arith.constant 0 : i32
      %dma_wait3A_203 = tpu.memref_slice %arg3[%dma_wait3A_201, %dma_wait3A_202] : memref<10240x16xf32, #tpu.memory_space<hbm>> -> memref<10240x16xf32, #tpu.memory_space<hbm>>
      tpu.wait_indirect_dma semaphore(%arg16 : memref<!tpu.dma_semaphore, #tpu.memory_space<semaphore_mem>>) src(%dma_wait3A_203 : memref<10240x16xf32, #tpu.memory_space<hbm>>) dst(%dma_wait3A_197 : memref<128x16xf32, #tpu.memory_space<vmem>>)
      %scan3A_204 = arith.constant 0 : i32
      %scan3A_205 = arith.constant 0 : i32
      %scan3A_206 = arith.constant 64 : i32
      %scan3A_207 = arith.addi %scan3A_205, %scan3A_206 : i32
      %scan3A_208 = arith.constant 1 : i32
      scf.for %scan3A_214 = %scan3A_205 to %scan3A_207 step %scan3A_208  : i32 {
        %mul3A_215 = arith.constant 4 : i32
        %mul3A_216 = arith.muli %scan3A_214, %mul3A_215 : i32
        %iota3A = tpu.iota {dimensions = array<i32: 0>} : vector<16xi32>
        %add3A_217 = arith.constant 0 : i32
        %add3A_218 = arith.addi %mul3A_216, %add3A_217 : i32
        %get3A = arith.index_cast %add3A_218 : i32 to index
        %get3A_219 = arith.constant 64 : index
        %get3A_220 = tpu.vector_load %arg12[%get3A, %get3A_219] {strides = array<i32>} : memref<256x80xf32, #tpu.memory_space<vmem>>, vector<16xf32>,
        %get3A_221 = arith.index_cast %add3A_218 : i32 to index
        %get3A_222 = arith.constant 0 : index
        %get3A_223 = tpu.vector_load %arg13[%get3A_221, %get3A_222] {strides = array<i32>} : memref<256x16xf32, #tpu.memory_space<vmem>>, vector<16xf32>,
        %add3A_224 = arith.addf %get3A_220, %get3A_223 : vector<16xf32>
        %ge3A = arith.constant 0.000000e+00 : f32
        %ge3A_225 = vector.broadcast %ge3A : f32 to vector<16xf32>
        %ge3A_226 = arith.cmpf oge, %add3A_224, %ge3A_225 : vector<16xf32>
        %mul3A_227 = arith.constant 2.000000e-01 : f32
        %mul3A_228 = vector.broadcast %mul3A_227 : f32 to vector<16xf32>
        %mul3A_229 = arith.mulf %add3A_224, %mul3A_228 : vector<16xf32>
        %select_n3A = arith.select %ge3A_226, %add3A_224, %mul3A_229 : vector<16xi1>, vector<16xf32>
        %exp3A = math.exp %select_n3A : vector<16xf32>
        %swap3A = arith.index_cast %add3A_218 : i32 to index
        %swap3A_230 = arith.constant 64 : index
        %swap3A_231 = tpu.vector_load %arg12[%swap3A, %swap3A_230] {strides = array<i32>} : memref<256x80xf32, #tpu.memory_space<vmem>>, vector<16xf32>,
        tpu.vector_store %arg12[%swap3A, %swap3A_230], %exp3A {strides = array<i32>} : memref<256x80xf32, #tpu.memory_space<vmem>>, vector<16xf32>,
        %jit3A = arith.constant 8 : i32
        %div3A = vector.broadcast %jit3A : i32 to vector<16xi32>
        %div3A_232 = arith.divsi %iota3A, %div3A : vector<16xi32>
        %sign3A = arith.constant 0 : i32
        %sign3A_233 = vector.broadcast %sign3A : i32 to vector<16xi32>
        %sign3A_234 = arith.cmpi sgt, %iota3A, %sign3A_233 : vector<16xi32>
        %sign3A_235 = arith.extui %sign3A_234 : vector<16xi1> to vector<16xi32>
        %sign3A_236 = arith.constant 0 : i32
        %sign3A_237 = vector.broadcast %sign3A_236 : i32 to vector<16xi32>
        %sign3A_238 = arith.cmpi slt, %iota3A, %sign3A_237 : vector<16xi32>
        %sign3A_239 = arith.extui %sign3A_238 : vector<16xi1> to vector<16xi32>
        %sign3A_240 = arith.subi %sign3A_235, %sign3A_239 : vector<16xi32>
        %sign3A_241 = arith.constant 0 : i32
        %sign3A_242 = arith.cmpi sgt, %jit3A, %sign3A_241 : i32
        %sign3A_243 = arith.extui %sign3A_242 : i1 to i32
        %sign3A_244 = arith.constant 0 : i32
        %sign3A_245 = arith.cmpi slt, %jit3A, %sign3A_244 : i32
        %sign3A_246 = arith.extui %sign3A_245 : i1 to i32
        %sign3A_247 = arith.subi %sign3A_243, %sign3A_246 : i32
        %ne3A = vector.broadcast %sign3A_247 : i32 to vector<16xi32>
        %ne3A_248 = arith.cmpi ne, %sign3A_240, %ne3A : vector<16xi32>
        %rem3A = vector.broadcast %jit3A : i32 to vector<16xi32>
        %rem3A_249 = arith.remsi %iota3A, %rem3A : vector<16xi32>
        %ne3A_250 = arith.constant 0 : i32
        %ne3A_251 = vector.broadcast %ne3A_250 : i32 to vector<16xi32>
        %ne3A_252 = arith.cmpi ne, %rem3A_249, %ne3A_251 : vector<16xi32>
        %and3A = arith.andi %ne3A_248, %ne3A_252 : vector<16xi1>
        %sub3A = arith.constant 1 : i32
        %sub3A_253 = vector.broadcast %sub3A : i32 to vector<16xi32>
        %sub3A_254 = arith.subi %div3A_232, %sub3A_253 : vector<16xi32>
        %select_n3A_255 = arith.select %and3A, %sub3A_254, %div3A_232 : vector<16xi1>, vector<16xi32>
        %add3A_256 = arith.constant 0 : i32
        %add3A_257 = vector.broadcast %add3A_256 : i32 to vector<16xi32>
        %add3A_258 = arith.addi %select_n3A_255, %add3A_257 : vector<16xi32>
        %lt3A_259 = arith.constant 0 : i32
        %lt3A_260 = vector.broadcast %lt3A_259 : i32 to vector<16xi32>
        %lt3A_261 = arith.cmpi slt, %add3A_258, %lt3A_260 : vector<16xi32>
        %add3A_262 = arith.constant 16 : i32
        %add3A_263 = vector.broadcast %add3A_262 : i32 to vector<16xi32>
        %add3A_264 = arith.addi %add3A_258, %add3A_263 : vector<16xi32>
        %select_n3A_265 = arith.select %lt3A_261, %add3A_264, %add3A_258 : vector<16xi1>, vector<16xi32>
        %broadcast_in_dim3A = vector.shape_cast %select_n3A_265 : vector<16xi32> to vector<16x1xi32>
        %gather3A = vector.shape_cast %broadcast_in_dim3A : vector<16x1xi32> to vector<16xi32>
        %gather3A_266 = tpu.dynamic_gather %exp3A[%gather3A] in [0] : vector<16xf32>, vector<16xi32> -> vector<16xf32>
        %get3A_267 = arith.index_cast %add3A_218 : i32 to index
        %get3A_268 = arith.constant 0 : index
        %get3A_269 = tpu.vector_load %arg12[%get3A_267, %get3A_268] {strides = array<i32>} : memref<256x80xf32, #tpu.memory_space<vmem>>, vector<16xf32>,
        %mul3A_270 = arith.mulf %get3A_269, %gather3A_266 : vector<16xf32>
        %swap3A_271 = arith.index_cast %add3A_218 : i32 to index
        %swap3A_272 = arith.constant 0 : index
        %swap3A_273 = tpu.vector_load %arg12[%swap3A_271, %swap3A_272] {strides = array<i32>} : memref<256x80xf32, #tpu.memory_space<vmem>>, vector<16xf32>,
        tpu.vector_store %arg12[%swap3A_271, %swap3A_272], %mul3A_270 {strides = array<i32>} : memref<256x80xf32, #tpu.memory_space<vmem>>, vector<16xf32>,
        %jit3A_274 = arith.constant 8 : i32
        %div3A_275 = vector.broadcast %jit3A_274 : i32 to vector<16xi32>
        %div3A_276 = arith.divsi %iota3A, %div3A_275 : vector<16xi32>
        %sign3A_277 = arith.constant 0 : i32
        %sign3A_278 = vector.broadcast %sign3A_277 : i32 to vector<16xi32>
        %sign3A_279 = arith.cmpi sgt, %iota3A, %sign3A_278 : vector<16xi32>
        %sign3A_280 = arith.extui %sign3A_279 : vector<16xi1> to vector<16xi32>
        %sign3A_281 = arith.constant 0 : i32
        %sign3A_282 = vector.broadcast %sign3A_281 : i32 to vector<16xi32>
        %sign3A_283 = arith.cmpi slt, %iota3A, %sign3A_282 : vector<16xi32>
        %sign3A_284 = arith.extui %sign3A_283 : vector<16xi1> to vector<16xi32>
        %sign3A_285 = arith.subi %sign3A_280, %sign3A_284 : vector<16xi32>
        %sign3A_286 = arith.constant 0 : i32
        %sign3A_287 = arith.cmpi sgt, %jit3A_274, %sign3A_286 : i32
        %sign3A_288 = arith.extui %sign3A_287 : i1 to i32
        %sign3A_289 = arith.constant 0 : i32
        %sign3A_290 = arith.cmpi slt, %jit3A_274, %sign3A_289 : i32
        %sign3A_291 = arith.extui %sign3A_290 : i1 to i32
        %sign3A_292 = arith.subi %sign3A_288, %sign3A_291 : i32
        %ne3A_293 = vector.broadcast %sign3A_292 : i32 to vector<16xi32>
        %ne3A_294 = arith.cmpi ne, %sign3A_285, %ne3A_293 : vector<16xi32>
        %rem3A_295 = vector.broadcast %jit3A_274 : i32 to vector<16xi32>
        %rem3A_296 = arith.remsi %iota3A, %rem3A_295 : vector<16xi32>
        %ne3A_297 = arith.constant 0 : i32
        %ne3A_298 = vector.broadcast %ne3A_297 : i32 to vector<16xi32>
        %ne3A_299 = arith.cmpi ne, %rem3A_296, %ne3A_298 : vector<16xi32>
        %and3A_300 = arith.andi %ne3A_294, %ne3A_299 : vector<16xi1>
        %sub3A_301 = arith.constant 1 : i32
        %sub3A_302 = vector.broadcast %sub3A_301 : i32 to vector<16xi32>
        %sub3A_303 = arith.subi %div3A_276, %sub3A_302 : vector<16xi32>
        %select_n3A_304 = arith.select %and3A_300, %sub3A_303, %div3A_276 : vector<16xi1>, vector<16xi32>
        %add3A_305 = arith.constant 2 : i32
        %add3A_306 = vector.broadcast %add3A_305 : i32 to vector<16xi32>
        %add3A_307 = arith.addi %select_n3A_304, %add3A_306 : vector<16xi32>
        %lt3A_308 = arith.constant 0 : i32
        %lt3A_309 = vector.broadcast %lt3A_308 : i32 to vector<16xi32>
        %lt3A_310 = arith.cmpi slt, %add3A_307, %lt3A_309 : vector<16xi32>
        %add3A_311 = arith.constant 16 : i32
        %add3A_312 = vector.broadcast %add3A_311 : i32 to vector<16xi32>
        %add3A_313 = arith.addi %add3A_307, %add3A_312 : vector<16xi32>
        %select_n3A_314 = arith.select %lt3A_310, %add3A_313, %add3A_307 : vector<16xi1>, vector<16xi32>
        %broadcast_in_dim3A_315 = vector.shape_cast %select_n3A_314 : vector<16xi32> to vector<16x1xi32>
        %gather3A_316 = vector.shape_cast %broadcast_in_dim3A_315 : vector<16x1xi32> to vector<16xi32>
        %gather3A_317 = tpu.dynamic_gather %exp3A[%gather3A_316] in [0] : vector<16xf32>, vector<16xi32> -> vector<16xf32>
        %get3A_318 = arith.index_cast %add3A_218 : i32 to index
        %get3A_319 = arith.constant 16 : index
        %get3A_320 = tpu.vector_load %arg12[%get3A_318, %get3A_319] {strides = array<i32>} : memref<256x80xf32, #tpu.memory_space<vmem>>, vector<16xf32>,
        %mul3A_321 = arith.mulf %get3A_320, %gather3A_317 : vector<16xf32>
        %swap3A_322 = arith.index_cast %add3A_218 : i32 to index
        %swap3A_323 = arith.constant 16 : index
        %swap3A_324 = tpu.vector_load %arg12[%swap3A_322, %swap3A_323] {strides = array<i32>} : memref<256x80xf32, #tpu.memory_space<vmem>>, vector<16xf32>,
        tpu.vector_store %arg12[%swap3A_322, %swap3A_323], %mul3A_321 {strides = array<i32>} : memref<256x80xf32, #tpu.memory_space<vmem>>, vector<16xf32>,
        %jit3A_325 = arith.constant 8 : i32
        %div3A_326 = vector.broadcast %jit3A_325 : i32 to vector<16xi32>
        %div3A_327 = arith.divsi %iota3A, %div3A_326 : vector<16xi32>
        %sign3A_328 = arith.constant 0 : i32
        %sign3A_329 = vector.broadcast %sign3A_328 : i32 to vector<16xi32>
        %sign3A_330 = arith.cmpi sgt, %iota3A, %sign3A_329 : vector<16xi32>
        %sign3A_331 = arith.extui %sign3A_330 : vector<16xi1> to vector<16xi32>
        %sign3A_332 = arith.constant 0 : i32
        %sign3A_333 = vector.broadcast %sign3A_332 : i32 to vector<16xi32>
        %sign3A_334 = arith.cmpi slt, %iota3A, %sign3A_333 : vector<16xi32>
        %sign3A_335 = arith.extui %sign3A_334 : vector<16xi1> to vector<16xi32>
        %sign3A_336 = arith.subi %sign3A_331, %sign3A_335 : vector<16xi32>
        %sign3A_337 = arith.constant 0 : i32
        %sign3A_338 = arith.cmpi sgt, %jit3A_325, %sign3A_337 : i32
        %sign3A_339 = arith.extui %sign3A_338 : i1 to i32
        %sign3A_340 = arith.constant 0 : i32
        %sign3A_341 = arith.cmpi slt, %jit3A_325, %sign3A_340 : i32
        %sign3A_342 = arith.extui %sign3A_341 : i1 to i32
        %sign3A_343 = arith.subi %sign3A_339, %sign3A_342 : i32
        %ne3A_344 = vector.broadcast %sign3A_343 : i32 to vector<16xi32>
        %ne3A_345 = arith.cmpi ne, %sign3A_336, %ne3A_344 : vector<16xi32>
        %rem3A_346 = vector.broadcast %jit3A_325 : i32 to vector<16xi32>
        %rem3A_347 = arith.remsi %iota3A, %rem3A_346 : vector<16xi32>
        %ne3A_348 = arith.constant 0 : i32
        %ne3A_349 = vector.broadcast %ne3A_348 : i32 to vector<16xi32>
        %ne3A_350 = arith.cmpi ne, %rem3A_347, %ne3A_349 : vector<16xi32>
        %and3A_351 = arith.andi %ne3A_345, %ne3A_350 : vector<16xi1>
        %sub3A_352 = arith.constant 1 : i32
        %sub3A_353 = vector.broadcast %sub3A_352 : i32 to vector<16xi32>
        %sub3A_354 = arith.subi %div3A_327, %sub3A_353 : vector<16xi32>
        %select_n3A_355 = arith.select %and3A_351, %sub3A_354, %div3A_327 : vector<16xi1>, vector<16xi32>
        %add3A_356 = arith.constant 4 : i32
        %add3A_357 = vector.broadcast %add3A_356 : i32 to vector<16xi32>
        %add3A_358 = arith.addi %select_n3A_355, %add3A_357 : vector<16xi32>
        %lt3A_359 = arith.constant 0 : i32
        %lt3A_360 = vector.broadcast %lt3A_359 : i32 to vector<16xi32>
        %lt3A_361 = arith.cmpi slt, %add3A_358, %lt3A_360 : vector<16xi32>
        %add3A_362 = arith.constant 16 : i32
        %add3A_363 = vector.broadcast %add3A_362 : i32 to vector<16xi32>
        %add3A_364 = arith.addi %add3A_358, %add3A_363 : vector<16xi32>
        %select_n3A_365 = arith.select %lt3A_361, %add3A_364, %add3A_358 : vector<16xi1>, vector<16xi32>
        %broadcast_in_dim3A_366 = vector.shape_cast %select_n3A_365 : vector<16xi32> to vector<16x1xi32>
        %gather3A_367 = vector.shape_cast %broadcast_in_dim3A_366 : vector<16x1xi32> to vector<16xi32>
        %gather3A_368 = tpu.dynamic_gather %exp3A[%gather3A_367] in [0] : vector<16xf32>, vector<16xi32> -> vector<16xf32>
        %get3A_369 = arith.index_cast %add3A_218 : i32 to index
        %get3A_370 = arith.constant 32 : index
        %get3A_371 = tpu.vector_load %arg12[%get3A_369, %get3A_370] {strides = array<i32>} : memref<256x80xf32, #tpu.memory_space<vmem>>, vector<16xf32>,
        %mul3A_372 = arith.mulf %get3A_371, %gather3A_368 : vector<16xf32>
        %swap3A_373 = arith.index_cast %add3A_218 : i32 to index
        %swap3A_374 = arith.constant 32 : index
        %swap3A_375 = tpu.vector_load %arg12[%swap3A_373, %swap3A_374] {strides = array<i32>} : memref<256x80xf32, #tpu.memory_space<vmem>>, vector<16xf32>,
        tpu.vector_store %arg12[%swap3A_373, %swap3A_374], %mul3A_372 {strides = array<i32>} : memref<256x80xf32, #tpu.memory_space<vmem>>, vector<16xf32>,
        %jit3A_376 = arith.constant 8 : i32
        %div3A_377 = vector.broadcast %jit3A_376 : i32 to vector<16xi32>
        %div3A_378 = arith.divsi %iota3A, %div3A_377 : vector<16xi32>
        %sign3A_379 = arith.constant 0 : i32
        %sign3A_380 = vector.broadcast %sign3A_379 : i32 to vector<16xi32>
        %sign3A_381 = arith.cmpi sgt, %iota3A, %sign3A_380 : vector<16xi32>
        %sign3A_382 = arith.extui %sign3A_381 : vector<16xi1> to vector<16xi32>
        %sign3A_383 = arith.constant 0 : i32
        %sign3A_384 = vector.broadcast %sign3A_383 : i32 to vector<16xi32>
        %sign3A_385 = arith.cmpi slt, %iota3A, %sign3A_384 : vector<16xi32>
        %sign3A_386 = arith.extui %sign3A_385 : vector<16xi1> to vector<16xi32>
        %sign3A_387 = arith.subi %sign3A_382, %sign3A_386 : vector<16xi32>
        %sign3A_388 = arith.constant 0 : i32
        %sign3A_389 = arith.cmpi sgt, %jit3A_376, %sign3A_388 : i32
        %sign3A_390 = arith.extui %sign3A_389 : i1 to i32
        %sign3A_391 = arith.constant 0 : i32
        %sign3A_392 = arith.cmpi slt, %jit3A_376, %sign3A_391 : i32
        %sign3A_393 = arith.extui %sign3A_392 : i1 to i32
        %sign3A_394 = arith.subi %sign3A_390, %sign3A_393 : i32
        %ne3A_395 = vector.broadcast %sign3A_394 : i32 to vector<16xi32>
        %ne3A_396 = arith.cmpi ne, %sign3A_387, %ne3A_395 : vector<16xi32>
        %rem3A_397 = vector.broadcast %jit3A_376 : i32 to vector<16xi32>
        %rem3A_398 = arith.remsi %iota3A, %rem3A_397 : vector<16xi32>
        %ne3A_399 = arith.constant 0 : i32
        %ne3A_400 = vector.broadcast %ne3A_399 : i32 to vector<16xi32>
        %ne3A_401 = arith.cmpi ne, %rem3A_398, %ne3A_400 : vector<16xi32>
        %and3A_402 = arith.andi %ne3A_396, %ne3A_401 : vector<16xi1>
        %sub3A_403 = arith.constant 1 : i32
        %sub3A_404 = vector.broadcast %sub3A_403 : i32 to vector<16xi32>
        %sub3A_405 = arith.subi %div3A_378, %sub3A_404 : vector<16xi32>
        %select_n3A_406 = arith.select %and3A_402, %sub3A_405, %div3A_378 : vector<16xi1>, vector<16xi32>
        %add3A_407 = arith.constant 6 : i32
        %add3A_408 = vector.broadcast %add3A_407 : i32 to vector<16xi32>
        %add3A_409 = arith.addi %select_n3A_406, %add3A_408 : vector<16xi32>
        %lt3A_410 = arith.constant 0 : i32
        %lt3A_411 = vector.broadcast %lt3A_410 : i32 to vector<16xi32>
        %lt3A_412 = arith.cmpi slt, %add3A_409, %lt3A_411 : vector<16xi32>
        %add3A_413 = arith.constant 16 : i32
        %add3A_414 = vector.broadcast %add3A_413 : i32 to vector<16xi32>
        %add3A_415 = arith.addi %add3A_409, %add3A_414 : vector<16xi32>
        %select_n3A_416 = arith.select %lt3A_412, %add3A_415, %add3A_409 : vector<16xi1>, vector<16xi32>
        %broadcast_in_dim3A_417 = vector.shape_cast %select_n3A_416 : vector<16xi32> to vector<16x1xi32>
        %gather3A_418 = vector.shape_cast %broadcast_in_dim3A_417 : vector<16x1xi32> to vector<16xi32>
        %gather3A_419 = tpu.dynamic_gather %exp3A[%gather3A_418] in [0] : vector<16xf32>, vector<16xi32> -> vector<16xf32>
        %get3A_420 = arith.index_cast %add3A_218 : i32 to index
        %get3A_421 = arith.constant 48 : index
        %get3A_422 = tpu.vector_load %arg12[%get3A_420, %get3A_421] {strides = array<i32>} : memref<256x80xf32, #tpu.memory_space<vmem>>, vector<16xf32>,
        %mul3A_423 = arith.mulf %get3A_422, %gather3A_419 : vector<16xf32>
        %swap3A_424 = arith.index_cast %add3A_218 : i32 to index
        %swap3A_425 = arith.constant 48 : index
        %swap3A_426 = tpu.vector_load %arg12[%swap3A_424, %swap3A_425] {strides = array<i32>} : memref<256x80xf32, #tpu.memory_space<vmem>>, vector<16xf32>,
        tpu.vector_store %arg12[%swap3A_424, %swap3A_425], %mul3A_423 {strides = array<i32>} : memref<256x80xf32, #tpu.memory_space<vmem>>, vector<16xf32>,
        %add3A_427 = arith.constant 1 : i32
        %add3A_428 = arith.addi %mul3A_216, %add3A_427 : i32
        %get3A_429 = arith.index_cast %add3A_428 : i32 to index
        %get3A_430 = arith.constant 64 : index
        %get3A_431 = tpu.vector_load %arg12[%get3A_429, %get3A_430] {strides = array<i32>} : memref<256x80xf32, #tpu.memory_space<vmem>>, vector<16xf32>,
        %get3A_432 = arith.index_cast %add3A_428 : i32 to index
        %get3A_433 = arith.constant 0 : index
        %get3A_434 = tpu.vector_load %arg13[%get3A_432, %get3A_433] {strides = array<i32>} : memref<256x16xf32, #tpu.memory_space<vmem>>, vector<16xf32>,
        %add3A_435 = arith.addf %get3A_431, %get3A_434 : vector<16xf32>
        %ge3A_436 = arith.constant 0.000000e+00 : f32
        %ge3A_437 = vector.broadcast %ge3A_436 : f32 to vector<16xf32>
        %ge3A_438 = arith.cmpf oge, %add3A_435, %ge3A_437 : vector<16xf32>
        %mul3A_439 = arith.constant 2.000000e-01 : f32
        %mul3A_440 = vector.broadcast %mul3A_439 : f32 to vector<16xf32>
        %mul3A_441 = arith.mulf %add3A_435, %mul3A_440 : vector<16xf32>
        %select_n3A_442 = arith.select %ge3A_438, %add3A_435, %mul3A_441 : vector<16xi1>, vector<16xf32>
        %exp3A_443 = math.exp %select_n3A_442 : vector<16xf32>
        %swap3A_444 = arith.index_cast %add3A_428 : i32 to index
        %swap3A_445 = arith.constant 64 : index
        %swap3A_446 = tpu.vector_load %arg12[%swap3A_444, %swap3A_445] {strides = array<i32>} : memref<256x80xf32, #tpu.memory_space<vmem>>, vector<16xf32>,
        tpu.vector_store %arg12[%swap3A_444, %swap3A_445], %exp3A_443 {strides = array<i32>} : memref<256x80xf32, #tpu.memory_space<vmem>>, vector<16xf32>,
        %jit3A_447 = arith.constant 8 : i32
        %div3A_448 = vector.broadcast %jit3A_447 : i32 to vector<16xi32>
        %div3A_449 = arith.divsi %iota3A, %div3A_448 : vector<16xi32>
        %sign3A_450 = arith.constant 0 : i32
        %sign3A_451 = vector.broadcast %sign3A_450 : i32 to vector<16xi32>
        %sign3A_452 = arith.cmpi sgt, %iota3A, %sign3A_451 : vector<16xi32>
        %sign3A_453 = arith.extui %sign3A_452 : vector<16xi1> to vector<16xi32>
        %sign3A_454 = arith.constant 0 : i32
        %sign3A_455 = vector.broadcast %sign3A_454 : i32 to vector<16xi32>
        %sign3A_456 = arith.cmpi slt, %iota3A, %sign3A_455 : vector<16xi32>
        %sign3A_457 = arith.extui %sign3A_456 : vector<16xi1> to vector<16xi32>
        %sign3A_458 = arith.subi %sign3A_453, %sign3A_457 : vector<16xi32>
        %sign3A_459 = arith.constant 0 : i32
        %sign3A_460 = arith.cmpi sgt, %jit3A_447, %sign3A_459 : i32
        %sign3A_461 = arith.extui %sign3A_460 : i1 to i32
        %sign3A_462 = arith.constant 0 : i32
        %sign3A_463 = arith.cmpi slt, %jit3A_447, %sign3A_462 : i32
        %sign3A_464 = arith.extui %sign3A_463 : i1 to i32
        %sign3A_465 = arith.subi %sign3A_461, %sign3A_464 : i32
        %ne3A_466 = vector.broadcast %sign3A_465 : i32 to vector<16xi32>
        %ne3A_467 = arith.cmpi ne, %sign3A_458, %ne3A_466 : vector<16xi32>
        %rem3A_468 = vector.broadcast %jit3A_447 : i32 to vector<16xi32>
        %rem3A_469 = arith.remsi %iota3A, %rem3A_468 : vector<16xi32>
        %ne3A_470 = arith.constant 0 : i32
        %ne3A_471 = vector.broadcast %ne3A_470 : i32 to vector<16xi32>
        %ne3A_472 = arith.cmpi ne, %rem3A_469, %ne3A_471 : vector<16xi32>
        %and3A_473 = arith.andi %ne3A_467, %ne3A_472 : vector<16xi1>
        %sub3A_474 = arith.constant 1 : i32
        %sub3A_475 = vector.broadcast %sub3A_474 : i32 to vector<16xi32>
        %sub3A_476 = arith.subi %div3A_449, %sub3A_475 : vector<16xi32>
        %select_n3A_477 = arith.select %and3A_473, %sub3A_476, %div3A_449 : vector<16xi1>, vector<16xi32>
        %add3A_478 = arith.constant 0 : i32
        %add3A_479 = vector.broadcast %add3A_478 : i32 to vector<16xi32>
        %add3A_480 = arith.addi %select_n3A_477, %add3A_479 : vector<16xi32>
        %lt3A_481 = arith.constant 0 : i32
        %lt3A_482 = vector.broadcast %lt3A_481 : i32 to vector<16xi32>
        %lt3A_483 = arith.cmpi slt, %add3A_480, %lt3A_482 : vector<16xi32>
        %add3A_484 = arith.constant 16 : i32
        %add3A_485 = vector.broadcast %add3A_484 : i32 to vector<16xi32>
        %add3A_486 = arith.addi %add3A_480, %add3A_485 : vector<16xi32>
        %select_n3A_487 = arith.select %lt3A_483, %add3A_486, %add3A_480 : vector<16xi1>, vector<16xi32>
        %broadcast_in_dim3A_488 = vector.shape_cast %select_n3A_487 : vector<16xi32> to vector<16x1xi32>
        %gather3A_489 = vector.shape_cast %broadcast_in_dim3A_488 : vector<16x1xi32> to vector<16xi32>
        %gather3A_490 = tpu.dynamic_gather %exp3A_443[%gather3A_489] in [0] : vector<16xf32>, vector<16xi32> -> vector<16xf32>
        %get3A_491 = arith.index_cast %add3A_428 : i32 to index
        %get3A_492 = arith.constant 0 : index
        %get3A_493 = tpu.vector_load %arg12[%get3A_491, %get3A_492] {strides = array<i32>} : memref<256x80xf32, #tpu.memory_space<vmem>>, vector<16xf32>,
        %mul3A_494 = arith.mulf %get3A_493, %gather3A_490 : vector<16xf32>
        %swap3A_495 = arith.index_cast %add3A_428 : i32 to index
        %swap3A_496 = arith.constant 0 : index
        %swap3A_497 = tpu.vector_load %arg12[%swap3A_495, %swap3A_496] {strides = array<i32>} : memref<256x80xf32, #tpu.memory_space<vmem>>, vector<16xf32>,
        tpu.vector_store %arg12[%swap3A_495, %swap3A_496], %mul3A_494 {strides = array<i32>} : memref<256x80xf32, #tpu.memory_space<vmem>>, vector<16xf32>,
        %jit3A_498 = arith.constant 8 : i32
        %div3A_499 = vector.broadcast %jit3A_498 : i32 to vector<16xi32>
        %div3A_500 = arith.divsi %iota3A, %div3A_499 : vector<16xi32>
        %sign3A_501 = arith.constant 0 : i32
        %sign3A_502 = vector.broadcast %sign3A_501 : i32 to vector<16xi32>
        %sign3A_503 = arith.cmpi sgt, %iota3A, %sign3A_502 : vector<16xi32>
        %sign3A_504 = arith.extui %sign3A_503 : vector<16xi1> to vector<16xi32>
        %sign3A_505 = arith.constant 0 : i32
        %sign3A_506 = vector.broadcast %sign3A_505 : i32 to vector<16xi32>
        %sign3A_507 = arith.cmpi slt, %iota3A, %sign3A_506 : vector<16xi32>
        %sign3A_508 = arith.extui %sign3A_507 : vector<16xi1> to vector<16xi32>
        %sign3A_509 = arith.subi %sign3A_504, %sign3A_508 : vector<16xi32>
        %sign3A_510 = arith.constant 0 : i32
        %sign3A_511 = arith.cmpi sgt, %jit3A_498, %sign3A_510 : i32
        %sign3A_512 = arith.extui %sign3A_511 : i1 to i32
        %sign3A_513 = arith.constant 0 : i32
        %sign3A_514 = arith.cmpi slt, %jit3A_498, %sign3A_513 : i32
        %sign3A_515 = arith.extui %sign3A_514 : i1 to i32
        %sign3A_516 = arith.subi %sign3A_512, %sign3A_515 : i32
        %ne3A_517 = vector.broadcast %sign3A_516 : i32 to vector<16xi32>
        %ne3A_518 = arith.cmpi ne, %sign3A_509, %ne3A_517 : vector<16xi32>
        %rem3A_519 = vector.broadcast %jit3A_498 : i32 to vector<16xi32>
        %rem3A_520 = arith.remsi %iota3A, %rem3A_519 : vector<16xi32>
        %ne3A_521 = arith.constant 0 : i32
        %ne3A_522 = vector.broadcast %ne3A_521 : i32 to vector<16xi32>
        %ne3A_523 = arith.cmpi ne, %rem3A_520, %ne3A_522 : vector<16xi32>
        %and3A_524 = arith.andi %ne3A_518, %ne3A_523 : vector<16xi1>
        %sub3A_525 = arith.constant 1 : i32
        %sub3A_526 = vector.broadcast %sub3A_525 : i32 to vector<16xi32>
        %sub3A_527 = arith.subi %div3A_500, %sub3A_526 : vector<16xi32>
        %select_n3A_528 = arith.select %and3A_524, %sub3A_527, %div3A_500 : vector<16xi1>, vector<16xi32>
        %add3A_529 = arith.constant 2 : i32
        %add3A_530 = vector.broadcast %add3A_529 : i32 to vector<16xi32>
        %add3A_531 = arith.addi %select_n3A_528, %add3A_530 : vector<16xi32>
        %lt3A_532 = arith.constant 0 : i32
        %lt3A_533 = vector.broadcast %lt3A_532 : i32 to vector<16xi32>
        %lt3A_534 = arith.cmpi slt, %add3A_531, %lt3A_533 : vector<16xi32>
        %add3A_535 = arith.constant 16 : i32
        %add3A_536 = vector.broadcast %add3A_535 : i32 to vector<16xi32>
        %add3A_537 = arith.addi %add3A_531, %add3A_536 : vector<16xi32>
        %select_n3A_538 = arith.select %lt3A_534, %add3A_537, %add3A_531 : vector<16xi1>, vector<16xi32>
        %broadcast_in_dim3A_539 = vector.shape_cast %select_n3A_538 : vector<16xi32> to vector<16x1xi32>
        %gather3A_540 = vector.shape_cast %broadcast_in_dim3A_539 : vector<16x1xi32> to vector<16xi32>
        %gather3A_541 = tpu.dynamic_gather %exp3A_443[%gather3A_540] in [0] : vector<16xf32>, vector<16xi32> -> vector<16xf32>
        %get3A_542 = arith.index_cast %add3A_428 : i32 to index
        %get3A_543 = arith.constant 16 : index
        %get3A_544 = tpu.vector_load %arg12[%get3A_542, %get3A_543] {strides = array<i32>} : memref<256x80xf32, #tpu.memory_space<vmem>>, vector<16xf32>,
        %mul3A_545 = arith.mulf %get3A_544, %gather3A_541 : vector<16xf32>
        %swap3A_546 = arith.index_cast %add3A_428 : i32 to index
        %swap3A_547 = arith.constant 16 : index
        %swap3A_548 = tpu.vector_load %arg12[%swap3A_546, %swap3A_547] {strides = array<i32>} : memref<256x80xf32, #tpu.memory_space<vmem>>, vector<16xf32>,
        tpu.vector_store %arg12[%swap3A_546, %swap3A_547], %mul3A_545 {strides = array<i32>} : memref<256x80xf32, #tpu.memory_space<vmem>>, vector<16xf32>,
        %jit3A_549 = arith.constant 8 : i32
        %div3A_550 = vector.broadcast %jit3A_549 : i32 to vector<16xi32>
        %div3A_551 = arith.divsi %iota3A, %div3A_550 : vector<16xi32>
        %sign3A_552 = arith.constant 0 : i32
        %sign3A_553 = vector.broadcast %sign3A_552 : i32 to vector<16xi32>
        %sign3A_554 = arith.cmpi sgt, %iota3A, %sign3A_553 : vector<16xi32>
        %sign3A_555 = arith.extui %sign3A_554 : vector<16xi1> to vector<16xi32>
        %sign3A_556 = arith.constant 0 : i32
        %sign3A_557 = vector.broadcast %sign3A_556 : i32 to vector<16xi32>
        %sign3A_558 = arith.cmpi slt, %iota3A, %sign3A_557 : vector<16xi32>
        %sign3A_559 = arith.extui %sign3A_558 : vector<16xi1> to vector<16xi32>
        %sign3A_560 = arith.subi %sign3A_555, %sign3A_559 : vector<16xi32>
        %sign3A_561 = arith.constant 0 : i32
        %sign3A_562 = arith.cmpi sgt, %jit3A_549, %sign3A_561 : i32
        %sign3A_563 = arith.extui %sign3A_562 : i1 to i32
        %sign3A_564 = arith.constant 0 : i32
        %sign3A_565 = arith.cmpi slt, %jit3A_549, %sign3A_564 : i32
        %sign3A_566 = arith.extui %sign3A_565 : i1 to i32
        %sign3A_567 = arith.subi %sign3A_563, %sign3A_566 : i32
        %ne3A_568 = vector.broadcast %sign3A_567 : i32 to vector<16xi32>
        %ne3A_569 = arith.cmpi ne, %sign3A_560, %ne3A_568 : vector<16xi32>
        %rem3A_570 = vector.broadcast %jit3A_549 : i32 to vector<16xi32>
        %rem3A_571 = arith.remsi %iota3A, %rem3A_570 : vector<16xi32>
        %ne3A_572 = arith.constant 0 : i32
        %ne3A_573 = vector.broadcast %ne3A_572 : i32 to vector<16xi32>
        %ne3A_574 = arith.cmpi ne, %rem3A_571, %ne3A_573 : vector<16xi32>
        %and3A_575 = arith.andi %ne3A_569, %ne3A_574 : vector<16xi1>
        %sub3A_576 = arith.constant 1 : i32
        %sub3A_577 = vector.broadcast %sub3A_576 : i32 to vector<16xi32>
        %sub3A_578 = arith.subi %div3A_551, %sub3A_577 : vector<16xi32>
        %select_n3A_579 = arith.select %and3A_575, %sub3A_578, %div3A_551 : vector<16xi1>, vector<16xi32>
        %add3A_580 = arith.constant 4 : i32
        %add3A_581 = vector.broadcast %add3A_580 : i32 to vector<16xi32>
        %add3A_582 = arith.addi %select_n3A_579, %add3A_581 : vector<16xi32>
        %lt3A_583 = arith.constant 0 : i32
        %lt3A_584 = vector.broadcast %lt3A_583 : i32 to vector<16xi32>
        %lt3A_585 = arith.cmpi slt, %add3A_582, %lt3A_584 : vector<16xi32>
        %add3A_586 = arith.constant 16 : i32
        %add3A_587 = vector.broadcast %add3A_586 : i32 to vector<16xi32>
        %add3A_588 = arith.addi %add3A_582, %add3A_587 : vector<16xi32>
        %select_n3A_589 = arith.select %lt3A_585, %add3A_588, %add3A_582 : vector<16xi1>, vector<16xi32>
        %broadcast_in_dim3A_590 = vector.shape_cast %select_n3A_589 : vector<16xi32> to vector<16x1xi32>
        %gather3A_591 = vector.shape_cast %broadcast_in_dim3A_590 : vector<16x1xi32> to vector<16xi32>
        %gather3A_592 = tpu.dynamic_gather %exp3A_443[%gather3A_591] in [0] : vector<16xf32>, vector<16xi32> -> vector<16xf32>
        %get3A_593 = arith.index_cast %add3A_428 : i32 to index
        %get3A_594 = arith.constant 32 : index
        %get3A_595 = tpu.vector_load %arg12[%get3A_593, %get3A_594] {strides = array<i32>} : memref<256x80xf32, #tpu.memory_space<vmem>>, vector<16xf32>,
        %mul3A_596 = arith.mulf %get3A_595, %gather3A_592 : vector<16xf32>
        %swap3A_597 = arith.index_cast %add3A_428 : i32 to index
        %swap3A_598 = arith.constant 32 : index
        %swap3A_599 = tpu.vector_load %arg12[%swap3A_597, %swap3A_598] {strides = array<i32>} : memref<256x80xf32, #tpu.memory_space<vmem>>, vector<16xf32>,
        tpu.vector_store %arg12[%swap3A_597, %swap3A_598], %mul3A_596 {strides = array<i32>} : memref<256x80xf32, #tpu.memory_space<vmem>>, vector<16xf32>,
        %jit3A_600 = arith.constant 8 : i32
        %div3A_601 = vector.broadcast %jit3A_600 : i32 to vector<16xi32>
        %div3A_602 = arith.divsi %iota3A, %div3A_601 : vector<16xi32>
        %sign3A_603 = arith.constant 0 : i32
        %sign3A_604 = vector.broadcast %sign3A_603 : i32 to vector<16xi32>
        %sign3A_605 = arith.cmpi sgt, %iota3A, %sign3A_604 : vector<16xi32>
        %sign3A_606 = arith.extui %sign3A_605 : vector<16xi1> to vector<16xi32>
        %sign3A_607 = arith.constant 0 : i32
        %sign3A_608 = vector.broadcast %sign3A_607 : i32 to vector<16xi32>
        %sign3A_609 = arith.cmpi slt, %iota3A, %sign3A_608 : vector<16xi32>
        %sign3A_610 = arith.extui %sign3A_609 : vector<16xi1> to vector<16xi32>
        %sign3A_611 = arith.subi %sign3A_606, %sign3A_610 : vector<16xi32>
        %sign3A_612 = arith.constant 0 : i32
        %sign3A_613 = arith.cmpi sgt, %jit3A_600, %sign3A_612 : i32
        %sign3A_614 = arith.extui %sign3A_613 : i1 to i32
        %sign3A_615 = arith.constant 0 : i32
        %sign3A_616 = arith.cmpi slt, %jit3A_600, %sign3A_615 : i32
        %sign3A_617 = arith.extui %sign3A_616 : i1 to i32
        %sign3A_618 = arith.subi %sign3A_614, %sign3A_617 : i32
        %ne3A_619 = vector.broadcast %sign3A_618 : i32 to vector<16xi32>
        %ne3A_620 = arith.cmpi ne, %sign3A_611, %ne3A_619 : vector<16xi32>
        %rem3A_621 = vector.broadcast %jit3A_600 : i32 to vector<16xi32>
        %rem3A_622 = arith.remsi %iota3A, %rem3A_621 : vector<16xi32>
        %ne3A_623 = arith.constant 0 : i32
        %ne3A_624 = vector.broadcast %ne3A_623 : i32 to vector<16xi32>
        %ne3A_625 = arith.cmpi ne, %rem3A_622, %ne3A_624 : vector<16xi32>
        %and3A_626 = arith.andi %ne3A_620, %ne3A_625 : vector<16xi1>
        %sub3A_627 = arith.constant 1 : i32
        %sub3A_628 = vector.broadcast %sub3A_627 : i32 to vector<16xi32>
        %sub3A_629 = arith.subi %div3A_602, %sub3A_628 : vector<16xi32>
        %select_n3A_630 = arith.select %and3A_626, %sub3A_629, %div3A_602 : vector<16xi1>, vector<16xi32>
        %add3A_631 = arith.constant 6 : i32
        %add3A_632 = vector.broadcast %add3A_631 : i32 to vector<16xi32>
        %add3A_633 = arith.addi %select_n3A_630, %add3A_632 : vector<16xi32>
        %lt3A_634 = arith.constant 0 : i32
        %lt3A_635 = vector.broadcast %lt3A_634 : i32 to vector<16xi32>
        %lt3A_636 = arith.cmpi slt, %add3A_633, %lt3A_635 : vector<16xi32>
        %add3A_637 = arith.constant 16 : i32
        %add3A_638 = vector.broadcast %add3A_637 : i32 to vector<16xi32>
        %add3A_639 = arith.addi %add3A_633, %add3A_638 : vector<16xi32>
        %select_n3A_640 = arith.select %lt3A_636, %add3A_639, %add3A_633 : vector<16xi1>, vector<16xi32>
        %broadcast_in_dim3A_641 = vector.shape_cast %select_n3A_640 : vector<16xi32> to vector<16x1xi32>
        %gather3A_642 = vector.shape_cast %broadcast_in_dim3A_641 : vector<16x1xi32> to vector<16xi32>
        %gather3A_643 = tpu.dynamic_gather %exp3A_443[%gather3A_642] in [0] : vector<16xf32>, vector<16xi32> -> vector<16xf32>
        %get3A_644 = arith.index_cast %add3A_428 : i32 to index
        %get3A_645 = arith.constant 48 : index
        %get3A_646 = tpu.vector_load %arg12[%get3A_644, %get3A_645] {strides = array<i32>} : memref<256x80xf32, #tpu.memory_space<vmem>>, vector<16xf32>,
        %mul3A_647 = arith.mulf %get3A_646, %gather3A_643 : vector<16xf32>
        %swap3A_648 = arith.index_cast %add3A_428 : i32 to index
        %swap3A_649 = arith.constant 48 : index
        %swap3A_650 = tpu.vector_load %arg12[%swap3A_648, %swap3A_649] {strides = array<i32>} : memref<256x80xf32, #tpu.memory_space<vmem>>, vector<16xf32>,
        tpu.vector_store %arg12[%swap3A_648, %swap3A_649], %mul3A_647 {strides = array<i32>} : memref<256x80xf32, #tpu.memory_space<vmem>>, vector<16xf32>,
        %add3A_651 = arith.constant 2 : i32
        %add3A_652 = arith.addi %mul3A_216, %add3A_651 : i32
        %get3A_653 = arith.index_cast %add3A_652 : i32 to index
        %get3A_654 = arith.constant 64 : index
        %get3A_655 = tpu.vector_load %arg12[%get3A_653, %get3A_654] {strides = array<i32>} : memref<256x80xf32, #tpu.memory_space<vmem>>, vector<16xf32>,
        %get3A_656 = arith.index_cast %add3A_652 : i32 to index
        %get3A_657 = arith.constant 0 : index
        %get3A_658 = tpu.vector_load %arg13[%get3A_656, %get3A_657] {strides = array<i32>} : memref<256x16xf32, #tpu.memory_space<vmem>>, vector<16xf32>,
        %add3A_659 = arith.addf %get3A_655, %get3A_658 : vector<16xf32>
        %ge3A_660 = arith.constant 0.000000e+00 : f32
        %ge3A_661 = vector.broadcast %ge3A_660 : f32 to vector<16xf32>
        %ge3A_662 = arith.cmpf oge, %add3A_659, %ge3A_661 : vector<16xf32>
        %mul3A_663 = arith.constant 2.000000e-01 : f32
        %mul3A_664 = vector.broadcast %mul3A_663 : f32 to vector<16xf32>
        %mul3A_665 = arith.mulf %add3A_659, %mul3A_664 : vector<16xf32>
        %select_n3A_666 = arith.select %ge3A_662, %add3A_659, %mul3A_665 : vector<16xi1>, vector<16xf32>
        %exp3A_667 = math.exp %select_n3A_666 : vector<16xf32>
        %swap3A_668 = arith.index_cast %add3A_652 : i32 to index
        %swap3A_669 = arith.constant 64 : index
        %swap3A_670 = tpu.vector_load %arg12[%swap3A_668, %swap3A_669] {strides = array<i32>} : memref<256x80xf32, #tpu.memory_space<vmem>>, vector<16xf32>,
        tpu.vector_store %arg12[%swap3A_668, %swap3A_669], %exp3A_667 {strides = array<i32>} : memref<256x80xf32, #tpu.memory_space<vmem>>, vector<16xf32>,
        %jit3A_671 = arith.constant 8 : i32
        %div3A_672 = vector.broadcast %jit3A_671 : i32 to vector<16xi32>
        %div3A_673 = arith.divsi %iota3A, %div3A_672 : vector<16xi32>
        %sign3A_674 = arith.constant 0 : i32
        %sign3A_675 = vector.broadcast %sign3A_674 : i32 to vector<16xi32>
        %sign3A_676 = arith.cmpi sgt, %iota3A, %sign3A_675 : vector<16xi32>
        %sign3A_677 = arith.extui %sign3A_676 : vector<16xi1> to vector<16xi32>
        %sign3A_678 = arith.constant 0 : i32
        %sign3A_679 = vector.broadcast %sign3A_678 : i32 to vector<16xi32>
        %sign3A_680 = arith.cmpi slt, %iota3A, %sign3A_679 : vector<16xi32>
        %sign3A_681 = arith.extui %sign3A_680 : vector<16xi1> to vector<16xi32>
        %sign3A_682 = arith.subi %sign3A_677, %sign3A_681 : vector<16xi32>
        %sign3A_683 = arith.constant 0 : i32
        %sign3A_684 = arith.cmpi sgt, %jit3A_671, %sign3A_683 : i32
        %sign3A_685 = arith.extui %sign3A_684 : i1 to i32
        %sign3A_686 = arith.constant 0 : i32
        %sign3A_687 = arith.cmpi slt, %jit3A_671, %sign3A_686 : i32
        %sign3A_688 = arith.extui %sign3A_687 : i1 to i32
        %sign3A_689 = arith.subi %sign3A_685, %sign3A_688 : i32
        %ne3A_690 = vector.broadcast %sign3A_689 : i32 to vector<16xi32>
        %ne3A_691 = arith.cmpi ne, %sign3A_682, %ne3A_690 : vector<16xi32>
        %rem3A_692 = vector.broadcast %jit3A_671 : i32 to vector<16xi32>
        %rem3A_693 = arith.remsi %iota3A, %rem3A_692 : vector<16xi32>
        %ne3A_694 = arith.constant 0 : i32
        %ne3A_695 = vector.broadcast %ne3A_694 : i32 to vector<16xi32>
        %ne3A_696 = arith.cmpi ne, %rem3A_693, %ne3A_695 : vector<16xi32>
        %and3A_697 = arith.andi %ne3A_691, %ne3A_696 : vector<16xi1>
        %sub3A_698 = arith.constant 1 : i32
        %sub3A_699 = vector.broadcast %sub3A_698 : i32 to vector<16xi32>
        %sub3A_700 = arith.subi %div3A_673, %sub3A_699 : vector<16xi32>
        %select_n3A_701 = arith.select %and3A_697, %sub3A_700, %div3A_673 : vector<16xi1>, vector<16xi32>
        %add3A_702 = arith.constant 0 : i32
        %add3A_703 = vector.broadcast %add3A_702 : i32 to vector<16xi32>
        %add3A_704 = arith.addi %select_n3A_701, %add3A_703 : vector<16xi32>
        %lt3A_705 = arith.constant 0 : i32
        %lt3A_706 = vector.broadcast %lt3A_705 : i32 to vector<16xi32>
        %lt3A_707 = arith.cmpi slt, %add3A_704, %lt3A_706 : vector<16xi32>
        %add3A_708 = arith.constant 16 : i32
        %add3A_709 = vector.broadcast %add3A_708 : i32 to vector<16xi32>
        %add3A_710 = arith.addi %add3A_704, %add3A_709 : vector<16xi32>
        %select_n3A_711 = arith.select %lt3A_707, %add3A_710, %add3A_704 : vector<16xi1>, vector<16xi32>
        %broadcast_in_dim3A_712 = vector.shape_cast %select_n3A_711 : vector<16xi32> to vector<16x1xi32>
        %gather3A_713 = vector.shape_cast %broadcast_in_dim3A_712 : vector<16x1xi32> to vector<16xi32>
        %gather3A_714 = tpu.dynamic_gather %exp3A_667[%gather3A_713] in [0] : vector<16xf32>, vector<16xi32> -> vector<16xf32>
        %get3A_715 = arith.index_cast %add3A_652 : i32 to index
        %get3A_716 = arith.constant 0 : index
        %get3A_717 = tpu.vector_load %arg12[%get3A_715, %get3A_716] {strides = array<i32>} : memref<256x80xf32, #tpu.memory_space<vmem>>, vector<16xf32>,
        %mul3A_718 = arith.mulf %get3A_717, %gather3A_714 : vector<16xf32>
        %swap3A_719 = arith.index_cast %add3A_652 : i32 to index
        %swap3A_720 = arith.constant 0 : index
        %swap3A_721 = tpu.vector_load %arg12[%swap3A_719, %swap3A_720] {strides = array<i32>} : memref<256x80xf32, #tpu.memory_space<vmem>>, vector<16xf32>,
        tpu.vector_store %arg12[%swap3A_719, %swap3A_720], %mul3A_718 {strides = array<i32>} : memref<256x80xf32, #tpu.memory_space<vmem>>, vector<16xf32>,
        %jit3A_722 = arith.constant 8 : i32
        %div3A_723 = vector.broadcast %jit3A_722 : i32 to vector<16xi32>
        %div3A_724 = arith.divsi %iota3A, %div3A_723 : vector<16xi32>
        %sign3A_725 = arith.constant 0 : i32
        %sign3A_726 = vector.broadcast %sign3A_725 : i32 to vector<16xi32>
        %sign3A_727 = arith.cmpi sgt, %iota3A, %sign3A_726 : vector<16xi32>
        %sign3A_728 = arith.extui %sign3A_727 : vector<16xi1> to vector<16xi32>
        %sign3A_729 = arith.constant 0 : i32
        %sign3A_730 = vector.broadcast %sign3A_729 : i32 to vector<16xi32>
        %sign3A_731 = arith.cmpi slt, %iota3A, %sign3A_730 : vector<16xi32>
        %sign3A_732 = arith.extui %sign3A_731 : vector<16xi1> to vector<16xi32>
        %sign3A_733 = arith.subi %sign3A_728, %sign3A_732 : vector<16xi32>
        %sign3A_734 = arith.constant 0 : i32
        %sign3A_735 = arith.cmpi sgt, %jit3A_722, %sign3A_734 : i32
        %sign3A_736 = arith.extui %sign3A_735 : i1 to i32
        %sign3A_737 = arith.constant 0 : i32
        %sign3A_738 = arith.cmpi slt, %jit3A_722, %sign3A_737 : i32
        %sign3A_739 = arith.extui %sign3A_738 : i1 to i32
        %sign3A_740 = arith.subi %sign3A_736, %sign3A_739 : i32
        %ne3A_741 = vector.broadcast %sign3A_740 : i32 to vector<16xi32>
        %ne3A_742 = arith.cmpi ne, %sign3A_733, %ne3A_741 : vector<16xi32>
        %rem3A_743 = vector.broadcast %jit3A_722 : i32 to vector<16xi32>
        %rem3A_744 = arith.remsi %iota3A, %rem3A_743 : vector<16xi32>
        %ne3A_745 = arith.constant 0 : i32
        %ne3A_746 = vector.broadcast %ne3A_745 : i32 to vector<16xi32>
        %ne3A_747 = arith.cmpi ne, %rem3A_744, %ne3A_746 : vector<16xi32>
        %and3A_748 = arith.andi %ne3A_742, %ne3A_747 : vector<16xi1>
        %sub3A_749 = arith.constant 1 : i32
        %sub3A_750 = vector.broadcast %sub3A_749 : i32 to vector<16xi32>
        %sub3A_751 = arith.subi %div3A_724, %sub3A_750 : vector<16xi32>
        %select_n3A_752 = arith.select %and3A_748, %sub3A_751, %div3A_724 : vector<16xi1>, vector<16xi32>
        %add3A_753 = arith.constant 2 : i32
        %add3A_754 = vector.broadcast %add3A_753 : i32 to vector<16xi32>
        %add3A_755 = arith.addi %select_n3A_752, %add3A_754 : vector<16xi32>
        %lt3A_756 = arith.constant 0 : i32
        %lt3A_757 = vector.broadcast %lt3A_756 : i32 to vector<16xi32>
        %lt3A_758 = arith.cmpi slt, %add3A_755, %lt3A_757 : vector<16xi32>
        %add3A_759 = arith.constant 16 : i32
        %add3A_760 = vector.broadcast %add3A_759 : i32 to vector<16xi32>
        %add3A_761 = arith.addi %add3A_755, %add3A_760 : vector<16xi32>
        %select_n3A_762 = arith.select %lt3A_758, %add3A_761, %add3A_755 : vector<16xi1>, vector<16xi32>
        %broadcast_in_dim3A_763 = vector.shape_cast %select_n3A_762 : vector<16xi32> to vector<16x1xi32>
        %gather3A_764 = vector.shape_cast %broadcast_in_dim3A_763 : vector<16x1xi32> to vector<16xi32>
        %gather3A_765 = tpu.dynamic_gather %exp3A_667[%gather3A_764] in [0] : vector<16xf32>, vector<16xi32> -> vector<16xf32>
        %get3A_766 = arith.index_cast %add3A_652 : i32 to index
        %get3A_767 = arith.constant 16 : index
        %get3A_768 = tpu.vector_load %arg12[%get3A_766, %get3A_767] {strides = array<i32>} : memref<256x80xf32, #tpu.memory_space<vmem>>, vector<16xf32>,
        %mul3A_769 = arith.mulf %get3A_768, %gather3A_765 : vector<16xf32>
        %swap3A_770 = arith.index_cast %add3A_652 : i32 to index
        %swap3A_771 = arith.constant 16 : index
        %swap3A_772 = tpu.vector_load %arg12[%swap3A_770, %swap3A_771] {strides = array<i32>} : memref<256x80xf32, #tpu.memory_space<vmem>>, vector<16xf32>,
        tpu.vector_store %arg12[%swap3A_770, %swap3A_771], %mul3A_769 {strides = array<i32>} : memref<256x80xf32, #tpu.memory_space<vmem>>, vector<16xf32>,
        %jit3A_773 = arith.constant 8 : i32
        %div3A_774 = vector.broadcast %jit3A_773 : i32 to vector<16xi32>
        %div3A_775 = arith.divsi %iota3A, %div3A_774 : vector<16xi32>
        %sign3A_776 = arith.constant 0 : i32
        %sign3A_777 = vector.broadcast %sign3A_776 : i32 to vector<16xi32>
        %sign3A_778 = arith.cmpi sgt, %iota3A, %sign3A_777 : vector<16xi32>
        %sign3A_779 = arith.extui %sign3A_778 : vector<16xi1> to vector<16xi32>
        %sign3A_780 = arith.constant 0 : i32
        %sign3A_781 = vector.broadcast %sign3A_780 : i32 to vector<16xi32>
        %sign3A_782 = arith.cmpi slt, %iota3A, %sign3A_781 : vector<16xi32>
        %sign3A_783 = arith.extui %sign3A_782 : vector<16xi1> to vector<16xi32>
        %sign3A_784 = arith.subi %sign3A_779, %sign3A_783 : vector<16xi32>
        %sign3A_785 = arith.constant 0 : i32
        %sign3A_786 = arith.cmpi sgt, %jit3A_773, %sign3A_785 : i32
        %sign3A_787 = arith.extui %sign3A_786 : i1 to i32
        %sign3A_788 = arith.constant 0 : i32
        %sign3A_789 = arith.cmpi slt, %jit3A_773, %sign3A_788 : i32
        %sign3A_790 = arith.extui %sign3A_789 : i1 to i32
        %sign3A_791 = arith.subi %sign3A_787, %sign3A_790 : i32
        %ne3A_792 = vector.broadcast %sign3A_791 : i32 to vector<16xi32>
        %ne3A_793 = arith.cmpi ne, %sign3A_784, %ne3A_792 : vector<16xi32>
        %rem3A_794 = vector.broadcast %jit3A_773 : i32 to vector<16xi32>
        %rem3A_795 = arith.remsi %iota3A, %rem3A_794 : vector<16xi32>
        %ne3A_796 = arith.constant 0 : i32
        %ne3A_797 = vector.broadcast %ne3A_796 : i32 to vector<16xi32>
        %ne3A_798 = arith.cmpi ne, %rem3A_795, %ne3A_797 : vector<16xi32>
        %and3A_799 = arith.andi %ne3A_793, %ne3A_798 : vector<16xi1>
        %sub3A_800 = arith.constant 1 : i32
        %sub3A_801 = vector.broadcast %sub3A_800 : i32 to vector<16xi32>
        %sub3A_802 = arith.subi %div3A_775, %sub3A_801 : vector<16xi32>
        %select_n3A_803 = arith.select %and3A_799, %sub3A_802, %div3A_775 : vector<16xi1>, vector<16xi32>
        %add3A_804 = arith.constant 4 : i32
        %add3A_805 = vector.broadcast %add3A_804 : i32 to vector<16xi32>
        %add3A_806 = arith.addi %select_n3A_803, %add3A_805 : vector<16xi32>
        %lt3A_807 = arith.constant 0 : i32
        %lt3A_808 = vector.broadcast %lt3A_807 : i32 to vector<16xi32>
        %lt3A_809 = arith.cmpi slt, %add3A_806, %lt3A_808 : vector<16xi32>
        %add3A_810 = arith.constant 16 : i32
        %add3A_811 = vector.broadcast %add3A_810 : i32 to vector<16xi32>
        %add3A_812 = arith.addi %add3A_806, %add3A_811 : vector<16xi32>
        %select_n3A_813 = arith.select %lt3A_809, %add3A_812, %add3A_806 : vector<16xi1>, vector<16xi32>
        %broadcast_in_dim3A_814 = vector.shape_cast %select_n3A_813 : vector<16xi32> to vector<16x1xi32>
        %gather3A_815 = vector.shape_cast %broadcast_in_dim3A_814 : vector<16x1xi32> to vector<16xi32>
        %gather3A_816 = tpu.dynamic_gather %exp3A_667[%gather3A_815] in [0] : vector<16xf32>, vector<16xi32> -> vector<16xf32>
        %get3A_817 = arith.index_cast %add3A_652 : i32 to index
        %get3A_818 = arith.constant 32 : index
        %get3A_819 = tpu.vector_load %arg12[%get3A_817, %get3A_818] {strides = array<i32>} : memref<256x80xf32, #tpu.memory_space<vmem>>, vector<16xf32>,
        %mul3A_820 = arith.mulf %get3A_819, %gather3A_816 : vector<16xf32>
        %swap3A_821 = arith.index_cast %add3A_652 : i32 to index
        %swap3A_822 = arith.constant 32 : index
        %swap3A_823 = tpu.vector_load %arg12[%swap3A_821, %swap3A_822] {strides = array<i32>} : memref<256x80xf32, #tpu.memory_space<vmem>>, vector<16xf32>,
        tpu.vector_store %arg12[%swap3A_821, %swap3A_822], %mul3A_820 {strides = array<i32>} : memref<256x80xf32, #tpu.memory_space<vmem>>, vector<16xf32>,
        %jit3A_824 = arith.constant 8 : i32
        %div3A_825 = vector.broadcast %jit3A_824 : i32 to vector<16xi32>
        %div3A_826 = arith.divsi %iota3A, %div3A_825 : vector<16xi32>
        %sign3A_827 = arith.constant 0 : i32
        %sign3A_828 = vector.broadcast %sign3A_827 : i32 to vector<16xi32>
        %sign3A_829 = arith.cmpi sgt, %iota3A, %sign3A_828 : vector<16xi32>
        %sign3A_830 = arith.extui %sign3A_829 : vector<16xi1> to vector<16xi32>
        %sign3A_831 = arith.constant 0 : i32
        %sign3A_832 = vector.broadcast %sign3A_831 : i32 to vector<16xi32>
        %sign3A_833 = arith.cmpi slt, %iota3A, %sign3A_832 : vector<16xi32>
        %sign3A_834 = arith.extui %sign3A_833 : vector<16xi1> to vector<16xi32>
        %sign3A_835 = arith.subi %sign3A_830, %sign3A_834 : vector<16xi32>
        %sign3A_836 = arith.constant 0 : i32
        %sign3A_837 = arith.cmpi sgt, %jit3A_824, %sign3A_836 : i32
        %sign3A_838 = arith.extui %sign3A_837 : i1 to i32
        %sign3A_839 = arith.constant 0 : i32
        %sign3A_840 = arith.cmpi slt, %jit3A_824, %sign3A_839 : i32
        %sign3A_841 = arith.extui %sign3A_840 : i1 to i32
        %sign3A_842 = arith.subi %sign3A_838, %sign3A_841 : i32
        %ne3A_843 = vector.broadcast %sign3A_842 : i32 to vector<16xi32>
        %ne3A_844 = arith.cmpi ne, %sign3A_835, %ne3A_843 : vector<16xi32>
        %rem3A_845 = vector.broadcast %jit3A_824 : i32 to vector<16xi32>
        %rem3A_846 = arith.remsi %iota3A, %rem3A_845 : vector<16xi32>
        %ne3A_847 = arith.constant 0 : i32
        %ne3A_848 = vector.broadcast %ne3A_847 : i32 to vector<16xi32>
        %ne3A_849 = arith.cmpi ne, %rem3A_846, %ne3A_848 : vector<16xi32>
        %and3A_850 = arith.andi %ne3A_844, %ne3A_849 : vector<16xi1>
        %sub3A_851 = arith.constant 1 : i32
        %sub3A_852 = vector.broadcast %sub3A_851 : i32 to vector<16xi32>
        %sub3A_853 = arith.subi %div3A_826, %sub3A_852 : vector<16xi32>
        %select_n3A_854 = arith.select %and3A_850, %sub3A_853, %div3A_826 : vector<16xi1>, vector<16xi32>
        %add3A_855 = arith.constant 6 : i32
        %add3A_856 = vector.broadcast %add3A_855 : i32 to vector<16xi32>
        %add3A_857 = arith.addi %select_n3A_854, %add3A_856 : vector<16xi32>
        %lt3A_858 = arith.constant 0 : i32
        %lt3A_859 = vector.broadcast %lt3A_858 : i32 to vector<16xi32>
        %lt3A_860 = arith.cmpi slt, %add3A_857, %lt3A_859 : vector<16xi32>
        %add3A_861 = arith.constant 16 : i32
        %add3A_862 = vector.broadcast %add3A_861 : i32 to vector<16xi32>
        %add3A_863 = arith.addi %add3A_857, %add3A_862 : vector<16xi32>
        %select_n3A_864 = arith.select %lt3A_860, %add3A_863, %add3A_857 : vector<16xi1>, vector<16xi32>
        %broadcast_in_dim3A_865 = vector.shape_cast %select_n3A_864 : vector<16xi32> to vector<16x1xi32>
        %gather3A_866 = vector.shape_cast %broadcast_in_dim3A_865 : vector<16x1xi32> to vector<16xi32>
        %gather3A_867 = tpu.dynamic_gather %exp3A_667[%gather3A_866] in [0] : vector<16xf32>, vector<16xi32> -> vector<16xf32>
        %get3A_868 = arith.index_cast %add3A_652 : i32 to index
        %get3A_869 = arith.constant 48 : index
        %get3A_870 = tpu.vector_load %arg12[%get3A_868, %get3A_869] {strides = array<i32>} : memref<256x80xf32, #tpu.memory_space<vmem>>, vector<16xf32>,
        %mul3A_871 = arith.mulf %get3A_870, %gather3A_867 : vector<16xf32>
        %swap3A_872 = arith.index_cast %add3A_652 : i32 to index
        %swap3A_873 = arith.constant 48 : index
        %swap3A_874 = tpu.vector_load %arg12[%swap3A_872, %swap3A_873] {strides = array<i32>} : memref<256x80xf32, #tpu.memory_space<vmem>>, vector<16xf32>,
        tpu.vector_store %arg12[%swap3A_872, %swap3A_873], %mul3A_871 {strides = array<i32>} : memref<256x80xf32, #tpu.memory_space<vmem>>, vector<16xf32>,
        %add3A_875 = arith.constant 3 : i32
        %add3A_876 = arith.addi %mul3A_216, %add3A_875 : i32
        %get3A_877 = arith.index_cast %add3A_876 : i32 to index
        %get3A_878 = arith.constant 64 : index
        %get3A_879 = tpu.vector_load %arg12[%get3A_877, %get3A_878] {strides = array<i32>} : memref<256x80xf32, #tpu.memory_space<vmem>>, vector<16xf32>,
        %get3A_880 = arith.index_cast %add3A_876 : i32 to index
        %get3A_881 = arith.constant 0 : index
        %get3A_882 = tpu.vector_load %arg13[%get3A_880, %get3A_881] {strides = array<i32>} : memref<256x16xf32, #tpu.memory_space<vmem>>, vector<16xf32>,
        %add3A_883 = arith.addf %get3A_879, %get3A_882 : vector<16xf32>
        %ge3A_884 = arith.constant 0.000000e+00 : f32
        %ge3A_885 = vector.broadcast %ge3A_884 : f32 to vector<16xf32>
        %ge3A_886 = arith.cmpf oge, %add3A_883, %ge3A_885 : vector<16xf32>
        %mul3A_887 = arith.constant 2.000000e-01 : f32
        %mul3A_888 = vector.broadcast %mul3A_887 : f32 to vector<16xf32>
        %mul3A_889 = arith.mulf %add3A_883, %mul3A_888 : vector<16xf32>
        %select_n3A_890 = arith.select %ge3A_886, %add3A_883, %mul3A_889 : vector<16xi1>, vector<16xf32>
        %exp3A_891 = math.exp %select_n3A_890 : vector<16xf32>
        %swap3A_892 = arith.index_cast %add3A_876 : i32 to index
        %swap3A_893 = arith.constant 64 : index
        %swap3A_894 = tpu.vector_load %arg12[%swap3A_892, %swap3A_893] {strides = array<i32>} : memref<256x80xf32, #tpu.memory_space<vmem>>, vector<16xf32>,
        tpu.vector_store %arg12[%swap3A_892, %swap3A_893], %exp3A_891 {strides = array<i32>} : memref<256x80xf32, #tpu.memory_space<vmem>>, vector<16xf32>,
        %jit3A_895 = arith.constant 8 : i32
        %div3A_896 = vector.broadcast %jit3A_895 : i32 to vector<16xi32>
        %div3A_897 = arith.divsi %iota3A, %div3A_896 : vector<16xi32>
        %sign3A_898 = arith.constant 0 : i32
        %sign3A_899 = vector.broadcast %sign3A_898 : i32 to vector<16xi32>
        %sign3A_900 = arith.cmpi sgt, %iota3A, %sign3A_899 : vector<16xi32>
        %sign3A_901 = arith.extui %sign3A_900 : vector<16xi1> to vector<16xi32>
        %sign3A_902 = arith.constant 0 : i32
        %sign3A_903 = vector.broadcast %sign3A_902 : i32 to vector<16xi32>
        %sign3A_904 = arith.cmpi slt, %iota3A, %sign3A_903 : vector<16xi32>
        %sign3A_905 = arith.extui %sign3A_904 : vector<16xi1> to vector<16xi32>
        %sign3A_906 = arith.subi %sign3A_901, %sign3A_905 : vector<16xi32>
        %sign3A_907 = arith.constant 0 : i32
        %sign3A_908 = arith.cmpi sgt, %jit3A_895, %sign3A_907 : i32
        %sign3A_909 = arith.extui %sign3A_908 : i1 to i32
        %sign3A_910 = arith.constant 0 : i32
        %sign3A_911 = arith.cmpi slt, %jit3A_895, %sign3A_910 : i32
        %sign3A_912 = arith.extui %sign3A_911 : i1 to i32
        %sign3A_913 = arith.subi %sign3A_909, %sign3A_912 : i32
        %ne3A_914 = vector.broadcast %sign3A_913 : i32 to vector<16xi32>
        %ne3A_915 = arith.cmpi ne, %sign3A_906, %ne3A_914 : vector<16xi32>
        %rem3A_916 = vector.broadcast %jit3A_895 : i32 to vector<16xi32>
        %rem3A_917 = arith.remsi %iota3A, %rem3A_916 : vector<16xi32>
        %ne3A_918 = arith.constant 0 : i32
        %ne3A_919 = vector.broadcast %ne3A_918 : i32 to vector<16xi32>
        %ne3A_920 = arith.cmpi ne, %rem3A_917, %ne3A_919 : vector<16xi32>
        %and3A_921 = arith.andi %ne3A_915, %ne3A_920 : vector<16xi1>
        %sub3A_922 = arith.constant 1 : i32
        %sub3A_923 = vector.broadcast %sub3A_922 : i32 to vector<16xi32>
        %sub3A_924 = arith.subi %div3A_897, %sub3A_923 : vector<16xi32>
        %select_n3A_925 = arith.select %and3A_921, %sub3A_924, %div3A_897 : vector<16xi1>, vector<16xi32>
        %add3A_926 = arith.constant 0 : i32
        %add3A_927 = vector.broadcast %add3A_926 : i32 to vector<16xi32>
        %add3A_928 = arith.addi %select_n3A_925, %add3A_927 : vector<16xi32>
        %lt3A_929 = arith.constant 0 : i32
        %lt3A_930 = vector.broadcast %lt3A_929 : i32 to vector<16xi32>
        %lt3A_931 = arith.cmpi slt, %add3A_928, %lt3A_930 : vector<16xi32>
        %add3A_932 = arith.constant 16 : i32
        %add3A_933 = vector.broadcast %add3A_932 : i32 to vector<16xi32>
        %add3A_934 = arith.addi %add3A_928, %add3A_933 : vector<16xi32>
        %select_n3A_935 = arith.select %lt3A_931, %add3A_934, %add3A_928 : vector<16xi1>, vector<16xi32>
        %broadcast_in_dim3A_936 = vector.shape_cast %select_n3A_935 : vector<16xi32> to vector<16x1xi32>
        %gather3A_937 = vector.shape_cast %broadcast_in_dim3A_936 : vector<16x1xi32> to vector<16xi32>
        %gather3A_938 = tpu.dynamic_gather %exp3A_891[%gather3A_937] in [0] : vector<16xf32>, vector<16xi32> -> vector<16xf32>
        %get3A_939 = arith.index_cast %add3A_876 : i32 to index
        %get3A_940 = arith.constant 0 : index
        %get3A_941 = tpu.vector_load %arg12[%get3A_939, %get3A_940] {strides = array<i32>} : memref<256x80xf32, #tpu.memory_space<vmem>>, vector<16xf32>,
        %mul3A_942 = arith.mulf %get3A_941, %gather3A_938 : vector<16xf32>
        %swap3A_943 = arith.index_cast %add3A_876 : i32 to index
        %swap3A_944 = arith.constant 0 : index
        %swap3A_945 = tpu.vector_load %arg12[%swap3A_943, %swap3A_944] {strides = array<i32>} : memref<256x80xf32, #tpu.memory_space<vmem>>, vector<16xf32>,
        tpu.vector_store %arg12[%swap3A_943, %swap3A_944], %mul3A_942 {strides = array<i32>} : memref<256x80xf32, #tpu.memory_space<vmem>>, vector<16xf32>,
        %jit3A_946 = arith.constant 8 : i32
        %div3A_947 = vector.broadcast %jit3A_946 : i32 to vector<16xi32>
        %div3A_948 = arith.divsi %iota3A, %div3A_947 : vector<16xi32>
        %sign3A_949 = arith.constant 0 : i32
        %sign3A_950 = vector.broadcast %sign3A_949 : i32 to vector<16xi32>
        %sign3A_951 = arith.cmpi sgt, %iota3A, %sign3A_950 : vector<16xi32>
        %sign3A_952 = arith.extui %sign3A_951 : vector<16xi1> to vector<16xi32>
        %sign3A_953 = arith.constant 0 : i32
        %sign3A_954 = vector.broadcast %sign3A_953 : i32 to vector<16xi32>
        %sign3A_955 = arith.cmpi slt, %iota3A, %sign3A_954 : vector<16xi32>
        %sign3A_956 = arith.extui %sign3A_955 : vector<16xi1> to vector<16xi32>
        %sign3A_957 = arith.subi %sign3A_952, %sign3A_956 : vector<16xi32>
        %sign3A_958 = arith.constant 0 : i32
        %sign3A_959 = arith.cmpi sgt, %jit3A_946, %sign3A_958 : i32
        %sign3A_960 = arith.extui %sign3A_959 : i1 to i32
        %sign3A_961 = arith.constant 0 : i32
        %sign3A_962 = arith.cmpi slt, %jit3A_946, %sign3A_961 : i32
        %sign3A_963 = arith.extui %sign3A_962 : i1 to i32
        %sign3A_964 = arith.subi %sign3A_960, %sign3A_963 : i32
        %ne3A_965 = vector.broadcast %sign3A_964 : i32 to vector<16xi32>
        %ne3A_966 = arith.cmpi ne, %sign3A_957, %ne3A_965 : vector<16xi32>
        %rem3A_967 = vector.broadcast %jit3A_946 : i32 to vector<16xi32>
        %rem3A_968 = arith.remsi %iota3A, %rem3A_967 : vector<16xi32>
        %ne3A_969 = arith.constant 0 : i32
        %ne3A_970 = vector.broadcast %ne3A_969 : i32 to vector<16xi32>
        %ne3A_971 = arith.cmpi ne, %rem3A_968, %ne3A_970 : vector<16xi32>
        %and3A_972 = arith.andi %ne3A_966, %ne3A_971 : vector<16xi1>
        %sub3A_973 = arith.constant 1 : i32
        %sub3A_974 = vector.broadcast %sub3A_973 : i32 to vector<16xi32>
        %sub3A_975 = arith.subi %div3A_948, %sub3A_974 : vector<16xi32>
        %select_n3A_976 = arith.select %and3A_972, %sub3A_975, %div3A_948 : vector<16xi1>, vector<16xi32>
        %add3A_977 = arith.constant 2 : i32
        %add3A_978 = vector.broadcast %add3A_977 : i32 to vector<16xi32>
        %add3A_979 = arith.addi %select_n3A_976, %add3A_978 : vector<16xi32>
        %lt3A_980 = arith.constant 0 : i32
        %lt3A_981 = vector.broadcast %lt3A_980 : i32 to vector<16xi32>
        %lt3A_982 = arith.cmpi slt, %add3A_979, %lt3A_981 : vector<16xi32>
        %add3A_983 = arith.constant 16 : i32
        %add3A_984 = vector.broadcast %add3A_983 : i32 to vector<16xi32>
        %add3A_985 = arith.addi %add3A_979, %add3A_984 : vector<16xi32>
        %select_n3A_986 = arith.select %lt3A_982, %add3A_985, %add3A_979 : vector<16xi1>, vector<16xi32>
        %broadcast_in_dim3A_987 = vector.shape_cast %select_n3A_986 : vector<16xi32> to vector<16x1xi32>
        %gather3A_988 = vector.shape_cast %broadcast_in_dim3A_987 : vector<16x1xi32> to vector<16xi32>
        %gather3A_989 = tpu.dynamic_gather %exp3A_891[%gather3A_988] in [0] : vector<16xf32>, vector<16xi32> -> vector<16xf32>
        %get3A_990 = arith.index_cast %add3A_876 : i32 to index
        %get3A_991 = arith.constant 16 : index
        %get3A_992 = tpu.vector_load %arg12[%get3A_990, %get3A_991] {strides = array<i32>} : memref<256x80xf32, #tpu.memory_space<vmem>>, vector<16xf32>,
        %mul3A_993 = arith.mulf %get3A_992, %gather3A_989 : vector<16xf32>
        %swap3A_994 = arith.index_cast %add3A_876 : i32 to index
        %swap3A_995 = arith.constant 16 : index
        %swap3A_996 = tpu.vector_load %arg12[%swap3A_994, %swap3A_995] {strides = array<i32>} : memref<256x80xf32, #tpu.memory_space<vmem>>, vector<16xf32>,
        tpu.vector_store %arg12[%swap3A_994, %swap3A_995], %mul3A_993 {strides = array<i32>} : memref<256x80xf32, #tpu.memory_space<vmem>>, vector<16xf32>,
        %jit3A_997 = arith.constant 8 : i32
        %div3A_998 = vector.broadcast %jit3A_997 : i32 to vector<16xi32>
        %div3A_999 = arith.divsi %iota3A, %div3A_998 : vector<16xi32>
        %sign3A_1000 = arith.constant 0 : i32
        %sign3A_1001 = vector.broadcast %sign3A_1000 : i32 to vector<16xi32>
        %sign3A_1002 = arith.cmpi sgt, %iota3A, %sign3A_1001 : vector<16xi32>
        %sign3A_1003 = arith.extui %sign3A_1002 : vector<16xi1> to vector<16xi32>
        %sign3A_1004 = arith.constant 0 : i32
        %sign3A_1005 = vector.broadcast %sign3A_1004 : i32 to vector<16xi32>
        %sign3A_1006 = arith.cmpi slt, %iota3A, %sign3A_1005 : vector<16xi32>
        %sign3A_1007 = arith.extui %sign3A_1006 : vector<16xi1> to vector<16xi32>
        %sign3A_1008 = arith.subi %sign3A_1003, %sign3A_1007 : vector<16xi32>
        %sign3A_1009 = arith.constant 0 : i32
        %sign3A_1010 = arith.cmpi sgt, %jit3A_997, %sign3A_1009 : i32
        %sign3A_1011 = arith.extui %sign3A_1010 : i1 to i32
        %sign3A_1012 = arith.constant 0 : i32
        %sign3A_1013 = arith.cmpi slt, %jit3A_997, %sign3A_1012 : i32
        %sign3A_1014 = arith.extui %sign3A_1013 : i1 to i32
        %sign3A_1015 = arith.subi %sign3A_1011, %sign3A_1014 : i32
        %ne3A_1016 = vector.broadcast %sign3A_1015 : i32 to vector<16xi32>
        %ne3A_1017 = arith.cmpi ne, %sign3A_1008, %ne3A_1016 : vector<16xi32>
        %rem3A_1018 = vector.broadcast %jit3A_997 : i32 to vector<16xi32>
        %rem3A_1019 = arith.remsi %iota3A, %rem3A_1018 : vector<16xi32>
        %ne3A_1020 = arith.constant 0 : i32
        %ne3A_1021 = vector.broadcast %ne3A_1020 : i32 to vector<16xi32>
        %ne3A_1022 = arith.cmpi ne, %rem3A_1019, %ne3A_1021 : vector<16xi32>
        %and3A_1023 = arith.andi %ne3A_1017, %ne3A_1022 : vector<16xi1>
        %sub3A_1024 = arith.constant 1 : i32
        %sub3A_1025 = vector.broadcast %sub3A_1024 : i32 to vector<16xi32>
        %sub3A_1026 = arith.subi %div3A_999, %sub3A_1025 : vector<16xi32>
        %select_n3A_1027 = arith.select %and3A_1023, %sub3A_1026, %div3A_999 : vector<16xi1>, vector<16xi32>
        %add3A_1028 = arith.constant 4 : i32
        %add3A_1029 = vector.broadcast %add3A_1028 : i32 to vector<16xi32>
        %add3A_1030 = arith.addi %select_n3A_1027, %add3A_1029 : vector<16xi32>
        %lt3A_1031 = arith.constant 0 : i32
        %lt3A_1032 = vector.broadcast %lt3A_1031 : i32 to vector<16xi32>
        %lt3A_1033 = arith.cmpi slt, %add3A_1030, %lt3A_1032 : vector<16xi32>
        %add3A_1034 = arith.constant 16 : i32
        %add3A_1035 = vector.broadcast %add3A_1034 : i32 to vector<16xi32>
        %add3A_1036 = arith.addi %add3A_1030, %add3A_1035 : vector<16xi32>
        %select_n3A_1037 = arith.select %lt3A_1033, %add3A_1036, %add3A_1030 : vector<16xi1>, vector<16xi32>
        %broadcast_in_dim3A_1038 = vector.shape_cast %select_n3A_1037 : vector<16xi32> to vector<16x1xi32>
        %gather3A_1039 = vector.shape_cast %broadcast_in_dim3A_1038 : vector<16x1xi32> to vector<16xi32>
        %gather3A_1040 = tpu.dynamic_gather %exp3A_891[%gather3A_1039] in [0] : vector<16xf32>, vector<16xi32> -> vector<16xf32>
        %get3A_1041 = arith.index_cast %add3A_876 : i32 to index
        %get3A_1042 = arith.constant 32 : index
        %get3A_1043 = tpu.vector_load %arg12[%get3A_1041, %get3A_1042] {strides = array<i32>} : memref<256x80xf32, #tpu.memory_space<vmem>>, vector<16xf32>,
        %mul3A_1044 = arith.mulf %get3A_1043, %gather3A_1040 : vector<16xf32>
        %swap3A_1045 = arith.index_cast %add3A_876 : i32 to index
        %swap3A_1046 = arith.constant 32 : index
        %swap3A_1047 = tpu.vector_load %arg12[%swap3A_1045, %swap3A_1046] {strides = array<i32>} : memref<256x80xf32, #tpu.memory_space<vmem>>, vector<16xf32>,
        tpu.vector_store %arg12[%swap3A_1045, %swap3A_1046], %mul3A_1044 {strides = array<i32>} : memref<256x80xf32, #tpu.memory_space<vmem>>, vector<16xf32>,
        %jit3A_1048 = arith.constant 8 : i32
        %div3A_1049 = vector.broadcast %jit3A_1048 : i32 to vector<16xi32>
        %div3A_1050 = arith.divsi %iota3A, %div3A_1049 : vector<16xi32>
        %sign3A_1051 = arith.constant 0 : i32
        %sign3A_1052 = vector.broadcast %sign3A_1051 : i32 to vector<16xi32>
        %sign3A_1053 = arith.cmpi sgt, %iota3A, %sign3A_1052 : vector<16xi32>
        %sign3A_1054 = arith.extui %sign3A_1053 : vector<16xi1> to vector<16xi32>
        %sign3A_1055 = arith.constant 0 : i32
        %sign3A_1056 = vector.broadcast %sign3A_1055 : i32 to vector<16xi32>
        %sign3A_1057 = arith.cmpi slt, %iota3A, %sign3A_1056 : vector<16xi32>
        %sign3A_1058 = arith.extui %sign3A_1057 : vector<16xi1> to vector<16xi32>
        %sign3A_1059 = arith.subi %sign3A_1054, %sign3A_1058 : vector<16xi32>
        %sign3A_1060 = arith.constant 0 : i32
        %sign3A_1061 = arith.cmpi sgt, %jit3A_1048, %sign3A_1060 : i32
        %sign3A_1062 = arith.extui %sign3A_1061 : i1 to i32
        %sign3A_1063 = arith.constant 0 : i32
        %sign3A_1064 = arith.cmpi slt, %jit3A_1048, %sign3A_1063 : i32
        %sign3A_1065 = arith.extui %sign3A_1064 : i1 to i32
        %sign3A_1066 = arith.subi %sign3A_1062, %sign3A_1065 : i32
        %ne3A_1067 = vector.broadcast %sign3A_1066 : i32 to vector<16xi32>
        %ne3A_1068 = arith.cmpi ne, %sign3A_1059, %ne3A_1067 : vector<16xi32>
        %rem3A_1069 = vector.broadcast %jit3A_1048 : i32 to vector<16xi32>
        %rem3A_1070 = arith.remsi %iota3A, %rem3A_1069 : vector<16xi32>
        %ne3A_1071 = arith.constant 0 : i32
        %ne3A_1072 = vector.broadcast %ne3A_1071 : i32 to vector<16xi32>
        %ne3A_1073 = arith.cmpi ne, %rem3A_1070, %ne3A_1072 : vector<16xi32>
        %and3A_1074 = arith.andi %ne3A_1068, %ne3A_1073 : vector<16xi1>
        %sub3A_1075 = arith.constant 1 : i32
        %sub3A_1076 = vector.broadcast %sub3A_1075 : i32 to vector<16xi32>
        %sub3A_1077 = arith.subi %div3A_1050, %sub3A_1076 : vector<16xi32>
        %select_n3A_1078 = arith.select %and3A_1074, %sub3A_1077, %div3A_1050 : vector<16xi1>, vector<16xi32>
        %add3A_1079 = arith.constant 6 : i32
        %add3A_1080 = vector.broadcast %add3A_1079 : i32 to vector<16xi32>
        %add3A_1081 = arith.addi %select_n3A_1078, %add3A_1080 : vector<16xi32>
        %lt3A_1082 = arith.constant 0 : i32
        %lt3A_1083 = vector.broadcast %lt3A_1082 : i32 to vector<16xi32>
        %lt3A_1084 = arith.cmpi slt, %add3A_1081, %lt3A_1083 : vector<16xi32>
        %add3A_1085 = arith.constant 16 : i32
        %add3A_1086 = vector.broadcast %add3A_1085 : i32 to vector<16xi32>
        %add3A_1087 = arith.addi %add3A_1081, %add3A_1086 : vector<16xi32>
        %select_n3A_1088 = arith.select %lt3A_1084, %add3A_1087, %add3A_1081 : vector<16xi1>, vector<16xi32>
        %broadcast_in_dim3A_1089 = vector.shape_cast %select_n3A_1088 : vector<16xi32> to vector<16x1xi32>
        %gather3A_1090 = vector.shape_cast %broadcast_in_dim3A_1089 : vector<16x1xi32> to vector<16xi32>
        %gather3A_1091 = tpu.dynamic_gather %exp3A_891[%gather3A_1090] in [0] : vector<16xf32>, vector<16xi32> -> vector<16xf32>
        %get3A_1092 = arith.index_cast %add3A_876 : i32 to index
        %get3A_1093 = arith.constant 48 : index
        %get3A_1094 = tpu.vector_load %arg12[%get3A_1092, %get3A_1093] {strides = array<i32>} : memref<256x80xf32, #tpu.memory_space<vmem>>, vector<16xf32>,
        %mul3A_1095 = arith.mulf %get3A_1094, %gather3A_1091 : vector<16xf32>
        %swap3A_1096 = arith.index_cast %add3A_876 : i32 to index
        %swap3A_1097 = arith.constant 48 : index
        %swap3A_1098 = tpu.vector_load %arg12[%swap3A_1096, %swap3A_1097] {strides = array<i32>} : memref<256x80xf32, #tpu.memory_space<vmem>>, vector<16xf32>,
        tpu.vector_store %arg12[%swap3A_1096, %swap3A_1097], %mul3A_1095 {strides = array<i32>} : memref<256x80xf32, #tpu.memory_space<vmem>>, vector<16xf32>,
      }
      %scan3A_209 = arith.constant 64 : i32
      %add3A_210 = arith.constant 0 : i32
      %add3A_211 = arith.addi %add3A_60, %add3A_210 : i32
      "tpu.region"() ({
        %run_scoped3A = tpu.sem_alloc : memref<!tpu.dma_semaphore, #tpu.memory_space<semaphore_mem>>
        %dma_start3A_214 = arith.constant 0 : i32
        %dma_start3A_215 = arith.constant 0 : i32
        %dma_start3A_216 = tpu.memref_slice %arg12[%dma_start3A_214, %dma_start3A_215] : memref<256x80xf32, #tpu.memory_space<vmem>> -> memref<128x80xf32, #tpu.memory_space<vmem>>
        %dma_start3A_217 = arith.constant 0 : i32
        %dma_start3A_218 = tpu.memref_slice %arg9[%add3A_211, %dma_start3A_217] : memref<84x128xi32, #tpu.memory_space<vmem>> -> memref<1x128xi32, #tpu.memory_space<vmem>>
        %dma_start3A_219 = tpu.memref_squeeze %dma_start3A_218 : memref<1x128xi32, #tpu.memory_space<vmem>> -> memref<128xi32, #tpu.memory_space<vmem>>
        %dma_start3A_220 = arith.constant 0 : i32
        %dma_start3A_221 = arith.constant 0 : i32
        %dma_start3A_222 = tpu.memref_slice %arg14[%dma_start3A_220, %dma_start3A_221] : memref<10240x80xf32, #tpu.memory_space<vmem_shared>> -> memref<10240x80xf32, #tpu.memory_space<vmem_shared>>
        tpu.enqueue_indirect_dma source(%dma_start3A_216 : memref<128x80xf32, #tpu.memory_space<vmem>>) target(%dma_start3A_222 : memref<10240x80xf32, #tpu.memory_space<vmem_shared>>) offsets(%dma_start3A_219 : memref<128xi32, #tpu.memory_space<vmem>>) semaphore(%run_scoped3A : memref<!tpu.dma_semaphore, #tpu.memory_space<semaphore_mem>>) {add = true}
        %dma_wait3A_223 = arith.constant 0 : i32
        %dma_wait3A_224 = arith.constant 0 : i32
        %dma_wait3A_225 = tpu.memref_slice %arg12[%dma_wait3A_223, %dma_wait3A_224] : memref<256x80xf32, #tpu.memory_space<vmem>> -> memref<128x80xf32, #tpu.memory_space<vmem>>
        %dma_wait3A_226 = arith.constant 0 : i32
        %dma_wait3A_227 = tpu.memref_slice %arg9[%add3A_211, %dma_wait3A_226] : memref<84x128xi32, #tpu.memory_space<vmem>> -> memref<1x128xi32, #tpu.memory_space<vmem>>
        %dma_wait3A_228 = tpu.memref_squeeze %dma_wait3A_227 : memref<1x128xi32, #tpu.memory_space<vmem>> -> memref<128xi32, #tpu.memory_space<vmem>>
        %dma_wait3A_229 = arith.constant 0 : i32
        %dma_wait3A_230 = arith.constant 0 : i32
        %dma_wait3A_231 = tpu.memref_slice %arg14[%dma_wait3A_229, %dma_wait3A_230] : memref<10240x80xf32, #tpu.memory_space<vmem_shared>> -> memref<10240x80xf32, #tpu.memory_space<vmem_shared>>
        tpu.wait_indirect_dma semaphore(%run_scoped3A : memref<!tpu.dma_semaphore, #tpu.memory_space<semaphore_mem>>) src(%dma_wait3A_225 : memref<128x80xf32, #tpu.memory_space<vmem>>) dst(%dma_wait3A_231 : memref<10240x80xf32, #tpu.memory_space<vmem_shared>>)
        tpu.yield
      }) : () -> ()
      %add3A_212 = arith.constant 1 : i32
      %add3A_213 = arith.addi %add3A_60, %add3A_212 : i32
      "tpu.region"() ({
        %run_scoped3A = tpu.sem_alloc : memref<!tpu.dma_semaphore, #tpu.memory_space<semaphore_mem>>
        %dma_start3A_214 = arith.constant 128 : i32
        %dma_start3A_215 = arith.constant 0 : i32
        %dma_start3A_216 = tpu.memref_slice %arg12[%dma_start3A_214, %dma_start3A_215] : memref<256x80xf32, #tpu.memory_space<vmem>> -> memref<128x80xf32, #tpu.memory_space<vmem>>
        %dma_start3A_217 = arith.constant 0 : i32
        %dma_start3A_218 = tpu.memref_slice %arg9[%add3A_213, %dma_start3A_217] : memref<84x128xi32, #tpu.memory_space<vmem>> -> memref<1x128xi32, #tpu.memory_space<vmem>>
        %dma_start3A_219 = tpu.memref_squeeze %dma_start3A_218 : memref<1x128xi32, #tpu.memory_space<vmem>> -> memref<128xi32, #tpu.memory_space<vmem>>
        %dma_start3A_220 = arith.constant 0 : i32
        %dma_start3A_221 = arith.constant 0 : i32
        %dma_start3A_222 = tpu.memref_slice %arg14[%dma_start3A_220, %dma_start3A_221] : memref<10240x80xf32, #tpu.memory_space<vmem_shared>> -> memref<10240x80xf32, #tpu.memory_space<vmem_shared>>
        tpu.enqueue_indirect_dma source(%dma_start3A_216 : memref<128x80xf32, #tpu.memory_space<vmem>>) target(%dma_start3A_222 : memref<10240x80xf32, #tpu.memory_space<vmem_shared>>) offsets(%dma_start3A_219 : memref<128xi32, #tpu.memory_space<vmem>>) semaphore(%run_scoped3A : memref<!tpu.dma_semaphore, #tpu.memory_space<semaphore_mem>>) {add = true}
        %dma_wait3A_223 = arith.constant 128 : i32
        %dma_wait3A_224 = arith.constant 0 : i32
        %dma_wait3A_225 = tpu.memref_slice %arg12[%dma_wait3A_223, %dma_wait3A_224] : memref<256x80xf32, #tpu.memory_space<vmem>> -> memref<128x80xf32, #tpu.memory_space<vmem>>
        %dma_wait3A_226 = arith.constant 0 : i32
        %dma_wait3A_227 = tpu.memref_slice %arg9[%add3A_213, %dma_wait3A_226] : memref<84x128xi32, #tpu.memory_space<vmem>> -> memref<1x128xi32, #tpu.memory_space<vmem>>
        %dma_wait3A_228 = tpu.memref_squeeze %dma_wait3A_227 : memref<1x128xi32, #tpu.memory_space<vmem>> -> memref<128xi32, #tpu.memory_space<vmem>>
        %dma_wait3A_229 = arith.constant 0 : i32
        %dma_wait3A_230 = arith.constant 0 : i32
        %dma_wait3A_231 = tpu.memref_slice %arg14[%dma_wait3A_229, %dma_wait3A_230] : memref<10240x80xf32, #tpu.memory_space<vmem_shared>> -> memref<10240x80xf32, #tpu.memory_space<vmem_shared>>
        tpu.wait_indirect_dma semaphore(%run_scoped3A : memref<!tpu.dma_semaphore, #tpu.memory_space<semaphore_mem>>) src(%dma_wait3A_225 : memref<128x80xf32, #tpu.memory_space<vmem>>) dst(%dma_wait3A_231 : memref<10240x80xf32, #tpu.memory_space<vmem_shared>>)
        tpu.yield
      }) : () -> ()
    }
    %scan3A_48 = arith.constant 21 : i32
    %barrier3A_49 = arith.constant 0 : index
    tpu.barrier barrier_id(%barrier3A_49)
    %mul3A_50 = arith.constant 640 : i32
    %mul3A_51 = arith.muli %arg1, %mul3A_50 : i32
    %mul3A_52 = arith.constant 640 : i32
    %mul3A_53 = arith.muli %arg1, %mul3A_52 : i32
    "tpu.region"() ({
      %run_scoped3A = tpu.sem_alloc : memref<!tpu.dma_semaphore, #tpu.memory_space<semaphore_mem>>
      %dma_start3A_54 = arith.constant 0 : i32
      %dma_start3A_55 = tpu.memref_slice %arg7[%arg0, %mul3A_53, %dma_start3A_54] : memref<2x10240x80xf32, #tpu.memory_space<hbm>> -> memref<1x640x80xf32, #tpu.memory_space<hbm>>
      %dma_start3A_56 = tpu.memref_squeeze %dma_start3A_55 : memref<1x640x80xf32, #tpu.memory_space<hbm>> -> memref<640x80xf32, #tpu.memory_space<hbm>>
      %dma_start3A_57 = arith.constant 0 : i32
      %dma_start3A_58 = tpu.memref_slice %arg14[%mul3A_51, %dma_start3A_57] : memref<10240x80xf32, #tpu.memory_space<vmem_shared>> -> memref<640x80xf32, #tpu.memory_space<vmem_shared>>
      tpu.enqueue_dma source(%dma_start3A_58 : memref<640x80xf32, #tpu.memory_space<vmem_shared>>) target(%dma_start3A_56 : memref<640x80xf32, #tpu.memory_space<hbm>>) target_semaphore(%run_scoped3A : memref<!tpu.dma_semaphore, #tpu.memory_space<semaphore_mem>>)
      %dma_wait3A = arith.constant 0 : i32
      %dma_wait3A_59 = tpu.memref_slice %arg7[%arg0, %mul3A_53, %dma_wait3A] : memref<2x10240x80xf32, #tpu.memory_space<hbm>> -> memref<1x640x80xf32, #tpu.memory_space<hbm>>
      %dma_wait3A_60 = tpu.memref_squeeze %dma_wait3A_59 : memref<1x640x80xf32, #tpu.memory_space<hbm>> -> memref<640x80xf32, #tpu.memory_space<hbm>>
      %dma_wait3A_61 = arith.constant 0 : i32
      %dma_wait3A_62 = tpu.memref_slice %arg14[%mul3A_51, %dma_wait3A_61] : memref<10240x80xf32, #tpu.memory_space<vmem_shared>> -> memref<640x80xf32, #tpu.memory_space<vmem_shared>>
      tpu.wait_dma2 semaphore(%run_scoped3A : memref<!tpu.dma_semaphore, #tpu.memory_space<semaphore_mem>>) src(%dma_wait3A_62 : memref<640x80xf32, #tpu.memory_space<vmem_shared>>) dst(%dma_wait3A_60 : memref<640x80xf32, #tpu.memory_space<hbm>>)
      tpu.yield
    }) : () -> ()
    return
  }
}

module attributes {stable_mosaic.version = 14 : i64} {
  func.func @_prep_kernel(%arg0: i32, %arg1: memref<1280x128xf32, #tpu.memory_space<vmem>>, %arg2: memref<128x64xf32, #tpu.memory_space<vmem>>, %arg3: memref<64x8xf32, #tpu.memory_space<vmem>>, %arg4: memref<64x8xf32, #tpu.memory_space<vmem>>, %arg5: memref<1280x80xf32, #tpu.memory_space<vmem>>, %arg6: memref<1280x16xf32, #tpu.memory_space<vmem>>) attributes {dimension_semantics = [#tpu.dimension_semantics<arbitrary>], iteration_bounds = array<i64: 8>, scalar_prefetch = 0 : i64, scratch_operands = 0 : i64, tpu.core_type = #tpu.core_type<tc>, window_params = [{transform_indices = @transform_0, window_bounds = array<i64: 1280, 128>}, {pipeline_mode = #tpu.pipeline_mode<synchronous>, transform_indices = @transform_1, window_bounds = array<i64: 128, 64>}, {pipeline_mode = #tpu.pipeline_mode<synchronous>, transform_indices = @transform_2, window_bounds = array<i64: 64, 8>}, {pipeline_mode = #tpu.pipeline_mode<synchronous>, transform_indices = @transform_3, window_bounds = array<i64: 64, 8>}, {transform_indices = @transform_4, window_bounds = array<i64: 1280, 80>}, {transform_indices = @transform_5, window_bounds = array<i64: 1280, 16>}]} {
    %get3A = arith.constant 0 : index
    %get3A_0 = arith.constant 0 : index
    %get3A_1 = vector.load %arg1[%get3A, %get3A_0] : memref<1280x128xf32, #tpu.memory_space<vmem>>, vector<1280x128xf32>
    %get3A_2 = arith.constant 0 : index
    %get3A_3 = arith.constant 0 : index
    %get3A_4 = vector.load %arg2[%get3A_2, %get3A_3] : memref<128x64xf32, #tpu.memory_space<vmem>>, vector<128x64xf32>
    %dot_general3A = arith.constant dense<0.000000e+00> : vector<1280x64xf32>
    %dot_general3A_5 = tpu.matmul %get3A_1, %get3A_4, %dot_general3A {dimension_numbers = #tpu.dot_dimension_numbers<[1], [0], [0], [1], [0, 0, 1, 1], [], []>, transpose_lhs_hint = false} : vector<1280x128xf32>, vector<128x64xf32>, vector<1280x64xf32> -> vector<1280x64xf32>
    %get3A_6 = arith.constant 0 : index
    %get3A_7 = arith.constant 0 : index
    %get3A_8 = vector.load %arg3[%get3A_6, %get3A_7] : memref<64x8xf32, #tpu.memory_space<vmem>>, vector<64x8xf32>
    %dot_general3A_9 = arith.constant dense<0.000000e+00> : vector<1280x8xf32>
    %dot_general3A_10 = tpu.matmul %dot_general3A_5, %get3A_8, %dot_general3A_9 {dimension_numbers = #tpu.dot_dimension_numbers<[1], [0], [0], [1], [0, 0, 1, 1], [], []>, transpose_lhs_hint = false} : vector<1280x64xf32>, vector<64x8xf32>, vector<1280x8xf32> -> vector<1280x8xf32>
    %get3A_11 = arith.constant 0 : index
    %get3A_12 = arith.constant 0 : index
    %get3A_13 = vector.load %arg4[%get3A_11, %get3A_12] : memref<64x8xf32, #tpu.memory_space<vmem>>, vector<64x8xf32>
    %dot_general3A_14 = arith.constant dense<0.000000e+00> : vector<1280x8xf32>
    %dot_general3A_15 = tpu.matmul %dot_general3A_5, %get3A_13, %dot_general3A_14 {dimension_numbers = #tpu.dot_dimension_numbers<[1], [0], [0], [1], [0, 0, 1, 1], [], []>, transpose_lhs_hint = false} : vector<1280x64xf32>, vector<64x8xf32>, vector<1280x8xf32> -> vector<1280x8xf32>
    %broadcast_in_dim3A = arith.constant 0.000000e+00 : f32
    %broadcast_in_dim3A_16 = vector.broadcast %broadcast_in_dim3A : f32 to vector<1280x8xf32>
    %concatenate3A = tpu.concatenate %dot_general3A_5, %dot_general3A_10, %broadcast_in_dim3A_16 in 1 : vector<1280x64xf32>, vector<1280x8xf32>, vector<1280x8xf32> -> vector<1280x80xf32>
    %swap3A = arith.constant 0 : index
    %swap3A_17 = arith.constant 0 : index
    %swap3A_18 = vector.load %arg5[%swap3A, %swap3A_17] : memref<1280x80xf32, #tpu.memory_space<vmem>>, vector<1280x80xf32>
    tpu.vector_store %arg5[%swap3A, %swap3A_17], %concatenate3A {strides = array<i32>} : memref<1280x80xf32, #tpu.memory_space<vmem>>, vector<1280x80xf32>,
    %concatenate3A_19 = tpu.concatenate %dot_general3A_15, %broadcast_in_dim3A_16 in 1 : vector<1280x8xf32>, vector<1280x8xf32> -> vector<1280x16xf32>
    %swap3A_20 = arith.constant 0 : index
    %swap3A_21 = arith.constant 0 : index
    %swap3A_22 = vector.load %arg6[%swap3A_20, %swap3A_21] : memref<1280x16xf32, #tpu.memory_space<vmem>>, vector<1280x16xf32>
    tpu.vector_store %arg6[%swap3A_20, %swap3A_21], %concatenate3A_19 {strides = array<i32>} : memref<1280x16xf32, #tpu.memory_space<vmem>>, vector<1280x16xf32>,
    return
  }
  func.func @transform_0(%arg0: i32) -> (i32, i32) {
    %c0_i32 = arith.constant 0 : i32
    %c0_i32_0 = arith.constant 0 : i32
    return %arg0, %c0_i32 : i32, i32
  }
  func.func @transform_1(%arg0: i32) -> (i32, i32) {
    %c0_i32 = arith.constant 0 : i32
    %c0_i32_0 = arith.constant 0 : i32
    %c0_i32_1 = arith.constant 0 : i32
    return %c0_i32, %c0_i32_0 : i32, i32
  }
  func.func @transform_2(%arg0: i32) -> (i32, i32) {
    %c0_i32 = arith.constant 0 : i32
    %c0_i32_0 = arith.constant 0 : i32
    %c0_i32_1 = arith.constant 0 : i32
    return %c0_i32, %c0_i32_0 : i32, i32
  }
  func.func @transform_3(%arg0: i32) -> (i32, i32) {
    %c0_i32 = arith.constant 0 : i32
    %c0_i32_0 = arith.constant 0 : i32
    %c0_i32_1 = arith.constant 0 : i32
    return %c0_i32, %c0_i32_0 : i32, i32
  }
  func.func @transform_4(%arg0: i32) -> (i32, i32) {
    %c0_i32 = arith.constant 0 : i32
    %c0_i32_0 = arith.constant 0 : i32
    return %arg0, %c0_i32 : i32, i32
  }
  func.func @transform_5(%arg0: i32) -> (i32, i32) {
    %c0_i32 = arith.constant 0 : i32
    %c0_i32_0 = arith.constant 0 : i32
    return %arg0, %c0_i32 : i32, i32
  }
}

module attributes {stable_mosaic.version = 14 : i64} {
  func.func @_mid_kernel(%arg0: i32, %arg1: memref<2x1280x80xf32, #tpu.memory_space<vmem>>, %arg2: memref<1x64xf32, #tpu.memory_space<vmem>>, %arg3: memref<64x2xf32, #tpu.memory_space<vmem>>, %arg4: memref<64x1xf32, #tpu.memory_space<vmem>>, %arg5: memref<64x1xf32, #tpu.memory_space<vmem>>, %arg6: memref<8x64xf32, #tpu.memory_space<vmem>>, %arg7: memref<1280x16xf32, #tpu.memory_space<vmem>>) attributes {dimension_semantics = [#tpu.dimension_semantics<arbitrary>], iteration_bounds = array<i64: 8>, scalar_prefetch = 0 : i64, scratch_operands = 0 : i64, tpu.core_type = #tpu.core_type<tc>, window_params = [{transform_indices = @transform_0, window_bounds = array<i64: 2, 1280, 80>}, {pipeline_mode = #tpu.pipeline_mode<synchronous>, transform_indices = @transform_1, window_bounds = array<i64: 1, 64>}, {pipeline_mode = #tpu.pipeline_mode<synchronous>, transform_indices = @transform_2, window_bounds = array<i64: 64, 2>}, {pipeline_mode = #tpu.pipeline_mode<synchronous>, transform_indices = @transform_3, window_bounds = array<i64: 64, 1>}, {pipeline_mode = #tpu.pipeline_mode<synchronous>, transform_indices = @transform_4, window_bounds = array<i64: 64, 1>}, {pipeline_mode = #tpu.pipeline_mode<synchronous>, transform_indices = @transform_5, window_bounds = array<i64: 8, 64>}, {transform_indices = @transform_6, window_bounds = array<i64: 1280, 16>}]} {
    %get3A = arith.constant 0 : index
    %get3A_0 = arith.constant 0 : index
    %get3A_1 = arith.constant 0 : index
    %get3A_2 = vector.load %arg1[%get3A, %get3A_0, %get3A_1] : memref<2x1280x80xf32, #tpu.memory_space<vmem>>, vector<1x1280x80xf32>
    %get3A_3 = vector.shape_cast %get3A_2 : vector<1x1280x80xf32> to vector<1280x80xf32>
    %get3A_4 = arith.constant 1 : index
    %get3A_5 = arith.constant 0 : index
    %get3A_6 = arith.constant 0 : index
    %get3A_7 = vector.load %arg1[%get3A_4, %get3A_5, %get3A_6] : memref<2x1280x80xf32, #tpu.memory_space<vmem>>, vector<1x1280x80xf32>
    %get3A_8 = vector.shape_cast %get3A_7 : vector<1x1280x80xf32> to vector<1280x80xf32>
    %add3A = arith.addf %get3A_3, %get3A_8 : vector<1280x80xf32>
    %slice3A = vector.extract_strided_slice %add3A {offsets = [0, 0], sizes = [1280, 64], strides = [1, 1]} : vector<1280x80xf32> to vector<1280x64xf32>
    %slice3A_9 = vector.extract_strided_slice %add3A {offsets = [0, 64], sizes = [1280, 8], strides = [1, 1]} : vector<1280x80xf32> to vector<1280x8xf32>
    %get3A_10 = arith.constant 0 : index
    %get3A_11 = arith.constant 0 : index
    %get3A_12 = vector.load %arg6[%get3A_10, %get3A_11] : memref<8x64xf32, #tpu.memory_space<vmem>>, vector<8x64xf32>
    %dot_general3A = arith.constant dense<0.000000e+00> : vector<1280x64xf32>
    %dot_general3A_13 = tpu.matmul %slice3A_9, %get3A_12, %dot_general3A {dimension_numbers = #tpu.dot_dimension_numbers<[1], [0], [0], [1], [0, 0, 1, 1], [], []>, transpose_lhs_hint = false} : vector<1280x8xf32>, vector<8x64xf32>, vector<1280x64xf32> -> vector<1280x64xf32>
    %add3A_14 = arith.constant 1.000000e-16 : f32
    %add3A_15 = vector.broadcast %add3A_14 : f32 to vector<1280x64xf32>
    %add3A_16 = arith.addf %dot_general3A_13, %add3A_15 : vector<1280x64xf32>
    %div3A = arith.divf %slice3A, %add3A_16 : vector<1280x64xf32>
    %get3A_17 = arith.constant 0 : index
    %get3A_18 = arith.constant 0 : index
    %get3A_19 = vector.load %arg2[%get3A_17, %get3A_18] : memref<1x64xf32, #tpu.memory_space<vmem>>, vector<1x64xf32>
    %add3A_20 = vector.broadcast %get3A_19 : vector<1x64xf32> to vector<1280x64xf32>
    %add3A_21 = arith.addf %div3A, %add3A_20 : vector<1280x64xf32>
    %gt3A = arith.constant 0.000000e+00 : f32
    %gt3A_22 = vector.broadcast %gt3A : f32 to vector<1280x64xf32>
    %gt3A_23 = arith.cmpf ogt, %add3A_21, %gt3A_22 : vector<1280x64xf32>
    %min3A = arith.constant 0.000000e+00 : f32
    %min3A_24 = vector.broadcast %min3A : f32 to vector<1280x64xf32>
    %min3A_25 = arith.minimumf %add3A_21, %min3A_24 : vector<1280x64xf32>
    %exp3A = math.exp %min3A_25 : vector<1280x64xf32>
    %sub3A = arith.constant 1.000000e+00 : f32
    %sub3A_26 = vector.broadcast %sub3A : f32 to vector<1280x64xf32>
    %sub3A_27 = arith.subf %exp3A, %sub3A_26 : vector<1280x64xf32>
    %select_n3A = arith.select %gt3A_23, %add3A_21, %sub3A_27 : vector<1280x64xi1>, vector<1280x64xf32>
    %get3A_28 = arith.constant 0 : index
    %get3A_29 = arith.constant 0 : index
    %get3A_30 = vector.load %arg3[%get3A_28, %get3A_29] : memref<64x2xf32, #tpu.memory_space<vmem>>, vector<64x2xf32>
    %dot_general3A_31 = arith.constant dense<0.000000e+00> : vector<1280x2xf32>
    %dot_general3A_32 = tpu.matmul %select_n3A, %get3A_30, %dot_general3A_31 {dimension_numbers = #tpu.dot_dimension_numbers<[1], [0], [0], [1], [0, 0, 1, 1], [], []>, transpose_lhs_hint = false} : vector<1280x64xf32>, vector<64x2xf32>, vector<1280x2xf32> -> vector<1280x2xf32>
    %get3A_33 = arith.constant 0 : index
    %get3A_34 = arith.constant 0 : index
    %get3A_35 = vector.load %arg4[%get3A_33, %get3A_34] : memref<64x1xf32, #tpu.memory_space<vmem>>, vector<64x1xf32>
    %dot_general3A_36 = arith.constant dense<0.000000e+00> : vector<1280x1xf32>
    %dot_general3A_37 = tpu.matmul %select_n3A, %get3A_35, %dot_general3A_36 {dimension_numbers = #tpu.dot_dimension_numbers<[1], [0], [0], [1], [0, 0, 1, 1], [], []>, transpose_lhs_hint = false} : vector<1280x64xf32>, vector<64x1xf32>, vector<1280x1xf32> -> vector<1280x1xf32>
    %get3A_38 = arith.constant 0 : index
    %get3A_39 = arith.constant 0 : index
    %get3A_40 = vector.load %arg5[%get3A_38, %get3A_39] : memref<64x1xf32, #tpu.memory_space<vmem>>, vector<64x1xf32>
    %dot_general3A_41 = arith.constant dense<0.000000e+00> : vector<1280x1xf32>
    %dot_general3A_42 = tpu.matmul %select_n3A, %get3A_40, %dot_general3A_41 {dimension_numbers = #tpu.dot_dimension_numbers<[1], [0], [0], [1], [0, 0, 1, 1], [], []>, transpose_lhs_hint = false} : vector<1280x64xf32>, vector<64x1xf32>, vector<1280x1xf32> -> vector<1280x1xf32>
    %broadcast_in_dim3A = arith.constant 0.000000e+00 : f32
    %broadcast_in_dim3A_43 = vector.broadcast %broadcast_in_dim3A : f32 to vector<1280x12xf32>
    %concatenate3A = tpu.concatenate %dot_general3A_32, %dot_general3A_37, %dot_general3A_42, %broadcast_in_dim3A_43 in 1 : vector<1280x2xf32>, vector<1280x1xf32>, vector<1280x1xf32>, vector<1280x12xf32> -> vector<1280x16xf32>
    %swap3A = arith.constant 0 : index
    %swap3A_44 = arith.constant 0 : index
    %swap3A_45 = vector.load %arg7[%swap3A, %swap3A_44] : memref<1280x16xf32, #tpu.memory_space<vmem>>, vector<1280x16xf32>
    tpu.vector_store %arg7[%swap3A, %swap3A_44], %concatenate3A {strides = array<i32>} : memref<1280x16xf32, #tpu.memory_space<vmem>>, vector<1280x16xf32>,
    return
  }
  func.func @transform_0(%arg0: i32) -> (i32, i32, i32) {
    %c0_i32 = arith.constant 0 : i32
    %c0_i32_0 = arith.constant 0 : i32
    %c0_i32_1 = arith.constant 0 : i32
    return %c0_i32, %arg0, %c0_i32_0 : i32, i32, i32
  }
  func.func @transform_1(%arg0: i32) -> (i32, i32) {
    %c0_i32 = arith.constant 0 : i32
    %c0_i32_0 = arith.constant 0 : i32
    %c0_i32_1 = arith.constant 0 : i32
    return %c0_i32, %c0_i32_0 : i32, i32
  }
  func.func @transform_2(%arg0: i32) -> (i32, i32) {
    %c0_i32 = arith.constant 0 : i32
    %c0_i32_0 = arith.constant 0 : i32
    %c0_i32_1 = arith.constant 0 : i32
    return %c0_i32, %c0_i32_0 : i32, i32
  }
  func.func @transform_3(%arg0: i32) -> (i32, i32) {
    %c0_i32 = arith.constant 0 : i32
    %c0_i32_0 = arith.constant 0 : i32
    %c0_i32_1 = arith.constant 0 : i32
    return %c0_i32, %c0_i32_0 : i32, i32
  }
  func.func @transform_4(%arg0: i32) -> (i32, i32) {
    %c0_i32 = arith.constant 0 : i32
    %c0_i32_0 = arith.constant 0 : i32
    %c0_i32_1 = arith.constant 0 : i32
    return %c0_i32, %c0_i32_0 : i32, i32
  }
  func.func @transform_5(%arg0: i32) -> (i32, i32) {
    %c0_i32 = arith.constant 0 : i32
    %c0_i32_0 = arith.constant 0 : i32
    %c0_i32_1 = arith.constant 0 : i32
    return %c0_i32, %c0_i32_0 : i32, i32
  }
  func.func @transform_6(%arg0: i32) -> (i32, i32) {
    %c0_i32 = arith.constant 0 : i32
    %c0_i32_0 = arith.constant 0 : i32
    return %arg0, %c0_i32 : i32, i32
  }
}

module attributes {stable_mosaic.version = 14 : i64} {
  func.func @_final_kernel(%arg0: i32, %arg1: memref<2x1280x16xf32, #tpu.memory_space<vmem>>, %arg2: memref<1x2xf32, #tpu.memory_space<vmem>>, %arg3: memref<1280x2xf32, #tpu.memory_space<vmem>>) attributes {dimension_semantics = [#tpu.dimension_semantics<arbitrary>], iteration_bounds = array<i64: 8>, scalar_prefetch = 0 : i64, scratch_operands = 0 : i64, tpu.core_type = #tpu.core_type<tc>, window_params = [{transform_indices = @transform_0, window_bounds = array<i64: 2, 1280, 16>}, {pipeline_mode = #tpu.pipeline_mode<synchronous>, transform_indices = @transform_1, window_bounds = array<i64: 1, 2>}, {transform_indices = @transform_2, window_bounds = array<i64: 1280, 2>}]} {
    %get3A = arith.constant 0 : index
    %get3A_0 = arith.constant 0 : index
    %get3A_1 = arith.constant 0 : index
    %get3A_2 = vector.load %arg1[%get3A, %get3A_0, %get3A_1] : memref<2x1280x16xf32, #tpu.memory_space<vmem>>, vector<1x1280x16xf32>
    %get3A_3 = vector.shape_cast %get3A_2 : vector<1x1280x16xf32> to vector<1280x16xf32>
    %get3A_4 = arith.constant 1 : index
    %get3A_5 = arith.constant 0 : index
    %get3A_6 = arith.constant 0 : index
    %get3A_7 = vector.load %arg1[%get3A_4, %get3A_5, %get3A_6] : memref<2x1280x16xf32, #tpu.memory_space<vmem>>, vector<1x1280x16xf32>
    %get3A_8 = vector.shape_cast %get3A_7 : vector<1x1280x16xf32> to vector<1280x16xf32>
    %add3A = arith.addf %get3A_3, %get3A_8 : vector<1280x16xf32>
    %slice3A = vector.extract_strided_slice %add3A {offsets = [0, 0], sizes = [1280, 2], strides = [1, 1]} : vector<1280x16xf32> to vector<1280x2xf32>
    %slice3A_9 = vector.extract_strided_slice %add3A {offsets = [0, 2], sizes = [1280, 1], strides = [1, 1]} : vector<1280x16xf32> to vector<1280x1xf32>
    %add3A_10 = arith.constant 1.000000e-16 : f32
    %add3A_11 = vector.broadcast %add3A_10 : f32 to vector<1280x1xf32>
    %add3A_12 = arith.addf %slice3A_9, %add3A_11 : vector<1280x1xf32>
    %div3A = vector.broadcast %add3A_12 : vector<1280x1xf32> to vector<1280x2xf32>
    %div3A_13 = arith.divf %slice3A, %div3A : vector<1280x2xf32>
    %get3A_14 = arith.constant 0 : index
    %get3A_15 = arith.constant 0 : index
    %get3A_16 = vector.load %arg2[%get3A_14, %get3A_15] : memref<1x2xf32, #tpu.memory_space<vmem>>, vector<1x2xf32>
    %add3A_17 = vector.broadcast %get3A_16 : vector<1x2xf32> to vector<1280x2xf32>
    %add3A_18 = arith.addf %div3A_13, %add3A_17 : vector<1280x2xf32>
    %reduce_max3A = arith.constant dense<0xFF800000> : vector<1280xf32>
    %reduce_max3A_19 = vector.multi_reduction <maximumf>, %add3A_18, %reduce_max3A [1] : vector<1280x2xf32> to vector<1280xf32>
    %broadcast_in_dim3A = vector.shape_cast %reduce_max3A_19 : vector<1280xf32> to vector<1280x1xf32>
    %sub3A = vector.broadcast %broadcast_in_dim3A : vector<1280x1xf32> to vector<1280x2xf32>
    %sub3A_20 = arith.subf %add3A_18, %sub3A : vector<1280x2xf32>
    %exp3A = math.exp %sub3A_20 : vector<1280x2xf32>
    %reduce_sum3A = arith.constant dense<0.000000e+00> : vector<1280xf32>
    %reduce_sum3A_21 = vector.multi_reduction <add>, %exp3A, %reduce_sum3A [1] : vector<1280x2xf32> to vector<1280xf32>
    %broadcast_in_dim3A_22 = vector.shape_cast %reduce_sum3A_21 : vector<1280xf32> to vector<1280x1xf32>
    %log3A = math.log %broadcast_in_dim3A_22 : vector<1280x1xf32>
    %add3A_23 = arith.addf %broadcast_in_dim3A, %log3A : vector<1280x1xf32>
    %sub3A_24 = vector.broadcast %add3A_23 : vector<1280x1xf32> to vector<1280x2xf32>
    %sub3A_25 = arith.subf %add3A_18, %sub3A_24 : vector<1280x2xf32>
    %swap3A = arith.constant 0 : index
    %swap3A_26 = arith.constant 0 : index
    %swap3A_27 = vector.load %arg3[%swap3A, %swap3A_26] : memref<1280x2xf32, #tpu.memory_space<vmem>>, vector<1280x2xf32>
    tpu.vector_store %arg3[%swap3A, %swap3A_26], %sub3A_25 {strides = array<i32>} : memref<1280x2xf32, #tpu.memory_space<vmem>>, vector<1280x2xf32>,
    return
  }
  func.func @transform_0(%arg0: i32) -> (i32, i32, i32) {
    %c0_i32 = arith.constant 0 : i32
    %c0_i32_0 = arith.constant 0 : i32
    %c0_i32_1 = arith.constant 0 : i32
    return %c0_i32, %arg0, %c0_i32_0 : i32, i32, i32
  }
  func.func @transform_1(%arg0: i32) -> (i32, i32) {
    %c0_i32 = arith.constant 0 : i32
    %c0_i32_0 = arith.constant 0 : i32
    %c0_i32_1 = arith.constant 0 : i32
    return %c0_i32, %c0_i32_0 : i32, i32
  }
  func.func @transform_2(%arg0: i32) -> (i32, i32) {
    %c0_i32 = arith.constant 0 : i32
    %c0_i32_0 = arith.constant 0 : i32
    return %arg0, %c0_i32 : i32, i32
  }
}

</mosaic_0001>

<sc_bundles>
// kernel: kernel.10.cloned.1.call-start
scs
__scs_entry_jumppad:
0x0: {  	(pc) =	sbr.rel $0x88, $3  }
0x1: {  	(tag) =	ssettag $0x0;
	lr =	simm.s32 $0x1  }
0x2: {  	[smem:$0x3F97] =	sst lr;
	_ =	strace $0xD0000000  }
0x3: {  	_ = 	snop  }
0x4: {  	_ = 	snop  }
0x5: {  	_ = 	snop  }
0x6: {  	_ = 	snop  }
0x7: {  	_ = 	snop  }
__scs_overlays_trampoline_lowered:
0x8: {  	[smem:$0x3FA6] =	sst s0  }
0x9: {  	[smem:$0x3FA7] =	sst s1  }
0xa: {  	[smem:$0x3FA8] =	sst s2  }
0xb: {  	[smem:$0x3FA9] =	sst s3  }
0xc: {  	[smem:$0x3FAA] =	sst s4  }
0xd: {  	[smem:$0x3FAB] =	sst s5  }
0xe: {  	[smem:$0x3FAC] =	sst s6  }
0xf: {  	[smem:$0x3FAD] =	sst s7  }
0x10: {  	[smem:$0x3FAE] =	sst s8  }
0x11: {  	[smem:$0x3FAF] =	sst s9;
	s0 =	simm.s32 @!p0 $0x0  }
0x12: {  	s1 =	sld [smem:$0x3F95];
	s0 =	simm.s32 @p0 $0x1  }
0x13: {  	[smem:$0x3FB0] =	sst s0;
	s0 =	simm.s32 @!p1 $0x0  }
0x14: {  	s2 =	sld [smem:$0x3F94];
	s0 =	simm.s32 @p1 $0x1  }
0x15: {  	[smem:$0x3FB1] =	sst s0;
	s0 =	simm.s32 @!p2 $0x0  }
0x16: {  	s3 =	sld [smem:$0x3FDB];
	s0 =	simm.s32 @p2 $0x1  }
0x17: {  	s4 =	simm.s32 $0x1BF5;
	[smem:$0x3FB3] =	sst s0  }
0x18: {  	s0 =	sld [smem:$0x3F96];
	_ =	swait.ge [sflag:s4], $0x0  }
0x19: {  	s7 =	sld [smem:$0x3F97]  }
0x1a: {  	s8 =	sadd.s32 $0xFFFFE003, lr  }
0x1b: {  	s9 =	sadd.s32 $0xFFFFFEF7, lr;
	s5 =	simm.s32 $0xFFFFFFFF;
	p2 =	slt.u32 s8, $0xFFFFF086  }
0x1c: {  	p1 =	slt.u32 s9, $0xF7A;
	s5 =	simm.s32 @!p2 $0x0  }
0x1d: {  	s5 =	simm.s32 @p1 $0x1;
	p0 =	seq.s32 s7, s2  }
0x1e: {  	s7 =	smul.u32 @!p0 $0xF7A, s2;
	p2 =	seq.s32 @!p0 s5, $0x0  }
0x1f: {  	s9 =	smul.u32 $0xF7A, s1;
	s8 =	simm.s32 @!p0 $0x1BF5;
	p2 =	por !p2, p0  }
0x20: {  	[sflag:s8] =	ssyncset.s32 @!p0 $0xFFFFF086;
	s6 =	sadd.s32 @!p0 s3, s7;
	s7 =	simm.s32 @!p0 $0x108  }
0x21: {  	s3 =	sadd.s32 s3, s9;
	s6 =	sadd.s32 @!p0 $0x88, s6;
	s7 =	simm.s32 @p2 $0x1082  }
0x22: {  	[simem:s7], [sflag:s8] =	dma.local @!p0 [hbm:s6], $0xF7A  }
0x23: {  	s9 =	sor.u32 $0xD0000000, s2;
	s6 =	simm.s32 $0x108;
	_ =	swait.ge @!p0 [sflag:s8], $0x0  }
0x24: {  	s3 =	sadd.s32 $0x88, s3;
	s6 =	simm.s32 @!p1 $0x1082;
	[sflag:s4] =	ssyncset.s32 $0xFFFFF086  }
0x25: {  	[simem:s6], [sflag:s4] =	dma.local [hbm:s3], $0xF7A  }
0x26: {  	[smem:$0x3F97] =	sst s1;
	(tag) =	ssettag s2;
	_ =	strace s9  }
0x27: {  	s1 =	sld [smem:$0x3FA7]  }
0x28: {  	s2 =	sld [smem:$0x3FA8]  }
0x29: {  	s4 =	sld [smem:$0x3FAA]  }
0x2a: {  	p0 =	seq.s32 s5, $0x0;
	s5 =	sld [smem:$0x3FAB]  }
0x2b: {  	s6 =	sld [smem:$0x3FAC]  }
0x2c: {  	s7 =	sld [smem:$0x3FAD]  }
0x2d: {  	s3 =	simm.s32 $0x108;
	s8 =	sld [smem:$0x3FAE]  }
0x2e: {  	s3 =	simm.s32 @!p0 $0x1082;
	s9 =	sld [smem:$0x3FAF]  }
0x2f: {  	lr =	sadd.s32 s0, s3;
	s0 =	sld [smem:$0x3FA6]  }
0x30: {  	s3 =	sld [smem:$0x3FA9]  }
0x31: {  	[smem:$0x3FB2] =	sst s10  }
0x32: {  	s10 =	sld [smem:$0x3FB0];
	_ =	sdelay $0x3  }
0x33: {  	p0 =	seq.s32 s10, $0x1;
	s10 =	sld [smem:$0x3FB2];
	_ =	sdelay $0x3  }
0x34: {  	[smem:$0x3FB2] =	sst s10  }
0x35: {  	s10 =	sld [smem:$0x3FB1];
	_ =	sdelay $0x3  }
0x36: {  	p1 =	seq.s32 s10, $0x1;
	s10 =	sld [smem:$0x3FB2];
	_ =	sdelay $0x3  }
0x37: {  	[smem:$0x3FB2] =	sst s10  }
0x38: {  	s10 =	sld [smem:$0x3FB3]  }
0x39: {  	_ = 	snop;
	(pc) =	sbr.ind lr, $3  }
0x3a: {  	_ = 	snop  }
0x3b: {  	_ = 	snop  }
0x3c: {  	p2 =	seq.s32 s10, $0x1;
	s10 =	sld [smem:$0x3FB2]  }
0x3d: {  	_ =	shalt  }
0x3e: {  	_ =	shalt  }
0x3f: {  	_ =	shalt  }
0x40: {  	_ =	shalt  }
0x41: {  	_ =	shalt  }
0x42: {  	_ =	shalt  }
0x43: {  	_ =	shalt  }
0x44: {  	_ =	shalt  }
0x45: {  	_ =	shalt  }
0x46: {  	_ =	shalt  }
0x47: {  	_ =	shalt  }
0x48: {  	_ =	shalt  }
0x49: {  	_ =	shalt  }
0x4a: {  	_ =	shalt  }
0x4b: {  	_ =	shalt  }
0x4c: {  	_ =	shalt  }
0x4d: {  	_ =	shalt  }
0x4e: {  	_ =	shalt  }
0x4f: {  	_ =	shalt  }
0x50: {  	_ =	shalt  }
0x51: {  	_ =	shalt  }
0x52: {  	_ =	shalt  }
0x53: {  	_ =	shalt  }
0x54: {  	_ =	shalt  }
0x55: {  	_ =	shalt  }
0x56: {  	_ =	shalt  }
0x57: {  	_ =	shalt  }
0x58: {  	_ =	shalt  }
0x59: {  	_ =	shalt  }
0x5a: {  	_ =	shalt  }
0x5b: {  	_ =	shalt  }
0x5c: {  	_ =	shalt  }
0x5d: {  	_ =	shalt  }
0x5e: {  	_ =	shalt  }
0x5f: {  	_ =	shalt  }
0x60: {  	_ =	shalt  }
0x61: {  	_ =	shalt  }
0x62: {  	_ =	shalt  }
0x63: {  	_ =	shalt  }
0x64: {  	_ =	shalt  }
0x65: {  	_ =	shalt  }
0x66: {  	_ =	shalt  }
0x67: {  	_ =	shalt  }
0x68: {  	_ =	shalt  }
0x69: {  	_ =	shalt  }
0x6a: {  	_ =	shalt  }
0x6b: {  	_ =	shalt  }
0x6c: {  	_ =	shalt  }
0x6d: {  	_ =	shalt  }
0x6e: {  	_ =	shalt  }
0x6f: {  	_ =	shalt  }
0x70: {  	_ =	shalt  }
0x71: {  	_ =	shalt  }
0x72: {  	_ =	shalt  }
0x73: {  	_ =	shalt  }
0x74: {  	_ =	shalt  }
0x75: {  	_ =	shalt  }
0x76: {  	_ =	shalt  }
0x77: {  	_ =	shalt  }
0x78: {  	_ =	shalt  }
0x79: {  	_ =	shalt  }
0x7a: {  	_ =	shalt  }
0x7b: {  	_ =	shalt  }
0x7c: {  	_ =	shalt  }
0x7d: {  	_ =	shalt  }
0x7e: {  	_ =	shalt  }
0x7f: {  	_ =	shalt  }
0x80: {  	_ =	shalt  }
0x81: {  	_ =	shalt  }
0x82: {  	_ =	shalt  }
0x83: {  	_ =	shalt  }
0x84: {  	_ =	shalt  }
0x85: {  	_ =	shalt  }
0x86: {  	_ =	shalt  }
0x87: {  	_ =	shalt  }
.Lfunc_end0:
.L_simem_size_0:
called_computation.1_lowered:
.L_overlay_start_0:
0x88: {  	s2 =	sld [smem:$0x3FD9]  }
0x89: {  	s3 =	sld [smem:$0x3FFE];
	_ =	sdelay $0x1  }
0x8a: {  	s1 =	srdreg.scid  }
0x8b: {  	s0 =	sand.u32 $0x1, s1  }
0x8c: {  	s16 =	sshll.u32 s0, $0xA;
	s2 =	sadd.s32 s3, s2  }
0x8d: {  	s2 =	sadd.s32 s2, s16  }
0x8e: {  	[smem:$0x3FBE] =	sst s2  }
0x8f: {  	_ = 	snop  }
0x90: {  	(tm) =	ssettm $0x1  }
0x91: {  	s17 =	sld [smem:$0x3FFB];
	_ =	sdelay $0x3  }
0x92: {  	_ =	strace s17  }
0x93: {  	s2 =	sld [smem:$0x3FFC];
	_ =	sdelay $0x3  }
0x94: {  	_ =	strace s2  }
0x95: {  	s2 =	sld [smem:$0x3FFD];
	_ =	sdelay $0x3  }
0x96: {  	_ =	strace s2  }
0x97: {  	_ =	strace $0x8FFFFFFF  }
0x98: {  	s18 =	sld [smem:$0x3FDB];
	_ =	sdelay $0x1  }
0x99: {  	s19 =	simm.s32 $_scs_section_size  }
0x9a: {  	s4 =	simm.s32 $_size__tile_overlayer_lowered;
	s5 =	simm.s32 $_tile_overlayer_lowered  }
0x9b: {  	s22 =	simm.s32 $0x1BFF;
	s21 =	sshll.u32 s5, $0x1;
	s2 =	sadd.s32 s19, s18  }
0x9c: {  	s6 =	simm.s32 $0x0;
	s20 =	sshll.u32 s4, $0x1;
	s4 =	sadd.s32 s21, s2  }
0x9d: {  	[timem:s6], [sflag:s22] =	dma.local [hbm:s4], s20  }
0x9e: {  	_ =	swait.ge [sflag:s22], s20  }
0x9f: {  	s3 =	ssub.s32 $0x0, s20;
	[sflag:s22] =	ssyncset.done $0x0  }
0xa0: {  	[sflag:s22] =	ssyncadd.s32 s3;
	_ =	sdelay $0x1  }
0xa1: {  	s23 =	simm.s32 $0x1B8B  }
0xa2: {  	_ =	swait.ge [sflag:s23], $0x1  }
0xa3: {  	[sflag:s23] =	ssyncset.done $0x0  }
0xa4: {  	s25 =	simm.s32 $0x1B8E;
	s24 =	sld [smem:$0x3FFE];
	[sflag:s23] =	ssyncadd.s32 $0xFFFFFFFF  }
0xa5: {  	s26 =	simm.s32 $execute0_lowered;
	[smem:$0x3FD2] =	sst s25  }
0xa6: {  	s4 =	sshll.u32 s26, $0x1;
	_ =	strace $0x80000049;
	[dreg:$0x1] =	wrdreg $0xFFFFFFFF  }
0xa7: {  	s28 =	simm.s32 $_size_execute0_lowered;
	s2 =	sadd.s32 s2, s4;
	[dreg:$0x0] =	wrdreg $0x0  }
0xa8: {  	s4 =	sshll.u32 s28, $0x1;
	[dreg:$0x2] =	wrdreg s2  }
0xa9: {  	[dreg:$0x3] =	wrdreg s4  }
0xaa: {  	[dreg:$0x4] =	wrdreg $0xC0  }
0xab: {  	_ =	task [dreg:s6], $0x5FFFF  }
0xac: {  	[dreg:$0x1] =	wrdreg $0xFFFFFFFF  }
0xad: {  	[dreg:$0x0] =	wrdreg $0x60  }
0xae: {  	[dreg:$0x2] =	wrdreg s24  }
0xaf: {  	[dreg:$0x3] =	wrdreg $0x94000  }
0xb0: {  	[dreg:$0x4] =	wrdreg $0x9  }
0xb1: {  	_ =	task.clear_ibuf [dreg:s6], $0x5FFFF;
	_ =	strace $0x90000049  }
0xb2: {  	s29 =	simm.s32 $0x9;
	_ =	strace $0x8000004B  }
0xb3: {  	_ =	swait.ge [sflag:s29], $0x1  }
0xb4: {  	[sflag:s29] =	ssyncadd.s32 $0xFFFFFFFF  }
0xb5: {  	_ =	strace $0x9000004B  }
0xb6: {  	_ =	sfence  }
0xb7: {  	s30 =	sld [smem:$0x0];
	_ =	sdelay $0x2  }
0xb8: {  	s31 =	sshll.u32 s1, $0xD;
	s1 =	sshrl.u32 s1, $0x2  }
0xb9: {  	s3 =	sand.u32 $0x4000, s31;
	s1 =	sadd.s32 s1, s30  }
0xba: {  	s0 =	sor.u32 s3, s0;
	s1 =	sshll.u32 s1, $0x11  }
0xbb: {  	s0 =	sor.u32 s1, s0  }
0xbc: {  	s0 =	sadd.s32 $0x8F2B, s0  }
0xbd: {  	[sflag:s0] =	ssyncadd.remote.s32 $0x1  }
0xbe: {  	_ =	sfence.sel $0xFFFF  }
0xbf: {  	[dreg:$0x0] =	wrdreg $0xFFFFFFFF;
	(pc) =	sbr.abs _section_cstart, $3  }
0xc0: {  	[dreg:$0x1] =	wrdreg $0xFFFFFFFF  }
0xc1: {  	_ =	task.clear_ibuf [dreg:s6], $0x2FFFF;
	_ =	strace $0x9FFFFFFF  }
0xc2: {  	(tm) =	ssettm $0x7FFFFFFF  }
0xc3: {  	_ =	shalt  }
tec
execute0_lowered:
.L_overlay_start_1:
0x0: {  	(tag) =	ssettag $0x1  }
0x1: {  	s0 =	srdreg.scid  }
0x2: {  	s12 =	stileid.u32;
	s5 =	rddreg [dreg:$0x0]  }
0x3: {  	s2 =	rddreg [dreg:$0x1];
	s3 =	simm.s32 $0x0;
	s13 =	simm.s32 $0x2A00  }
0x4: {  	s14 =	simm.s32 $0x80;
	s15 =	simm.s32 $0x5400;
	s17 =	simm.s32 $0x5C00  }
0x5: {  	s19 =	simm.s32 $0x6C00;
	s20 =	simm.s32 $0x7400;
	s21 =	simm.s32 $0x8400  }
0x6: {  	s22 =	simm.s32 $0x7C00;
	s23 =	simm.s32 $0x8C00;
	s24 =	simm.s32 $0x1  }
0x7: {  	s25 =	simm.s32 $0x2;
	s26 =	simm.s32 $0x0;
	s0 =	sand.u32 $0x1, s0  }
0x8: {  	s1 =	sshll.u32 s12, $0x1;
	s6 =	smul.u32 $0x2800, s12;
	[smem:$0x7FF] =	sst s3  }
0x9: {  	s4 =	sadd.s32 $0x1200, s5;
	s31 =	sshll.u32 s12, $0x6;
	s12 =	simm.s32 $0x3  }
0xa: {  	s1 =	sor.u32 s0, s1;
	s7 =	smul.u32 $0x28000, s0;
	_ =	strace $0x8000004A  }
0xb: {  	s0 =	ssub.s32 $0x2, s0;
	s1 =	smul.u32 $0x540, s1;
	s8 =	sshrl.u32 s6, $0x3  }
0xc: {  	s9 =	sshrl.u32 s0, $0x1;
	s11 =	sadd.s32 s6, s2;
	s7 =	sadd.s32 s6, s7  }
0xd: {  	s8 =	sadd.s32 s8, s5;
	s0 =	ssub.s32 s0, s9;
	s6 =	sor.u32 $0x1C03, s31  }
0xe: {  	s11 =	sshrl.u32 s11, $0x3;
	s1 =	sadd.s32 s1, s5;
	s7 =	sshrl.u32 s7, $0x3  }
0xf: {  	s10 =	sadd.s32 s7, s5;
	s5 =	sadd.s32 $0x6200, s8;
	s7 =	sadd.s32 $0x29A00, s1  }
0x10: {  	v0 =	vimm.s32 $0x2;
	v1 =	vimm.s32 $0x3;
	vm0 =	vcmask $0x70C;
	s8 =	sadd.s32 $0x1F200, s1;
	s9 =	sadd.s32 $0xB200, s10;
	s10 =	smax.u32 s0, $0x1  }
.LBB2_1:
0x11: {  	[spmem:s11], [sflag:s6] =	dma.local [hbm:s5], $0x500  }
0x12: {  	_ =	swait.ge [sflag:s12], $0x500  }
0x13: {  	[sflag:s12] =	ssyncset.done $0x0  }
0x14: {  	[sflag:s12] =	ssyncadd.s32 $0xFFFFFB00  }
0x15: {  	[bflag:$0x0] =	sbarrier.arrive $0xFFFF  }
0x16: {  	[tilespmem:s3], [sflag:$0x3] =	stream.linear.gather [hbm4b:s7+s3], $0x2A00, $0x38;
	[tilespmem:$0xBC00] =	vst v63  }
0x17: {  	_ =	swait.ge [sflag:s12], $0x2A00  }
0x18: {  	[sflag:s12] =	ssyncset.done $0x0  }
0x19: {  	[sflag:s12] =	ssyncadd.s32 $0xFFFFD600  }
0x1a: {  	[tilespmem:s13], [sflag:$0x3] =	stream.linear.gather [hbm4b:s8+s3], $0x2A00, $0x38;
	[tilespmem:$0xBC00] =	vst v63  }
0x1b: {  	_ =	swait.ge [sflag:s12], $0x2A00  }
0x1c: {  	[sflag:s12] =	ssyncset.done $0x0  }
0x1d: {  	[sflag:s12] =	ssyncadd.s32 $0xFFFFD600  }
0x1e: {  	[tilespmem:s15], [sflag:$0x1] =	stream.indirect.gather [hbm4b:s4+s14], $0x10, s3, s14, $0xb8;
	[tilespmem:$0xBC00] =	vst v63  }
0x1f: {  	s0 =	simm.s32 $0x6400  }
0x20: {  	[tilespmem:s0], [sflag:$0x1] =	stream.indirect.gather [hbm4b:s4+s14], $0x10, s13, s14, $0xb8;
	[tilespmem:$0xBC00] =	vst v63  }
0x21: {  	_ = 	snop  }
0x22: {  	[tilespmem:s17], [sflag:$0x1] =	stream.indirect.gather [hbm4b:s4+s14], $0x10, s14, s14, $0xb8;
	[tilespmem:$0xBC00] =	vst v63  }
0x23: {  	s31 =	simm.s32 $0x2A80;
	s28 =	simm.s32 $0x0  }
0x24: {  	[tilespmem:s19], [sflag:$0x1] =	stream.indirect.gather [hbm4b:s4+s14], $0x10, s31, s14, $0xb8;
	[tilespmem:$0xBC00] =	vst v63  }
.LBB2_2:
0x25: {  	s31 =	sshll.u32 s28, $0x9  }
0x26: {  	s0 =	sor.u32 $0x100, s31  }
0x27: {  	[tilespmem:s20], [sflag:$0x2] =	stream.indirect.gather [hbm4b:s4+s14], $0x10, s0, s14, $0xb8;
	[tilespmem:$0xBC00] =	vst v63  }
0x28: {  	s29 =	sadd.s32 $0x2B00, s31  }
0x29: {  	[tilespmem:s21], [sflag:$0x2] =	stream.indirect.gather [hbm4b:s4+s14], $0x10, s29, s14, $0xb8;
	[tilespmem:$0xBC00] =	vst v63  }
0x2a: {  	s18 =	sor.u32 $0x180, s31  }
0x2b: {  	[tilespmem:s22], [sflag:$0x2] =	stream.indirect.gather [hbm4b:s4+s14], $0x10, s18, s14, $0xb8;
	[tilespmem:$0xBC00] =	vst v63  }
0x2c: {  	s30 =	sadd.s32 $0x2B80, s31  }
0x2d: {  	[tilespmem:s23], [sflag:$0x2] =	stream.indirect.gather [hbm4b:s4+s14], $0x10, s30, s14, $0xb8;
	[tilespmem:$0xBC00] =	vst v63  }
0x2e: {  	_ =	swait.ge [sflag:s24], $0x800  }
0x2f: {  	[sflag:s24] =	ssyncset.done $0x0  }
0x30: {  	[sflag:s24] =	ssyncadd.s32 $0xFFFFF800  }
0x31: {  	_ =	swait.ge [sflag:s24], $0x800  }
0x32: {  	[sflag:s24] =	ssyncset.done $0x0  }
0x33: {  	[sflag:s24] =	ssyncadd.s32 $0xFFFFF800  }
0x34: {  	_ =	swait.ge [sflag:s24], $0x800  }
0x35: {  	[sflag:s24] =	ssyncset.done $0x0  }
0x36: {  	[sflag:s24] =	ssyncadd.s32 $0xFFFFF800  }
0x37: {  	_ =	swait.ge [sflag:s24], $0x800  }
0x38: {  	[sflag:s24] =	ssyncset.done $0x0  }
0x39: {  	s1 =	simm.s32 $0x0;
	[sflag:s24] =	ssyncadd.s32 $0xFFFFF800  }
0x3a: {  	v2 =	vld [tilespmem:s1+$0x6430]  }
0x3b: {  	v6 =	vld [tilespmem:s1+$0x5430];
	_ =	sdelay $0x3  }
0x3c: {  	v5 =	vld [tilespmem:s1+$0x6410]  }
0x3d: {  	v7 =	vld [tilespmem:s1+$0x6400];
	v2 =	vperm.xlane v2, v1;
	v3 =	vperm.xlane v6, v0  }
0x3e: {  	v4 =	vld [tilespmem:s1+$0x5410]  }
0x3f: {  	v8 =	vadd.f32 v2, v3;
	v3 =	vld [tilespmem:s1+$0x5400]  }
0x40: {  	v2 =	vld [tilespmem:s1+$0x5420]  }
0x41: {  	v9 =	vld [tilespmem:s1+$0x6420];
	v10 =	vmul.f32 $2.000000030e-01, v8  }
0x42: {  	vm1 =	vge.f32 v8, $0.0e+00  }
0x43: {  	v5 =	vperm.xlane v5, v1;
	v60 =	vperm.xlane v4, v0;
	v8 =	vsel vm1, v8, v10  }
0x44: {  	v7 =	vperm.xlane v7, v1;
	v8 =	vmul.f32 $1.442695020e+00, v8  }
0x45: {  	v11 =	vperm.xlane v3, v0;
	v61 =	vperm.xlane v2, v0  }
0x46: {  	v5 =	vadd.f32 v5, v60;
	(erf) = vpow2.f32 v8;
	v8 =	vperm.xlane v9, v1  }
0x47: {  	v7 =	vadd.f32 v7, v11  }
0x48: {  	v10 =	vmul.f32 $2.000000030e-01, v5;
	v8 =	vadd.f32 v8, v61  }
0x49: {  	vm1 =	vge.f32 v5, $0.0e+00;
	v62 =	vmul.f32 $2.000000030e-01, v7  }
0x4a: {  	v5 =	vsel vm1, v5, v10;
	vm2 =	vge.f32 v7, $0.0e+00;
	v63 =	vmul.f32 $2.000000030e-01, v8  }
0x4b: {  	v5 =	vmul.f32 $1.442695020e+00, v5;
	vm1 =	vge.f32 v8, $0.0e+00;
	v7 =	vsel vm2, v7, v62  }
0x4c: {  	v7 =	vmul.f32 $1.442695020e+00, v7;
	v8 =	vsel vm1, v8, v63  }
0x4d: {  	(erf) = vpow2.f32 v5;
	v8 =	vmul.f32 $1.442695020e+00, v8  }
0x4e: {  	(erf) = vpow2.f32 v7  }
0x4f: {  	v5 =	vpop (erf);
	(erf) = vpow2.f32 v8;
	_ =	sdelay $0x3  }
0x50: {  	s16 =	simm.s32 $0x200;
	s0 =	simm.s32 $0x100;
	v6 =	vmul.f32 v5, v6  }
.LBB2_3:
0x51: {  	p0 =	sne.s32 s16, $0x3F00  }
0x52: {  	s18 =	sshra.s32 s0, $0x2;
	s0 =	smov.u32 s16;
	s16 =	sadd.s32 $0x100, s16;
	v7 =	vsel vm0, v6, v5  }
0x53: {  	v6 =	vld [tilespmem:s18+$0x6430];
	[tilespmem:s1+$0x5430] =	vst v7;
	v5 =	vpop (erf)  }
0x54: {  	v7 =	vld [tilespmem:s18+$0x5430];
	v4 =	vmul.f32 v5, v4;
	v8 =	vpop (erf)  }
0x55: {  	v9 =	vld [tilespmem:s18+$0x6410];
	v3 =	vmul.f32 v8, v3;
	v10 =	vpop (erf)  }
0x56: {  	v11 =	vld [tilespmem:s18+$0x6400];
	v4 =	vsel vm0, v4, v5;
	v2 =	vmul.f32 v10, v2  }
0x57: {  	v5 =	vld [tilespmem:s18+$0x6420];
	v3 =	vsel vm0, v3, v8;
	[tilespmem:s1+$0x5410] =	vst v4  }
0x58: {  	v4 =	vld [tilespmem:s18+$0x5410];
	v6 =	vperm.xlane v6, v1;
	[tilespmem:s1+$0x5400] =	vst v3;
	v2 =	vsel vm0, v2, v10  }
0x59: {  	v3 =	vld [tilespmem:s18+$0x5400];
	v8 =	vperm.xlane v7, v0;
	[tilespmem:s1+$0x5420] =	vst v2;
	s1 =	smov.u32 s18  }
0x5a: {  	v2 =	vld [tilespmem:s1+$0x5420]  }
0x5b: {  	v9 =	vperm.xlane v9, v1;
	v6 =	vadd.f32 v6, v8  }
0x5c: {  	v5 =	vperm.xlane v5, v1  }
0x5d: {  	v8 =	vperm.xlane v4, v0;
	v10 =	vmul.f32 $2.000000030e-01, v6  }
0x5e: {  	v11 =	vperm.xlane v11, v1;
	vm1 =	vge.f32 v6, $0.0e+00;
	v12 =	vperm.xlane v3, v0  }
0x5f: {  	v8 =	vadd.f32 v9, v8;
	v9 =	vperm.xlane v2, v0;
	v6 =	vsel vm1, v6, v10  }
0x60: {  	v10 =	vadd.f32 v11, v12;
	v6 =	vmul.f32 $1.442695020e+00, v6  }
0x61: {  	vm1 =	vge.f32 v8, $0.0e+00;
	v11 =	vmul.f32 $2.000000030e-01, v8;
	v5 =	vadd.f32 v5, v9  }
0x62: {  	vm2 =	vge.f32 v10, $0.0e+00;
	v9 =	vmul.f32 $2.000000030e-01, v10;
	(erf) = vpow2.f32 v6  }
0x63: {  	v6 =	vsel vm1, v8, v11;
	vm1 =	vge.f32 v5, $0.0e+00;
	v8 =	vmul.f32 $2.000000030e-01, v5  }
0x64: {  	v9 =	vsel vm2, v10, v9;
	v6 =	vmul.f32 $1.442695020e+00, v6  }
0x65: {  	v9 =	vmul.f32 $1.442695020e+00, v9;
	v5 =	vsel vm1, v5, v8  }
0x66: {  	v5 =	vmul.f32 $1.442695020e+00, v5;
	(erf) = vpow2.f32 v6  }
0x67: {  	(erf) = vpow2.f32 v9  }
.Ltmp0:
0x68: {  	(erf) = vpow2.f32 v5;
	(pc) =	sbr.rel @p0 .LBB2_3-.Ltmp0, $3  }
0x69: {  	_ =	sdelay $0x1  }
0x6a: {  	v5 =	vpop (erf)  }
0x6b: {  	v6 =	vmul.f32 v5, v7  }
0x6c: {  	_ = 	snop  }
0x6d: {  	v5 =	vsel vm0, v6, v5;
	_ =	sdelay $0x1  }
0x6e: {  	s0 =	sshra.s32 s0, $0x2  }
0x6f: {  	v6 =	vld [tilespmem:s0+$0x6430];
	[tilespmem:s1+$0x5430] =	vst v5;
	v5 =	vpop (erf)  }
0x70: {  	v7 =	vld [tilespmem:s0+$0x5430];
	v4 =	vmul.f32 v5, v4;
	v9 =	vpop (erf)  }
0x71: {  	v8 =	vld [tilespmem:s0+$0x6410];
	v3 =	vmul.f32 v9, v3;
	v11 =	vpop (erf)  }
0x72: {  	v10 =	vld [tilespmem:s0+$0x6400];
	v4 =	vsel vm0, v4, v5;
	v2 =	vmul.f32 v11, v2  }
0x73: {  	v5 =	vld [tilespmem:s0+$0x6420];
	[tilespmem:s1+$0x5410] =	vst v4;
	v3 =	vsel vm0, v3, v9  }
0x74: {  	v4 =	vld [tilespmem:s0+$0x5410];
	[tilespmem:s1+$0x5400] =	vst v3;
	v2 =	vsel vm0, v2, v11  }
0x75: {  	v6 =	vperm.xlane v6, v1;
	v50 =	vperm.xlane v7, v0;
	v3 =	vld [tilespmem:s0+$0x5400];
	[tilespmem:s1+$0x5420] =	vst v2  }
0x76: {  	v2 =	vld [tilespmem:s0+$0x5420]  }
0x77: {  	v6 =	vadd.f32 v6, v50  }
0x78: {  	v8 =	vperm.xlane v8, v1;
	v10 =	vperm.xlane v10, v1  }
0x79: {  	v12 =	vmul.f32 $2.000000030e-01, v6;
	v51 =	vperm.xlane v4, v0  }
0x7a: {  	v5 =	vperm.xlane v5, v1;
	vm1 =	vge.f32 v6, $0.0e+00;
	v52 =	vperm.xlane v3, v0  }
0x7b: {  	v6 =	vsel vm1, v6, v12;
	v8 =	vadd.f32 v8, v51;
	v53 =	vperm.xlane v2, v0  }
0x7c: {  	v6 =	vmul.f32 $1.442695020e+00, v6;
	v10 =	vadd.f32 v10, v52  }
0x7d: {  	v54 =	vmul.f32 $2.000000030e-01, v8;
	v5 =	vadd.f32 v5, v53  }
0x7e: {  	(erf) = vpow2.f32 v6;
	vm1 =	vge.f32 v8, $0.0e+00;
	v55 =	vmul.f32 $2.000000030e-01, v10  }
0x7f: {  	vm2 =	vge.f32 v10, $0.0e+00;
	v8 =	vsel vm1, v8, v54;
	v56 =	vmul.f32 $2.000000030e-01, v5  }
0x80: {  	vm1 =	vge.f32 v5, $0.0e+00;
	v9 =	vsel vm2, v10, v55;
	v8 =	vmul.f32 $1.442695020e+00, v8  }
0x81: {  	v6 =	vmul.f32 $1.442695020e+00, v9;
	v5 =	vsel vm1, v5, v56  }
0x82: {  	v5 =	vmul.f32 $1.442695020e+00, v5;
	(erf) = vpow2.f32 v8  }
0x83: {  	(erf) = vpow2.f32 v6  }
0x84: {  	(erf) = vpow2.f32 v5;
	_ =	sdelay $0x3  }
0x85: {  	v5 =	vpop (erf)  }
0x86: {  	v6 =	vmul.f32 v5, v7;
	_ =	sdelay $0x1  }
0x87: {  	v7 =	vpop (erf)  }
0x88: {  	v4 =	vmul.f32 v7, v4;
	v8 =	vpop (erf)  }
0x89: {  	v5 =	vsel vm0, v6, v5;
	v3 =	vmul.f32 v8, v3;
	v6 =	vpop (erf)  }
0x8a: {  	[tilespmem:s0+$0x5430] =	vst v5;
	v4 =	vsel vm0, v4, v7;
	v2 =	vmul.f32 v6, v2  }
0x8b: {  	v3 =	vsel vm0, v3, v8;
	[tilespmem:s0+$0x5410] =	vst v4  }
0x8c: {  	s18 =	sand.u32 $0x3FFFFE00, s31;
	[tilespmem:s0+$0x5400] =	vst v3;
	v2 =	vsel vm0, v2, v6  }
0x8d: {  	s16 =	sadd.s32 $0x2A00, s18;
	[tilespmem:s0+$0x5420] =	vst v2  }
0x8e: {  	[spmem:s2] =	stream.indirect.scatter.add.f32 [tilespmem:s15], [sflag:$0x3], $0x10, s16, s14, $0xb8;
	[tilespmem:$0xBC00] =	vst v63  }
0x8f: {  	_ =	swait.ge [sflag:s12], $0x800  }
0x90: {  	[sflag:s12] =	ssyncset.done $0x0  }
0x91: {  	s18 =	sadd.s32 $0x2A80, s18;
	[sflag:s12] =	ssyncadd.s32 $0xFFFFF800  }
0x92: {  	[spmem:s2] =	stream.indirect.scatter.add.f32 [tilespmem:s17], [sflag:$0x3], $0x10, s18, s14, $0xb8;
	[tilespmem:$0xBC00] =	vst v63  }
0x93: {  	p0 =	seq.s32 s28, $0x14;
	_ =	swait.ge [sflag:s12], $0x800  }
0x94: {  	s1 =	simm.s32 @!p0 $0x80;
	[sflag:s12] =	ssyncset.done $0x0  }
0x95: {  	s0 =	sadd.s32 @!p0 $0x200, s31;
	s16 =	simm.s32 @!p0 $0x5400;
	[sflag:s12] =	ssyncadd.s32 $0xFFFFF800  }
0x96: {  	[tilespmem:s16], [sflag:$0x1] =	stream.indirect.gather @!p0 [hbm4b:s4+s1], $0x10, s0, s1, $0xb8;
	[tilespmem:$0xBC00] =	vst v63  }
0x97: {  	s0 =	sadd.s32 @!p0 $0x2C00, s31;
	s16 =	simm.s32 @!p0 $0x6400  }
0x98: {  	[tilespmem:s16], [sflag:$0x1] =	stream.indirect.gather @!p0 [hbm4b:s4+s1], $0x10, s0, s1, $0xb8;
	[tilespmem:$0xBC00] =	vst v63  }
0x99: {  	s0 =	sadd.s32 @!p0 $0x280, s31;
	s16 =	simm.s32 @!p0 $0x5C00  }
0x9a: {  	[tilespmem:s16], [sflag:$0x1] =	stream.indirect.gather @!p0 [hbm4b:s4+s1], $0x10, s0, s1, $0xb8;
	[tilespmem:$0xBC00] =	vst v63  }
0x9b: {  	s0 =	sadd.s32 @!p0 $0x2C80, s31;
	s16 =	simm.s32 @!p0 $0x6C00  }
0x9c: {  	[tilespmem:s16], [sflag:$0x1] =	stream.indirect.gather @!p0 [hbm4b:s4+s1], $0x10, s0, s1, $0xb8;
	[tilespmem:$0xBC00] =	vst v63  }
0x9d: {  	_ =	swait.ge [sflag:s25], $0x800  }
0x9e: {  	[sflag:s25] =	ssyncset.done $0x0  }
0x9f: {  	[sflag:s25] =	ssyncadd.s32 $0xFFFFF800  }
0xa0: {  	_ =	swait.ge [sflag:s25], $0x800  }
0xa1: {  	[sflag:s25] =	ssyncset.done $0x0  }
0xa2: {  	[sflag:s25] =	ssyncadd.s32 $0xFFFFF800  }
0xa3: {  	_ =	swait.ge [sflag:s25], $0x800  }
0xa4: {  	[sflag:s25] =	ssyncset.done $0x0  }
0xa5: {  	[sflag:s25] =	ssyncadd.s32 $0xFFFFF800  }
0xa6: {  	_ =	swait.ge [sflag:s25], $0x800  }
0xa7: {  	[sflag:s25] =	ssyncset.done $0x0  }
0xa8: {  	s1 =	simm.s32 $0x0;
	[sflag:s25] =	ssyncadd.s32 $0xFFFFF800  }
0xa9: {  	v2 =	vld [tilespmem:s1+$0x8430]  }
0xaa: {  	v6 =	vld [tilespmem:s1+$0x7430];
	_ =	sdelay $0x3  }
0xab: {  	v5 =	vld [tilespmem:s1+$0x8410]  }
0xac: {  	v7 =	vld [tilespmem:s1+$0x8400];
	v2 =	vperm.xlane v2, v1;
	v3 =	vperm.xlane v6, v0  }
0xad: {  	v4 =	vld [tilespmem:s1+$0x7410]  }
0xae: {  	v8 =	vadd.f32 v2, v3;
	v3 =	vld [tilespmem:s1+$0x7400]  }
0xaf: {  	v2 =	vld [tilespmem:s1+$0x7420]  }
0xb0: {  	v57 =	vld [tilespmem:s1+$0x8420];
	v58 =	vmul.f32 $2.000000030e-01, v8  }
0xb1: {  	vm1 =	vge.f32 v8, $0.0e+00  }
0xb2: {  	v5 =	vperm.xlane v5, v1;
	v59 =	vperm.xlane v4, v0;
	v8 =	vsel vm1, v8, v58  }
0xb3: {  	v7 =	vperm.xlane v7, v1;
	v8 =	vmul.f32 $1.442695020e+00, v8  }
0xb4: {  	v60 =	vperm.xlane v3, v0;
	v61 =	vperm.xlane v2, v0  }
0xb5: {  	v5 =	vadd.f32 v5, v59;
	(erf) = vpow2.f32 v8;
	v8 =	vperm.xlane v57, v1  }
0xb6: {  	v7 =	vadd.f32 v7, v60  }
0xb7: {  	v10 =	vmul.f32 $2.000000030e-01, v5;
	v8 =	vadd.f32 v8, v61  }
0xb8: {  	vm1 =	vge.f32 v5, $0.0e+00;
	v62 =	vmul.f32 $2.000000030e-01, v7  }
0xb9: {  	v5 =	vsel vm1, v5, v10;
	vm2 =	vge.f32 v7, $0.0e+00;
	v63 =	vmul.f32 $2.000000030e-01, v8  }
0xba: {  	v5 =	vmul.f32 $1.442695020e+00, v5;
	vm1 =	vge.f32 v8, $0.0e+00;
	v7 =	vsel vm2, v7, v62  }
0xbb: {  	v7 =	vmul.f32 $1.442695020e+00, v7;
	v8 =	vsel vm1, v8, v63  }
0xbc: {  	(erf) = vpow2.f32 v5;
	v8 =	vmul.f32 $1.442695020e+00, v8  }
0xbd: {  	(erf) = vpow2.f32 v7  }
0xbe: {  	v5 =	vpop (erf);
	(erf) = vpow2.f32 v8;
	_ =	sdelay $0x3  }
0xbf: {  	s0 =	simm.s32 $0x100;
	s16 =	simm.s32 $0x200;
	v6 =	vmul.f32 v5, v6  }
.LBB2_5:
0xc0: {  	p0 =	sne.s32 s16, $0x3F00  }
0xc1: {  	s18 =	sshra.s32 s0, $0x2;
	s0 =	smov.u32 s16;
	s16 =	sadd.s32 $0x100, s16;
	v7 =	vsel vm0, v6, v5  }
0xc2: {  	v6 =	vld [tilespmem:s18+$0x8430];
	[tilespmem:s1+$0x7430] =	vst v7;
	v5 =	vpop (erf)  }
0xc3: {  	v7 =	vld [tilespmem:s18+$0x7430];
	v4 =	vmul.f32 v5, v4;
	v8 =	vpop (erf)  }
0xc4: {  	v9 =	vld [tilespmem:s18+$0x8410];
	v3 =	vmul.f32 v8, v3;
	v10 =	vpop (erf)  }
0xc5: {  	v11 =	vld [tilespmem:s18+$0x8400];
	v4 =	vsel vm0, v4, v5;
	v2 =	vmul.f32 v10, v2  }
0xc6: {  	v5 =	vld [tilespmem:s18+$0x8420];
	v3 =	vsel vm0, v3, v8;
	[tilespmem:s1+$0x7410] =	vst v4  }
0xc7: {  	v4 =	vld [tilespmem:s18+$0x7410];
	v6 =	vperm.xlane v6, v1;
	[tilespmem:s1+$0x7400] =	vst v3;
	v2 =	vsel vm0, v2, v10  }
0xc8: {  	v3 =	vld [tilespmem:s18+$0x7400];
	v8 =	vperm.xlane v7, v0;
	[tilespmem:s1+$0x7420] =	vst v2;
	s1 =	smov.u32 s18  }
0xc9: {  	v2 =	vld [tilespmem:s1+$0x7420]  }
0xca: {  	v9 =	vperm.xlane v9, v1;
	v6 =	vadd.f32 v6, v8  }
0xcb: {  	v5 =	vperm.xlane v5, v1  }
0xcc: {  	v8 =	vperm.xlane v4, v0;
	v10 =	vmul.f32 $2.000000030e-01, v6  }
0xcd: {  	v11 =	vperm.xlane v11, v1;
	vm1 =	vge.f32 v6, $0.0e+00;
	v12 =	vperm.xlane v3, v0  }
0xce: {  	v8 =	vadd.f32 v9, v8;
	v9 =	vperm.xlane v2, v0;
	v6 =	vsel vm1, v6, v10  }
0xcf: {  	v10 =	vadd.f32 v11, v12;
	v6 =	vmul.f32 $1.442695020e+00, v6  }
0xd0: {  	vm1 =	vge.f32 v8, $0.0e+00;
	v11 =	vmul.f32 $2.000000030e-01, v8;
	v5 =	vadd.f32 v5, v9  }
0xd1: {  	vm2 =	vge.f32 v10, $0.0e+00;
	v9 =	vmul.f32 $2.000000030e-01, v10;
	(erf) = vpow2.f32 v6  }
0xd2: {  	v6 =	vsel vm1, v8, v11;
	vm1 =	vge.f32 v5, $0.0e+00;
	v8 =	vmul.f32 $2.000000030e-01, v5  }
0xd3: {  	v9 =	vsel vm2, v10, v9;
	v6 =	vmul.f32 $1.442695020e+00, v6  }
0xd4: {  	v9 =	vmul.f32 $1.442695020e+00, v9;
	v5 =	vsel vm1, v5, v8  }
0xd5: {  	v5 =	vmul.f32 $1.442695020e+00, v5;
	(erf) = vpow2.f32 v6  }
0xd6: {  	(erf) = vpow2.f32 v9  }
.Ltmp1:
0xd7: {  	(erf) = vpow2.f32 v5;
	(pc) =	sbr.rel @p0 .LBB2_5-.Ltmp1, $3  }
0xd8: {  	_ =	sdelay $0x1  }
0xd9: {  	v5 =	vpop (erf)  }
0xda: {  	v6 =	vmul.f32 v5, v7  }
0xdb: {  	_ = 	snop  }
0xdc: {  	s0 =	sshra.s32 s0, $0x2;
	v5 =	vsel vm0, v6, v5  }
0xdd: {  	v48 =	vld [tilespmem:s0+$0x8430];
	[tilespmem:s1+$0x7430] =	vst v5;
	v49 =	vpop (erf)  }
0xde: {  	v7 =	vld [tilespmem:s0+$0x7430];
	v4 =	vmul.f32 v49, v4;
	v9 =	vpop (erf)  }
0xdf: {  	v8 =	vld [tilespmem:s0+$0x8410];
	v3 =	vmul.f32 v9, v3;
	v11 =	vpop (erf)  }
0xe0: {  	v10 =	vld [tilespmem:s0+$0x8400];
	v4 =	vsel vm0, v4, v49;
	v2 =	vmul.f32 v11, v2  }
0xe1: {  	v50 =	vld [tilespmem:s0+$0x8420];
	[tilespmem:s1+$0x7410] =	vst v4;
	v3 =	vsel vm0, v3, v9  }
0xe2: {  	v4 =	vld [tilespmem:s0+$0x7410];
	[tilespmem:s1+$0x7400] =	vst v3;
	v2 =	vsel vm0, v2, v11  }
0xe3: {  	v3 =	vld [tilespmem:s0+$0x7400];
	[tilespmem:s1+$0x7420] =	vst v2  }
0xe4: {  	v2 =	vld [tilespmem:s0+$0x7420]  }
0xe5: {  	v6 =	vperm.xlane v48, v1;
	v51 =	vperm.xlane v7, v0  }
0xe6: {  	v8 =	vperm.xlane v8, v1  }
0xe7: {  	v5 =	vperm.xlane v50, v1;
	v6 =	vadd.f32 v6, v51;
	v52 =	vperm.xlane v4, v0  }
0xe8: {  	v10 =	vperm.xlane v10, v1;
	v53 =	vperm.xlane v3, v0  }
0xe9: {  	v12 =	vmul.f32 $2.000000030e-01, v6;
	v8 =	vadd.f32 v8, v52;
	v54 =	vperm.xlane v2, v0  }
0xea: {  	vm1 =	vge.f32 v6, $0.0e+00;
	v10 =	vadd.f32 v10, v53  }
0xeb: {  	v6 =	vsel vm1, v6, v12;
	v55 =	vmul.f32 $2.000000030e-01, v8;
	v5 =	vadd.f32 v5, v54  }
0xec: {  	v6 =	vmul.f32 $1.442695020e+00, v6;
	vm1 =	vge.f32 v8, $0.0e+00;
	v56 =	vmul.f32 $2.000000030e-01, v10  }
0xed: {  	vm2 =	vge.f32 v10, $0.0e+00;
	v8 =	vsel vm1, v8, v55;
	v57 =	vmul.f32 $2.000000030e-01, v5  }
0xee: {  	vm1 =	vge.f32 v5, $0.0e+00;
	v9 =	vsel vm2, v10, v56;
	v8 =	vmul.f32 $1.442695020e+00, v8  }
0xef: {  	(erf) = vpow2.f32 v6;
	v58 =	vmul.f32 $1.442695020e+00, v9;
	v5 =	vsel vm1, v5, v57  }
0xf0: {  	v5 =	vmul.f32 $1.442695020e+00, v5;
	(erf) = vpow2.f32 v8  }
0xf1: {  	(erf) = vpow2.f32 v58  }
0xf2: {  	(erf) = vpow2.f32 v5;
	_ =	sdelay $0x5  }
0xf3: {  	v59 =	vpop (erf)  }
0xf4: {  	v60 =	vmul.f32 v59, v7;
	v61 =	vpop (erf)  }
0xf5: {  	v4 =	vmul.f32 v61, v4;
	v62 =	vpop (erf)  }
0xf6: {  	v5 =	vsel vm0, v60, v59;
	v3 =	vmul.f32 v62, v3;
	v63 =	vpop (erf)  }
0xf7: {  	[tilespmem:s0+$0x7430] =	vst v5;
	v4 =	vsel vm0, v4, v61;
	v2 =	vmul.f32 v63, v2  }
0xf8: {  	v3 =	vsel vm0, v3, v62;
	[tilespmem:s0+$0x7410] =	vst v4  }
0xf9: {  	[tilespmem:s0+$0x7400] =	vst v3;
	v2 =	vsel vm0, v2, v63  }
0xfa: {  	[tilespmem:s0+$0x7420] =	vst v2  }
0xfb: {  	[spmem:s2] =	stream.indirect.scatter.add.f32 [tilespmem:s20], [sflag:$0x3], $0x10, s29, s14, $0xb8;
	[tilespmem:$0xBC00] =	vst v63  }
0xfc: {  	s28 =	sadd.s32 $0x1, s28;
	_ =	swait.ge [sflag:s12], $0x800  }
0xfd: {  	p0 =	sne.s32 s28, $0x15;
	[sflag:s12] =	ssyncset.done $0x0  }
.Ltmp2:
0xfe: {  	[sflag:s12] =	ssyncadd.s32 $0xFFFFF800;
	(pc) =	sbr.rel @p0 .LBB2_2-.Ltmp2, $4  }
0xff: {  	[spmem:s2] =	stream.indirect.scatter.add.f32 [tilespmem:s22], [sflag:$0x3], $0x10, s30, s14, $0xb8;
	[tilespmem:$0xBC00] =	vst v63  }
0x100: {  	_ =	swait.ge [sflag:s12], $0x800  }
0x101: {  	[sflag:s12] =	ssyncset.done $0x0  }
0x102: {  	[sflag:s12] =	ssyncadd.s32 $0xFFFFF800  }
0x103: {  	s26 =	sadd.s32 $0x1, s26  }
0x104: {  	p0 =	sne.s32 s26, s10  }
.Ltmp3:
0x105: {  	[bflag:$0x0] =	sbarrier.arrive $0xFFFF;
	(pc) =	sbr.rel @p0 .LBB2_1-.Ltmp3, $4  }
0x106: {  	[hbm:s9], [sflag:s6] =	dma.local [spmem:s11], $0x500  }
0x107: {  	_ =	swait.ge [sflag:s12], $0x500  }
0x108: {  	[sflag:s12] =	ssyncset.done $0x0  }
0x109: {  	[sflag:s12] =	ssyncadd.s32 $0xFFFFFB00  }
0x10a: {  	_ =	sfence.sel $0x180000  }
0x10b: {  	[bflag:$0x0] =	sbarrier.arrive $0xFFFF  }
0x10c: {  	_ =	strace $0x9000004A  }
0x10d: {  	s0 =	stileid.u32;
	[bflag:$0x2] =	sbarrier.arrive $0xFFFF  }
0x10e: {  	p0 =	sne.s32 s0, $0x0;
	s0 =	rddreg [dreg:$0x2]  }
0x10f: {  	s0 =	sadd.s32 @!p0 $0x100000, s0  }
0x110: {  	[sflag:s0] =	ssyncadd.tile.s32 @!p0 $0x1;
	_ =	shalt  }
.Lfunc_end2:
_tile_overlayer_lowered:
.L_overlay_start_2:
0x111: {  	(tag) =	ssettag $0x2  }
0x112: {  	s0 =	rddreg [dreg:$0x0];
	s2 =	stileid.u32  }
0x113: {  	s1 =	rddreg [dreg:$0x1];
	p0 =	sne.s32 s2, $0x0  }
0x114: {  	s3 =	rddreg [dreg:$0x2];
	[bflag:$0x3] =	sbarrier.arrive $0xFFFF;
	s2 =	simm.s32 @!p0 $0x1C03  }
0x115: {  	[timem:s3], [sflag:s2] =	dma.local @!p0 [hbm:s0], s1  }
0x116: {  	s0 =	simm.s32 @!p0 $0x3  }
0x117: {  	_ =	swait.ge @!p0 [sflag:s0], s1  }
0x118: {  	s1 =	ssub.s32 @!p0 $0x0, s1;
	[sflag:s0] =	ssyncset.done @!p0 $0x0  }
0x119: {  	[sflag:s0] =	ssyncadd.s32 @!p0 s1  }
0x11a: {  	[bflag:$0x3] =	sbarrier.arrive $0xFFFF  }
0x11b: {  	_ =	shalt  }

// kernel: kernel.7.cloned.1.call-start
scs
__scs_entry_jumppad:
0x0: {  	(pc) =	sbr.rel $0x88, $3  }
0x1: {  	(tag) =	ssettag $0x0;
	lr =	simm.s32 $0x1  }
0x2: {  	[smem:$0x3F97] =	sst lr;
	_ =	strace $0xD0000000  }
0x3: {  	_ = 	snop  }
0x4: {  	_ = 	snop  }
0x5: {  	_ = 	snop  }
0x6: {  	_ = 	snop  }
0x7: {  	_ = 	snop  }
__scs_overlays_trampoline_lowered:
0x8: {  	[smem:$0x3FA6] =	sst s0  }
0x9: {  	[smem:$0x3FA7] =	sst s1  }
0xa: {  	[smem:$0x3FA8] =	sst s2  }
0xb: {  	[smem:$0x3FA9] =	sst s3  }
0xc: {  	[smem:$0x3FAA] =	sst s4  }
0xd: {  	[smem:$0x3FAB] =	sst s5  }
0xe: {  	[smem:$0x3FAC] =	sst s6  }
0xf: {  	[smem:$0x3FAD] =	sst s7  }
0x10: {  	[smem:$0x3FAE] =	sst s8  }
0x11: {  	[smem:$0x3FAF] =	sst s9;
	s0 =	simm.s32 @!p0 $0x0  }
0x12: {  	s1 =	sld [smem:$0x3F95];
	s0 =	simm.s32 @p0 $0x1  }
0x13: {  	[smem:$0x3FB0] =	sst s0;
	s0 =	simm.s32 @!p1 $0x0  }
0x14: {  	s2 =	sld [smem:$0x3F94];
	s0 =	simm.s32 @p1 $0x1  }
0x15: {  	[smem:$0x3FB1] =	sst s0;
	s0 =	simm.s32 @!p2 $0x0  }
0x16: {  	s3 =	sld [smem:$0x3FDB];
	s0 =	simm.s32 @p2 $0x1  }
0x17: {  	s4 =	simm.s32 $0x1BF5;
	[smem:$0x3FB3] =	sst s0  }
0x18: {  	s0 =	sld [smem:$0x3F96];
	_ =	swait.ge [sflag:s4], $0x0  }
0x19: {  	s7 =	sld [smem:$0x3F97]  }
0x1a: {  	s8 =	sadd.s32 $0xFFFFE003, lr  }
0x1b: {  	s9 =	sadd.s32 $0xFFFFFEF7, lr;
	s5 =	simm.s32 $0xFFFFFFFF;
	p2 =	slt.u32 s8, $0xFFFFF086  }
0x1c: {  	p1 =	slt.u32 s9, $0xF7A;
	s5 =	simm.s32 @!p2 $0x0  }
0x1d: {  	s5 =	simm.s32 @p1 $0x1;
	p0 =	seq.s32 s7, s2  }
0x1e: {  	s7 =	smul.u32 @!p0 $0xF7A, s2;
	p2 =	seq.s32 @!p0 s5, $0x0  }
0x1f: {  	s9 =	smul.u32 $0xF7A, s1;
	s8 =	simm.s32 @!p0 $0x1BF5;
	p2 =	por !p2, p0  }
0x20: {  	[sflag:s8] =	ssyncset.s32 @!p0 $0xFFFFF086;
	s6 =	sadd.s32 @!p0 s3, s7;
	s7 =	simm.s32 @!p0 $0x108  }
0x21: {  	s3 =	sadd.s32 s3, s9;
	s6 =	sadd.s32 @!p0 $0x88, s6;
	s7 =	simm.s32 @p2 $0x1082  }
0x22: {  	[simem:s7], [sflag:s8] =	dma.local @!p0 [hbm:s6], $0xF7A  }
0x23: {  	s9 =	sor.u32 $0xD0000000, s2;
	s6 =	simm.s32 $0x108;
	_ =	swait.ge @!p0 [sflag:s8], $0x0  }
0x24: {  	s3 =	sadd.s32 $0x88, s3;
	s6 =	simm.s32 @!p1 $0x1082;
	[sflag:s4] =	ssyncset.s32 $0xFFFFF086  }
0x25: {  	[simem:s6], [sflag:s4] =	dma.local [hbm:s3], $0xF7A  }
0x26: {  	[smem:$0x3F97] =	sst s1;
	(tag) =	ssettag s2;
	_ =	strace s9  }
0x27: {  	s1 =	sld [smem:$0x3FA7]  }
0x28: {  	s2 =	sld [smem:$0x3FA8]  }
0x29: {  	s4 =	sld [smem:$0x3FAA]  }
0x2a: {  	p0 =	seq.s32 s5, $0x0;
	s5 =	sld [smem:$0x3FAB]  }
0x2b: {  	s6 =	sld [smem:$0x3FAC]  }
0x2c: {  	s7 =	sld [smem:$0x3FAD]  }
0x2d: {  	s3 =	simm.s32 $0x108;
	s8 =	sld [smem:$0x3FAE]  }
0x2e: {  	s3 =	simm.s32 @!p0 $0x1082;
	s9 =	sld [smem:$0x3FAF]  }
0x2f: {  	lr =	sadd.s32 s0, s3;
	s0 =	sld [smem:$0x3FA6]  }
0x30: {  	s3 =	sld [smem:$0x3FA9]  }
0x31: {  	[smem:$0x3FB2] =	sst s10  }
0x32: {  	s10 =	sld [smem:$0x3FB0];
	_ =	sdelay $0x3  }
0x33: {  	p0 =	seq.s32 s10, $0x1;
	s10 =	sld [smem:$0x3FB2];
	_ =	sdelay $0x3  }
0x34: {  	[smem:$0x3FB2] =	sst s10  }
0x35: {  	s10 =	sld [smem:$0x3FB1];
	_ =	sdelay $0x3  }
0x36: {  	p1 =	seq.s32 s10, $0x1;
	s10 =	sld [smem:$0x3FB2];
	_ =	sdelay $0x3  }
0x37: {  	[smem:$0x3FB2] =	sst s10  }
0x38: {  	s10 =	sld [smem:$0x3FB3]  }
0x39: {  	_ = 	snop;
	(pc) =	sbr.ind lr, $3  }
0x3a: {  	_ = 	snop  }
0x3b: {  	_ = 	snop  }
0x3c: {  	p2 =	seq.s32 s10, $0x1;
	s10 =	sld [smem:$0x3FB2]  }
0x3d: {  	_ =	shalt  }
0x3e: {  	_ =	shalt  }
0x3f: {  	_ =	shalt  }
0x40: {  	_ =	shalt  }
0x41: {  	_ =	shalt  }
0x42: {  	_ =	shalt  }
0x43: {  	_ =	shalt  }
0x44: {  	_ =	shalt  }
0x45: {  	_ =	shalt  }
0x46: {  	_ =	shalt  }
0x47: {  	_ =	shalt  }
0x48: {  	_ =	shalt  }
0x49: {  	_ =	shalt  }
0x4a: {  	_ =	shalt  }
0x4b: {  	_ =	shalt  }
0x4c: {  	_ =	shalt  }
0x4d: {  	_ =	shalt  }
0x4e: {  	_ =	shalt  }
0x4f: {  	_ =	shalt  }
0x50: {  	_ =	shalt  }
0x51: {  	_ =	shalt  }
0x52: {  	_ =	shalt  }
0x53: {  	_ =	shalt  }
0x54: {  	_ =	shalt  }
0x55: {  	_ =	shalt  }
0x56: {  	_ =	shalt  }
0x57: {  	_ =	shalt  }
0x58: {  	_ =	shalt  }
0x59: {  	_ =	shalt  }
0x5a: {  	_ =	shalt  }
0x5b: {  	_ =	shalt  }
0x5c: {  	_ =	shalt  }
0x5d: {  	_ =	shalt  }
0x5e: {  	_ =	shalt  }
0x5f: {  	_ =	shalt  }
0x60: {  	_ =	shalt  }
0x61: {  	_ =	shalt  }
0x62: {  	_ =	shalt  }
0x63: {  	_ =	shalt  }
0x64: {  	_ =	shalt  }
0x65: {  	_ =	shalt  }
0x66: {  	_ =	shalt  }
0x67: {  	_ =	shalt  }
0x68: {  	_ =	shalt  }
0x69: {  	_ =	shalt  }
0x6a: {  	_ =	shalt  }
0x6b: {  	_ =	shalt  }
0x6c: {  	_ =	shalt  }
0x6d: {  	_ =	shalt  }
0x6e: {  	_ =	shalt  }
0x6f: {  	_ =	shalt  }
0x70: {  	_ =	shalt  }
0x71: {  	_ =	shalt  }
0x72: {  	_ =	shalt  }
0x73: {  	_ =	shalt  }
0x74: {  	_ =	shalt  }
0x75: {  	_ =	shalt  }
0x76: {  	_ =	shalt  }
0x77: {  	_ =	shalt  }
0x78: {  	_ =	shalt  }
0x79: {  	_ =	shalt  }
0x7a: {  	_ =	shalt  }
0x7b: {  	_ =	shalt  }
0x7c: {  	_ =	shalt  }
0x7d: {  	_ =	shalt  }
0x7e: {  	_ =	shalt  }
0x7f: {  	_ =	shalt  }
0x80: {  	_ =	shalt  }
0x81: {  	_ =	shalt  }
0x82: {  	_ =	shalt  }
0x83: {  	_ =	shalt  }
0x84: {  	_ =	shalt  }
0x85: {  	_ =	shalt  }
0x86: {  	_ =	shalt  }
0x87: {  	_ =	shalt  }
.Lfunc_end0:
.L_simem_size_0:
called_computation_lowered:
.L_overlay_start_0:
0x88: {  	s2 =	sld [smem:$0x3FD9]  }
0x89: {  	s3 =	sld [smem:$0x3FFE];
	_ =	sdelay $0x1  }
0x8a: {  	s1 =	srdreg.scid  }
0x8b: {  	s0 =	sand.u32 $0x1, s1  }
0x8c: {  	s16 =	sshll.u32 s0, $0xA;
	s2 =	sadd.s32 s3, s2  }
0x8d: {  	s2 =	sadd.s32 s2, s16  }
0x8e: {  	[smem:$0x3FBE] =	sst s2  }
0x8f: {  	_ = 	snop  }
0x90: {  	(tm) =	ssettm $0x1  }
0x91: {  	s17 =	sld [smem:$0x3FFB];
	_ =	sdelay $0x3  }
0x92: {  	_ =	strace s17  }
0x93: {  	s2 =	sld [smem:$0x3FFC];
	_ =	sdelay $0x3  }
0x94: {  	_ =	strace s2  }
0x95: {  	s2 =	sld [smem:$0x3FFD];
	_ =	sdelay $0x3  }
0x96: {  	_ =	strace s2  }
0x97: {  	_ =	strace $0x8FFFFFFF  }
0x98: {  	s18 =	sld [smem:$0x3FDB];
	_ =	sdelay $0x1  }
0x99: {  	s19 =	simm.s32 $_scs_section_size  }
0x9a: {  	s4 =	simm.s32 $_size__tile_overlayer_lowered;
	s5 =	simm.s32 $_tile_overlayer_lowered  }
0x9b: {  	s22 =	simm.s32 $0x1BFF;
	s21 =	sshll.u32 s5, $0x1;
	s2 =	sadd.s32 s19, s18  }
0x9c: {  	s6 =	simm.s32 $0x0;
	s20 =	sshll.u32 s4, $0x1;
	s4 =	sadd.s32 s21, s2  }
0x9d: {  	[timem:s6], [sflag:s22] =	dma.local [hbm:s4], s20  }
0x9e: {  	_ =	swait.ge [sflag:s22], s20  }
0x9f: {  	s3 =	ssub.s32 $0x0, s20;
	[sflag:s22] =	ssyncset.done $0x0  }
0xa0: {  	[sflag:s22] =	ssyncadd.s32 s3;
	_ =	sdelay $0x1  }
0xa1: {  	s23 =	simm.s32 $0x1B8B  }
0xa2: {  	_ =	swait.ge [sflag:s23], $0x1  }
0xa3: {  	[sflag:s23] =	ssyncset.done $0x0  }
0xa4: {  	s25 =	simm.s32 $0x1B8E;
	s24 =	sld [smem:$0x3FFE];
	[sflag:s23] =	ssyncadd.s32 $0xFFFFFFFF  }
0xa5: {  	s26 =	simm.s32 $execute0_lowered;
	[smem:$0x3FD2] =	sst s25  }
0xa6: {  	s4 =	sshll.u32 s26, $0x1;
	_ =	strace $0x80000046;
	[dreg:$0x1] =	wrdreg $0xFFFFFFFF  }
0xa7: {  	s28 =	simm.s32 $_size_execute0_lowered;
	s2 =	sadd.s32 s2, s4;
	[dreg:$0x0] =	wrdreg $0x0  }
0xa8: {  	s4 =	sshll.u32 s28, $0x1;
	[dreg:$0x2] =	wrdreg s2  }
0xa9: {  	[dreg:$0x3] =	wrdreg s4  }
0xaa: {  	[dreg:$0x4] =	wrdreg $0xC0  }
0xab: {  	_ =	task [dreg:s6], $0x5FFFF  }
0xac: {  	[dreg:$0x1] =	wrdreg $0xFFFFFFFF  }
0xad: {  	[dreg:$0x0] =	wrdreg $0x60  }
0xae: {  	[dreg:$0x2] =	wrdreg s24  }
0xaf: {  	[dreg:$0x3] =	wrdreg $0x114000  }
0xb0: {  	[dreg:$0x4] =	wrdreg $0x9  }
0xb1: {  	_ =	task.clear_ibuf [dreg:s6], $0x5FFFF;
	_ =	strace $0x90000046  }
0xb2: {  	s29 =	simm.s32 $0x9;
	_ =	strace $0x80000048  }
0xb3: {  	_ =	swait.ge [sflag:s29], $0x1  }
0xb4: {  	[sflag:s29] =	ssyncadd.s32 $0xFFFFFFFF  }
0xb5: {  	_ =	strace $0x90000048  }
0xb6: {  	_ =	sfence  }
0xb7: {  	s30 =	sld [smem:$0x0];
	_ =	sdelay $0x2  }
0xb8: {  	s31 =	sshll.u32 s1, $0xD;
	s1 =	sshrl.u32 s1, $0x2  }
0xb9: {  	s3 =	sand.u32 $0x4000, s31;
	s1 =	sadd.s32 s1, s30  }
0xba: {  	s0 =	sor.u32 s3, s0;
	s1 =	sshll.u32 s1, $0x11  }
0xbb: {  	s0 =	sor.u32 s1, s0  }
0xbc: {  	s0 =	sadd.s32 $0x8F2B, s0  }
0xbd: {  	[sflag:s0] =	ssyncadd.remote.s32 $0x1  }
0xbe: {  	_ =	sfence.sel $0xFFFF  }
0xbf: {  	[dreg:$0x0] =	wrdreg $0xFFFFFFFF;
	(pc) =	sbr.abs _section_cstart, $3  }
0xc0: {  	[dreg:$0x1] =	wrdreg $0xFFFFFFFF  }
0xc1: {  	_ =	task.clear_ibuf [dreg:s6], $0x2FFFF;
	_ =	strace $0x9FFFFFFF  }
0xc2: {  	(tm) =	ssettm $0x7FFFFFFF  }
0xc3: {  	_ =	shalt  }
tec
execute0_lowered:
.L_overlay_start_1:
0x0: {  	(tag) =	ssettag $0x1  }
0x1: {  	s0 =	srdreg.scid  }
0x2: {  	s13 =	stileid.u32;
	s6 =	rddreg [dreg:$0x0]  }
0x3: {  	s2 =	rddreg [dreg:$0x1];
	s3 =	simm.s32 $0x0;
	s14 =	simm.s32 $0x2A00  }
0x4: {  	s15 =	simm.s32 $0x80;
	s16 =	simm.s32 $0x5400;
	s18 =	simm.s32 $0x7C00  }
0x5: {  	s21 =	simm.s32 $0xB400;
	s22 =	simm.s32 $0x10400;
	s23 =	simm.s32 $0xDC00  }
0x6: {  	s24 =	simm.s32 $0x10C00;
	s25 =	simm.s32 $0x1;
	s26 =	simm.s32 $0x2  }
0x7: {  	s28 =	simm.s32 $0x0;
	s0 =	sand.u32 $0x1, s0;
	s1 =	sshll.u32 s13, $0x1  }
0x8: {  	s7 =	smul.u32 $0xC800, s13;
	[smem:$0x7FF] =	sst s3;
	s4 =	sadd.s32 $0x1200, s6  }
0x9: {  	s5 =	sadd.s32 $0x1A200, s6;
	s31 =	sshll.u32 s13, $0x6;
	s13 =	simm.s32 $0x3  }
0xa: {  	s1 =	sor.u32 s0, s1;
	s8 =	smul.u32 $0xC8000, s0;
	_ =	strace $0x80000047  }
0xb: {  	s0 =	ssub.s32 $0x2, s0;
	s1 =	smul.u32 $0x540, s1;
	s9 =	sshrl.u32 s7, $0x3  }
0xc: {  	s10 =	sshrl.u32 s0, $0x1;
	s12 =	sadd.s32 s7, s2;
	s8 =	sadd.s32 s7, s8  }
0xd: {  	s9 =	sadd.s32 s9, s6;
	s0 =	ssub.s32 s0, s10;
	s7 =	sor.u32 $0x1C03, s31  }
0xe: {  	v0 =	vlaneseq.u32;
	s12 =	sshrl.u32 s12, $0x3;
	s1 =	sadd.s32 s1, s6;
	s8 =	sshrl.u32 s8, $0x3  }
0xf: {  	v0 =	vshrl.u32 v0, $0x3;
	s11 =	sadd.s32 s8, s6;
	s6 =	sadd.s32 $0x34200, s9;
	s8 =	sadd.s32 $0x29A00, s1  }
0x10: {  	v1 =	vor.u32 $0x2, v0;
	v2 =	vor.u32 $0x4, v0;
	v3 =	vor.u32 $0x6, v0;
	s9 =	sadd.s32 $0x1F200, s1;
	s10 =	sadd.s32 $0x4D200, s11;
	s11 =	smax.u32 s0, $0x1  }
.LBB2_1:
0x11: {  	[spmem:s12], [sflag:s7] =	dma.local [hbm:s6], $0x1900  }
0x12: {  	_ =	swait.ge [sflag:s13], $0x1900  }
0x13: {  	[sflag:s13] =	ssyncset.done $0x0  }
0x14: {  	[sflag:s13] =	ssyncadd.s32 $0xFFFFE700  }
0x15: {  	[bflag:$0x0] =	sbarrier.arrive $0xFFFF  }
0x16: {  	[tilespmem:s3], [sflag:$0x3] =	stream.linear.gather [hbm4b:s8+s3], $0x2A00, $0x38;
	[tilespmem:$0x1DC00] =	vst v63  }
0x17: {  	_ =	swait.ge [sflag:s13], $0x2A00  }
0x18: {  	[sflag:s13] =	ssyncset.done $0x0  }
0x19: {  	[sflag:s13] =	ssyncadd.s32 $0xFFFFD600  }
0x1a: {  	[tilespmem:s14], [sflag:$0x3] =	stream.linear.gather [hbm4b:s9+s3], $0x2A00, $0x38;
	[tilespmem:$0x1DC00] =	vst v63  }
0x1b: {  	_ =	swait.ge [sflag:s13], $0x2A00  }
0x1c: {  	[sflag:s13] =	ssyncset.done $0x0  }
0x1d: {  	[sflag:s13] =	ssyncadd.s32 $0xFFFFD600  }
0x1e: {  	[tilespmem:s16], [sflag:$0x1] =	stream.indirect.gather [hbm4b:s4+s15], $0x50, s3, s15, $0xb8;
	[tilespmem:$0x1DC00] =	vst v63  }
0x1f: {  	s0 =	simm.s32 $0xA400  }
0x20: {  	[tilespmem:s0], [sflag:$0x1] =	stream.indirect.gather [hbm4b:s5+s15], $0x10, s14, s15, $0xb8;
	[tilespmem:$0x1DC00] =	vst v63  }
0x21: {  	_ = 	snop  }
0x22: {  	[tilespmem:s18], [sflag:$0x1] =	stream.indirect.gather [hbm4b:s4+s15], $0x50, s15, s15, $0xb8;
	[tilespmem:$0x1DC00] =	vst v63  }
0x23: {  	s31 =	simm.s32 $0x2A80;
	s1 =	simm.s32 $0xAC00;
	s29 =	simm.s32 $0x0  }
0x24: {  	[tilespmem:s1], [sflag:$0x1] =	stream.indirect.gather [hbm4b:s5+s15], $0x10, s31, s15, $0xb8;
	[tilespmem:$0x1DC00] =	vst v63  }
.LBB2_2:
0x25: {  	s1 =	sshll.u32 s29, $0x9  }
0x26: {  	s0 =	sor.u32 $0x100, s1  }
0x27: {  	[tilespmem:s21], [sflag:$0x2] =	stream.indirect.gather [hbm4b:s4+s15], $0x50, s0, s15, $0xb8;
	[tilespmem:$0x1DC00] =	vst v63  }
0x28: {  	s30 =	sadd.s32 $0x2B00, s1  }
0x29: {  	[tilespmem:s22], [sflag:$0x2] =	stream.indirect.gather [hbm4b:s5+s15], $0x10, s30, s15, $0xb8;
	[tilespmem:$0x1DC00] =	vst v63  }
0x2a: {  	s20 =	sor.u32 $0x180, s1  }
0x2b: {  	[tilespmem:s23], [sflag:$0x2] =	stream.indirect.gather [hbm4b:s4+s15], $0x50, s20, s15, $0xb8;
	[tilespmem:$0x1DC00] =	vst v63  }
0x2c: {  	s31 =	sadd.s32 $0x2B80, s1  }
0x2d: {  	[tilespmem:s24], [sflag:$0x2] =	stream.indirect.gather [hbm4b:s5+s15], $0x10, s31, s15, $0xb8;
	[tilespmem:$0x1DC00] =	vst v63  }
0x2e: {  	_ =	swait.ge [sflag:s25], $0x2800  }
0x2f: {  	[sflag:s25] =	ssyncset.done $0x0  }
0x30: {  	[sflag:s25] =	ssyncadd.s32 $0xFFFFD800  }
0x31: {  	_ =	swait.ge [sflag:s25], $0x800  }
0x32: {  	[sflag:s25] =	ssyncset.done $0x0  }
0x33: {  	[sflag:s25] =	ssyncadd.s32 $0xFFFFF800  }
0x34: {  	_ =	swait.ge [sflag:s25], $0x2800  }
0x35: {  	[sflag:s25] =	ssyncset.done $0x0  }
0x36: {  	[sflag:s25] =	ssyncadd.s32 $0xFFFFD800  }
0x37: {  	_ =	swait.ge [sflag:s25], $0x800  }
0x38: {  	[sflag:s25] =	ssyncset.done $0x0  }
0x39: {  	s0 =	simm.s32 $0x54A0;
	[sflag:s25] =	ssyncadd.s32 $0xFFFFF800  }
0x3a: {  	s17 =	simm.s32 $0x0;
	v4 =	vld [tilespmem:s0+$0xFFFFFFA0]  }
0x3b: {  	v5 =	vld [tilespmem:s17+$0xA400];
	_ =	sdelay $0x4  }
0x3c: {  	v4 =	vadd.f32 v5, v4;
	_ =	sdelay $0x1  }
0x3d: {  	v5 =	vmul.f32 $2.000000030e-01, v4  }
0x3e: {  	vm0 =	vge.f32 v4, $0.0e+00  }
0x3f: {  	v4 =	vsel vm0, v4, v5  }
0x40: {  	v4 =	vmul.f32 $1.442695020e+00, v4;
	_ =	sdelay $0x1  }
0x41: {  	(erf) = vpow2.f32 v4;
	_ =	sdelay $0x6  }
0x42: {  	v4 =	vld [tilespmem:s0+$0xFFFFFF90]  }
0x43: {  	v5 =	vld [tilespmem:s0+$0xFFFFFF60]  }
0x44: {  	v6 =	vld [tilespmem:s0+$0xFFFFFF70];
	v7 =	vpop (erf)  }
0x45: {  	v8 =	vld [tilespmem:s0+$0xFFFFFF80];
	v9 =	vperm.xlane v7, v3  }
0x46: {  	v10 =	vperm.xlane v7, v0  }
0x47: {  	v11 =	vperm.xlane v7, v1;
	v4 =	vmul.f32 v4, v9  }
0x48: {  	v51 =	vperm.xlane v7, v2;
	[tilespmem:s0+$0xFFFFFFA0] =	vst v7;
	v5 =	vmul.f32 v5, v10  }
0x49: {  	v6 =	vmul.f32 v6, v11;
	[tilespmem:s0+$0xFFFFFF90] =	vst v4  }
0x4a: {  	v4 =	vmul.f32 v8, v51;
	[tilespmem:s0+$0xFFFFFF60] =	vst v5  }
0x4b: {  	[tilespmem:s0+$0xFFFFFF70] =	vst v6  }
0x4c: {  	[tilespmem:s0+$0xFFFFFF80] =	vst v4;
	v4 =	vld [tilespmem:s0+$0xFFFFFFF0]  }
0x4d: {  	v5 =	vld [tilespmem:s17+$0xA410];
	_ =	sdelay $0x4  }
0x4e: {  	v4 =	vadd.f32 v5, v4;
	_ =	sdelay $0x1  }
0x4f: {  	v5 =	vmul.f32 $2.000000030e-01, v4  }
0x50: {  	vm13 =	vge.f32 v4, $0.0e+00  }
0x51: {  	v4 =	vsel vm13, v4, v5  }
0x52: {  	v4 =	vmul.f32 $1.442695020e+00, v4;
	_ =	sdelay $0x1  }
0x53: {  	(erf) = vpow2.f32 v4;
	_ =	sdelay $0x6  }
0x54: {  	v4 =	vld [tilespmem:s0+$0xFFFFFFB0]  }
0x55: {  	v5 =	vld [tilespmem:s0+$0xFFFFFFE0]  }
0x56: {  	v52 =	vld [tilespmem:s0+$0xFFFFFFC0];
	v53 =	vpop (erf)  }
0x57: {  	v54 =	vld [tilespmem:s0+$0xFFFFFFD0];
	v55 =	vperm.xlane v53, v0  }
0x58: {  	v56 =	vperm.xlane v53, v3  }
0x59: {  	v57 =	vperm.xlane v53, v1;
	v4 =	vmul.f32 v4, v55  }
0x5a: {  	[tilespmem:s0+$0xFFFFFFF0] =	vst v53;
	v7 =	vperm.xlane v53, v2;
	v5 =	vmul.f32 v5, v56  }
0x5b: {  	v6 =	vmul.f32 v52, v57;
	[tilespmem:s0+$0xFFFFFFB0] =	vst v4  }
0x5c: {  	v4 =	vmul.f32 v54, v7;
	[tilespmem:s0+$0xFFFFFFE0] =	vst v5  }
0x5d: {  	[tilespmem:s0+$0xFFFFFFC0] =	vst v6  }
0x5e: {  	[tilespmem:s0+$0xFFFFFFD0] =	vst v4;
	v4 =	vld [tilespmem:s0+$0x40]  }
0x5f: {  	v5 =	vld [tilespmem:s17+$0xA420];
	_ =	sdelay $0x4  }
0x60: {  	v4 =	vadd.f32 v5, v4;
	_ =	sdelay $0x1  }
0x61: {  	v5 =	vmul.f32 $2.000000030e-01, v4  }
0x62: {  	vm14 =	vge.f32 v4, $0.0e+00  }
0x63: {  	v4 =	vsel vm14, v4, v5  }
0x64: {  	v4 =	vmul.f32 $1.442695020e+00, v4;
	_ =	sdelay $0x1  }
0x65: {  	(erf) = vpow2.f32 v4;
	_ =	sdelay $0x6  }
0x66: {  	v4 =	vld [tilespmem:s0+$0x0]  }
0x67: {  	v5 =	vld [tilespmem:s0+$0x30]  }
0x68: {  	v58 =	vld [tilespmem:s0+$0x20];
	v59 =	vpop (erf)  }
0x69: {  	v60 =	vld [tilespmem:s0+$0x10];
	v61 =	vperm.xlane v59, v0  }
0x6a: {  	v62 =	vperm.xlane v59, v3  }
0x6b: {  	v63 =	vperm.xlane v59, v2;
	v4 =	vmul.f32 v4, v61  }
0x6c: {  	[tilespmem:s0+$0x40] =	vst v59;
	v7 =	vperm.xlane v59, v1;
	v5 =	vmul.f32 v5, v62  }
0x6d: {  	v6 =	vmul.f32 v58, v63;
	[tilespmem:s0+$0x0] =	vst v4  }
0x6e: {  	v4 =	vmul.f32 v60, v7;
	[tilespmem:s0+$0x30] =	vst v5  }
0x6f: {  	[tilespmem:s0+$0x20] =	vst v6  }
0x70: {  	[tilespmem:s0+$0x10] =	vst v4;
	v4 =	vld [tilespmem:s0+$0x90]  }
0x71: {  	v5 =	vld [tilespmem:s17+$0xA430];
	_ =	sdelay $0x4  }
0x72: {  	v4 =	vadd.f32 v5, v4;
	_ =	sdelay $0x1  }
0x73: {  	v5 =	vmul.f32 $2.000000030e-01, v4  }
0x74: {  	vm15 =	vge.f32 v4, $0.0e+00  }
0x75: {  	v4 =	vsel vm15, v4, v5  }
0x76: {  	v4 =	vmul.f32 $1.442695020e+00, v4;
	_ =	sdelay $0x1  }
0x77: {  	s19 =	simm.s32 $0x54A0;
	s17 =	simm.s32 $0x100;
	(erf) = vpow2.f32 v4  }
.LBB2_3:
0x78: {  	_ =	sdelay $0x2  }
0x79: {  	p0 =	sne.s32 s17, $0x3F00  }
0x7a: {  	v4 =	vld [tilespmem:s0+$0x80];
	s19 =	sadd.s32 $0x140, s19;
	s20 =	smov.u32 s17;
	s17 =	sadd.s32 $0x100, s17  }
0x7b: {  	v5 =	vld [tilespmem:s0+$0x50]  }
0x7c: {  	v6 =	vld [tilespmem:s0+$0x60]  }
0x7d: {  	v7 =	vld [tilespmem:s0+$0x70]  }
0x7e: {  	v8 =	vpop (erf)  }
0x7f: {  	[tilespmem:s0+$0x90] =	vst v8;
	v9 =	vperm.xlane v8, v0;
	v10 =	vperm.xlane v8, v1  }
0x80: {  	v11 =	vperm.xlane v8, v2;
	v8 =	vperm.xlane v8, v3  }
0x81: {  	v5 =	vmul.f32 v5, v9;
	v6 =	vmul.f32 v6, v10  }
0x82: {  	v7 =	vmul.f32 v7, v11;
	v4 =	vmul.f32 v4, v8  }
0x83: {  	[tilespmem:s0+$0x50] =	vst v5  }
0x84: {  	[tilespmem:s0+$0x80] =	vst v4  }
0x85: {  	[tilespmem:s0+$0x60] =	vst v6  }
0x86: {  	s20 =	sshra.s32 s20, $0x2;
	v4 =	vld [tilespmem:s19+$0xFFFFFFA0];
	[tilespmem:s0+$0x70] =	vst v7;
	s0 =	smov.u32 s19  }
0x87: {  	v5 =	vld [tilespmem:s20+$0xA400];
	_ =	sdelay $0x4  }
0x88: {  	v4 =	vadd.f32 v5, v4;
	_ =	sdelay $0x1  }
0x89: {  	v5 =	vmul.f32 $2.000000030e-01, v4  }
0x8a: {  	vm0 =	vge.f32 v4, $0.0e+00  }
0x8b: {  	v4 =	vsel vm0, v4, v5  }
0x8c: {  	v4 =	vmul.f32 $1.442695020e+00, v4;
	_ =	sdelay $0x1  }
0x8d: {  	(erf) = vpow2.f32 v4;
	_ =	sdelay $0x4  }
0x8e: {  	v4 =	vld [tilespmem:s19+$0xFFFFFF80]  }
0x8f: {  	v5 =	vld [tilespmem:s19+$0xFFFFFF90]  }
0x90: {  	v6 =	vld [tilespmem:s19+$0xFFFFFF60]  }
0x91: {  	v7 =	vld [tilespmem:s19+$0xFFFFFF70]  }
0x92: {  	v8 =	vpop (erf)  }
0x93: {  	v9 =	vperm.xlane v8, v0;
	v10 =	vperm.xlane v8, v3  }
0x94: {  	v11 =	vperm.xlane v8, v1;
	v12 =	vperm.xlane v8, v2  }
0x95: {  	v6 =	vmul.f32 v6, v9;
	v5 =	vmul.f32 v5, v10  }
0x96: {  	v4 =	vmul.f32 v4, v12;
	[tilespmem:s19+$0xFFFFFFA0] =	vst v8;
	v7 =	vmul.f32 v7, v11  }
0x97: {  	[tilespmem:s19+$0xFFFFFF90] =	vst v5  }
0x98: {  	[tilespmem:s19+$0xFFFFFF60] =	vst v6  }
0x99: {  	[tilespmem:s19+$0xFFFFFF70] =	vst v7  }
0x9a: {  	[tilespmem:s19+$0xFFFFFF80] =	vst v4;
	v4 =	vld [tilespmem:s19+$0xFFFFFFF0]  }
0x9b: {  	v5 =	vld [tilespmem:s20+$0xA410];
	_ =	sdelay $0x4  }
0x9c: {  	v4 =	vadd.f32 v5, v4;
	_ =	sdelay $0x1  }
0x9d: {  	v5 =	vmul.f32 $2.000000030e-01, v4  }
0x9e: {  	vm0 =	vge.f32 v4, $0.0e+00  }
0x9f: {  	v4 =	vsel vm0, v4, v5  }
0xa0: {  	v4 =	vmul.f32 $1.442695020e+00, v4;
	_ =	sdelay $0x1  }
0xa1: {  	(erf) = vpow2.f32 v4;
	_ =	sdelay $0x4  }
0xa2: {  	v4 =	vld [tilespmem:s19+$0xFFFFFFE0]  }
0xa3: {  	v5 =	vld [tilespmem:s19+$0xFFFFFFC0]  }
0xa4: {  	v6 =	vld [tilespmem:s19+$0xFFFFFFB0]  }
0xa5: {  	v7 =	vld [tilespmem:s19+$0xFFFFFFD0]  }
0xa6: {  	v8 =	vpop (erf)  }
0xa7: {  	[tilespmem:s19+$0xFFFFFFF0] =	vst v8;
	v9 =	vperm.xlane v8, v0;
	v10 =	vperm.xlane v8, v1  }
0xa8: {  	v11 =	vperm.xlane v8, v2;
	v8 =	vperm.xlane v8, v3  }
0xa9: {  	v6 =	vmul.f32 v6, v9;
	v5 =	vmul.f32 v5, v10  }
0xaa: {  	v4 =	vmul.f32 v4, v8;
	v7 =	vmul.f32 v7, v11  }
0xab: {  	[tilespmem:s19+$0xFFFFFFB0] =	vst v6  }
0xac: {  	[tilespmem:s19+$0xFFFFFFE0] =	vst v4  }
0xad: {  	[tilespmem:s19+$0xFFFFFFC0] =	vst v5  }
0xae: {  	[tilespmem:s19+$0xFFFFFFD0] =	vst v7;
	v4 =	vld [tilespmem:s19+$0x40]  }
0xaf: {  	v5 =	vld [tilespmem:s20+$0xA420];
	_ =	sdelay $0x4  }
0xb0: {  	v4 =	vadd.f32 v5, v4;
	_ =	sdelay $0x1  }
0xb1: {  	v5 =	vmul.f32 $2.000000030e-01, v4  }
0xb2: {  	vm0 =	vge.f32 v4, $0.0e+00  }
0xb3: {  	v4 =	vsel vm0, v4, v5  }
0xb4: {  	v4 =	vmul.f32 $1.442695020e+00, v4;
	_ =	sdelay $0x1  }
0xb5: {  	(erf) = vpow2.f32 v4;
	_ =	sdelay $0x4  }
0xb6: {  	v4 =	vld [tilespmem:s19+$0x30]  }
0xb7: {  	v5 =	vld [tilespmem:s19+$0x10]  }
0xb8: {  	v6 =	vld [tilespmem:s19+$0x0]  }
0xb9: {  	v7 =	vld [tilespmem:s19+$0x20]  }
0xba: {  	v8 =	vpop (erf)  }
0xbb: {  	[tilespmem:s19+$0x40] =	vst v8;
	v9 =	vperm.xlane v8, v0;
	v10 =	vperm.xlane v8, v1  }
0xbc: {  	v11 =	vperm.xlane v8, v2;
	v8 =	vperm.xlane v8, v3  }
0xbd: {  	v6 =	vmul.f32 v6, v9;
	v5 =	vmul.f32 v5, v10  }
0xbe: {  	v4 =	vmul.f32 v4, v8;
	v7 =	vmul.f32 v7, v11  }
0xbf: {  	[tilespmem:s19+$0x0] =	vst v6  }
0xc0: {  	[tilespmem:s19+$0x30] =	vst v4  }
0xc1: {  	[tilespmem:s19+$0x20] =	vst v7  }
0xc2: {  	[tilespmem:s19+$0x10] =	vst v5;
	v4 =	vld [tilespmem:s19+$0x90]  }
0xc3: {  	v5 =	vld [tilespmem:s20+$0xA430];
	_ =	sdelay $0x4  }
0xc4: {  	v4 =	vadd.f32 v5, v4;
	_ =	sdelay $0x1  }
0xc5: {  	v5 =	vmul.f32 $2.000000030e-01, v4  }
.Ltmp0:
0xc6: {  	vm0 =	vge.f32 v4, $0.0e+00;
	(pc) =	sbr.rel @p0 .LBB2_3-.Ltmp0, $3  }
0xc7: {  	v4 =	vsel vm0, v4, v5  }
0xc8: {  	v4 =	vmul.f32 $1.442695020e+00, v4;
	_ =	sdelay $0x1  }
0xc9: {  	(erf) = vpow2.f32 v4  }
0xca: {  	_ =	sdelay $0x5  }
0xcb: {  	v4 =	vld [tilespmem:s0+$0x50]  }
0xcc: {  	v5 =	vld [tilespmem:s0+$0x80]  }
0xcd: {  	v6 =	vld [tilespmem:s0+$0x60];
	v7 =	vpop (erf)  }
0xce: {  	v8 =	vld [tilespmem:s0+$0x70];
	v9 =	vperm.xlane v7, v0  }
0xcf: {  	v10 =	vperm.xlane v7, v3  }
0xd0: {  	v11 =	vperm.xlane v7, v1;
	v4 =	vmul.f32 v4, v9  }
0xd1: {  	[tilespmem:s0+$0x90] =	vst v7;
	v7 =	vperm.xlane v7, v2;
	v5 =	vmul.f32 v5, v10  }
0xd2: {  	v6 =	vmul.f32 v6, v11;
	[tilespmem:s0+$0x50] =	vst v4  }
0xd3: {  	v4 =	vmul.f32 v8, v7;
	[tilespmem:s0+$0x80] =	vst v5  }
0xd4: {  	s17 =	sand.u32 $0x3FFFFE00, s1;
	[tilespmem:s0+$0x60] =	vst v6  }
0xd5: {  	s20 =	sadd.s32 $0x2A00, s17;
	[tilespmem:s0+$0x70] =	vst v4  }
0xd6: {  	[spmem:s2] =	stream.indirect.scatter.add.f32 [tilespmem:s16], [sflag:$0x3], $0x50, s20, s15, $0xb8;
	[tilespmem:$0x1DC00] =	vst v63  }
0xd7: {  	_ =	swait.ge [sflag:s13], $0x2800  }
0xd8: {  	[sflag:s13] =	ssyncset.done $0x0  }
0xd9: {  	s19 =	sadd.s32 $0x2A80, s17;
	[sflag:s13] =	ssyncadd.s32 $0xFFFFD800  }
0xda: {  	[spmem:s2] =	stream.indirect.scatter.add.f32 [tilespmem:s18], [sflag:$0x3], $0x50, s19, s15, $0xb8;
	[tilespmem:$0x1DC00] =	vst v63  }
0xdb: {  	p0 =	seq.s32 s29, $0x14;
	_ =	swait.ge [sflag:s13], $0x2800  }
0xdc: {  	s17 =	simm.s32 @!p0 $0x80;
	[sflag:s13] =	ssyncset.done $0x0  }
0xdd: {  	s0 =	sadd.s32 @!p0 $0x200, s1;
	s19 =	simm.s32 @!p0 $0x5400;
	[sflag:s13] =	ssyncadd.s32 $0xFFFFD800  }
0xde: {  	[tilespmem:s19], [sflag:$0x1] =	stream.indirect.gather @!p0 [hbm4b:s4+s17], $0x50, s0, s17, $0xb8;
	[tilespmem:$0x1DC00] =	vst v63  }
0xdf: {  	s0 =	sadd.s32 @!p0 $0x2C00, s1;
	s19 =	simm.s32 @!p0 $0xA400  }
0xe0: {  	[tilespmem:s19], [sflag:$0x1] =	stream.indirect.gather @!p0 [hbm4b:s5+s17], $0x10, s0, s17, $0xb8;
	[tilespmem:$0x1DC00] =	vst v63  }
0xe1: {  	s0 =	sadd.s32 @!p0 $0x280, s1;
	s19 =	simm.s32 @!p0 $0x7C00  }
0xe2: {  	[tilespmem:s19], [sflag:$0x1] =	stream.indirect.gather @!p0 [hbm4b:s4+s17], $0x50, s0, s17, $0xb8;
	[tilespmem:$0x1DC00] =	vst v63  }
0xe3: {  	s0 =	sadd.s32 @!p0 $0x2C80, s1;
	s1 =	simm.s32 @!p0 $0xAC00  }
0xe4: {  	[tilespmem:s1], [sflag:$0x1] =	stream.indirect.gather @!p0 [hbm4b:s5+s17], $0x10, s0, s17, $0xb8;
	[tilespmem:$0x1DC00] =	vst v63  }
0xe5: {  	_ =	swait.ge [sflag:s26], $0x2800  }
0xe6: {  	[sflag:s26] =	ssyncset.done $0x0  }
0xe7: {  	[sflag:s26] =	ssyncadd.s32 $0xFFFFD800  }
0xe8: {  	_ =	swait.ge [sflag:s26], $0x800  }
0xe9: {  	[sflag:s26] =	ssyncset.done $0x0  }
0xea: {  	[sflag:s26] =	ssyncadd.s32 $0xFFFFF800  }
0xeb: {  	_ =	swait.ge [sflag:s26], $0x2800  }
0xec: {  	[sflag:s26] =	ssyncset.done $0x0  }
0xed: {  	[sflag:s26] =	ssyncadd.s32 $0xFFFFD800  }
0xee: {  	_ =	swait.ge [sflag:s26], $0x800  }
0xef: {  	[sflag:s26] =	ssyncset.done $0x0  }
0xf0: {  	s0 =	simm.s32 $0xB4A0;
	[sflag:s26] =	ssyncadd.s32 $0xFFFFF800  }
0xf1: {  	s20 =	simm.s32 $0x0;
	v4 =	vld [tilespmem:s0+$0xFFFFFFA0]  }
0xf2: {  	v5 =	vld [tilespmem:s20+$0x10400];
	_ =	sdelay $0x4  }
0xf3: {  	v4 =	vadd.f32 v5, v4;
	_ =	sdelay $0x1  }
0xf4: {  	v5 =	vmul.f32 $2.000000030e-01, v4  }
0xf5: {  	vm0 =	vge.f32 v4, $0.0e+00  }
0xf6: {  	v4 =	vsel vm0, v4, v5  }
0xf7: {  	v4 =	vmul.f32 $1.442695020e+00, v4;
	_ =	sdelay $0x1  }
0xf8: {  	(erf) = vpow2.f32 v4;
	_ =	sdelay $0x6  }
0xf9: {  	v4 =	vld [tilespmem:s0+$0xFFFFFF90]  }
0xfa: {  	v5 =	vld [tilespmem:s0+$0xFFFFFF60]  }
0xfb: {  	v45 =	vld [tilespmem:s0+$0xFFFFFF70];
	v46 =	vpop (erf)  }
0xfc: {  	v47 =	vld [tilespmem:s0+$0xFFFFFF80];
	v48 =	vperm.xlane v46, v3  }
0xfd: {  	v49 =	vperm.xlane v46, v0  }
0xfe: {  	v50 =	vperm.xlane v46, v1;
	v4 =	vmul.f32 v4, v48  }
0xff: {  	v51 =	vperm.xlane v46, v2;
	[tilespmem:s0+$0xFFFFFFA0] =	vst v46;
	v5 =	vmul.f32 v5, v49  }
0x100: {  	v6 =	vmul.f32 v45, v50;
	[tilespmem:s0+$0xFFFFFF90] =	vst v4  }
0x101: {  	v4 =	vmul.f32 v47, v51;
	[tilespmem:s0+$0xFFFFFF60] =	vst v5  }
0x102: {  	[tilespmem:s0+$0xFFFFFF70] =	vst v6  }
0x103: {  	[tilespmem:s0+$0xFFFFFF80] =	vst v4;
	v4 =	vld [tilespmem:s0+$0xFFFFFFF0]  }
0x104: {  	v5 =	vld [tilespmem:s20+$0x10410];
	_ =	sdelay $0x4  }
0x105: {  	v4 =	vadd.f32 v5, v4;
	_ =	sdelay $0x1  }
0x106: {  	v5 =	vmul.f32 $2.000000030e-01, v4  }
0x107: {  	vm13 =	vge.f32 v4, $0.0e+00  }
0x108: {  	v4 =	vsel vm13, v4, v5  }
0x109: {  	v4 =	vmul.f32 $1.442695020e+00, v4;
	_ =	sdelay $0x1  }
0x10a: {  	(erf) = vpow2.f32 v4;
	_ =	sdelay $0x6  }
0x10b: {  	v4 =	vld [tilespmem:s0+$0xFFFFFFB0]  }
0x10c: {  	v5 =	vld [tilespmem:s0+$0xFFFFFFE0]  }
0x10d: {  	v52 =	vld [tilespmem:s0+$0xFFFFFFC0];
	v53 =	vpop (erf)  }
0x10e: {  	v54 =	vld [tilespmem:s0+$0xFFFFFFD0];
	v55 =	vperm.xlane v53, v0  }
0x10f: {  	v56 =	vperm.xlane v53, v3  }
0x110: {  	v57 =	vperm.xlane v53, v1;
	v4 =	vmul.f32 v4, v55  }
0x111: {  	[tilespmem:s0+$0xFFFFFFF0] =	vst v53;
	v7 =	vperm.xlane v53, v2;
	v5 =	vmul.f32 v5, v56  }
0x112: {  	v6 =	vmul.f32 v52, v57;
	[tilespmem:s0+$0xFFFFFFB0] =	vst v4  }
0x113: {  	v4 =	vmul.f32 v54, v7;
	[tilespmem:s0+$0xFFFFFFE0] =	vst v5  }
0x114: {  	[tilespmem:s0+$0xFFFFFFC0] =	vst v6  }
0x115: {  	[tilespmem:s0+$0xFFFFFFD0] =	vst v4;
	v4 =	vld [tilespmem:s0+$0x40]  }
0x116: {  	v5 =	vld [tilespmem:s20+$0x10420];
	_ =	sdelay $0x4  }
0x117: {  	v4 =	vadd.f32 v5, v4;
	_ =	sdelay $0x1  }
0x118: {  	v5 =	vmul.f32 $2.000000030e-01, v4  }
0x119: {  	vm14 =	vge.f32 v4, $0.0e+00  }
0x11a: {  	v4 =	vsel vm14, v4, v5  }
0x11b: {  	v4 =	vmul.f32 $1.442695020e+00, v4;
	_ =	sdelay $0x1  }
0x11c: {  	(erf) = vpow2.f32 v4;
	_ =	sdelay $0x6  }
0x11d: {  	v4 =	vld [tilespmem:s0+$0x0]  }
0x11e: {  	v5 =	vld [tilespmem:s0+$0x30]  }
0x11f: {  	v58 =	vld [tilespmem:s0+$0x20];
	v59 =	vpop (erf)  }
0x120: {  	v60 =	vld [tilespmem:s0+$0x10];
	v61 =	vperm.xlane v59, v0  }
0x121: {  	v62 =	vperm.xlane v59, v3  }
0x122: {  	v63 =	vperm.xlane v59, v2;
	v4 =	vmul.f32 v4, v61  }
0x123: {  	[tilespmem:s0+$0x40] =	vst v59;
	v7 =	vperm.xlane v59, v1;
	v5 =	vmul.f32 v5, v62  }
0x124: {  	v6 =	vmul.f32 v58, v63;
	[tilespmem:s0+$0x0] =	vst v4  }
0x125: {  	v4 =	vmul.f32 v60, v7;
	[tilespmem:s0+$0x30] =	vst v5  }
0x126: {  	[tilespmem:s0+$0x20] =	vst v6  }
0x127: {  	[tilespmem:s0+$0x10] =	vst v4;
	v4 =	vld [tilespmem:s0+$0x90]  }
0x128: {  	v5 =	vld [tilespmem:s20+$0x10430];
	_ =	sdelay $0x4  }
0x129: {  	v4 =	vadd.f32 v5, v4;
	_ =	sdelay $0x1  }
0x12a: {  	v5 =	vmul.f32 $2.000000030e-01, v4  }
0x12b: {  	vm15 =	vge.f32 v4, $0.0e+00  }
0x12c: {  	v4 =	vsel vm15, v4, v5  }
0x12d: {  	v4 =	vmul.f32 $1.442695020e+00, v4;
	_ =	sdelay $0x1  }
0x12e: {  	s1 =	simm.s32 $0x100;
	s17 =	simm.s32 $0xB4A0;
	(erf) = vpow2.f32 v4  }
.LBB2_5:
0x12f: {  	_ =	sdelay $0x2  }
0x130: {  	p0 =	sne.s32 s1, $0x3F00  }
0x131: {  	v4 =	vld [tilespmem:s0+$0x80];
	s17 =	sadd.s32 $0x140, s17;
	s19 =	smov.u32 s1;
	s1 =	sadd.s32 $0x100, s1  }
0x132: {  	v5 =	vld [tilespmem:s0+$0x50]  }
0x133: {  	v6 =	vld [tilespmem:s0+$0x60]  }
0x134: {  	v7 =	vld [tilespmem:s0+$0x70]  }
0x135: {  	v8 =	vpop (erf)  }
0x136: {  	[tilespmem:s0+$0x90] =	vst v8;
	v9 =	vperm.xlane v8, v0;
	v10 =	vperm.xlane v8, v1  }
0x137: {  	v11 =	vperm.xlane v8, v2;
	v8 =	vperm.xlane v8, v3  }
0x138: {  	v5 =	vmul.f32 v5, v9;
	v6 =	vmul.f32 v6, v10  }
0x139: {  	v7 =	vmul.f32 v7, v11;
	v4 =	vmul.f32 v4, v8  }
0x13a: {  	[tilespmem:s0+$0x50] =	vst v5  }
0x13b: {  	[tilespmem:s0+$0x80] =	vst v4  }
0x13c: {  	[tilespmem:s0+$0x60] =	vst v6  }
0x13d: {  	s19 =	sshra.s32 s19, $0x2;
	v4 =	vld [tilespmem:s17+$0xFFFFFFA0];
	[tilespmem:s0+$0x70] =	vst v7;
	s0 =	smov.u32 s17  }
0x13e: {  	v5 =	vld [tilespmem:s19+$0x10400];
	_ =	sdelay $0x4  }
0x13f: {  	v4 =	vadd.f32 v5, v4;
	_ =	sdelay $0x1  }
0x140: {  	v5 =	vmul.f32 $2.000000030e-01, v4  }
0x141: {  	vm0 =	vge.f32 v4, $0.0e+00  }
0x142: {  	v4 =	vsel vm0, v4, v5  }
0x143: {  	v4 =	vmul.f32 $1.442695020e+00, v4;
	_ =	sdelay $0x1  }
0x144: {  	(erf) = vpow2.f32 v4;
	_ =	sdelay $0x4  }
0x145: {  	v4 =	vld [tilespmem:s17+$0xFFFFFF80]  }
0x146: {  	v5 =	vld [tilespmem:s17+$0xFFFFFF90]  }
0x147: {  	v6 =	vld [tilespmem:s17+$0xFFFFFF60]  }
0x148: {  	v7 =	vld [tilespmem:s17+$0xFFFFFF70]  }
0x149: {  	v8 =	vpop (erf)  }
0x14a: {  	v9 =	vperm.xlane v8, v0;
	v10 =	vperm.xlane v8, v3  }
0x14b: {  	v11 =	vperm.xlane v8, v1;
	v12 =	vperm.xlane v8, v2  }
0x14c: {  	v6 =	vmul.f32 v6, v9;
	v5 =	vmul.f32 v5, v10  }
0x14d: {  	v4 =	vmul.f32 v4, v12;
	[tilespmem:s17+$0xFFFFFFA0] =	vst v8;
	v7 =	vmul.f32 v7, v11  }
0x14e: {  	[tilespmem:s17+$0xFFFFFF90] =	vst v5  }
0x14f: {  	[tilespmem:s17+$0xFFFFFF60] =	vst v6  }
0x150: {  	[tilespmem:s17+$0xFFFFFF70] =	vst v7  }
0x151: {  	[tilespmem:s17+$0xFFFFFF80] =	vst v4;
	v4 =	vld [tilespmem:s17+$0xFFFFFFF0]  }
0x152: {  	v5 =	vld [tilespmem:s19+$0x10410];
	_ =	sdelay $0x4  }
0x153: {  	v4 =	vadd.f32 v5, v4;
	_ =	sdelay $0x1  }
0x154: {  	v5 =	vmul.f32 $2.000000030e-01, v4  }
0x155: {  	vm0 =	vge.f32 v4, $0.0e+00  }
0x156: {  	v4 =	vsel vm0, v4, v5  }
0x157: {  	v4 =	vmul.f32 $1.442695020e+00, v4;
	_ =	sdelay $0x1  }
0x158: {  	(erf) = vpow2.f32 v4;
	_ =	sdelay $0x4  }
0x159: {  	v4 =	vld [tilespmem:s17+$0xFFFFFFE0]  }
0x15a: {  	v5 =	vld [tilespmem:s17+$0xFFFFFFC0]  }
0x15b: {  	v6 =	vld [tilespmem:s17+$0xFFFFFFB0]  }
0x15c: {  	v7 =	vld [tilespmem:s17+$0xFFFFFFD0]  }
0x15d: {  	v8 =	vpop (erf)  }
0x15e: {  	[tilespmem:s17+$0xFFFFFFF0] =	vst v8;
	v9 =	vperm.xlane v8, v0;
	v10 =	vperm.xlane v8, v1  }
0x15f: {  	v11 =	vperm.xlane v8, v2;
	v8 =	vperm.xlane v8, v3  }
0x160: {  	v6 =	vmul.f32 v6, v9;
	v5 =	vmul.f32 v5, v10  }
0x161: {  	v4 =	vmul.f32 v4, v8;
	v7 =	vmul.f32 v7, v11  }
0x162: {  	[tilespmem:s17+$0xFFFFFFB0] =	vst v6  }
0x163: {  	[tilespmem:s17+$0xFFFFFFE0] =	vst v4  }
0x164: {  	[tilespmem:s17+$0xFFFFFFC0] =	vst v5  }
0x165: {  	[tilespmem:s17+$0xFFFFFFD0] =	vst v7;
	v4 =	vld [tilespmem:s17+$0x40]  }
0x166: {  	v5 =	vld [tilespmem:s19+$0x10420];
	_ =	sdelay $0x4  }
0x167: {  	v4 =	vadd.f32 v5, v4;
	_ =	sdelay $0x1  }
0x168: {  	v5 =	vmul.f32 $2.000000030e-01, v4  }
0x169: {  	vm0 =	vge.f32 v4, $0.0e+00  }
0x16a: {  	v4 =	vsel vm0, v4, v5  }
0x16b: {  	v4 =	vmul.f32 $1.442695020e+00, v4;
	_ =	sdelay $0x1  }
0x16c: {  	(erf) = vpow2.f32 v4;
	_ =	sdelay $0x4  }
0x16d: {  	v4 =	vld [tilespmem:s17+$0x30]  }
0x16e: {  	v5 =	vld [tilespmem:s17+$0x10]  }
0x16f: {  	v6 =	vld [tilespmem:s17+$0x0]  }
0x170: {  	v7 =	vld [tilespmem:s17+$0x20]  }
0x171: {  	v8 =	vpop (erf)  }
0x172: {  	[tilespmem:s17+$0x40] =	vst v8;
	v9 =	vperm.xlane v8, v0;
	v10 =	vperm.xlane v8, v1  }
0x173: {  	v11 =	vperm.xlane v8, v2;
	v8 =	vperm.xlane v8, v3  }
0x174: {  	v6 =	vmul.f32 v6, v9;
	v5 =	vmul.f32 v5, v10  }
0x175: {  	v4 =	vmul.f32 v4, v8;
	v7 =	vmul.f32 v7, v11  }
0x176: {  	[tilespmem:s17+$0x0] =	vst v6  }
0x177: {  	[tilespmem:s17+$0x30] =	vst v4  }
0x178: {  	[tilespmem:s17+$0x20] =	vst v7  }
0x179: {  	[tilespmem:s17+$0x10] =	vst v5;
	v4 =	vld [tilespmem:s17+$0x90]  }
0x17a: {  	v5 =	vld [tilespmem:s19+$0x10430];
	_ =	sdelay $0x4  }
0x17b: {  	v4 =	vadd.f32 v5, v4;
	_ =	sdelay $0x1  }
0x17c: {  	v5 =	vmul.f32 $2.000000030e-01, v4  }
.Ltmp1:
0x17d: {  	vm0 =	vge.f32 v4, $0.0e+00;
	(pc) =	sbr.rel @p0 .LBB2_5-.Ltmp1, $3  }
0x17e: {  	v4 =	vsel vm0, v4, v5  }
0x17f: {  	v4 =	vmul.f32 $1.442695020e+00, v4;
	_ =	sdelay $0x1  }
0x180: {  	(erf) = vpow2.f32 v4  }
0x181: {  	_ =	sdelay $0x5  }
0x182: {  	v4 =	vld [tilespmem:s0+$0x50]  }
0x183: {  	v5 =	vld [tilespmem:s0+$0x80]  }
0x184: {  	v6 =	vld [tilespmem:s0+$0x60];
	v7 =	vpop (erf)  }
0x185: {  	v8 =	vld [tilespmem:s0+$0x70];
	v9 =	vperm.xlane v7, v0  }
0x186: {  	v10 =	vperm.xlane v7, v3  }
0x187: {  	v11 =	vperm.xlane v7, v1;
	v4 =	vmul.f32 v4, v9  }
0x188: {  	[tilespmem:s0+$0x90] =	vst v7;
	v7 =	vperm.xlane v7, v2;
	v5 =	vmul.f32 v5, v10  }
0x189: {  	v6 =	vmul.f32 v6, v11;
	[tilespmem:s0+$0x50] =	vst v4  }
0x18a: {  	v4 =	vmul.f32 v8, v7;
	[tilespmem:s0+$0x80] =	vst v5  }
0x18b: {  	[tilespmem:s0+$0x60] =	vst v6  }
0x18c: {  	[tilespmem:s0+$0x70] =	vst v4  }
0x18d: {  	[spmem:s2] =	stream.indirect.scatter.add.f32 [tilespmem:s21], [sflag:$0x3], $0x50, s30, s15, $0xb8;
	[tilespmem:$0x1DC00] =	vst v63  }
0x18e: {  	s29 =	sadd.s32 $0x1, s29;
	_ =	swait.ge [sflag:s13], $0x2800  }
0x18f: {  	p0 =	sne.s32 s29, $0x15;
	[sflag:s13] =	ssyncset.done $0x0  }
.Ltmp2:
0x190: {  	[sflag:s13] =	ssyncadd.s32 $0xFFFFD800;
	(pc) =	sbr.rel @p0 .LBB2_2-.Ltmp2, $4  }
0x191: {  	[spmem:s2] =	stream.indirect.scatter.add.f32 [tilespmem:s23], [sflag:$0x3], $0x50, s31, s15, $0xb8;
	[tilespmem:$0x1DC00] =	vst v63  }
0x192: {  	_ =	swait.ge [sflag:s13], $0x2800  }
0x193: {  	[sflag:s13] =	ssyncset.done $0x0  }
0x194: {  	[sflag:s13] =	ssyncadd.s32 $0xFFFFD800  }
0x195: {  	s28 =	sadd.s32 $0x1, s28  }
0x196: {  	p0 =	sne.s32 s28, s11  }
.Ltmp3:
0x197: {  	[bflag:$0x0] =	sbarrier.arrive $0xFFFF;
	(pc) =	sbr.rel @p0 .LBB2_1-.Ltmp3, $4  }
0x198: {  	[hbm:s10], [sflag:s7] =	dma.local [spmem:s12], $0x1900  }
0x199: {  	_ =	swait.ge [sflag:s13], $0x1900  }
0x19a: {  	[sflag:s13] =	ssyncset.done $0x0  }
0x19b: {  	[sflag:s13] =	ssyncadd.s32 $0xFFFFE700  }
0x19c: {  	_ =	sfence.sel $0x180000  }
0x19d: {  	[bflag:$0x0] =	sbarrier.arrive $0xFFFF  }
0x19e: {  	_ =	strace $0x90000047  }
0x19f: {  	s0 =	stileid.u32;
	[bflag:$0x2] =	sbarrier.arrive $0xFFFF  }
0x1a0: {  	p0 =	sne.s32 s0, $0x0;
	s0 =	rddreg [dreg:$0x2]  }
0x1a1: {  	s0 =	sadd.s32 @!p0 $0x100000, s0  }
0x1a2: {  	[sflag:s0] =	ssyncadd.tile.s32 @!p0 $0x1;
	_ =	shalt  }
.Lfunc_end2:
_tile_overlayer_lowered:
.L_overlay_start_2:
0x1a3: {  	(tag) =	ssettag $0x2  }
0x1a4: {  	s0 =	rddreg [dreg:$0x0];
	s2 =	stileid.u32  }
0x1a5: {  	s1 =	rddreg [dreg:$0x1];
	p0 =	sne.s32 s2, $0x0  }
0x1a6: {  	s3 =	rddreg [dreg:$0x2];
	[bflag:$0x3] =	sbarrier.arrive $0xFFFF;
	s2 =	simm.s32 @!p0 $0x1C03  }
0x1a7: {  	[timem:s3], [sflag:s2] =	dma.local @!p0 [hbm:s0], s1  }
0x1a8: {  	s0 =	simm.s32 @!p0 $0x3  }
0x1a9: {  	_ =	swait.ge @!p0 [sflag:s0], s1  }
0x1aa: {  	s1 =	ssub.s32 @!p0 $0x0, s1;
	[sflag:s0] =	ssyncset.done @!p0 $0x0  }
0x1ab: {  	[sflag:s0] =	ssyncadd.s32 @!p0 s1  }
0x1ac: {  	[bflag:$0x3] =	sbarrier.arrive $0xFFFF  }
0x1ad: {  	_ =	shalt  }

</sc_bundles>
